<compile_context>
chip_gen: v7x
topology: tpu7x:2x2x1
jax: 0.10.2.dev20260603
libtpu: 0.0.44.dev20260713+nightly
codegen_flags: <defaults>
</compile_context>

<pallas_src>
import functools

import jax
import jax.numpy as jnp
from jax import lax
from jax.experimental import pallas as pl
from jax.experimental.pallas import tpu as pltpu
from jax.experimental.pallas import tpu_sc as plsc

TABLE_W = 16
HAND_W = 8
C = 768
ST, SH, SK = 512, 128, 512
S01 = ST + SH
OUT_LEN = ST + SH + 3 * SK
B = 16
NCHUNK = OUT_LEN // 16
VPR = C // 16
TRASH = OUT_LEN * B


def _tile_kernel(tpad, hpad, kpad,
                 tt_s, tyx_s, ht_s, hyx_s,
                 ttv, htv, tokv,
                 ttiles_hbm, htiles_hbm,
                 w_ref, b_ref, spat, temp,
                 s01_hbm, t_out,
                 xbuf, tscr, hscr, sbuf, tsc,
                 sem_t, sem_h, sem_o):
    i = pl.program_id(0)
    tp = tpad[i]
    hp = hpad[i]
    kp = kpad[i]

    cp_t = pltpu.make_async_copy(ttiles_hbm.at[:, i, :], tscr, sem_t)
    cp_t.start()
    cp_h = pltpu.make_async_copy(htiles_hbm.at[:, i, :], hscr, sem_h)
    cp_h.start()

    xbuf[...] = jnp.zeros((S01 + 8, C), jnp.float32)

    cp_t.wait()
    sbuf[...] = jnp.dot(tscr[...], w_ref[...],
                        preferred_element_type=jnp.float32) + b_ref[...]

    def s0_body(j, _):
        tv = tt_s[0, 0, j]
        yv = tyx_s[0, j, 0] * TABLE_W + tyx_s[0, j, 1]
        sbuf[pl.ds(j, 1), :] += temp[pl.ds(tv, 1), :] + spat[pl.ds(yv, 1), :]
        return _
    jax.lax.fori_loop(0, ST, s0_body, None, unroll=4)

    mask0 = jax.lax.broadcasted_iota(jnp.int32, (ST, 1), 0) < tp
    xbuf[0:ST, :] = jnp.where(mask0, sbuf[...], 0.0)

    cp_h.wait()
    sbuf[0:SH, :] = jnp.dot(hscr[...], w_ref[...],
                            preferred_element_type=jnp.float32) + b_ref[...]

    def s1_body(j, _):
        tv = ht_s[0, 0, j]
        yv = hyx_s[0, j, 0] * HAND_W + hyx_s[0, j, 1]
        sbuf[pl.ds(j, 1), :] += temp[pl.ds(tv, 1), :] + spat[pl.ds(yv, 1), :]
        return _
    jax.lax.fori_loop(0, SH, s1_body, None, unroll=4)

    a = pl.multiple_of((tp // 8) * 8, 8)
    s = tp - a
    ext = jnp.concatenate([sbuf[0:SH, :], jnp.zeros((8, C), jnp.float32)],
                          axis=0)
    ext = pltpu.roll(ext, s, 0)
    ii = jax.lax.broadcasted_iota(jnp.int32, (SH + 8, 1), 0)
    m = jnp.logical_and(ii >= s, ii < s + hp)
    cur = xbuf[pl.ds(a, SH + 8), :]
    xbuf[pl.ds(a, SH + 8), :] = jnp.where(m, ext, cur)

    cp_o = pltpu.make_async_copy(xbuf.at[pl.ds(0, S01)], s01_hbm.at[:, i, :],
                                 sem_o)
    cp_o.start()

    def place_t(seg, valid, off, length):
        al = pl.multiple_of((off // 128) * 128, 128)
        sh = off - al
        ex = jnp.concatenate([seg, jnp.zeros((1, 128), jnp.int32)], axis=1)
        ex = pltpu.roll(ex, sh, 1)
        jj = jax.lax.broadcasted_iota(jnp.int32, (1, length + 128), 1)
        mm = jnp.logical_and(jj >= sh, jj < sh + valid)
        c0 = tsc[0:1, pl.ds(al, length + 128)]
        tsc[0:1, pl.ds(al, length + 128)] = jnp.where(mm, ex, c0)

    o2 = tp + hp
    o3 = o2 + kp
    o4 = o3 + kp
    tsc[...] = jnp.zeros_like(tsc)
    lane_t = jax.lax.broadcasted_iota(jnp.int32, (1, ST), 1)
    tsc[0:1, 0:ST] = jnp.where(lane_t < tp, ttv[0], 0)
    place_t(htv[0], hp, tp, SH)
    tok_row = tokv[0]
    place_t(tok_row, kp, o2, SK)
    place_t(tok_row, kp, o3, SK)
    place_t(tok_row, kp, o4, SK)
    t_out[0] = tsc[0:1, 0:OUT_LEN]

    cp_o.wait()


def _sc_assemble(s01_hbm, pads_hbm,
                 tokx_hbm, tokt_hbm, tcy_hbm, tcp_hbm, hcy_hbm, hcp_hbm,
                 tokemb, temp, tcemb, tpol2, hcemb, hpol2, zrows_hbm,
                 x_hbm,
                 padv, ixa, ixt, ixc, ixp, ixd, ixq,
                 abuf, tbuf, cbuf, pbuf, dbuf, qbuf, zbuf):
    wid = lax.axis_index("s") * 2 + lax.axis_index("c")
    i = wid // 2
    h = wid % 2
    lane = lax.iota(jnp.int32, 16)

    pltpu.sync_copy(pads_hbm.at[i], padv)
    pltpu.sync_copy(zrows_hbm, zbuf)

    tp = padv[0:16]
    hp = padv[16:32]
    kp = padv[32:48]
    ivec = padv[48:64]
    o2 = tp + hp
    trash = TRASH + lane

    def b_body(k, carry):
        c = h + 2 * k
        rows = c * 16 + lane
        valid = rows < o2
        src = jnp.where(valid, rows * B + ivec, 0)
        pltpu.sync_copy(s01_hbm.at[src], abuf)
        dst = jnp.where(valid, rows * B + ivec, trash)
        pltpu.sync_copy(abuf, x_hbm.at[dst])
        return carry
    lax.fori_loop(0, S01 // 32, b_body, 0)


    def c_body(kk, carry):
        c = h + 2 * kk
        jj = c * 16 + lane
        w0 = c * 16
        pltpu.sync_copy(tokx_hbm.at[i, pl.ds(w0, 16)], ixa)
        pltpu.sync_copy(tokt_hbm.at[i, pl.ds(w0, 16)], ixt)
        pltpu.sync_copy(tcy_hbm.at[i, pl.ds(w0, 16)], ixc)
        pltpu.sync_copy(tcp_hbm.at[i, pl.ds(w0, 16)], ixp)
        pltpu.sync_copy(hcy_hbm.at[i, pl.ds(w0, 16)], ixd)
        pltpu.sync_copy(hcp_hbm.at[i, pl.ds(w0, 16)], ixq)
        pltpu.sync_copy(tokemb.at[ixa], abuf)
        pltpu.sync_copy(temp.at[ixt], tbuf)
        pltpu.sync_copy(tcemb.at[ixc], cbuf)
        pltpu.sync_copy(tpol2.at[ixp], pbuf)
        pltpu.sync_copy(hcemb.at[ixd], dbuf)
        pltpu.sync_copy(hpol2.at[ixq], qbuf)

        def add_body(j, cy):
            for v in range(VPR):
                w = v * 16
                tr = tbuf[j, pl.ds(w, 16)]
                abuf[j, pl.ds(w, 16)] = abuf[j, pl.ds(w, 16)] + tr
                cbuf[j, pl.ds(w, 16)] = (cbuf[j, pl.ds(w, 16)]
                                         + pbuf[j, pl.ds(w, 16)] + tr)
                dbuf[j, pl.ds(w, 16)] = (dbuf[j, pl.ds(w, 16)]
                                         + qbuf[j, pl.ds(w, 16)] + tr)
            return cy
        lax.fori_loop(0, 16, add_body, 0)

        valid = jj < kp
        base = (o2 + jj) * B + ivec
        dst2 = jnp.where(valid, base, trash)
        dst3 = jnp.where(valid, base + kp * B, trash)
        dst4 = jnp.where(valid, base + 2 * kp * B, trash)
        pltpu.sync_copy(abuf, x_hbm.at[dst2])
        pltpu.sync_copy(cbuf, x_hbm.at[dst3])
        pltpu.sync_copy(dbuf, x_hbm.at[dst4])
        return carry
    lax.fori_loop(0, SK // 32, c_body, 0)

    pad = o2 + 3 * kp

    def d_body(k, carry):
        c = h + 2 * k
        rows = c * 16 + lane
        dst = jnp.where(rows >= pad, rows * B + ivec, trash)
        pltpu.sync_copy(zbuf, x_hbm.at[dst])
        return carry
    lax.fori_loop(0, NCHUNK // 2, d_body, 0)


_sc_call = functools.partial(
    pl.kernel,
    out_type=jax.ShapeDtypeStruct((OUT_LEN * B + 16, C), jnp.float32),
    mesh=plsc.VectorSubcoreMesh(core_axis_name="c", subcore_axis_name="s", num_cores=2, num_subcores=16),
    compiler_params=pltpu.CompilerParams(needs_layout_passes=False),
    scratch_types=[
        pltpu.VMEM((64,), jnp.int32),
        pltpu.VMEM((16,), jnp.int32),
        pltpu.VMEM((16,), jnp.int32),
        pltpu.VMEM((16,), jnp.int32),
        pltpu.VMEM((16,), jnp.int32),
        pltpu.VMEM((16,), jnp.int32),
        pltpu.VMEM((16,), jnp.int32),
        pltpu.VMEM((16, C), jnp.float32),
        pltpu.VMEM((16, C), jnp.float32),
        pltpu.VMEM((16, C), jnp.float32),
        pltpu.VMEM((16, C), jnp.float32),
        pltpu.VMEM((16, C), jnp.float32),
        pltpu.VMEM((16, C), jnp.float32),
        pltpu.VMEM((16, C), jnp.float32),
    ],
)(_sc_assemble)


def kernel(table_tiles, table_t, table_yx, table_pad, hand_tiles, hand_t,
           hand_yx, hand_pad, token_x, table_cursor_yx, table_cursor_p,
           hand_cursor_yx, hand_cursor_p, token_t, token_pad, tile_W, tile_b,
           token_emb, table_cursor_emb, table_pol_emb, hand_cursor_emb,
           hand_pol_emb, spatial_pos, temporal_pos):
    i32 = jnp.int32

    tt_T = table_t.astype(i32).T
    tyx_T = jnp.transpose(table_yx.astype(i32), (1, 0, 2))
    ht_T = hand_t.astype(i32).T
    hyx_T = jnp.transpose(hand_yx.astype(i32), (1, 0, 2))
    tokx_T = token_x.astype(i32).T
    tokt_T = token_t.astype(i32).T
    tcy_T = table_cursor_yx.astype(i32).T
    tcp_T = table_cursor_p.astype(i32).T
    hcy_T = hand_cursor_yx.astype(i32).T
    hcp_T = hand_cursor_p.astype(i32).T
    ttv = tt_T[:, None, :]
    htv = ht_T[:, None, :]
    tokv = tokt_T[:, None, :]
    b2 = tile_b[None, :]
    tpad = table_pad.astype(i32)
    hpad = hand_pad.astype(i32)
    kpad = token_pad.astype(i32)

    smem = pltpu.SMEM

    def smem_full():
        return pl.BlockSpec(memory_space=smem)

    def smem_blk(*shape):
        nd = len(shape)
        return pl.BlockSpec((1,) + shape,
                            lambda i: (i,) + (0,) * nd, memory_space=smem)

    def vmem_blk(*shape):
        nd = len(shape)
        return pl.BlockSpec((1,) + shape, lambda i: (i,) + (0,) * nd)

    def resident(arr):
        nd = arr.ndim
        return pl.BlockSpec(arr.shape, lambda i: (0,) * nd)

    in_specs = [
        smem_full(), smem_full(), smem_full(),
        smem_blk(1, ST), smem_blk(ST, 2), smem_blk(1, SH), smem_blk(SH, 2),
        vmem_blk(1, ST), vmem_blk(1, SH), vmem_blk(1, SK),
        pl.BlockSpec(memory_space=pl.ANY),
        pl.BlockSpec(memory_space=pl.ANY),
        resident(tile_W), resident(b2),
        resident(spatial_pos), resident(temporal_pos),
    ]
    out_shape = [
        jax.ShapeDtypeStruct((S01, B, C), jnp.float32),
        jax.ShapeDtypeStruct((B, 1, OUT_LEN), i32),
    ]
    out_specs = [
        pl.BlockSpec(memory_space=pl.ANY),
        pl.BlockSpec((1, 1, OUT_LEN), lambda i: (i, 0, 0)),
    ]
    scratch_shapes = [
        pltpu.VMEM((S01 + 8, C), jnp.float32),
        pltpu.VMEM((ST, C), jnp.float32),
        pltpu.VMEM((SH, C), jnp.float32),
        pltpu.VMEM((ST, C), jnp.float32),
        pltpu.VMEM((1, OUT_LEN + 256), jnp.int32),
        pltpu.SemaphoreType.DMA,
        pltpu.SemaphoreType.DMA,
        pltpu.SemaphoreType.DMA,
    ]

    s01, t3 = pl.pallas_call(
        _tile_kernel,
        grid=(B,),
        in_specs=in_specs,
        out_specs=out_specs,
        out_shape=out_shape,
        scratch_shapes=scratch_shapes,
    )(tpad, hpad, kpad,
      tt_T[:, None, :], tyx_T, ht_T[:, None, :], hyx_T,
      ttv, htv, tokv,
      table_tiles, hand_tiles,
      tile_W, b2, spatial_pos, temporal_pos)

    pads3 = jnp.repeat(
        jnp.stack([tpad, hpad, kpad, jnp.arange(B, dtype=i32)], axis=1),
        16, axis=1)
    zrows = jnp.zeros((16, C), jnp.float32)
    xflat = _sc_call(s01.reshape(S01 * B, C), pads3,
                     tokx_T, tokt_T, tcy_T, tcp_T, hcy_T, hcp_T,
                     token_emb, temporal_pos, table_cursor_emb,
                     table_pol_emb, hand_cursor_emb, hand_pol_emb, zrows)

    x = xflat[:OUT_LEN * B].reshape(OUT_LEN, B, C)
    t = t3[:, 0, :].T
    pad = tpad + hpad + 3 * kpad
    return (x, t, pad)

# --- scband reference (transcript-rebuilt; emitter-appended) ---
"""Pipeline reference for scband-hand-table-embedding-23003844837492 (READ-ONLY COPY).

The authoritative reference and input builder live on the scoring server;
editing this copy changes nothing except your own understanding.
"""

import jax, jax.numpy as jnp
import numpy as np

TABLE_W = 16
HAND_W = 8
C = 768

# Faithful jax port of ltron-style cat_padded_seqs: concatenate two padded
# [seq, batch, ...] tensors per-batch-element along the seq axis. Output length
# is the static upper bound sa+sb (original uses dynamic max(pad_a+pad_b));
# positions beyond pad_a[i]+pad_b[i] are zero.
def cat_padded_seqs(a, b, pad_a, pad_b):
    sa, batch = a.shape[0], a.shape[1]
    sb = b.shape[0]
    max_len = sa + sb
    extra = a.ndim - 2
    jj = jnp.arange(max_len).reshape((max_len, 1) + (1,) * extra)
    pa = pad_a.reshape((1, batch) + (1,) * extra)
    pb = pad_b.reshape((1, batch) + (1,) * extra)
    from_a = jj < pa
    from_b = (jj >= pa) & (jj < pa + pb)
    a_pad = jnp.concatenate([a, jnp.zeros((sb,) + a.shape[1:], a.dtype)], axis=0)
    idx_b = jnp.clip(jj - pa, 0, sb - 1)
    idx_b = jnp.broadcast_to(idx_b, (max_len,) + b.shape[1:])
    b_g = jnp.take_along_axis(b, idx_b, axis=0)
    out = jnp.where(from_a, a_pad, jnp.where(from_b, b_g, jnp.zeros((), a.dtype)))
    return out, pad_a + pad_b

def setup_inputs(seed: int = 0):
    key = jax.random.key(seed)
    ks = jax.random.split(key, 32)
    B = 16
    ST, SH, SK = 512, 128, 512
    d_in = 16 * 16 * 3
    inp = {}
    inp['table_tiles'] = jax.random.normal(ks[0], (ST, B, d_in), dtype=jnp.float32)
    inp['table_t'] = jax.random.randint(ks[1], (ST, B), 0, 2048)
    inp['table_yx'] = jax.random.randint(ks[2], (ST, B, 2), 0, 16)
    inp['table_pad'] = jax.random.randint(ks[3], (B,), 0, 512)
    inp['hand_tiles'] = jax.random.normal(ks[4], (SH, B, d_in), dtype=jnp.float32)
    inp['hand_t'] = jax.random.randint(ks[5], (SH, B), 0, 2048)
    inp['hand_yx'] = jax.random.randint(ks[6], (SH, B, 2), 0, 8)
    inp['hand_pad'] = jax.random.randint(ks[7], (B,), 0, 128)
    inp['token_x'] = jax.random.randint(ks[8], (SK, B), 0, 4096)
    inp['table_cursor_yx'] = jax.random.randint(ks[9], (SK, B), 0, 4096)
    inp['table_cursor_p'] = jax.random.randint(ks[10], (SK, B), 0, 2)
    inp['hand_cursor_yx'] = jax.random.randint(ks[11], (SK, B), 0, 1024)
    inp['hand_cursor_p'] = jax.random.randint(ks[12], (SK, B), 0, 2)
    inp['token_t'] = jax.random.randint(ks[13], (SK, B), 0, 2048)
    inp['token_pad'] = jax.random.randint(ks[14], (B,), 0, 512)
    inp['tile_W'] = jax.random.normal(ks[15], (d_in, C), dtype=jnp.float32) * (1.0 / np.sqrt(d_in))
    inp['tile_b'] = jnp.zeros((C,), dtype=jnp.float32)
    inp['token_emb'] = jax.random.normal(ks[16], (4096, C), dtype=jnp.float32) * 0.02
    inp['table_cursor_emb'] = jax.random.normal(ks[17], (4096, C), dtype=jnp.float32) * 0.02
    inp['table_pol_emb'] = jax.random.normal(ks[18], (2, C), dtype=jnp.float32) * 0.02
    inp['hand_cursor_emb'] = jax.random.normal(ks[19], (1024, C), dtype=jnp.float32) * 0.02
    inp['hand_pol_emb'] = jax.random.normal(ks[20], (2, C), dtype=jnp.float32) * 0.02
    inp['spatial_pos'] = jax.random.normal(ks[21], (512, C), dtype=jnp.float32) * 0.02
    inp['temporal_pos'] = jax.random.normal(ks[22], (2048, C), dtype=jnp.float32) * 0.02
    return inp

def reference(table_tiles, table_t, table_yx, table_pad, hand_tiles, hand_t, hand_yx, hand_pad, token_x, table_cursor_yx, table_cursor_p, hand_cursor_yx, hand_cursor_p, token_t, token_pad, tile_W, tile_b, token_emb, table_cursor_emb, table_pol_emb, hand_cursor_emb, hand_pol_emb, spatial_pos, temporal_pos):
    table_yx_f = table_yx[..., 0] * TABLE_W + table_yx[..., 1]
    hand_yx_f = hand_yx[..., 0] * HAND_W + hand_yx[..., 1]
    tile_x, tile_pad = cat_padded_seqs(table_tiles, hand_tiles, table_pad, hand_pad)
    tile_t, _ = cat_padded_seqs(table_t, hand_t, table_pad, hand_pad)
    tile_yx, _ = cat_padded_seqs(table_yx_f, hand_yx_f, table_pad, hand_pad)
    tile_x = tile_x @ tile_W + tile_b  # TileEmbedding linear (dropout = eval identity)
    tile_x = tile_x + jnp.take(temporal_pos, tile_t, axis=0) + jnp.take(spatial_pos, tile_yx, axis=0)
    token_pt = jnp.take(temporal_pos, token_t, axis=0)
    tok = jnp.take(token_emb, token_x, axis=0) + token_pt
    # factor_cursor_distribution == True; cursor seq len == token seq len -> else branch
    table_x = jnp.take(table_cursor_emb, table_cursor_yx, axis=0) + jnp.take(table_pol_emb, table_cursor_p, axis=0) + token_pt
    hand_x = jnp.take(hand_cursor_emb, hand_cursor_yx, axis=0) + jnp.take(hand_pol_emb, hand_cursor_p, axis=0) + token_pt
    cursor_x, cursor_pad = cat_padded_seqs(table_x, hand_x, token_pad, token_pad)
    cursor_t, _ = cat_padded_seqs(token_t, token_t, token_pad, token_pad)
    tok, new_token_pad = cat_padded_seqs(tok, cursor_x, token_pad, cursor_pad)
    tok_t, _ = cat_padded_seqs(token_t, cursor_t, token_pad, cursor_pad)
    x, pad = cat_padded_seqs(tile_x, tok, tile_pad, new_token_pad)
    t, _ = cat_padded_seqs(tile_t, tok_t, tile_pad, new_token_pad)
    return (x, t, pad)

if __name__ == "__main__":
    import jax
    _d = setup_inputs()
    print(jax.jit(kernel)(*tuple(_d.values())))

</pallas_src>

<mosaic_0001>
#map = affine_map<(d0, d1) -> (0, 0)>
module attributes {stable_mosaic.version = 14 : i64} {
  func.func @_sc_assemble(%arg0: i32, %arg1: i32, %arg2: memref<10240x768xf32, #tpu.memory_space<hbm>>, %arg3: memref<16x64xi32, #tpu.memory_space<hbm>>, %arg4: memref<16x512xi32, #tpu.memory_space<hbm>>, %arg5: memref<16x512xi32, #tpu.memory_space<hbm>>, %arg6: memref<16x512xi32, #tpu.memory_space<hbm>>, %arg7: memref<16x512xi32, #tpu.memory_space<hbm>>, %arg8: memref<16x512xi32, #tpu.memory_space<hbm>>, %arg9: memref<16x512xi32, #tpu.memory_space<hbm>>, %arg10: memref<4096x768xf32, #tpu.memory_space<hbm>>, %arg11: memref<2048x768xf32, #tpu.memory_space<hbm>>, %arg12: memref<4096x768xf32, #tpu.memory_space<hbm>>, %arg13: memref<2x768xf32, #tpu.memory_space<hbm>>, %arg14: memref<1024x768xf32, #tpu.memory_space<hbm>>, %arg15: memref<2x768xf32, #tpu.memory_space<hbm>>, %arg16: memref<16x768xf32, #tpu.memory_space<hbm>>, %arg17: memref<34832x768xf32, #tpu.memory_space<hbm>>, %arg18: memref<64xi32, #tpu.memory_space<vmem>>, %arg19: memref<16xi32, #tpu.memory_space<vmem>>, %arg20: memref<16xi32, #tpu.memory_space<vmem>>, %arg21: memref<16xi32, #tpu.memory_space<vmem>>, %arg22: memref<16xi32, #tpu.memory_space<vmem>>, %arg23: memref<16xi32, #tpu.memory_space<vmem>>, %arg24: memref<16xi32, #tpu.memory_space<vmem>>, %arg25: memref<16x768xf32, #tpu.memory_space<vmem>>, %arg26: memref<16x768xf32, #tpu.memory_space<vmem>>, %arg27: memref<16x768xf32, #tpu.memory_space<vmem>>, %arg28: memref<16x768xf32, #tpu.memory_space<vmem>>, %arg29: memref<16x768xf32, #tpu.memory_space<vmem>>, %arg30: memref<16x768xf32, #tpu.memory_space<vmem>>, %arg31: memref<16x768xf32, #tpu.memory_space<vmem>>) attributes {dimension_semantics = [#tpu.dimension_semantics<core_parallel>, #tpu.dimension_semantics<subcore_parallel>], iteration_bounds = array<i64: 2, 16>, scalar_prefetch = 0 : i64, scratch_operands = 14 : i64, tpu.core_type = #tpu.core_type<sc_vector_subcore>, window_params = [{transform_indices = #map}, {transform_indices = #map}, {transform_indices = #map}, {transform_indices = #map}, {transform_indices = #map}, {transform_indices = #map}, {transform_indices = #map}, {transform_indices = #map}, {transform_indices = #map}, {transform_indices = #map}, {transform_indices = #map}, {transform_indices = #map}, {transform_indices = #map}, {transform_indices = #map}, {transform_indices = #map}, {transform_indices = #map}]} {
    %mul3A = arith.constant 2 : i32
    %mul3A_0 = arith.muli %arg1, %mul3A : i32
    %add3A = arith.addi %mul3A_0, %arg0 : i32
    %jit3A = arith.constant 2 : i32
    %div3A = arith.divsi %add3A, %jit3A : i32
    %sign3A = arith.constant 0 : i32
    %sign3A_1 = arith.cmpi sgt, %add3A, %sign3A : i32
    %sign3A_2 = arith.extui %sign3A_1 : i1 to i32
    %sign3A_3 = arith.constant 0 : i32
    %sign3A_4 = arith.cmpi slt, %add3A, %sign3A_3 : i32
    %sign3A_5 = arith.extui %sign3A_4 : i1 to i32
    %sign3A_6 = arith.subi %sign3A_2, %sign3A_5 : i32
    %sign3A_7 = arith.constant 0 : i32
    %sign3A_8 = arith.cmpi sgt, %jit3A, %sign3A_7 : i32
    %sign3A_9 = arith.extui %sign3A_8 : i1 to i32
    %sign3A_10 = arith.constant 0 : i32
    %sign3A_11 = arith.cmpi slt, %jit3A, %sign3A_10 : i32
    %sign3A_12 = arith.extui %sign3A_11 : i1 to i32
    %sign3A_13 = arith.subi %sign3A_9, %sign3A_12 : i32
    %ne3A = arith.cmpi ne, %sign3A_6, %sign3A_13 : i32
    %rem3A = arith.remsi %add3A, %jit3A : i32
    %ne3A_14 = arith.constant 0 : i32
    %ne3A_15 = arith.cmpi ne, %rem3A, %ne3A_14 : i32
    %and3A = arith.andi %ne3A, %ne3A_15 : i1
    %sub3A = arith.constant 1 : i32
    %sub3A_16 = arith.subi %div3A, %sub3A : i32
    %select_n3A = arith.select %and3A, %sub3A_16, %div3A : i32
    %jit3A_17 = arith.constant 2 : i32
    %eq3A = arith.constant 0 : i32
    %eq3A_18 = arith.cmpi eq, %jit3A_17, %eq3A : i32
    %jit3A_19 = arith.constant 1 : i32
    %select_n3A_20 = arith.select %eq3A_18, %jit3A_19, %jit3A_17 : i32
    %rem3A_21 = arith.remsi %add3A, %select_n3A_20 : i32
    %ne3A_22 = arith.constant 0 : i32
    %ne3A_23 = arith.cmpi ne, %rem3A_21, %ne3A_22 : i32
    %lt3A = arith.constant 0 : i32
    %lt3A_24 = arith.cmpi slt, %rem3A_21, %lt3A : i32
    %lt3A_25 = arith.constant 0 : i32
    %lt3A_26 = arith.cmpi slt, %select_n3A_20, %lt3A_25 : i32
    %ne3A_27 = arith.xori %lt3A_24, %lt3A_26 : i1
    %and3A_28 = arith.andi %ne3A_27, %ne3A_23 : i1
    %add3A_29 = arith.addi %rem3A_21, %select_n3A_20 : i32
    %select_n3A_30 = arith.select %and3A_28, %add3A_29, %rem3A_21 : i32
    %iota3A = tpu.iota {dimensions = array<i32: 0>} : vector<16xi32>
    "tpu.region"() ({
      %run_scoped3A = tpu.sem_alloc : memref<!tpu.dma_semaphore, #tpu.memory_space<semaphore_mem>>
      %dma_start3A = arith.constant 0 : i32
      %dma_start3A_63 = tpu.memref_slice %arg3[%select_n3A, %dma_start3A] : memref<16x64xi32, #tpu.memory_space<hbm>> -> memref<1x64xi32, #tpu.memory_space<hbm>>
      %dma_start3A_64 = tpu.memref_squeeze %dma_start3A_63 : memref<1x64xi32, #tpu.memory_space<hbm>> -> memref<64xi32, #tpu.memory_space<hbm>>
      %dma_start3A_65 = arith.constant 0 : i32
      %dma_start3A_66 = tpu.memref_slice %arg3[%select_n3A, %dma_start3A_65] : memref<16x64xi32, #tpu.memory_space<hbm>> -> memref<1x64xi32, #tpu.memory_space<hbm>>
      %dma_start3A_67 = tpu.memref_squeeze %dma_start3A_66 : memref<1x64xi32, #tpu.memory_space<hbm>> -> memref<64xi32, #tpu.memory_space<hbm>>
      tpu.enqueue_dma source(%dma_start3A_67 : memref<64xi32, #tpu.memory_space<hbm>>) target(%arg18 : memref<64xi32, #tpu.memory_space<vmem>>) target_semaphore(%run_scoped3A : memref<!tpu.dma_semaphore, #tpu.memory_space<semaphore_mem>>)
      %dma_wait3A = arith.constant 0 : i32
      %dma_wait3A_68 = tpu.memref_slice %arg3[%select_n3A, %dma_wait3A] : memref<16x64xi32, #tpu.memory_space<hbm>> -> memref<1x64xi32, #tpu.memory_space<hbm>>
      %dma_wait3A_69 = tpu.memref_squeeze %dma_wait3A_68 : memref<1x64xi32, #tpu.memory_space<hbm>> -> memref<64xi32, #tpu.memory_space<hbm>>
      %dma_wait3A_70 = arith.constant 0 : i32
      %dma_wait3A_71 = tpu.memref_slice %arg3[%select_n3A, %dma_wait3A_70] : memref<16x64xi32, #tpu.memory_space<hbm>> -> memref<1x64xi32, #tpu.memory_space<hbm>>
      %dma_wait3A_72 = tpu.memref_squeeze %dma_wait3A_71 : memref<1x64xi32, #tpu.memory_space<hbm>> -> memref<64xi32, #tpu.memory_space<hbm>>
      tpu.wait_dma2 semaphore(%run_scoped3A : memref<!tpu.dma_semaphore, #tpu.memory_space<semaphore_mem>>) src(%dma_wait3A_72 : memref<64xi32, #tpu.memory_space<hbm>>) dst(%arg18 : memref<64xi32, #tpu.memory_space<vmem>>)
      tpu.yield
    }) : () -> ()
    "tpu.region"() ({
      %run_scoped3A = tpu.sem_alloc : memref<!tpu.dma_semaphore, #tpu.memory_space<semaphore_mem>>
      tpu.enqueue_dma source(%arg16 : memref<16x768xf32, #tpu.memory_space<hbm>>) target(%arg31 : memref<16x768xf32, #tpu.memory_space<vmem>>) target_semaphore(%run_scoped3A : memref<!tpu.dma_semaphore, #tpu.memory_space<semaphore_mem>>)
      tpu.wait_dma2 semaphore(%run_scoped3A : memref<!tpu.dma_semaphore, #tpu.memory_space<semaphore_mem>>) src(%arg16 : memref<16x768xf32, #tpu.memory_space<hbm>>) dst(%arg31 : memref<16x768xf32, #tpu.memory_space<vmem>>)
      tpu.yield
    }) : () -> ()
    %get3A = arith.constant 0 : index
    %get3A_31 = tpu.vector_load %arg18[%get3A] {strides = array<i32>} : memref<64xi32, #tpu.memory_space<vmem>>, vector<16xi32>,
    %get3A_32 = arith.constant 16 : index
    %get3A_33 = tpu.vector_load %arg18[%get3A_32] {strides = array<i32>} : memref<64xi32, #tpu.memory_space<vmem>>, vector<16xi32>,
    %get3A_34 = arith.constant 32 : index
    %get3A_35 = tpu.vector_load %arg18[%get3A_34] {strides = array<i32>} : memref<64xi32, #tpu.memory_space<vmem>>, vector<16xi32>,
    %get3A_36 = arith.constant 48 : index
    %get3A_37 = tpu.vector_load %arg18[%get3A_36] {strides = array<i32>} : memref<64xi32, #tpu.memory_space<vmem>>, vector<16xi32>,
    %add3A_38 = arith.addi %get3A_31, %get3A_33 : vector<16xi32>
    %add3A_39 = arith.constant 34816 : i32
    %add3A_40 = vector.broadcast %add3A_39 : i32 to vector<16xi32>
    %add3A_41 = arith.addi %add3A_40, %iota3A : vector<16xi32>
    %scan3A = arith.constant 0 : i32
    %scan3A_42 = arith.constant 0 : i32
    %scan3A_43 = arith.constant 20 : i32
    %scan3A_44 = arith.addi %scan3A_42, %scan3A_43 : i32
    %scan3A_45 = arith.constant 1 : i32
    scf.for %scan3A_63 = %scan3A_42 to %scan3A_44 step %scan3A_45  : i32 {
      %mul3A_64 = arith.constant 2 : i32
      %mul3A_65 = arith.muli %mul3A_64, %scan3A_63 : i32
      %add3A_66 = arith.addi %select_n3A_30, %mul3A_65 : i32
      %mul3A_67 = arith.constant 16 : i32
      %mul3A_68 = arith.muli %add3A_66, %mul3A_67 : i32
      %add3A_69 = vector.broadcast %mul3A_68 : i32 to vector<16xi32>
      %add3A_70 = arith.addi %add3A_69, %iota3A : vector<16xi32>
      %lt3A_71 = arith.cmpi slt, %add3A_70, %add3A_38 : vector<16xi32>
      %mul3A_72 = arith.constant 16 : i32
      %mul3A_73 = vector.broadcast %mul3A_72 : i32 to vector<16xi32>
      %mul3A_74 = arith.muli %add3A_70, %mul3A_73 : vector<16xi32>
      %add3A_75 = arith.addi %mul3A_74, %get3A_37 : vector<16xi32>
      %jit3A_76 = arith.constant 0 : i32
      %broadcast_in_dim3A = vector.broadcast %jit3A_76 : i32 to vector<16xi32>
      %select_n3A_77 = arith.select %lt3A_71, %add3A_75, %broadcast_in_dim3A : vector<16xi1>, vector<16xi32>
      "tpu.region"() ({
        %run_scoped3A = tpu.sem_alloc : memref<!tpu.dma_semaphore, #tpu.memory_space<semaphore_mem>>
        %dma_start3A = arith.constant 0 : i32
        %dma_start3A_83 = arith.constant 0 : i32
        %dma_start3A_84 = tpu.memref_slice %arg2[%dma_start3A, %dma_start3A_83] : memref<10240x768xf32, #tpu.memory_space<hbm>> -> memref<10240x768xf32, #tpu.memory_space<hbm>>
        tpu.enqueue_indirect_dma source(%dma_start3A_84 : memref<10240x768xf32, #tpu.memory_space<hbm>>) target(%arg25 : memref<16x768xf32, #tpu.memory_space<vmem>>) offsets(%select_n3A_77 : vector<16xi32>) semaphore(%run_scoped3A : memref<!tpu.dma_semaphore, #tpu.memory_space<semaphore_mem>>)
        %dma_wait3A = arith.constant 0 : i32
        %dma_wait3A_85 = arith.constant 0 : i32
        %dma_wait3A_86 = tpu.memref_slice %arg2[%dma_wait3A, %dma_wait3A_85] : memref<10240x768xf32, #tpu.memory_space<hbm>> -> memref<10240x768xf32, #tpu.memory_space<hbm>>
        tpu.wait_indirect_dma semaphore(%run_scoped3A : memref<!tpu.dma_semaphore, #tpu.memory_space<semaphore_mem>>) src(%dma_wait3A_86 : memref<10240x768xf32, #tpu.memory_space<hbm>>) dst(%arg25 : memref<16x768xf32, #tpu.memory_space<vmem>>)
        tpu.yield
      }) : () -> ()
      %mul3A_78 = arith.constant 16 : i32
      %mul3A_79 = vector.broadcast %mul3A_78 : i32 to vector<16xi32>
      %mul3A_80 = arith.muli %add3A_70, %mul3A_79 : vector<16xi32>
      %add3A_81 = arith.addi %mul3A_80, %get3A_37 : vector<16xi32>
      %select_n3A_82 = arith.select %lt3A_71, %add3A_81, %add3A_41 : vector<16xi1>, vector<16xi32>
      "tpu.region"() ({
        %run_scoped3A = tpu.sem_alloc : memref<!tpu.dma_semaphore, #tpu.memory_space<semaphore_mem>>
        %dma_start3A = arith.constant 0 : i32
        %dma_start3A_83 = arith.constant 0 : i32
        %dma_start3A_84 = tpu.memref_slice %arg17[%dma_start3A, %dma_start3A_83] : memref<34832x768xf32, #tpu.memory_space<hbm>> -> memref<34832x768xf32, #tpu.memory_space<hbm>>
        tpu.enqueue_indirect_dma source(%arg25 : memref<16x768xf32, #tpu.memory_space<vmem>>) target(%dma_start3A_84 : memref<34832x768xf32, #tpu.memory_space<hbm>>) offsets(%select_n3A_82 : vector<16xi32>) semaphore(%run_scoped3A : memref<!tpu.dma_semaphore, #tpu.memory_space<semaphore_mem>>)
        %dma_wait3A = arith.constant 0 : i32
        %dma_wait3A_85 = arith.constant 0 : i32
        %dma_wait3A_86 = tpu.memref_slice %arg17[%dma_wait3A, %dma_wait3A_85] : memref<34832x768xf32, #tpu.memory_space<hbm>> -> memref<34832x768xf32, #tpu.memory_space<hbm>>
        tpu.wait_indirect_dma semaphore(%run_scoped3A : memref<!tpu.dma_semaphore, #tpu.memory_space<semaphore_mem>>) src(%arg25 : memref<16x768xf32, #tpu.memory_space<vmem>>) dst(%dma_wait3A_86 : memref<34832x768xf32, #tpu.memory_space<hbm>>)
        tpu.yield
      }) : () -> ()
    }
    %scan3A_46 = arith.constant 20 : i32
    %scan3A_47 = arith.constant 0 : i32
    %scan3A_48 = arith.constant 0 : i32
    %scan3A_49 = arith.constant 16 : i32
    %scan3A_50 = arith.addi %scan3A_48, %scan3A_49 : i32
    %scan3A_51 = arith.constant 1 : i32
    scf.for %scan3A_63 = %scan3A_48 to %scan3A_50 step %scan3A_51  : i32 {
      %mul3A_64 = arith.constant 2 : i32
      %mul3A_65 = arith.muli %mul3A_64, %scan3A_63 : i32
      %add3A_66 = arith.addi %select_n3A_30, %mul3A_65 : i32
      %mul3A_67 = arith.constant 16 : i32
      %mul3A_68 = arith.muli %add3A_66, %mul3A_67 : i32
      %add3A_69 = vector.broadcast %mul3A_68 : i32 to vector<16xi32>
      %add3A_70 = arith.addi %add3A_69, %iota3A : vector<16xi32>
      %mul3A_71 = arith.constant 16 : i32
      %mul3A_72 = arith.muli %add3A_66, %mul3A_71 : i32
      "tpu.region"() ({
        %run_scoped3A = tpu.sem_alloc : memref<!tpu.dma_semaphore, #tpu.memory_space<semaphore_mem>>
        %dma_start3A = tpu.memref_slice %arg4[%select_n3A, %mul3A_72] : memref<16x512xi32, #tpu.memory_space<hbm>> -> memref<1x16xi32, #tpu.memory_space<hbm>>
        %dma_start3A_99 = tpu.memref_squeeze %dma_start3A : memref<1x16xi32, #tpu.memory_space<hbm>> -> memref<16xi32, #tpu.memory_space<hbm>>
        %dma_start3A_100 = tpu.memref_slice %arg4[%select_n3A, %mul3A_72] : memref<16x512xi32, #tpu.memory_space<hbm>> -> memref<1x16xi32, #tpu.memory_space<hbm>>
        %dma_start3A_101 = tpu.memref_squeeze %dma_start3A_100 : memref<1x16xi32, #tpu.memory_space<hbm>> -> memref<16xi32, #tpu.memory_space<hbm>>
        tpu.enqueue_dma source(%dma_start3A_101 : memref<16xi32, #tpu.memory_space<hbm>>) target(%arg19 : memref<16xi32, #tpu.memory_space<vmem>>) target_semaphore(%run_scoped3A : memref<!tpu.dma_semaphore, #tpu.memory_space<semaphore_mem>>)
        %dma_wait3A = tpu.memref_slice %arg4[%select_n3A, %mul3A_72] : memref<16x512xi32, #tpu.memory_space<hbm>> -> memref<1x16xi32, #tpu.memory_space<hbm>>
        %dma_wait3A_102 = tpu.memref_squeeze %dma_wait3A : memref<1x16xi32, #tpu.memory_space<hbm>> -> memref<16xi32, #tpu.memory_space<hbm>>
        %dma_wait3A_103 = tpu.memref_slice %arg4[%select_n3A, %mul3A_72] : memref<16x512xi32, #tpu.memory_space<hbm>> -> memref<1x16xi32, #tpu.memory_space<hbm>>
        %dma_wait3A_104 = tpu.memref_squeeze %dma_wait3A_103 : memref<1x16xi32, #tpu.memory_space<hbm>> -> memref<16xi32, #tpu.memory_space<hbm>>
        tpu.wait_dma2 semaphore(%run_scoped3A : memref<!tpu.dma_semaphore, #tpu.memory_space<semaphore_mem>>) src(%dma_wait3A_104 : memref<16xi32, #tpu.memory_space<hbm>>) dst(%arg19 : memref<16xi32, #tpu.memory_space<vmem>>)
        tpu.yield
      }) : () -> ()
      "tpu.region"() ({
        %run_scoped3A = tpu.sem_alloc : memref<!tpu.dma_semaphore, #tpu.memory_space<semaphore_mem>>
        %dma_start3A = tpu.memref_slice %arg5[%select_n3A, %mul3A_72] : memref<16x512xi32, #tpu.memory_space<hbm>> -> memref<1x16xi32, #tpu.memory_space<hbm>>
        %dma_start3A_99 = tpu.memref_squeeze %dma_start3A : memref<1x16xi32, #tpu.memory_space<hbm>> -> memref<16xi32, #tpu.memory_space<hbm>>
        %dma_start3A_100 = tpu.memref_slice %arg5[%select_n3A, %mul3A_72] : memref<16x512xi32, #tpu.memory_space<hbm>> -> memref<1x16xi32, #tpu.memory_space<hbm>>
        %dma_start3A_101 = tpu.memref_squeeze %dma_start3A_100 : memref<1x16xi32, #tpu.memory_space<hbm>> -> memref<16xi32, #tpu.memory_space<hbm>>
        tpu.enqueue_dma source(%dma_start3A_101 : memref<16xi32, #tpu.memory_space<hbm>>) target(%arg20 : memref<16xi32, #tpu.memory_space<vmem>>) target_semaphore(%run_scoped3A : memref<!tpu.dma_semaphore, #tpu.memory_space<semaphore_mem>>)
        %dma_wait3A = tpu.memref_slice %arg5[%select_n3A, %mul3A_72] : memref<16x512xi32, #tpu.memory_space<hbm>> -> memref<1x16xi32, #tpu.memory_space<hbm>>
        %dma_wait3A_102 = tpu.memref_squeeze %dma_wait3A : memref<1x16xi32, #tpu.memory_space<hbm>> -> memref<16xi32, #tpu.memory_space<hbm>>
        %dma_wait3A_103 = tpu.memref_slice %arg5[%select_n3A, %mul3A_72] : memref<16x512xi32, #tpu.memory_space<hbm>> -> memref<1x16xi32, #tpu.memory_space<hbm>>
        %dma_wait3A_104 = tpu.memref_squeeze %dma_wait3A_103 : memref<1x16xi32, #tpu.memory_space<hbm>> -> memref<16xi32, #tpu.memory_space<hbm>>
        tpu.wait_dma2 semaphore(%run_scoped3A : memref<!tpu.dma_semaphore, #tpu.memory_space<semaphore_mem>>) src(%dma_wait3A_104 : memref<16xi32, #tpu.memory_space<hbm>>) dst(%arg20 : memref<16xi32, #tpu.memory_space<vmem>>)
        tpu.yield
      }) : () -> ()
      "tpu.region"() ({
        %run_scoped3A = tpu.sem_alloc : memref<!tpu.dma_semaphore, #tpu.memory_space<semaphore_mem>>
        %dma_start3A = tpu.memref_slice %arg6[%select_n3A, %mul3A_72] : memref<16x512xi32, #tpu.memory_space<hbm>> -> memref<1x16xi32, #tpu.memory_space<hbm>>
        %dma_start3A_99 = tpu.memref_squeeze %dma_start3A : memref<1x16xi32, #tpu.memory_space<hbm>> -> memref<16xi32, #tpu.memory_space<hbm>>
        %dma_start3A_100 = tpu.memref_slice %arg6[%select_n3A, %mul3A_72] : memref<16x512xi32, #tpu.memory_space<hbm>> -> memref<1x16xi32, #tpu.memory_space<hbm>>
        %dma_start3A_101 = tpu.memref_squeeze %dma_start3A_100 : memref<1x16xi32, #tpu.memory_space<hbm>> -> memref<16xi32, #tpu.memory_space<hbm>>
        tpu.enqueue_dma source(%dma_start3A_101 : memref<16xi32, #tpu.memory_space<hbm>>) target(%arg21 : memref<16xi32, #tpu.memory_space<vmem>>) target_semaphore(%run_scoped3A : memref<!tpu.dma_semaphore, #tpu.memory_space<semaphore_mem>>)
        %dma_wait3A = tpu.memref_slice %arg6[%select_n3A, %mul3A_72] : memref<16x512xi32, #tpu.memory_space<hbm>> -> memref<1x16xi32, #tpu.memory_space<hbm>>
        %dma_wait3A_102 = tpu.memref_squeeze %dma_wait3A : memref<1x16xi32, #tpu.memory_space<hbm>> -> memref<16xi32, #tpu.memory_space<hbm>>
        %dma_wait3A_103 = tpu.memref_slice %arg6[%select_n3A, %mul3A_72] : memref<16x512xi32, #tpu.memory_space<hbm>> -> memref<1x16xi32, #tpu.memory_space<hbm>>
        %dma_wait3A_104 = tpu.memref_squeeze %dma_wait3A_103 : memref<1x16xi32, #tpu.memory_space<hbm>> -> memref<16xi32, #tpu.memory_space<hbm>>
        tpu.wait_dma2 semaphore(%run_scoped3A : memref<!tpu.dma_semaphore, #tpu.memory_space<semaphore_mem>>) src(%dma_wait3A_104 : memref<16xi32, #tpu.memory_space<hbm>>) dst(%arg21 : memref<16xi32, #tpu.memory_space<vmem>>)
        tpu.yield
      }) : () -> ()
      "tpu.region"() ({
        %run_scoped3A = tpu.sem_alloc : memref<!tpu.dma_semaphore, #tpu.memory_space<semaphore_mem>>
        %dma_start3A = tpu.memref_slice %arg7[%select_n3A, %mul3A_72] : memref<16x512xi32, #tpu.memory_space<hbm>> -> memref<1x16xi32, #tpu.memory_space<hbm>>
        %dma_start3A_99 = tpu.memref_squeeze %dma_start3A : memref<1x16xi32, #tpu.memory_space<hbm>> -> memref<16xi32, #tpu.memory_space<hbm>>
        %dma_start3A_100 = tpu.memref_slice %arg7[%select_n3A, %mul3A_72] : memref<16x512xi32, #tpu.memory_space<hbm>> -> memref<1x16xi32, #tpu.memory_space<hbm>>
        %dma_start3A_101 = tpu.memref_squeeze %dma_start3A_100 : memref<1x16xi32, #tpu.memory_space<hbm>> -> memref<16xi32, #tpu.memory_space<hbm>>
        tpu.enqueue_dma source(%dma_start3A_101 : memref<16xi32, #tpu.memory_space<hbm>>) target(%arg22 : memref<16xi32, #tpu.memory_space<vmem>>) target_semaphore(%run_scoped3A : memref<!tpu.dma_semaphore, #tpu.memory_space<semaphore_mem>>)
        %dma_wait3A = tpu.memref_slice %arg7[%select_n3A, %mul3A_72] : memref<16x512xi32, #tpu.memory_space<hbm>> -> memref<1x16xi32, #tpu.memory_space<hbm>>
        %dma_wait3A_102 = tpu.memref_squeeze %dma_wait3A : memref<1x16xi32, #tpu.memory_space<hbm>> -> memref<16xi32, #tpu.memory_space<hbm>>
        %dma_wait3A_103 = tpu.memref_slice %arg7[%select_n3A, %mul3A_72] : memref<16x512xi32, #tpu.memory_space<hbm>> -> memref<1x16xi32, #tpu.memory_space<hbm>>
        %dma_wait3A_104 = tpu.memref_squeeze %dma_wait3A_103 : memref<1x16xi32, #tpu.memory_space<hbm>> -> memref<16xi32, #tpu.memory_space<hbm>>
        tpu.wait_dma2 semaphore(%run_scoped3A : memref<!tpu.dma_semaphore, #tpu.memory_space<semaphore_mem>>) src(%dma_wait3A_104 : memref<16xi32, #tpu.memory_space<hbm>>) dst(%arg22 : memref<16xi32, #tpu.memory_space<vmem>>)
        tpu.yield
      }) : () -> ()
      "tpu.region"() ({
        %run_scoped3A = tpu.sem_alloc : memref<!tpu.dma_semaphore, #tpu.memory_space<semaphore_mem>>
        %dma_start3A = tpu.memref_slice %arg8[%select_n3A, %mul3A_72] : memref<16x512xi32, #tpu.memory_space<hbm>> -> memref<1x16xi32, #tpu.memory_space<hbm>>
        %dma_start3A_99 = tpu.memref_squeeze %dma_start3A : memref<1x16xi32, #tpu.memory_space<hbm>> -> memref<16xi32, #tpu.memory_space<hbm>>
        %dma_start3A_100 = tpu.memref_slice %arg8[%select_n3A, %mul3A_72] : memref<16x512xi32, #tpu.memory_space<hbm>> -> memref<1x16xi32, #tpu.memory_space<hbm>>
        %dma_start3A_101 = tpu.memref_squeeze %dma_start3A_100 : memref<1x16xi32, #tpu.memory_space<hbm>> -> memref<16xi32, #tpu.memory_space<hbm>>
        tpu.enqueue_dma source(%dma_start3A_101 : memref<16xi32, #tpu.memory_space<hbm>>) target(%arg23 : memref<16xi32, #tpu.memory_space<vmem>>) target_semaphore(%run_scoped3A : memref<!tpu.dma_semaphore, #tpu.memory_space<semaphore_mem>>)
        %dma_wait3A = tpu.memref_slice %arg8[%select_n3A, %mul3A_72] : memref<16x512xi32, #tpu.memory_space<hbm>> -> memref<1x16xi32, #tpu.memory_space<hbm>>
        %dma_wait3A_102 = tpu.memref_squeeze %dma_wait3A : memref<1x16xi32, #tpu.memory_space<hbm>> -> memref<16xi32, #tpu.memory_space<hbm>>
        %dma_wait3A_103 = tpu.memref_slice %arg8[%select_n3A, %mul3A_72] : memref<16x512xi32, #tpu.memory_space<hbm>> -> memref<1x16xi32, #tpu.memory_space<hbm>>
        %dma_wait3A_104 = tpu.memref_squeeze %dma_wait3A_103 : memref<1x16xi32, #tpu.memory_space<hbm>> -> memref<16xi32, #tpu.memory_space<hbm>>
        tpu.wait_dma2 semaphore(%run_scoped3A : memref<!tpu.dma_semaphore, #tpu.memory_space<semaphore_mem>>) src(%dma_wait3A_104 : memref<16xi32, #tpu.memory_space<hbm>>) dst(%arg23 : memref<16xi32, #tpu.memory_space<vmem>>)
        tpu.yield
      }) : () -> ()
      "tpu.region"() ({
        %run_scoped3A = tpu.sem_alloc : memref<!tpu.dma_semaphore, #tpu.memory_space<semaphore_mem>>
        %dma_start3A = tpu.memref_slice %arg9[%select_n3A, %mul3A_72] : memref<16x512xi32, #tpu.memory_space<hbm>> -> memref<1x16xi32, #tpu.memory_space<hbm>>
        %dma_start3A_99 = tpu.memref_squeeze %dma_start3A : memref<1x16xi32, #tpu.memory_space<hbm>> -> memref<16xi32, #tpu.memory_space<hbm>>
        %dma_start3A_100 = tpu.memref_slice %arg9[%select_n3A, %mul3A_72] : memref<16x512xi32, #tpu.memory_space<hbm>> -> memref<1x16xi32, #tpu.memory_space<hbm>>
        %dma_start3A_101 = tpu.memref_squeeze %dma_start3A_100 : memref<1x16xi32, #tpu.memory_space<hbm>> -> memref<16xi32, #tpu.memory_space<hbm>>
        tpu.enqueue_dma source(%dma_start3A_101 : memref<16xi32, #tpu.memory_space<hbm>>) target(%arg24 : memref<16xi32, #tpu.memory_space<vmem>>) target_semaphore(%run_scoped3A : memref<!tpu.dma_semaphore, #tpu.memory_space<semaphore_mem>>)
        %dma_wait3A = tpu.memref_slice %arg9[%select_n3A, %mul3A_72] : memref<16x512xi32, #tpu.memory_space<hbm>> -> memref<1x16xi32, #tpu.memory_space<hbm>>
        %dma_wait3A_102 = tpu.memref_squeeze %dma_wait3A : memref<1x16xi32, #tpu.memory_space<hbm>> -> memref<16xi32, #tpu.memory_space<hbm>>
        %dma_wait3A_103 = tpu.memref_slice %arg9[%select_n3A, %mul3A_72] : memref<16x512xi32, #tpu.memory_space<hbm>> -> memref<1x16xi32, #tpu.memory_space<hbm>>
        %dma_wait3A_104 = tpu.memref_squeeze %dma_wait3A_103 : memref<1x16xi32, #tpu.memory_space<hbm>> -> memref<16xi32, #tpu.memory_space<hbm>>
        tpu.wait_dma2 semaphore(%run_scoped3A : memref<!tpu.dma_semaphore, #tpu.memory_space<semaphore_mem>>) src(%dma_wait3A_104 : memref<16xi32, #tpu.memory_space<hbm>>) dst(%arg24 : memref<16xi32, #tpu.memory_space<vmem>>)
        tpu.yield
      }) : () -> ()
      "tpu.region"() ({
        %run_scoped3A = tpu.sem_alloc : memref<!tpu.dma_semaphore, #tpu.memory_space<semaphore_mem>>
        %dma_start3A = arith.constant 0 : i32
        %dma_start3A_99 = arith.constant 0 : i32
        %dma_start3A_100 = tpu.memref_slice %arg10[%dma_start3A, %dma_start3A_99] : memref<4096x768xf32, #tpu.memory_space<hbm>> -> memref<4096x768xf32, #tpu.memory_space<hbm>>
        tpu.enqueue_indirect_dma source(%dma_start3A_100 : memref<4096x768xf32, #tpu.memory_space<hbm>>) target(%arg25 : memref<16x768xf32, #tpu.memory_space<vmem>>) offsets(%arg19 : memref<16xi32, #tpu.memory_space<vmem>>) semaphore(%run_scoped3A : memref<!tpu.dma_semaphore, #tpu.memory_space<semaphore_mem>>)
        %dma_wait3A = arith.constant 0 : i32
        %dma_wait3A_101 = arith.constant 0 : i32
        %dma_wait3A_102 = tpu.memref_slice %arg10[%dma_wait3A, %dma_wait3A_101] : memref<4096x768xf32, #tpu.memory_space<hbm>> -> memref<4096x768xf32, #tpu.memory_space<hbm>>
        tpu.wait_indirect_dma semaphore(%run_scoped3A : memref<!tpu.dma_semaphore, #tpu.memory_space<semaphore_mem>>) src(%dma_wait3A_102 : memref<4096x768xf32, #tpu.memory_space<hbm>>) dst(%arg25 : memref<16x768xf32, #tpu.memory_space<vmem>>)
        tpu.yield
      }) : () -> ()
      "tpu.region"() ({
        %run_scoped3A = tpu.sem_alloc : memref<!tpu.dma_semaphore, #tpu.memory_space<semaphore_mem>>
        %dma_start3A = arith.constant 0 : i32
        %dma_start3A_99 = arith.constant 0 : i32
        %dma_start3A_100 = tpu.memref_slice %arg11[%dma_start3A, %dma_start3A_99] : memref<2048x768xf32, #tpu.memory_space<hbm>> -> memref<2048x768xf32, #tpu.memory_space<hbm>>
        tpu.enqueue_indirect_dma source(%dma_start3A_100 : memref<2048x768xf32, #tpu.memory_space<hbm>>) target(%arg26 : memref<16x768xf32, #tpu.memory_space<vmem>>) offsets(%arg20 : memref<16xi32, #tpu.memory_space<vmem>>) semaphore(%run_scoped3A : memref<!tpu.dma_semaphore, #tpu.memory_space<semaphore_mem>>)
        %dma_wait3A = arith.constant 0 : i32
        %dma_wait3A_101 = arith.constant 0 : i32
        %dma_wait3A_102 = tpu.memref_slice %arg11[%dma_wait3A, %dma_wait3A_101] : memref<2048x768xf32, #tpu.memory_space<hbm>> -> memref<2048x768xf32, #tpu.memory_space<hbm>>
        tpu.wait_indirect_dma semaphore(%run_scoped3A : memref<!tpu.dma_semaphore, #tpu.memory_space<semaphore_mem>>) src(%dma_wait3A_102 : memref<2048x768xf32, #tpu.memory_space<hbm>>) dst(%arg26 : memref<16x768xf32, #tpu.memory_space<vmem>>)
        tpu.yield
      }) : () -> ()
      "tpu.region"() ({
        %run_scoped3A = tpu.sem_alloc : memref<!tpu.dma_semaphore, #tpu.memory_space<semaphore_mem>>
        %dma_start3A = arith.constant 0 : i32
        %dma_start3A_99 = arith.constant 0 : i32
        %dma_start3A_100 = tpu.memref_slice %arg12[%dma_start3A, %dma_start3A_99] : memref<4096x768xf32, #tpu.memory_space<hbm>> -> memref<4096x768xf32, #tpu.memory_space<hbm>>
        tpu.enqueue_indirect_dma source(%dma_start3A_100 : memref<4096x768xf32, #tpu.memory_space<hbm>>) target(%arg27 : memref<16x768xf32, #tpu.memory_space<vmem>>) offsets(%arg21 : memref<16xi32, #tpu.memory_space<vmem>>) semaphore(%run_scoped3A : memref<!tpu.dma_semaphore, #tpu.memory_space<semaphore_mem>>)
        %dma_wait3A = arith.constant 0 : i32
        %dma_wait3A_101 = arith.constant 0 : i32
        %dma_wait3A_102 = tpu.memref_slice %arg12[%dma_wait3A, %dma_wait3A_101] : memref<4096x768xf32, #tpu.memory_space<hbm>> -> memref<4096x768xf32, #tpu.memory_space<hbm>>
        tpu.wait_indirect_dma semaphore(%run_scoped3A : memref<!tpu.dma_semaphore, #tpu.memory_space<semaphore_mem>>) src(%dma_wait3A_102 : memref<4096x768xf32, #tpu.memory_space<hbm>>) dst(%arg27 : memref<16x768xf32, #tpu.memory_space<vmem>>)
        tpu.yield
      }) : () -> ()
      "tpu.region"() ({
        %run_scoped3A = tpu.sem_alloc : memref<!tpu.dma_semaphore, #tpu.memory_space<semaphore_mem>>
        %dma_start3A = arith.constant 0 : i32
        %dma_start3A_99 = arith.constant 0 : i32
        %dma_start3A_100 = tpu.memref_slice %arg13[%dma_start3A, %dma_start3A_99] : memref<2x768xf32, #tpu.memory_space<hbm>> -> memref<2x768xf32, #tpu.memory_space<hbm>>
        tpu.enqueue_indirect_dma source(%dma_start3A_100 : memref<2x768xf32, #tpu.memory_space<hbm>>) target(%arg28 : memref<16x768xf32, #tpu.memory_space<vmem>>) offsets(%arg22 : memref<16xi32, #tpu.memory_space<vmem>>) semaphore(%run_scoped3A : memref<!tpu.dma_semaphore, #tpu.memory_space<semaphore_mem>>)
        %dma_wait3A = arith.constant 0 : i32
        %dma_wait3A_101 = arith.constant 0 : i32
        %dma_wait3A_102 = tpu.memref_slice %arg13[%dma_wait3A, %dma_wait3A_101] : memref<2x768xf32, #tpu.memory_space<hbm>> -> memref<2x768xf32, #tpu.memory_space<hbm>>
        tpu.wait_indirect_dma semaphore(%run_scoped3A : memref<!tpu.dma_semaphore, #tpu.memory_space<semaphore_mem>>) src(%dma_wait3A_102 : memref<2x768xf32, #tpu.memory_space<hbm>>) dst(%arg28 : memref<16x768xf32, #tpu.memory_space<vmem>>)
        tpu.yield
      }) : () -> ()
      "tpu.region"() ({
        %run_scoped3A = tpu.sem_alloc : memref<!tpu.dma_semaphore, #tpu.memory_space<semaphore_mem>>
        %dma_start3A = arith.constant 0 : i32
        %dma_start3A_99 = arith.constant 0 : i32
        %dma_start3A_100 = tpu.memref_slice %arg14[%dma_start3A, %dma_start3A_99] : memref<1024x768xf32, #tpu.memory_space<hbm>> -> memref<1024x768xf32, #tpu.memory_space<hbm>>
        tpu.enqueue_indirect_dma source(%dma_start3A_100 : memref<1024x768xf32, #tpu.memory_space<hbm>>) target(%arg29 : memref<16x768xf32, #tpu.memory_space<vmem>>) offsets(%arg23 : memref<16xi32, #tpu.memory_space<vmem>>) semaphore(%run_scoped3A : memref<!tpu.dma_semaphore, #tpu.memory_space<semaphore_mem>>)
        %dma_wait3A = arith.constant 0 : i32
        %dma_wait3A_101 = arith.constant 0 : i32
        %dma_wait3A_102 = tpu.memref_slice %arg14[%dma_wait3A, %dma_wait3A_101] : memref<1024x768xf32, #tpu.memory_space<hbm>> -> memref<1024x768xf32, #tpu.memory_space<hbm>>
        tpu.wait_indirect_dma semaphore(%run_scoped3A : memref<!tpu.dma_semaphore, #tpu.memory_space<semaphore_mem>>) src(%dma_wait3A_102 : memref<1024x768xf32, #tpu.memory_space<hbm>>) dst(%arg29 : memref<16x768xf32, #tpu.memory_space<vmem>>)
        tpu.yield
      }) : () -> ()
      "tpu.region"() ({
        %run_scoped3A = tpu.sem_alloc : memref<!tpu.dma_semaphore, #tpu.memory_space<semaphore_mem>>
        %dma_start3A = arith.constant 0 : i32
        %dma_start3A_99 = arith.constant 0 : i32
        %dma_start3A_100 = tpu.memref_slice %arg15[%dma_start3A, %dma_start3A_99] : memref<2x768xf32, #tpu.memory_space<hbm>> -> memref<2x768xf32, #tpu.memory_space<hbm>>
        tpu.enqueue_indirect_dma source(%dma_start3A_100 : memref<2x768xf32, #tpu.memory_space<hbm>>) target(%arg30 : memref<16x768xf32, #tpu.memory_space<vmem>>) offsets(%arg24 : memref<16xi32, #tpu.memory_space<vmem>>) semaphore(%run_scoped3A : memref<!tpu.dma_semaphore, #tpu.memory_space<semaphore_mem>>)
        %dma_wait3A = arith.constant 0 : i32
        %dma_wait3A_101 = arith.constant 0 : i32
        %dma_wait3A_102 = tpu.memref_slice %arg15[%dma_wait3A, %dma_wait3A_101] : memref<2x768xf32, #tpu.memory_space<hbm>> -> memref<2x768xf32, #tpu.memory_space<hbm>>
        tpu.wait_indirect_dma semaphore(%run_scoped3A : memref<!tpu.dma_semaphore, #tpu.memory_space<semaphore_mem>>) src(%dma_wait3A_102 : memref<2x768xf32, #tpu.memory_space<hbm>>) dst(%arg30 : memref<16x768xf32, #tpu.memory_space<vmem>>)
        tpu.yield
      }) : () -> ()
      %scan3A_73 = arith.constant 0 : i32
      %scan3A_74 = arith.constant 0 : i32
      %scan3A_75 = arith.constant 16 : i32
      %scan3A_76 = arith.addi %scan3A_74, %scan3A_75 : i32
      %scan3A_77 = arith.constant 1 : i32
      scf.for %scan3A_99 = %scan3A_74 to %scan3A_76 step %scan3A_77  : i32 {
        %get3A_100 = arith.index_cast %scan3A_99 : i32 to index
        %get3A_101 = arith.constant 0 : index
        %get3A_102 = tpu.vector_load %arg26[%get3A_100, %get3A_101] {strides = array<i32>} : memref<16x768xf32, #tpu.memory_space<vmem>>, vector<16xf32>,
        %get3A_103 = arith.index_cast %scan3A_99 : i32 to index
        %get3A_104 = arith.constant 0 : index
        %get3A_105 = tpu.vector_load %arg25[%get3A_103, %get3A_104] {strides = array<i32>} : memref<16x768xf32, #tpu.memory_space<vmem>>, vector<16xf32>,
        %add3A_106 = arith.addf %get3A_105, %get3A_102 : vector<16xf32>
        %swap3A = arith.index_cast %scan3A_99 : i32 to index
        %swap3A_107 = arith.constant 0 : index
        %swap3A_108 = tpu.vector_load %arg25[%swap3A, %swap3A_107] {strides = array<i32>} : memref<16x768xf32, #tpu.memory_space<vmem>>, vector<16xf32>,
        tpu.vector_store %arg25[%swap3A, %swap3A_107], %add3A_106 {strides = array<i32>} : memref<16x768xf32, #tpu.memory_space<vmem>>, vector<16xf32>,
        %get3A_109 = arith.index_cast %scan3A_99 : i32 to index
        %get3A_110 = arith.constant 0 : index
        %get3A_111 = tpu.vector_load %arg27[%get3A_109, %get3A_110] {strides = array<i32>} : memref<16x768xf32, #tpu.memory_space<vmem>>, vector<16xf32>,
        %get3A_112 = arith.index_cast %scan3A_99 : i32 to index
        %get3A_113 = arith.constant 0 : index
        %get3A_114 = tpu.vector_load %arg28[%get3A_112, %get3A_113] {strides = array<i32>} : memref<16x768xf32, #tpu.memory_space<vmem>>, vector<16xf32>,
        %add3A_115 = arith.addf %get3A_111, %get3A_114 : vector<16xf32>
        %add3A_116 = arith.addf %add3A_115, %get3A_102 : vector<16xf32>
        %swap3A_117 = arith.index_cast %scan3A_99 : i32 to index
        %swap3A_118 = arith.constant 0 : index
        %swap3A_119 = tpu.vector_load %arg27[%swap3A_117, %swap3A_118] {strides = array<i32>} : memref<16x768xf32, #tpu.memory_space<vmem>>, vector<16xf32>,
        tpu.vector_store %arg27[%swap3A_117, %swap3A_118], %add3A_116 {strides = array<i32>} : memref<16x768xf32, #tpu.memory_space<vmem>>, vector<16xf32>,
        %get3A_120 = arith.index_cast %scan3A_99 : i32 to index
        %get3A_121 = arith.constant 0 : index
        %get3A_122 = tpu.vector_load %arg29[%get3A_120, %get3A_121] {strides = array<i32>} : memref<16x768xf32, #tpu.memory_space<vmem>>, vector<16xf32>,
        %get3A_123 = arith.index_cast %scan3A_99 : i32 to index
        %get3A_124 = arith.constant 0 : index
        %get3A_125 = tpu.vector_load %arg30[%get3A_123, %get3A_124] {strides = array<i32>} : memref<16x768xf32, #tpu.memory_space<vmem>>, vector<16xf32>,
        %add3A_126 = arith.addf %get3A_122, %get3A_125 : vector<16xf32>
        %add3A_127 = arith.addf %add3A_126, %get3A_102 : vector<16xf32>
        %swap3A_128 = arith.index_cast %scan3A_99 : i32 to index
        %swap3A_129 = arith.constant 0 : index
        %swap3A_130 = tpu.vector_load %arg29[%swap3A_128, %swap3A_129] {strides = array<i32>} : memref<16x768xf32, #tpu.memory_space<vmem>>, vector<16xf32>,
        tpu.vector_store %arg29[%swap3A_128, %swap3A_129], %add3A_127 {strides = array<i32>} : memref<16x768xf32, #tpu.memory_space<vmem>>, vector<16xf32>,
        %get3A_131 = arith.index_cast %scan3A_99 : i32 to index
        %get3A_132 = arith.constant 16 : index
        %get3A_133 = tpu.vector_load %arg26[%get3A_131, %get3A_132] {strides = array<i32>} : memref<16x768xf32, #tpu.memory_space<vmem>>, vector<16xf32>,
        %get3A_134 = arith.index_cast %scan3A_99 : i32 to index
        %get3A_135 = arith.constant 16 : index
        %get3A_136 = tpu.vector_load %arg25[%get3A_134, %get3A_135] {strides = array<i32>} : memref<16x768xf32, #tpu.memory_space<vmem>>, vector<16xf32>,
        %add3A_137 = arith.addf %get3A_136, %get3A_133 : vector<16xf32>
        %swap3A_138 = arith.index_cast %scan3A_99 : i32 to index
        %swap3A_139 = arith.constant 16 : index
        %swap3A_140 = tpu.vector_load %arg25[%swap3A_138, %swap3A_139] {strides = array<i32>} : memref<16x768xf32, #tpu.memory_space<vmem>>, vector<16xf32>,
        tpu.vector_store %arg25[%swap3A_138, %swap3A_139], %add3A_137 {strides = array<i32>} : memref<16x768xf32, #tpu.memory_space<vmem>>, vector<16xf32>,
        %get3A_141 = arith.index_cast %scan3A_99 : i32 to index
        %get3A_142 = arith.constant 16 : index
        %get3A_143 = tpu.vector_load %arg27[%get3A_141, %get3A_142] {strides = array<i32>} : memref<16x768xf32, #tpu.memory_space<vmem>>, vector<16xf32>,
        %get3A_144 = arith.index_cast %scan3A_99 : i32 to index
        %get3A_145 = arith.constant 16 : index
        %get3A_146 = tpu.vector_load %arg28[%get3A_144, %get3A_145] {strides = array<i32>} : memref<16x768xf32, #tpu.memory_space<vmem>>, vector<16xf32>,
        %add3A_147 = arith.addf %get3A_143, %get3A_146 : vector<16xf32>
        %add3A_148 = arith.addf %add3A_147, %get3A_133 : vector<16xf32>
        %swap3A_149 = arith.index_cast %scan3A_99 : i32 to index
        %swap3A_150 = arith.constant 16 : index
        %swap3A_151 = tpu.vector_load %arg27[%swap3A_149, %swap3A_150] {strides = array<i32>} : memref<16x768xf32, #tpu.memory_space<vmem>>, vector<16xf32>,
        tpu.vector_store %arg27[%swap3A_149, %swap3A_150], %add3A_148 {strides = array<i32>} : memref<16x768xf32, #tpu.memory_space<vmem>>, vector<16xf32>,
        %get3A_152 = arith.index_cast %scan3A_99 : i32 to index
        %get3A_153 = arith.constant 16 : index
        %get3A_154 = tpu.vector_load %arg29[%get3A_152, %get3A_153] {strides = array<i32>} : memref<16x768xf32, #tpu.memory_space<vmem>>, vector<16xf32>,
        %get3A_155 = arith.index_cast %scan3A_99 : i32 to index
        %get3A_156 = arith.constant 16 : index
        %get3A_157 = tpu.vector_load %arg30[%get3A_155, %get3A_156] {strides = array<i32>} : memref<16x768xf32, #tpu.memory_space<vmem>>, vector<16xf32>,
        %add3A_158 = arith.addf %get3A_154, %get3A_157 : vector<16xf32>
        %add3A_159 = arith.addf %add3A_158, %get3A_133 : vector<16xf32>
        %swap3A_160 = arith.index_cast %scan3A_99 : i32 to index
        %swap3A_161 = arith.constant 16 : index
        %swap3A_162 = tpu.vector_load %arg29[%swap3A_160, %swap3A_161] {strides = array<i32>} : memref<16x768xf32, #tpu.memory_space<vmem>>, vector<16xf32>,
        tpu.vector_store %arg29[%swap3A_160, %swap3A_161], %add3A_159 {strides = array<i32>} : memref<16x768xf32, #tpu.memory_space<vmem>>, vector<16xf32>,
        %get3A_163 = arith.index_cast %scan3A_99 : i32 to index
        %get3A_164 = arith.constant 32 : index
        %get3A_165 = tpu.vector_load %arg26[%get3A_163, %get3A_164] {strides = array<i32>} : memref<16x768xf32, #tpu.memory_space<vmem>>, vector<16xf32>,
        %get3A_166 = arith.index_cast %scan3A_99 : i32 to index
        %get3A_167 = arith.constant 32 : index
        %get3A_168 = tpu.vector_load %arg25[%get3A_166, %get3A_167] {strides = array<i32>} : memref<16x768xf32, #tpu.memory_space<vmem>>, vector<16xf32>,
        %add3A_169 = arith.addf %get3A_168, %get3A_165 : vector<16xf32>
        %swap3A_170 = arith.index_cast %scan3A_99 : i32 to index
        %swap3A_171 = arith.constant 32 : index
        %swap3A_172 = tpu.vector_load %arg25[%swap3A_170, %swap3A_171] {strides = array<i32>} : memref<16x768xf32, #tpu.memory_space<vmem>>, vector<16xf32>,
        tpu.vector_store %arg25[%swap3A_170, %swap3A_171], %add3A_169 {strides = array<i32>} : memref<16x768xf32, #tpu.memory_space<vmem>>, vector<16xf32>,
        %get3A_173 = arith.index_cast %scan3A_99 : i32 to index
        %get3A_174 = arith.constant 32 : index
        %get3A_175 = tpu.vector_load %arg27[%get3A_173, %get3A_174] {strides = array<i32>} : memref<16x768xf32, #tpu.memory_space<vmem>>, vector<16xf32>,
        %get3A_176 = arith.index_cast %scan3A_99 : i32 to index
        %get3A_177 = arith.constant 32 : index
        %get3A_178 = tpu.vector_load %arg28[%get3A_176, %get3A_177] {strides = array<i32>} : memref<16x768xf32, #tpu.memory_space<vmem>>, vector<16xf32>,
        %add3A_179 = arith.addf %get3A_175, %get3A_178 : vector<16xf32>
        %add3A_180 = arith.addf %add3A_179, %get3A_165 : vector<16xf32>
        %swap3A_181 = arith.index_cast %scan3A_99 : i32 to index
        %swap3A_182 = arith.constant 32 : index
        %swap3A_183 = tpu.vector_load %arg27[%swap3A_181, %swap3A_182] {strides = array<i32>} : memref<16x768xf32, #tpu.memory_space<vmem>>, vector<16xf32>,
        tpu.vector_store %arg27[%swap3A_181, %swap3A_182], %add3A_180 {strides = array<i32>} : memref<16x768xf32, #tpu.memory_space<vmem>>, vector<16xf32>,
        %get3A_184 = arith.index_cast %scan3A_99 : i32 to index
        %get3A_185 = arith.constant 32 : index
        %get3A_186 = tpu.vector_load %arg29[%get3A_184, %get3A_185] {strides = array<i32>} : memref<16x768xf32, #tpu.memory_space<vmem>>, vector<16xf32>,
        %get3A_187 = arith.index_cast %scan3A_99 : i32 to index
        %get3A_188 = arith.constant 32 : index
        %get3A_189 = tpu.vector_load %arg30[%get3A_187, %get3A_188] {strides = array<i32>} : memref<16x768xf32, #tpu.memory_space<vmem>>, vector<16xf32>,
        %add3A_190 = arith.addf %get3A_186, %get3A_189 : vector<16xf32>
        %add3A_191 = arith.addf %add3A_190, %get3A_165 : vector<16xf32>
        %swap3A_192 = arith.index_cast %scan3A_99 : i32 to index
        %swap3A_193 = arith.constant 32 : index
        %swap3A_194 = tpu.vector_load %arg29[%swap3A_192, %swap3A_193] {strides = array<i32>} : memref<16x768xf32, #tpu.memory_space<vmem>>, vector<16xf32>,
        tpu.vector_store %arg29[%swap3A_192, %swap3A_193], %add3A_191 {strides = array<i32>} : memref<16x768xf32, #tpu.memory_space<vmem>>, vector<16xf32>,
        %get3A_195 = arith.index_cast %scan3A_99 : i32 to index
        %get3A_196 = arith.constant 48 : index
        %get3A_197 = tpu.vector_load %arg26[%get3A_195, %get3A_196] {strides = array<i32>} : memref<16x768xf32, #tpu.memory_space<vmem>>, vector<16xf32>,
        %get3A_198 = arith.index_cast %scan3A_99 : i32 to index
        %get3A_199 = arith.constant 48 : index
        %get3A_200 = tpu.vector_load %arg25[%get3A_198, %get3A_199] {strides = array<i32>} : memref<16x768xf32, #tpu.memory_space<vmem>>, vector<16xf32>,
        %add3A_201 = arith.addf %get3A_200, %get3A_197 : vector<16xf32>
        %swap3A_202 = arith.index_cast %scan3A_99 : i32 to index
        %swap3A_203 = arith.constant 48 : index
        %swap3A_204 = tpu.vector_load %arg25[%swap3A_202, %swap3A_203] {strides = array<i32>} : memref<16x768xf32, #tpu.memory_space<vmem>>, vector<16xf32>,
        tpu.vector_store %arg25[%swap3A_202, %swap3A_203], %add3A_201 {strides = array<i32>} : memref<16x768xf32, #tpu.memory_space<vmem>>, vector<16xf32>,
        %get3A_205 = arith.index_cast %scan3A_99 : i32 to index
        %get3A_206 = arith.constant 48 : index
        %get3A_207 = tpu.vector_load %arg27[%get3A_205, %get3A_206] {strides = array<i32>} : memref<16x768xf32, #tpu.memory_space<vmem>>, vector<16xf32>,
        %get3A_208 = arith.index_cast %scan3A_99 : i32 to index
        %get3A_209 = arith.constant 48 : index
        %get3A_210 = tpu.vector_load %arg28[%get3A_208, %get3A_209] {strides = array<i32>} : memref<16x768xf32, #tpu.memory_space<vmem>>, vector<16xf32>,
        %add3A_211 = arith.addf %get3A_207, %get3A_210 : vector<16xf32>
        %add3A_212 = arith.addf %add3A_211, %get3A_197 : vector<16xf32>
        %swap3A_213 = arith.index_cast %scan3A_99 : i32 to index
        %swap3A_214 = arith.constant 48 : index
        %swap3A_215 = tpu.vector_load %arg27[%swap3A_213, %swap3A_214] {strides = array<i32>} : memref<16x768xf32, #tpu.memory_space<vmem>>, vector<16xf32>,
        tpu.vector_store %arg27[%swap3A_213, %swap3A_214], %add3A_212 {strides = array<i32>} : memref<16x768xf32, #tpu.memory_space<vmem>>, vector<16xf32>,
        %get3A_216 = arith.index_cast %scan3A_99 : i32 to index
        %get3A_217 = arith.constant 48 : index
        %get3A_218 = tpu.vector_load %arg29[%get3A_216, %get3A_217] {strides = array<i32>} : memref<16x768xf32, #tpu.memory_space<vmem>>, vector<16xf32>,
        %get3A_219 = arith.index_cast %scan3A_99 : i32 to index
        %get3A_220 = arith.constant 48 : index
        %get3A_221 = tpu.vector_load %arg30[%get3A_219, %get3A_220] {strides = array<i32>} : memref<16x768xf32, #tpu.memory_space<vmem>>, vector<16xf32>,
        %add3A_222 = arith.addf %get3A_218, %get3A_221 : vector<16xf32>
        %add3A_223 = arith.addf %add3A_222, %get3A_197 : vector<16xf32>
        %swap3A_224 = arith.index_cast %scan3A_99 : i32 to index
        %swap3A_225 = arith.constant 48 : index
        %swap3A_226 = tpu.vector_load %arg29[%swap3A_224, %swap3A_225] {strides = array<i32>} : memref<16x768xf32, #tpu.memory_space<vmem>>, vector<16xf32>,
        tpu.vector_store %arg29[%swap3A_224, %swap3A_225], %add3A_223 {strides = array<i32>} : memref<16x768xf32, #tpu.memory_space<vmem>>, vector<16xf32>,
        %get3A_227 = arith.index_cast %scan3A_99 : i32 to index
        %get3A_228 = arith.constant 64 : index
        %get3A_229 = tpu.vector_load %arg26[%get3A_227, %get3A_228] {strides = array<i32>} : memref<16x768xf32, #tpu.memory_space<vmem>>, vector<16xf32>,
        %get3A_230 = arith.index_cast %scan3A_99 : i32 to index
        %get3A_231 = arith.constant 64 : index
        %get3A_232 = tpu.vector_load %arg25[%get3A_230, %get3A_231] {strides = array<i32>} : memref<16x768xf32, #tpu.memory_space<vmem>>, vector<16xf32>,
        %add3A_233 = arith.addf %get3A_232, %get3A_229 : vector<16xf32>
        %swap3A_234 = arith.index_cast %scan3A_99 : i32 to index
        %swap3A_235 = arith.constant 64 : index
        %swap3A_236 = tpu.vector_load %arg25[%swap3A_234, %swap3A_235] {strides = array<i32>} : memref<16x768xf32, #tpu.memory_space<vmem>>, vector<16xf32>,
        tpu.vector_store %arg25[%swap3A_234, %swap3A_235], %add3A_233 {strides = array<i32>} : memref<16x768xf32, #tpu.memory_space<vmem>>, vector<16xf32>,
        %get3A_237 = arith.index_cast %scan3A_99 : i32 to index
        %get3A_238 = arith.constant 64 : index
        %get3A_239 = tpu.vector_load %arg27[%get3A_237, %get3A_238] {strides = array<i32>} : memref<16x768xf32, #tpu.memory_space<vmem>>, vector<16xf32>,
        %get3A_240 = arith.index_cast %scan3A_99 : i32 to index
        %get3A_241 = arith.constant 64 : index
        %get3A_242 = tpu.vector_load %arg28[%get3A_240, %get3A_241] {strides = array<i32>} : memref<16x768xf32, #tpu.memory_space<vmem>>, vector<16xf32>,
        %add3A_243 = arith.addf %get3A_239, %get3A_242 : vector<16xf32>
        %add3A_244 = arith.addf %add3A_243, %get3A_229 : vector<16xf32>
        %swap3A_245 = arith.index_cast %scan3A_99 : i32 to index
        %swap3A_246 = arith.constant 64 : index
        %swap3A_247 = tpu.vector_load %arg27[%swap3A_245, %swap3A_246] {strides = array<i32>} : memref<16x768xf32, #tpu.memory_space<vmem>>, vector<16xf32>,
        tpu.vector_store %arg27[%swap3A_245, %swap3A_246], %add3A_244 {strides = array<i32>} : memref<16x768xf32, #tpu.memory_space<vmem>>, vector<16xf32>,
        %get3A_248 = arith.index_cast %scan3A_99 : i32 to index
        %get3A_249 = arith.constant 64 : index
        %get3A_250 = tpu.vector_load %arg29[%get3A_248, %get3A_249] {strides = array<i32>} : memref<16x768xf32, #tpu.memory_space<vmem>>, vector<16xf32>,
        %get3A_251 = arith.index_cast %scan3A_99 : i32 to index
        %get3A_252 = arith.constant 64 : index
        %get3A_253 = tpu.vector_load %arg30[%get3A_251, %get3A_252] {strides = array<i32>} : memref<16x768xf32, #tpu.memory_space<vmem>>, vector<16xf32>,
        %add3A_254 = arith.addf %get3A_250, %get3A_253 : vector<16xf32>
        %add3A_255 = arith.addf %add3A_254, %get3A_229 : vector<16xf32>
        %swap3A_256 = arith.index_cast %scan3A_99 : i32 to index
        %swap3A_257 = arith.constant 64 : index
        %swap3A_258 = tpu.vector_load %arg29[%swap3A_256, %swap3A_257] {strides = array<i32>} : memref<16x768xf32, #tpu.memory_space<vmem>>, vector<16xf32>,
        tpu.vector_store %arg29[%swap3A_256, %swap3A_257], %add3A_255 {strides = array<i32>} : memref<16x768xf32, #tpu.memory_space<vmem>>, vector<16xf32>,
        %get3A_259 = arith.index_cast %scan3A_99 : i32 to index
        %get3A_260 = arith.constant 80 : index
        %get3A_261 = tpu.vector_load %arg26[%get3A_259, %get3A_260] {strides = array<i32>} : memref<16x768xf32, #tpu.memory_space<vmem>>, vector<16xf32>,
        %get3A_262 = arith.index_cast %scan3A_99 : i32 to index
        %get3A_263 = arith.constant 80 : index
        %get3A_264 = tpu.vector_load %arg25[%get3A_262, %get3A_263] {strides = array<i32>} : memref<16x768xf32, #tpu.memory_space<vmem>>, vector<16xf32>,
        %add3A_265 = arith.addf %get3A_264, %get3A_261 : vector<16xf32>
        %swap3A_266 = arith.index_cast %scan3A_99 : i32 to index
        %swap3A_267 = arith.constant 80 : index
        %swap3A_268 = tpu.vector_load %arg25[%swap3A_266, %swap3A_267] {strides = array<i32>} : memref<16x768xf32, #tpu.memory_space<vmem>>, vector<16xf32>,
        tpu.vector_store %arg25[%swap3A_266, %swap3A_267], %add3A_265 {strides = array<i32>} : memref<16x768xf32, #tpu.memory_space<vmem>>, vector<16xf32>,
        %get3A_269 = arith.index_cast %scan3A_99 : i32 to index
        %get3A_270 = arith.constant 80 : index
        %get3A_271 = tpu.vector_load %arg27[%get3A_269, %get3A_270] {strides = array<i32>} : memref<16x768xf32, #tpu.memory_space<vmem>>, vector<16xf32>,
        %get3A_272 = arith.index_cast %scan3A_99 : i32 to index
        %get3A_273 = arith.constant 80 : index
        %get3A_274 = tpu.vector_load %arg28[%get3A_272, %get3A_273] {strides = array<i32>} : memref<16x768xf32, #tpu.memory_space<vmem>>, vector<16xf32>,
        %add3A_275 = arith.addf %get3A_271, %get3A_274 : vector<16xf32>
        %add3A_276 = arith.addf %add3A_275, %get3A_261 : vector<16xf32>
        %swap3A_277 = arith.index_cast %scan3A_99 : i32 to index
        %swap3A_278 = arith.constant 80 : index
        %swap3A_279 = tpu.vector_load %arg27[%swap3A_277, %swap3A_278] {strides = array<i32>} : memref<16x768xf32, #tpu.memory_space<vmem>>, vector<16xf32>,
        tpu.vector_store %arg27[%swap3A_277, %swap3A_278], %add3A_276 {strides = array<i32>} : memref<16x768xf32, #tpu.memory_space<vmem>>, vector<16xf32>,
        %get3A_280 = arith.index_cast %scan3A_99 : i32 to index
        %get3A_281 = arith.constant 80 : index
        %get3A_282 = tpu.vector_load %arg29[%get3A_280, %get3A_281] {strides = array<i32>} : memref<16x768xf32, #tpu.memory_space<vmem>>, vector<16xf32>,
        %get3A_283 = arith.index_cast %scan3A_99 : i32 to index
        %get3A_284 = arith.constant 80 : index
        %get3A_285 = tpu.vector_load %arg30[%get3A_283, %get3A_284] {strides = array<i32>} : memref<16x768xf32, #tpu.memory_space<vmem>>, vector<16xf32>,
        %add3A_286 = arith.addf %get3A_282, %get3A_285 : vector<16xf32>
        %add3A_287 = arith.addf %add3A_286, %get3A_261 : vector<16xf32>
        %swap3A_288 = arith.index_cast %scan3A_99 : i32 to index
        %swap3A_289 = arith.constant 80 : index
        %swap3A_290 = tpu.vector_load %arg29[%swap3A_288, %swap3A_289] {strides = array<i32>} : memref<16x768xf32, #tpu.memory_space<vmem>>, vector<16xf32>,
        tpu.vector_store %arg29[%swap3A_288, %swap3A_289], %add3A_287 {strides = array<i32>} : memref<16x768xf32, #tpu.memory_space<vmem>>, vector<16xf32>,
        %get3A_291 = arith.index_cast %scan3A_99 : i32 to index
        %get3A_292 = arith.constant 96 : index
        %get3A_293 = tpu.vector_load %arg26[%get3A_291, %get3A_292] {strides = array<i32>} : memref<16x768xf32, #tpu.memory_space<vmem>>, vector<16xf32>,
        %get3A_294 = arith.index_cast %scan3A_99 : i32 to index
        %get3A_295 = arith.constant 96 : index
        %get3A_296 = tpu.vector_load %arg25[%get3A_294, %get3A_295] {strides = array<i32>} : memref<16x768xf32, #tpu.memory_space<vmem>>, vector<16xf32>,
        %add3A_297 = arith.addf %get3A_296, %get3A_293 : vector<16xf32>
        %swap3A_298 = arith.index_cast %scan3A_99 : i32 to index
        %swap3A_299 = arith.constant 96 : index
        %swap3A_300 = tpu.vector_load %arg25[%swap3A_298, %swap3A_299] {strides = array<i32>} : memref<16x768xf32, #tpu.memory_space<vmem>>, vector<16xf32>,
        tpu.vector_store %arg25[%swap3A_298, %swap3A_299], %add3A_297 {strides = array<i32>} : memref<16x768xf32, #tpu.memory_space<vmem>>, vector<16xf32>,
        %get3A_301 = arith.index_cast %scan3A_99 : i32 to index
        %get3A_302 = arith.constant 96 : index
        %get3A_303 = tpu.vector_load %arg27[%get3A_301, %get3A_302] {strides = array<i32>} : memref<16x768xf32, #tpu.memory_space<vmem>>, vector<16xf32>,
        %get3A_304 = arith.index_cast %scan3A_99 : i32 to index
        %get3A_305 = arith.constant 96 : index
        %get3A_306 = tpu.vector_load %arg28[%get3A_304, %get3A_305] {strides = array<i32>} : memref<16x768xf32, #tpu.memory_space<vmem>>, vector<16xf32>,
        %add3A_307 = arith.addf %get3A_303, %get3A_306 : vector<16xf32>
        %add3A_308 = arith.addf %add3A_307, %get3A_293 : vector<16xf32>
        %swap3A_309 = arith.index_cast %scan3A_99 : i32 to index
        %swap3A_310 = arith.constant 96 : index
        %swap3A_311 = tpu.vector_load %arg27[%swap3A_309, %swap3A_310] {strides = array<i32>} : memref<16x768xf32, #tpu.memory_space<vmem>>, vector<16xf32>,
        tpu.vector_store %arg27[%swap3A_309, %swap3A_310], %add3A_308 {strides = array<i32>} : memref<16x768xf32, #tpu.memory_space<vmem>>, vector<16xf32>,
        %get3A_312 = arith.index_cast %scan3A_99 : i32 to index
        %get3A_313 = arith.constant 96 : index
        %get3A_314 = tpu.vector_load %arg29[%get3A_312, %get3A_313] {strides = array<i32>} : memref<16x768xf32, #tpu.memory_space<vmem>>, vector<16xf32>,
        %get3A_315 = arith.index_cast %scan3A_99 : i32 to index
        %get3A_316 = arith.constant 96 : index
        %get3A_317 = tpu.vector_load %arg30[%get3A_315, %get3A_316] {strides = array<i32>} : memref<16x768xf32, #tpu.memory_space<vmem>>, vector<16xf32>,
        %add3A_318 = arith.addf %get3A_314, %get3A_317 : vector<16xf32>
        %add3A_319 = arith.addf %add3A_318, %get3A_293 : vector<16xf32>
        %swap3A_320 = arith.index_cast %scan3A_99 : i32 to index
        %swap3A_321 = arith.constant 96 : index
        %swap3A_322 = tpu.vector_load %arg29[%swap3A_320, %swap3A_321] {strides = array<i32>} : memref<16x768xf32, #tpu.memory_space<vmem>>, vector<16xf32>,
        tpu.vector_store %arg29[%swap3A_320, %swap3A_321], %add3A_319 {strides = array<i32>} : memref<16x768xf32, #tpu.memory_space<vmem>>, vector<16xf32>,
        %get3A_323 = arith.index_cast %scan3A_99 : i32 to index
        %get3A_324 = arith.constant 112 : index
        %get3A_325 = tpu.vector_load %arg26[%get3A_323, %get3A_324] {strides = array<i32>} : memref<16x768xf32, #tpu.memory_space<vmem>>, vector<16xf32>,
        %get3A_326 = arith.index_cast %scan3A_99 : i32 to index
        %get3A_327 = arith.constant 112 : index
        %get3A_328 = tpu.vector_load %arg25[%get3A_326, %get3A_327] {strides = array<i32>} : memref<16x768xf32, #tpu.memory_space<vmem>>, vector<16xf32>,
        %add3A_329 = arith.addf %get3A_328, %get3A_325 : vector<16xf32>
        %swap3A_330 = arith.index_cast %scan3A_99 : i32 to index
        %swap3A_331 = arith.constant 112 : index
        %swap3A_332 = tpu.vector_load %arg25[%swap3A_330, %swap3A_331] {strides = array<i32>} : memref<16x768xf32, #tpu.memory_space<vmem>>, vector<16xf32>,
        tpu.vector_store %arg25[%swap3A_330, %swap3A_331], %add3A_329 {strides = array<i32>} : memref<16x768xf32, #tpu.memory_space<vmem>>, vector<16xf32>,
        %get3A_333 = arith.index_cast %scan3A_99 : i32 to index
        %get3A_334 = arith.constant 112 : index
        %get3A_335 = tpu.vector_load %arg27[%get3A_333, %get3A_334] {strides = array<i32>} : memref<16x768xf32, #tpu.memory_space<vmem>>, vector<16xf32>,
        %get3A_336 = arith.index_cast %scan3A_99 : i32 to index
        %get3A_337 = arith.constant 112 : index
        %get3A_338 = tpu.vector_load %arg28[%get3A_336, %get3A_337] {strides = array<i32>} : memref<16x768xf32, #tpu.memory_space<vmem>>, vector<16xf32>,
        %add3A_339 = arith.addf %get3A_335, %get3A_338 : vector<16xf32>
        %add3A_340 = arith.addf %add3A_339, %get3A_325 : vector<16xf32>
        %swap3A_341 = arith.index_cast %scan3A_99 : i32 to index
        %swap3A_342 = arith.constant 112 : index
        %swap3A_343 = tpu.vector_load %arg27[%swap3A_341, %swap3A_342] {strides = array<i32>} : memref<16x768xf32, #tpu.memory_space<vmem>>, vector<16xf32>,
        tpu.vector_store %arg27[%swap3A_341, %swap3A_342], %add3A_340 {strides = array<i32>} : memref<16x768xf32, #tpu.memory_space<vmem>>, vector<16xf32>,
        %get3A_344 = arith.index_cast %scan3A_99 : i32 to index
        %get3A_345 = arith.constant 112 : index
        %get3A_346 = tpu.vector_load %arg29[%get3A_344, %get3A_345] {strides = array<i32>} : memref<16x768xf32, #tpu.memory_space<vmem>>, vector<16xf32>,
        %get3A_347 = arith.index_cast %scan3A_99 : i32 to index
        %get3A_348 = arith.constant 112 : index
        %get3A_349 = tpu.vector_load %arg30[%get3A_347, %get3A_348] {strides = array<i32>} : memref<16x768xf32, #tpu.memory_space<vmem>>, vector<16xf32>,
        %add3A_350 = arith.addf %get3A_346, %get3A_349 : vector<16xf32>
        %add3A_351 = arith.addf %add3A_350, %get3A_325 : vector<16xf32>
        %swap3A_352 = arith.index_cast %scan3A_99 : i32 to index
        %swap3A_353 = arith.constant 112 : index
        %swap3A_354 = tpu.vector_load %arg29[%swap3A_352, %swap3A_353] {strides = array<i32>} : memref<16x768xf32, #tpu.memory_space<vmem>>, vector<16xf32>,
        tpu.vector_store %arg29[%swap3A_352, %swap3A_353], %add3A_351 {strides = array<i32>} : memref<16x768xf32, #tpu.memory_space<vmem>>, vector<16xf32>,
        %get3A_355 = arith.index_cast %scan3A_99 : i32 to index
        %get3A_356 = arith.constant 128 : index
        %get3A_357 = tpu.vector_load %arg26[%get3A_355, %get3A_356] {strides = array<i32>} : memref<16x768xf32, #tpu.memory_space<vmem>>, vector<16xf32>,
        %get3A_358 = arith.index_cast %scan3A_99 : i32 to index
        %get3A_359 = arith.constant 128 : index
        %get3A_360 = tpu.vector_load %arg25[%get3A_358, %get3A_359] {strides = array<i32>} : memref<16x768xf32, #tpu.memory_space<vmem>>, vector<16xf32>,
        %add3A_361 = arith.addf %get3A_360, %get3A_357 : vector<16xf32>
        %swap3A_362 = arith.index_cast %scan3A_99 : i32 to index
        %swap3A_363 = arith.constant 128 : index
        %swap3A_364 = tpu.vector_load %arg25[%swap3A_362, %swap3A_363] {strides = array<i32>} : memref<16x768xf32, #tpu.memory_space<vmem>>, vector<16xf32>,
        tpu.vector_store %arg25[%swap3A_362, %swap3A_363], %add3A_361 {strides = array<i32>} : memref<16x768xf32, #tpu.memory_space<vmem>>, vector<16xf32>,
        %get3A_365 = arith.index_cast %scan3A_99 : i32 to index
        %get3A_366 = arith.constant 128 : index
        %get3A_367 = tpu.vector_load %arg27[%get3A_365, %get3A_366] {strides = array<i32>} : memref<16x768xf32, #tpu.memory_space<vmem>>, vector<16xf32>,
        %get3A_368 = arith.index_cast %scan3A_99 : i32 to index
        %get3A_369 = arith.constant 128 : index
        %get3A_370 = tpu.vector_load %arg28[%get3A_368, %get3A_369] {strides = array<i32>} : memref<16x768xf32, #tpu.memory_space<vmem>>, vector<16xf32>,
        %add3A_371 = arith.addf %get3A_367, %get3A_370 : vector<16xf32>
        %add3A_372 = arith.addf %add3A_371, %get3A_357 : vector<16xf32>
        %swap3A_373 = arith.index_cast %scan3A_99 : i32 to index
        %swap3A_374 = arith.constant 128 : index
        %swap3A_375 = tpu.vector_load %arg27[%swap3A_373, %swap3A_374] {strides = array<i32>} : memref<16x768xf32, #tpu.memory_space<vmem>>, vector<16xf32>,
        tpu.vector_store %arg27[%swap3A_373, %swap3A_374], %add3A_372 {strides = array<i32>} : memref<16x768xf32, #tpu.memory_space<vmem>>, vector<16xf32>,
        %get3A_376 = arith.index_cast %scan3A_99 : i32 to index
        %get3A_377 = arith.constant 128 : index
        %get3A_378 = tpu.vector_load %arg29[%get3A_376, %get3A_377] {strides = array<i32>} : memref<16x768xf32, #tpu.memory_space<vmem>>, vector<16xf32>,
        %get3A_379 = arith.index_cast %scan3A_99 : i32 to index
        %get3A_380 = arith.constant 128 : index
        %get3A_381 = tpu.vector_load %arg30[%get3A_379, %get3A_380] {strides = array<i32>} : memref<16x768xf32, #tpu.memory_space<vmem>>, vector<16xf32>,
        %add3A_382 = arith.addf %get3A_378, %get3A_381 : vector<16xf32>
        %add3A_383 = arith.addf %add3A_382, %get3A_357 : vector<16xf32>
        %swap3A_384 = arith.index_cast %scan3A_99 : i32 to index
        %swap3A_385 = arith.constant 128 : index
        %swap3A_386 = tpu.vector_load %arg29[%swap3A_384, %swap3A_385] {strides = array<i32>} : memref<16x768xf32, #tpu.memory_space<vmem>>, vector<16xf32>,
        tpu.vector_store %arg29[%swap3A_384, %swap3A_385], %add3A_383 {strides = array<i32>} : memref<16x768xf32, #tpu.memory_space<vmem>>, vector<16xf32>,
        %get3A_387 = arith.index_cast %scan3A_99 : i32 to index
        %get3A_388 = arith.constant 144 : index
        %get3A_389 = tpu.vector_load %arg26[%get3A_387, %get3A_388] {strides = array<i32>} : memref<16x768xf32, #tpu.memory_space<vmem>>, vector<16xf32>,
        %get3A_390 = arith.index_cast %scan3A_99 : i32 to index
        %get3A_391 = arith.constant 144 : index
        %get3A_392 = tpu.vector_load %arg25[%get3A_390, %get3A_391] {strides = array<i32>} : memref<16x768xf32, #tpu.memory_space<vmem>>, vector<16xf32>,
        %add3A_393 = arith.addf %get3A_392, %get3A_389 : vector<16xf32>
        %swap3A_394 = arith.index_cast %scan3A_99 : i32 to index
        %swap3A_395 = arith.constant 144 : index
        %swap3A_396 = tpu.vector_load %arg25[%swap3A_394, %swap3A_395] {strides = array<i32>} : memref<16x768xf32, #tpu.memory_space<vmem>>, vector<16xf32>,
        tpu.vector_store %arg25[%swap3A_394, %swap3A_395], %add3A_393 {strides = array<i32>} : memref<16x768xf32, #tpu.memory_space<vmem>>, vector<16xf32>,
        %get3A_397 = arith.index_cast %scan3A_99 : i32 to index
        %get3A_398 = arith.constant 144 : index
        %get3A_399 = tpu.vector_load %arg27[%get3A_397, %get3A_398] {strides = array<i32>} : memref<16x768xf32, #tpu.memory_space<vmem>>, vector<16xf32>,
        %get3A_400 = arith.index_cast %scan3A_99 : i32 to index
        %get3A_401 = arith.constant 144 : index
        %get3A_402 = tpu.vector_load %arg28[%get3A_400, %get3A_401] {strides = array<i32>} : memref<16x768xf32, #tpu.memory_space<vmem>>, vector<16xf32>,
        %add3A_403 = arith.addf %get3A_399, %get3A_402 : vector<16xf32>
        %add3A_404 = arith.addf %add3A_403, %get3A_389 : vector<16xf32>
        %swap3A_405 = arith.index_cast %scan3A_99 : i32 to index
        %swap3A_406 = arith.constant 144 : index
        %swap3A_407 = tpu.vector_load %arg27[%swap3A_405, %swap3A_406] {strides = array<i32>} : memref<16x768xf32, #tpu.memory_space<vmem>>, vector<16xf32>,
        tpu.vector_store %arg27[%swap3A_405, %swap3A_406], %add3A_404 {strides = array<i32>} : memref<16x768xf32, #tpu.memory_space<vmem>>, vector<16xf32>,
        %get3A_408 = arith.index_cast %scan3A_99 : i32 to index
        %get3A_409 = arith.constant 144 : index
        %get3A_410 = tpu.vector_load %arg29[%get3A_408, %get3A_409] {strides = array<i32>} : memref<16x768xf32, #tpu.memory_space<vmem>>, vector<16xf32>,
        %get3A_411 = arith.index_cast %scan3A_99 : i32 to index
        %get3A_412 = arith.constant 144 : index
        %get3A_413 = tpu.vector_load %arg30[%get3A_411, %get3A_412] {strides = array<i32>} : memref<16x768xf32, #tpu.memory_space<vmem>>, vector<16xf32>,
        %add3A_414 = arith.addf %get3A_410, %get3A_413 : vector<16xf32>
        %add3A_415 = arith.addf %add3A_414, %get3A_389 : vector<16xf32>
        %swap3A_416 = arith.index_cast %scan3A_99 : i32 to index
        %swap3A_417 = arith.constant 144 : index
        %swap3A_418 = tpu.vector_load %arg29[%swap3A_416, %swap3A_417] {strides = array<i32>} : memref<16x768xf32, #tpu.memory_space<vmem>>, vector<16xf32>,
        tpu.vector_store %arg29[%swap3A_416, %swap3A_417], %add3A_415 {strides = array<i32>} : memref<16x768xf32, #tpu.memory_space<vmem>>, vector<16xf32>,
        %get3A_419 = arith.index_cast %scan3A_99 : i32 to index
        %get3A_420 = arith.constant 160 : index
        %get3A_421 = tpu.vector_load %arg26[%get3A_419, %get3A_420] {strides = array<i32>} : memref<16x768xf32, #tpu.memory_space<vmem>>, vector<16xf32>,
        %get3A_422 = arith.index_cast %scan3A_99 : i32 to index
        %get3A_423 = arith.constant 160 : index
        %get3A_424 = tpu.vector_load %arg25[%get3A_422, %get3A_423] {strides = array<i32>} : memref<16x768xf32, #tpu.memory_space<vmem>>, vector<16xf32>,
        %add3A_425 = arith.addf %get3A_424, %get3A_421 : vector<16xf32>
        %swap3A_426 = arith.index_cast %scan3A_99 : i32 to index
        %swap3A_427 = arith.constant 160 : index
        %swap3A_428 = tpu.vector_load %arg25[%swap3A_426, %swap3A_427] {strides = array<i32>} : memref<16x768xf32, #tpu.memory_space<vmem>>, vector<16xf32>,
        tpu.vector_store %arg25[%swap3A_426, %swap3A_427], %add3A_425 {strides = array<i32>} : memref<16x768xf32, #tpu.memory_space<vmem>>, vector<16xf32>,
        %get3A_429 = arith.index_cast %scan3A_99 : i32 to index
        %get3A_430 = arith.constant 160 : index
        %get3A_431 = tpu.vector_load %arg27[%get3A_429, %get3A_430] {strides = array<i32>} : memref<16x768xf32, #tpu.memory_space<vmem>>, vector<16xf32>,
        %get3A_432 = arith.index_cast %scan3A_99 : i32 to index
        %get3A_433 = arith.constant 160 : index
        %get3A_434 = tpu.vector_load %arg28[%get3A_432, %get3A_433] {strides = array<i32>} : memref<16x768xf32, #tpu.memory_space<vmem>>, vector<16xf32>,
        %add3A_435 = arith.addf %get3A_431, %get3A_434 : vector<16xf32>
        %add3A_436 = arith.addf %add3A_435, %get3A_421 : vector<16xf32>
        %swap3A_437 = arith.index_cast %scan3A_99 : i32 to index
        %swap3A_438 = arith.constant 160 : index
        %swap3A_439 = tpu.vector_load %arg27[%swap3A_437, %swap3A_438] {strides = array<i32>} : memref<16x768xf32, #tpu.memory_space<vmem>>, vector<16xf32>,
        tpu.vector_store %arg27[%swap3A_437, %swap3A_438], %add3A_436 {strides = array<i32>} : memref<16x768xf32, #tpu.memory_space<vmem>>, vector<16xf32>,
        %get3A_440 = arith.index_cast %scan3A_99 : i32 to index
        %get3A_441 = arith.constant 160 : index
        %get3A_442 = tpu.vector_load %arg29[%get3A_440, %get3A_441] {strides = array<i32>} : memref<16x768xf32, #tpu.memory_space<vmem>>, vector<16xf32>,
        %get3A_443 = arith.index_cast %scan3A_99 : i32 to index
        %get3A_444 = arith.constant 160 : index
        %get3A_445 = tpu.vector_load %arg30[%get3A_443, %get3A_444] {strides = array<i32>} : memref<16x768xf32, #tpu.memory_space<vmem>>, vector<16xf32>,
        %add3A_446 = arith.addf %get3A_442, %get3A_445 : vector<16xf32>
        %add3A_447 = arith.addf %add3A_446, %get3A_421 : vector<16xf32>
        %swap3A_448 = arith.index_cast %scan3A_99 : i32 to index
        %swap3A_449 = arith.constant 160 : index
        %swap3A_450 = tpu.vector_load %arg29[%swap3A_448, %swap3A_449] {strides = array<i32>} : memref<16x768xf32, #tpu.memory_space<vmem>>, vector<16xf32>,
        tpu.vector_store %arg29[%swap3A_448, %swap3A_449], %add3A_447 {strides = array<i32>} : memref<16x768xf32, #tpu.memory_space<vmem>>, vector<16xf32>,
        %get3A_451 = arith.index_cast %scan3A_99 : i32 to index
        %get3A_452 = arith.constant 176 : index
        %get3A_453 = tpu.vector_load %arg26[%get3A_451, %get3A_452] {strides = array<i32>} : memref<16x768xf32, #tpu.memory_space<vmem>>, vector<16xf32>,
        %get3A_454 = arith.index_cast %scan3A_99 : i32 to index
        %get3A_455 = arith.constant 176 : index
        %get3A_456 = tpu.vector_load %arg25[%get3A_454, %get3A_455] {strides = array<i32>} : memref<16x768xf32, #tpu.memory_space<vmem>>, vector<16xf32>,
        %add3A_457 = arith.addf %get3A_456, %get3A_453 : vector<16xf32>
        %swap3A_458 = arith.index_cast %scan3A_99 : i32 to index
        %swap3A_459 = arith.constant 176 : index
        %swap3A_460 = tpu.vector_load %arg25[%swap3A_458, %swap3A_459] {strides = array<i32>} : memref<16x768xf32, #tpu.memory_space<vmem>>, vector<16xf32>,
        tpu.vector_store %arg25[%swap3A_458, %swap3A_459], %add3A_457 {strides = array<i32>} : memref<16x768xf32, #tpu.memory_space<vmem>>, vector<16xf32>,
        %get3A_461 = arith.index_cast %scan3A_99 : i32 to index
        %get3A_462 = arith.constant 176 : index
        %get3A_463 = tpu.vector_load %arg27[%get3A_461, %get3A_462] {strides = array<i32>} : memref<16x768xf32, #tpu.memory_space<vmem>>, vector<16xf32>,
        %get3A_464 = arith.index_cast %scan3A_99 : i32 to index
        %get3A_465 = arith.constant 176 : index
        %get3A_466 = tpu.vector_load %arg28[%get3A_464, %get3A_465] {strides = array<i32>} : memref<16x768xf32, #tpu.memory_space<vmem>>, vector<16xf32>,
        %add3A_467 = arith.addf %get3A_463, %get3A_466 : vector<16xf32>
        %add3A_468 = arith.addf %add3A_467, %get3A_453 : vector<16xf32>
        %swap3A_469 = arith.index_cast %scan3A_99 : i32 to index
        %swap3A_470 = arith.constant 176 : index
        %swap3A_471 = tpu.vector_load %arg27[%swap3A_469, %swap3A_470] {strides = array<i32>} : memref<16x768xf32, #tpu.memory_space<vmem>>, vector<16xf32>,
        tpu.vector_store %arg27[%swap3A_469, %swap3A_470], %add3A_468 {strides = array<i32>} : memref<16x768xf32, #tpu.memory_space<vmem>>, vector<16xf32>,
        %get3A_472 = arith.index_cast %scan3A_99 : i32 to index
        %get3A_473 = arith.constant 176 : index
        %get3A_474 = tpu.vector_load %arg29[%get3A_472, %get3A_473] {strides = array<i32>} : memref<16x768xf32, #tpu.memory_space<vmem>>, vector<16xf32>,
        %get3A_475 = arith.index_cast %scan3A_99 : i32 to index
        %get3A_476 = arith.constant 176 : index
        %get3A_477 = tpu.vector_load %arg30[%get3A_475, %get3A_476] {strides = array<i32>} : memref<16x768xf32, #tpu.memory_space<vmem>>, vector<16xf32>,
        %add3A_478 = arith.addf %get3A_474, %get3A_477 : vector<16xf32>
        %add3A_479 = arith.addf %add3A_478, %get3A_453 : vector<16xf32>
        %swap3A_480 = arith.index_cast %scan3A_99 : i32 to index
        %swap3A_481 = arith.constant 176 : index
        %swap3A_482 = tpu.vector_load %arg29[%swap3A_480, %swap3A_481] {strides = array<i32>} : memref<16x768xf32, #tpu.memory_space<vmem>>, vector<16xf32>,
        tpu.vector_store %arg29[%swap3A_480, %swap3A_481], %add3A_479 {strides = array<i32>} : memref<16x768xf32, #tpu.memory_space<vmem>>, vector<16xf32>,
        %get3A_483 = arith.index_cast %scan3A_99 : i32 to index
        %get3A_484 = arith.constant 192 : index
        %get3A_485 = tpu.vector_load %arg26[%get3A_483, %get3A_484] {strides = array<i32>} : memref<16x768xf32, #tpu.memory_space<vmem>>, vector<16xf32>,
        %get3A_486 = arith.index_cast %scan3A_99 : i32 to index
        %get3A_487 = arith.constant 192 : index
        %get3A_488 = tpu.vector_load %arg25[%get3A_486, %get3A_487] {strides = array<i32>} : memref<16x768xf32, #tpu.memory_space<vmem>>, vector<16xf32>,
        %add3A_489 = arith.addf %get3A_488, %get3A_485 : vector<16xf32>
        %swap3A_490 = arith.index_cast %scan3A_99 : i32 to index
        %swap3A_491 = arith.constant 192 : index
        %swap3A_492 = tpu.vector_load %arg25[%swap3A_490, %swap3A_491] {strides = array<i32>} : memref<16x768xf32, #tpu.memory_space<vmem>>, vector<16xf32>,
        tpu.vector_store %arg25[%swap3A_490, %swap3A_491], %add3A_489 {strides = array<i32>} : memref<16x768xf32, #tpu.memory_space<vmem>>, vector<16xf32>,
        %get3A_493 = arith.index_cast %scan3A_99 : i32 to index
        %get3A_494 = arith.constant 192 : index
        %get3A_495 = tpu.vector_load %arg27[%get3A_493, %get3A_494] {strides = array<i32>} : memref<16x768xf32, #tpu.memory_space<vmem>>, vector<16xf32>,
        %get3A_496 = arith.index_cast %scan3A_99 : i32 to index
        %get3A_497 = arith.constant 192 : index
        %get3A_498 = tpu.vector_load %arg28[%get3A_496, %get3A_497] {strides = array<i32>} : memref<16x768xf32, #tpu.memory_space<vmem>>, vector<16xf32>,
        %add3A_499 = arith.addf %get3A_495, %get3A_498 : vector<16xf32>
        %add3A_500 = arith.addf %add3A_499, %get3A_485 : vector<16xf32>
        %swap3A_501 = arith.index_cast %scan3A_99 : i32 to index
        %swap3A_502 = arith.constant 192 : index
        %swap3A_503 = tpu.vector_load %arg27[%swap3A_501, %swap3A_502] {strides = array<i32>} : memref<16x768xf32, #tpu.memory_space<vmem>>, vector<16xf32>,
        tpu.vector_store %arg27[%swap3A_501, %swap3A_502], %add3A_500 {strides = array<i32>} : memref<16x768xf32, #tpu.memory_space<vmem>>, vector<16xf32>,
        %get3A_504 = arith.index_cast %scan3A_99 : i32 to index
        %get3A_505 = arith.constant 192 : index
        %get3A_506 = tpu.vector_load %arg29[%get3A_504, %get3A_505] {strides = array<i32>} : memref<16x768xf32, #tpu.memory_space<vmem>>, vector<16xf32>,
        %get3A_507 = arith.index_cast %scan3A_99 : i32 to index
        %get3A_508 = arith.constant 192 : index
        %get3A_509 = tpu.vector_load %arg30[%get3A_507, %get3A_508] {strides = array<i32>} : memref<16x768xf32, #tpu.memory_space<vmem>>, vector<16xf32>,
        %add3A_510 = arith.addf %get3A_506, %get3A_509 : vector<16xf32>
        %add3A_511 = arith.addf %add3A_510, %get3A_485 : vector<16xf32>
        %swap3A_512 = arith.index_cast %scan3A_99 : i32 to index
        %swap3A_513 = arith.constant 192 : index
        %swap3A_514 = tpu.vector_load %arg29[%swap3A_512, %swap3A_513] {strides = array<i32>} : memref<16x768xf32, #tpu.memory_space<vmem>>, vector<16xf32>,
        tpu.vector_store %arg29[%swap3A_512, %swap3A_513], %add3A_511 {strides = array<i32>} : memref<16x768xf32, #tpu.memory_space<vmem>>, vector<16xf32>,
        %get3A_515 = arith.index_cast %scan3A_99 : i32 to index
        %get3A_516 = arith.constant 208 : index
        %get3A_517 = tpu.vector_load %arg26[%get3A_515, %get3A_516] {strides = array<i32>} : memref<16x768xf32, #tpu.memory_space<vmem>>, vector<16xf32>,
        %get3A_518 = arith.index_cast %scan3A_99 : i32 to index
        %get3A_519 = arith.constant 208 : index
        %get3A_520 = tpu.vector_load %arg25[%get3A_518, %get3A_519] {strides = array<i32>} : memref<16x768xf32, #tpu.memory_space<vmem>>, vector<16xf32>,
        %add3A_521 = arith.addf %get3A_520, %get3A_517 : vector<16xf32>
        %swap3A_522 = arith.index_cast %scan3A_99 : i32 to index
        %swap3A_523 = arith.constant 208 : index
        %swap3A_524 = tpu.vector_load %arg25[%swap3A_522, %swap3A_523] {strides = array<i32>} : memref<16x768xf32, #tpu.memory_space<vmem>>, vector<16xf32>,
        tpu.vector_store %arg25[%swap3A_522, %swap3A_523], %add3A_521 {strides = array<i32>} : memref<16x768xf32, #tpu.memory_space<vmem>>, vector<16xf32>,
        %get3A_525 = arith.index_cast %scan3A_99 : i32 to index
        %get3A_526 = arith.constant 208 : index
        %get3A_527 = tpu.vector_load %arg27[%get3A_525, %get3A_526] {strides = array<i32>} : memref<16x768xf32, #tpu.memory_space<vmem>>, vector<16xf32>,
        %get3A_528 = arith.index_cast %scan3A_99 : i32 to index
        %get3A_529 = arith.constant 208 : index
        %get3A_530 = tpu.vector_load %arg28[%get3A_528, %get3A_529] {strides = array<i32>} : memref<16x768xf32, #tpu.memory_space<vmem>>, vector<16xf32>,
        %add3A_531 = arith.addf %get3A_527, %get3A_530 : vector<16xf32>
        %add3A_532 = arith.addf %add3A_531, %get3A_517 : vector<16xf32>
        %swap3A_533 = arith.index_cast %scan3A_99 : i32 to index
        %swap3A_534 = arith.constant 208 : index
        %swap3A_535 = tpu.vector_load %arg27[%swap3A_533, %swap3A_534] {strides = array<i32>} : memref<16x768xf32, #tpu.memory_space<vmem>>, vector<16xf32>,
        tpu.vector_store %arg27[%swap3A_533, %swap3A_534], %add3A_532 {strides = array<i32>} : memref<16x768xf32, #tpu.memory_space<vmem>>, vector<16xf32>,
        %get3A_536 = arith.index_cast %scan3A_99 : i32 to index
        %get3A_537 = arith.constant 208 : index
        %get3A_538 = tpu.vector_load %arg29[%get3A_536, %get3A_537] {strides = array<i32>} : memref<16x768xf32, #tpu.memory_space<vmem>>, vector<16xf32>,
        %get3A_539 = arith.index_cast %scan3A_99 : i32 to index
        %get3A_540 = arith.constant 208 : index
        %get3A_541 = tpu.vector_load %arg30[%get3A_539, %get3A_540] {strides = array<i32>} : memref<16x768xf32, #tpu.memory_space<vmem>>, vector<16xf32>,
        %add3A_542 = arith.addf %get3A_538, %get3A_541 : vector<16xf32>
        %add3A_543 = arith.addf %add3A_542, %get3A_517 : vector<16xf32>
        %swap3A_544 = arith.index_cast %scan3A_99 : i32 to index
        %swap3A_545 = arith.constant 208 : index
        %swap3A_546 = tpu.vector_load %arg29[%swap3A_544, %swap3A_545] {strides = array<i32>} : memref<16x768xf32, #tpu.memory_space<vmem>>, vector<16xf32>,
        tpu.vector_store %arg29[%swap3A_544, %swap3A_545], %add3A_543 {strides = array<i32>} : memref<16x768xf32, #tpu.memory_space<vmem>>, vector<16xf32>,
        %get3A_547 = arith.index_cast %scan3A_99 : i32 to index
        %get3A_548 = arith.constant 224 : index
        %get3A_549 = tpu.vector_load %arg26[%get3A_547, %get3A_548] {strides = array<i32>} : memref<16x768xf32, #tpu.memory_space<vmem>>, vector<16xf32>,
        %get3A_550 = arith.index_cast %scan3A_99 : i32 to index
        %get3A_551 = arith.constant 224 : index
        %get3A_552 = tpu.vector_load %arg25[%get3A_550, %get3A_551] {strides = array<i32>} : memref<16x768xf32, #tpu.memory_space<vmem>>, vector<16xf32>,
        %add3A_553 = arith.addf %get3A_552, %get3A_549 : vector<16xf32>
        %swap3A_554 = arith.index_cast %scan3A_99 : i32 to index
        %swap3A_555 = arith.constant 224 : index
        %swap3A_556 = tpu.vector_load %arg25[%swap3A_554, %swap3A_555] {strides = array<i32>} : memref<16x768xf32, #tpu.memory_space<vmem>>, vector<16xf32>,
        tpu.vector_store %arg25[%swap3A_554, %swap3A_555], %add3A_553 {strides = array<i32>} : memref<16x768xf32, #tpu.memory_space<vmem>>, vector<16xf32>,
        %get3A_557 = arith.index_cast %scan3A_99 : i32 to index
        %get3A_558 = arith.constant 224 : index
        %get3A_559 = tpu.vector_load %arg27[%get3A_557, %get3A_558] {strides = array<i32>} : memref<16x768xf32, #tpu.memory_space<vmem>>, vector<16xf32>,
        %get3A_560 = arith.index_cast %scan3A_99 : i32 to index
        %get3A_561 = arith.constant 224 : index
        %get3A_562 = tpu.vector_load %arg28[%get3A_560, %get3A_561] {strides = array<i32>} : memref<16x768xf32, #tpu.memory_space<vmem>>, vector<16xf32>,
        %add3A_563 = arith.addf %get3A_559, %get3A_562 : vector<16xf32>
        %add3A_564 = arith.addf %add3A_563, %get3A_549 : vector<16xf32>
        %swap3A_565 = arith.index_cast %scan3A_99 : i32 to index
        %swap3A_566 = arith.constant 224 : index
        %swap3A_567 = tpu.vector_load %arg27[%swap3A_565, %swap3A_566] {strides = array<i32>} : memref<16x768xf32, #tpu.memory_space<vmem>>, vector<16xf32>,
        tpu.vector_store %arg27[%swap3A_565, %swap3A_566], %add3A_564 {strides = array<i32>} : memref<16x768xf32, #tpu.memory_space<vmem>>, vector<16xf32>,
        %get3A_568 = arith.index_cast %scan3A_99 : i32 to index
        %get3A_569 = arith.constant 224 : index
        %get3A_570 = tpu.vector_load %arg29[%get3A_568, %get3A_569] {strides = array<i32>} : memref<16x768xf32, #tpu.memory_space<vmem>>, vector<16xf32>,
        %get3A_571 = arith.index_cast %scan3A_99 : i32 to index
        %get3A_572 = arith.constant 224 : index
        %get3A_573 = tpu.vector_load %arg30[%get3A_571, %get3A_572] {strides = array<i32>} : memref<16x768xf32, #tpu.memory_space<vmem>>, vector<16xf32>,
        %add3A_574 = arith.addf %get3A_570, %get3A_573 : vector<16xf32>
        %add3A_575 = arith.addf %add3A_574, %get3A_549 : vector<16xf32>
        %swap3A_576 = arith.index_cast %scan3A_99 : i32 to index
        %swap3A_577 = arith.constant 224 : index
        %swap3A_578 = tpu.vector_load %arg29[%swap3A_576, %swap3A_577] {strides = array<i32>} : memref<16x768xf32, #tpu.memory_space<vmem>>, vector<16xf32>,
        tpu.vector_store %arg29[%swap3A_576, %swap3A_577], %add3A_575 {strides = array<i32>} : memref<16x768xf32, #tpu.memory_space<vmem>>, vector<16xf32>,
        %get3A_579 = arith.index_cast %scan3A_99 : i32 to index
        %get3A_580 = arith.constant 240 : index
        %get3A_581 = tpu.vector_load %arg26[%get3A_579, %get3A_580] {strides = array<i32>} : memref<16x768xf32, #tpu.memory_space<vmem>>, vector<16xf32>,
        %get3A_582 = arith.index_cast %scan3A_99 : i32 to index
        %get3A_583 = arith.constant 240 : index
        %get3A_584 = tpu.vector_load %arg25[%get3A_582, %get3A_583] {strides = array<i32>} : memref<16x768xf32, #tpu.memory_space<vmem>>, vector<16xf32>,
        %add3A_585 = arith.addf %get3A_584, %get3A_581 : vector<16xf32>
        %swap3A_586 = arith.index_cast %scan3A_99 : i32 to index
        %swap3A_587 = arith.constant 240 : index
        %swap3A_588 = tpu.vector_load %arg25[%swap3A_586, %swap3A_587] {strides = array<i32>} : memref<16x768xf32, #tpu.memory_space<vmem>>, vector<16xf32>,
        tpu.vector_store %arg25[%swap3A_586, %swap3A_587], %add3A_585 {strides = array<i32>} : memref<16x768xf32, #tpu.memory_space<vmem>>, vector<16xf32>,
        %get3A_589 = arith.index_cast %scan3A_99 : i32 to index
        %get3A_590 = arith.constant 240 : index
        %get3A_591 = tpu.vector_load %arg27[%get3A_589, %get3A_590] {strides = array<i32>} : memref<16x768xf32, #tpu.memory_space<vmem>>, vector<16xf32>,
        %get3A_592 = arith.index_cast %scan3A_99 : i32 to index
        %get3A_593 = arith.constant 240 : index
        %get3A_594 = tpu.vector_load %arg28[%get3A_592, %get3A_593] {strides = array<i32>} : memref<16x768xf32, #tpu.memory_space<vmem>>, vector<16xf32>,
        %add3A_595 = arith.addf %get3A_591, %get3A_594 : vector<16xf32>
        %add3A_596 = arith.addf %add3A_595, %get3A_581 : vector<16xf32>
        %swap3A_597 = arith.index_cast %scan3A_99 : i32 to index
        %swap3A_598 = arith.constant 240 : index
        %swap3A_599 = tpu.vector_load %arg27[%swap3A_597, %swap3A_598] {strides = array<i32>} : memref<16x768xf32, #tpu.memory_space<vmem>>, vector<16xf32>,
        tpu.vector_store %arg27[%swap3A_597, %swap3A_598], %add3A_596 {strides = array<i32>} : memref<16x768xf32, #tpu.memory_space<vmem>>, vector<16xf32>,
        %get3A_600 = arith.index_cast %scan3A_99 : i32 to index
        %get3A_601 = arith.constant 240 : index
        %get3A_602 = tpu.vector_load %arg29[%get3A_600, %get3A_601] {strides = array<i32>} : memref<16x768xf32, #tpu.memory_space<vmem>>, vector<16xf32>,
        %get3A_603 = arith.index_cast %scan3A_99 : i32 to index
        %get3A_604 = arith.constant 240 : index
        %get3A_605 = tpu.vector_load %arg30[%get3A_603, %get3A_604] {strides = array<i32>} : memref<16x768xf32, #tpu.memory_space<vmem>>, vector<16xf32>,
        %add3A_606 = arith.addf %get3A_602, %get3A_605 : vector<16xf32>
        %add3A_607 = arith.addf %add3A_606, %get3A_581 : vector<16xf32>
        %swap3A_608 = arith.index_cast %scan3A_99 : i32 to index
        %swap3A_609 = arith.constant 240 : index
        %swap3A_610 = tpu.vector_load %arg29[%swap3A_608, %swap3A_609] {strides = array<i32>} : memref<16x768xf32, #tpu.memory_space<vmem>>, vector<16xf32>,
        tpu.vector_store %arg29[%swap3A_608, %swap3A_609], %add3A_607 {strides = array<i32>} : memref<16x768xf32, #tpu.memory_space<vmem>>, vector<16xf32>,
        %get3A_611 = arith.index_cast %scan3A_99 : i32 to index
        %get3A_612 = arith.constant 256 : index
        %get3A_613 = tpu.vector_load %arg26[%get3A_611, %get3A_612] {strides = array<i32>} : memref<16x768xf32, #tpu.memory_space<vmem>>, vector<16xf32>,
        %get3A_614 = arith.index_cast %scan3A_99 : i32 to index
        %get3A_615 = arith.constant 256 : index
        %get3A_616 = tpu.vector_load %arg25[%get3A_614, %get3A_615] {strides = array<i32>} : memref<16x768xf32, #tpu.memory_space<vmem>>, vector<16xf32>,
        %add3A_617 = arith.addf %get3A_616, %get3A_613 : vector<16xf32>
        %swap3A_618 = arith.index_cast %scan3A_99 : i32 to index
        %swap3A_619 = arith.constant 256 : index
        %swap3A_620 = tpu.vector_load %arg25[%swap3A_618, %swap3A_619] {strides = array<i32>} : memref<16x768xf32, #tpu.memory_space<vmem>>, vector<16xf32>,
        tpu.vector_store %arg25[%swap3A_618, %swap3A_619], %add3A_617 {strides = array<i32>} : memref<16x768xf32, #tpu.memory_space<vmem>>, vector<16xf32>,
        %get3A_621 = arith.index_cast %scan3A_99 : i32 to index
        %get3A_622 = arith.constant 256 : index
        %get3A_623 = tpu.vector_load %arg27[%get3A_621, %get3A_622] {strides = array<i32>} : memref<16x768xf32, #tpu.memory_space<vmem>>, vector<16xf32>,
        %get3A_624 = arith.index_cast %scan3A_99 : i32 to index
        %get3A_625 = arith.constant 256 : index
        %get3A_626 = tpu.vector_load %arg28[%get3A_624, %get3A_625] {strides = array<i32>} : memref<16x768xf32, #tpu.memory_space<vmem>>, vector<16xf32>,
        %add3A_627 = arith.addf %get3A_623, %get3A_626 : vector<16xf32>
        %add3A_628 = arith.addf %add3A_627, %get3A_613 : vector<16xf32>
        %swap3A_629 = arith.index_cast %scan3A_99 : i32 to index
        %swap3A_630 = arith.constant 256 : index
        %swap3A_631 = tpu.vector_load %arg27[%swap3A_629, %swap3A_630] {strides = array<i32>} : memref<16x768xf32, #tpu.memory_space<vmem>>, vector<16xf32>,
        tpu.vector_store %arg27[%swap3A_629, %swap3A_630], %add3A_628 {strides = array<i32>} : memref<16x768xf32, #tpu.memory_space<vmem>>, vector<16xf32>,
        %get3A_632 = arith.index_cast %scan3A_99 : i32 to index
        %get3A_633 = arith.constant 256 : index
        %get3A_634 = tpu.vector_load %arg29[%get3A_632, %get3A_633] {strides = array<i32>} : memref<16x768xf32, #tpu.memory_space<vmem>>, vector<16xf32>,
        %get3A_635 = arith.index_cast %scan3A_99 : i32 to index
        %get3A_636 = arith.constant 256 : index
        %get3A_637 = tpu.vector_load %arg30[%get3A_635, %get3A_636] {strides = array<i32>} : memref<16x768xf32, #tpu.memory_space<vmem>>, vector<16xf32>,
        %add3A_638 = arith.addf %get3A_634, %get3A_637 : vector<16xf32>
        %add3A_639 = arith.addf %add3A_638, %get3A_613 : vector<16xf32>
        %swap3A_640 = arith.index_cast %scan3A_99 : i32 to index
        %swap3A_641 = arith.constant 256 : index
        %swap3A_642 = tpu.vector_load %arg29[%swap3A_640, %swap3A_641] {strides = array<i32>} : memref<16x768xf32, #tpu.memory_space<vmem>>, vector<16xf32>,
        tpu.vector_store %arg29[%swap3A_640, %swap3A_641], %add3A_639 {strides = array<i32>} : memref<16x768xf32, #tpu.memory_space<vmem>>, vector<16xf32>,
        %get3A_643 = arith.index_cast %scan3A_99 : i32 to index
        %get3A_644 = arith.constant 272 : index
        %get3A_645 = tpu.vector_load %arg26[%get3A_643, %get3A_644] {strides = array<i32>} : memref<16x768xf32, #tpu.memory_space<vmem>>, vector<16xf32>,
        %get3A_646 = arith.index_cast %scan3A_99 : i32 to index
        %get3A_647 = arith.constant 272 : index
        %get3A_648 = tpu.vector_load %arg25[%get3A_646, %get3A_647] {strides = array<i32>} : memref<16x768xf32, #tpu.memory_space<vmem>>, vector<16xf32>,
        %add3A_649 = arith.addf %get3A_648, %get3A_645 : vector<16xf32>
        %swap3A_650 = arith.index_cast %scan3A_99 : i32 to index
        %swap3A_651 = arith.constant 272 : index
        %swap3A_652 = tpu.vector_load %arg25[%swap3A_650, %swap3A_651] {strides = array<i32>} : memref<16x768xf32, #tpu.memory_space<vmem>>, vector<16xf32>,
        tpu.vector_store %arg25[%swap3A_650, %swap3A_651], %add3A_649 {strides = array<i32>} : memref<16x768xf32, #tpu.memory_space<vmem>>, vector<16xf32>,
        %get3A_653 = arith.index_cast %scan3A_99 : i32 to index
        %get3A_654 = arith.constant 272 : index
        %get3A_655 = tpu.vector_load %arg27[%get3A_653, %get3A_654] {strides = array<i32>} : memref<16x768xf32, #tpu.memory_space<vmem>>, vector<16xf32>,
        %get3A_656 = arith.index_cast %scan3A_99 : i32 to index
        %get3A_657 = arith.constant 272 : index
        %get3A_658 = tpu.vector_load %arg28[%get3A_656, %get3A_657] {strides = array<i32>} : memref<16x768xf32, #tpu.memory_space<vmem>>, vector<16xf32>,
        %add3A_659 = arith.addf %get3A_655, %get3A_658 : vector<16xf32>
        %add3A_660 = arith.addf %add3A_659, %get3A_645 : vector<16xf32>
        %swap3A_661 = arith.index_cast %scan3A_99 : i32 to index
        %swap3A_662 = arith.constant 272 : index
        %swap3A_663 = tpu.vector_load %arg27[%swap3A_661, %swap3A_662] {strides = array<i32>} : memref<16x768xf32, #tpu.memory_space<vmem>>, vector<16xf32>,
        tpu.vector_store %arg27[%swap3A_661, %swap3A_662], %add3A_660 {strides = array<i32>} : memref<16x768xf32, #tpu.memory_space<vmem>>, vector<16xf32>,
        %get3A_664 = arith.index_cast %scan3A_99 : i32 to index
        %get3A_665 = arith.constant 272 : index
        %get3A_666 = tpu.vector_load %arg29[%get3A_664, %get3A_665] {strides = array<i32>} : memref<16x768xf32, #tpu.memory_space<vmem>>, vector<16xf32>,
        %get3A_667 = arith.index_cast %scan3A_99 : i32 to index
        %get3A_668 = arith.constant 272 : index
        %get3A_669 = tpu.vector_load %arg30[%get3A_667, %get3A_668] {strides = array<i32>} : memref<16x768xf32, #tpu.memory_space<vmem>>, vector<16xf32>,
        %add3A_670 = arith.addf %get3A_666, %get3A_669 : vector<16xf32>
        %add3A_671 = arith.addf %add3A_670, %get3A_645 : vector<16xf32>
        %swap3A_672 = arith.index_cast %scan3A_99 : i32 to index
        %swap3A_673 = arith.constant 272 : index
        %swap3A_674 = tpu.vector_load %arg29[%swap3A_672, %swap3A_673] {strides = array<i32>} : memref<16x768xf32, #tpu.memory_space<vmem>>, vector<16xf32>,
        tpu.vector_store %arg29[%swap3A_672, %swap3A_673], %add3A_671 {strides = array<i32>} : memref<16x768xf32, #tpu.memory_space<vmem>>, vector<16xf32>,
        %get3A_675 = arith.index_cast %scan3A_99 : i32 to index
        %get3A_676 = arith.constant 288 : index
        %get3A_677 = tpu.vector_load %arg26[%get3A_675, %get3A_676] {strides = array<i32>} : memref<16x768xf32, #tpu.memory_space<vmem>>, vector<16xf32>,
        %get3A_678 = arith.index_cast %scan3A_99 : i32 to index
        %get3A_679 = arith.constant 288 : index
        %get3A_680 = tpu.vector_load %arg25[%get3A_678, %get3A_679] {strides = array<i32>} : memref<16x768xf32, #tpu.memory_space<vmem>>, vector<16xf32>,
        %add3A_681 = arith.addf %get3A_680, %get3A_677 : vector<16xf32>
        %swap3A_682 = arith.index_cast %scan3A_99 : i32 to index
        %swap3A_683 = arith.constant 288 : index
        %swap3A_684 = tpu.vector_load %arg25[%swap3A_682, %swap3A_683] {strides = array<i32>} : memref<16x768xf32, #tpu.memory_space<vmem>>, vector<16xf32>,
        tpu.vector_store %arg25[%swap3A_682, %swap3A_683], %add3A_681 {strides = array<i32>} : memref<16x768xf32, #tpu.memory_space<vmem>>, vector<16xf32>,
        %get3A_685 = arith.index_cast %scan3A_99 : i32 to index
        %get3A_686 = arith.constant 288 : index
        %get3A_687 = tpu.vector_load %arg27[%get3A_685, %get3A_686] {strides = array<i32>} : memref<16x768xf32, #tpu.memory_space<vmem>>, vector<16xf32>,
        %get3A_688 = arith.index_cast %scan3A_99 : i32 to index
        %get3A_689 = arith.constant 288 : index
        %get3A_690 = tpu.vector_load %arg28[%get3A_688, %get3A_689] {strides = array<i32>} : memref<16x768xf32, #tpu.memory_space<vmem>>, vector<16xf32>,
        %add3A_691 = arith.addf %get3A_687, %get3A_690 : vector<16xf32>
        %add3A_692 = arith.addf %add3A_691, %get3A_677 : vector<16xf32>
        %swap3A_693 = arith.index_cast %scan3A_99 : i32 to index
        %swap3A_694 = arith.constant 288 : index
        %swap3A_695 = tpu.vector_load %arg27[%swap3A_693, %swap3A_694] {strides = array<i32>} : memref<16x768xf32, #tpu.memory_space<vmem>>, vector<16xf32>,
        tpu.vector_store %arg27[%swap3A_693, %swap3A_694], %add3A_692 {strides = array<i32>} : memref<16x768xf32, #tpu.memory_space<vmem>>, vector<16xf32>,
        %get3A_696 = arith.index_cast %scan3A_99 : i32 to index
        %get3A_697 = arith.constant 288 : index
        %get3A_698 = tpu.vector_load %arg29[%get3A_696, %get3A_697] {strides = array<i32>} : memref<16x768xf32, #tpu.memory_space<vmem>>, vector<16xf32>,
        %get3A_699 = arith.index_cast %scan3A_99 : i32 to index
        %get3A_700 = arith.constant 288 : index
        %get3A_701 = tpu.vector_load %arg30[%get3A_699, %get3A_700] {strides = array<i32>} : memref<16x768xf32, #tpu.memory_space<vmem>>, vector<16xf32>,
        %add3A_702 = arith.addf %get3A_698, %get3A_701 : vector<16xf32>
        %add3A_703 = arith.addf %add3A_702, %get3A_677 : vector<16xf32>
        %swap3A_704 = arith.index_cast %scan3A_99 : i32 to index
        %swap3A_705 = arith.constant 288 : index
        %swap3A_706 = tpu.vector_load %arg29[%swap3A_704, %swap3A_705] {strides = array<i32>} : memref<16x768xf32, #tpu.memory_space<vmem>>, vector<16xf32>,
        tpu.vector_store %arg29[%swap3A_704, %swap3A_705], %add3A_703 {strides = array<i32>} : memref<16x768xf32, #tpu.memory_space<vmem>>, vector<16xf32>,
        %get3A_707 = arith.index_cast %scan3A_99 : i32 to index
        %get3A_708 = arith.constant 304 : index
        %get3A_709 = tpu.vector_load %arg26[%get3A_707, %get3A_708] {strides = array<i32>} : memref<16x768xf32, #tpu.memory_space<vmem>>, vector<16xf32>,
        %get3A_710 = arith.index_cast %scan3A_99 : i32 to index
        %get3A_711 = arith.constant 304 : index
        %get3A_712 = tpu.vector_load %arg25[%get3A_710, %get3A_711] {strides = array<i32>} : memref<16x768xf32, #tpu.memory_space<vmem>>, vector<16xf32>,
        %add3A_713 = arith.addf %get3A_712, %get3A_709 : vector<16xf32>
        %swap3A_714 = arith.index_cast %scan3A_99 : i32 to index
        %swap3A_715 = arith.constant 304 : index
        %swap3A_716 = tpu.vector_load %arg25[%swap3A_714, %swap3A_715] {strides = array<i32>} : memref<16x768xf32, #tpu.memory_space<vmem>>, vector<16xf32>,
        tpu.vector_store %arg25[%swap3A_714, %swap3A_715], %add3A_713 {strides = array<i32>} : memref<16x768xf32, #tpu.memory_space<vmem>>, vector<16xf32>,
        %get3A_717 = arith.index_cast %scan3A_99 : i32 to index
        %get3A_718 = arith.constant 304 : index
        %get3A_719 = tpu.vector_load %arg27[%get3A_717, %get3A_718] {strides = array<i32>} : memref<16x768xf32, #tpu.memory_space<vmem>>, vector<16xf32>,
        %get3A_720 = arith.index_cast %scan3A_99 : i32 to index
        %get3A_721 = arith.constant 304 : index
        %get3A_722 = tpu.vector_load %arg28[%get3A_720, %get3A_721] {strides = array<i32>} : memref<16x768xf32, #tpu.memory_space<vmem>>, vector<16xf32>,
        %add3A_723 = arith.addf %get3A_719, %get3A_722 : vector<16xf32>
        %add3A_724 = arith.addf %add3A_723, %get3A_709 : vector<16xf32>
        %swap3A_725 = arith.index_cast %scan3A_99 : i32 to index
        %swap3A_726 = arith.constant 304 : index
        %swap3A_727 = tpu.vector_load %arg27[%swap3A_725, %swap3A_726] {strides = array<i32>} : memref<16x768xf32, #tpu.memory_space<vmem>>, vector<16xf32>,
        tpu.vector_store %arg27[%swap3A_725, %swap3A_726], %add3A_724 {strides = array<i32>} : memref<16x768xf32, #tpu.memory_space<vmem>>, vector<16xf32>,
        %get3A_728 = arith.index_cast %scan3A_99 : i32 to index
        %get3A_729 = arith.constant 304 : index
        %get3A_730 = tpu.vector_load %arg29[%get3A_728, %get3A_729] {strides = array<i32>} : memref<16x768xf32, #tpu.memory_space<vmem>>, vector<16xf32>,
        %get3A_731 = arith.index_cast %scan3A_99 : i32 to index
        %get3A_732 = arith.constant 304 : index
        %get3A_733 = tpu.vector_load %arg30[%get3A_731, %get3A_732] {strides = array<i32>} : memref<16x768xf32, #tpu.memory_space<vmem>>, vector<16xf32>,
        %add3A_734 = arith.addf %get3A_730, %get3A_733 : vector<16xf32>
        %add3A_735 = arith.addf %add3A_734, %get3A_709 : vector<16xf32>
        %swap3A_736 = arith.index_cast %scan3A_99 : i32 to index
        %swap3A_737 = arith.constant 304 : index
        %swap3A_738 = tpu.vector_load %arg29[%swap3A_736, %swap3A_737] {strides = array<i32>} : memref<16x768xf32, #tpu.memory_space<vmem>>, vector<16xf32>,
        tpu.vector_store %arg29[%swap3A_736, %swap3A_737], %add3A_735 {strides = array<i32>} : memref<16x768xf32, #tpu.memory_space<vmem>>, vector<16xf32>,
        %get3A_739 = arith.index_cast %scan3A_99 : i32 to index
        %get3A_740 = arith.constant 320 : index
        %get3A_741 = tpu.vector_load %arg26[%get3A_739, %get3A_740] {strides = array<i32>} : memref<16x768xf32, #tpu.memory_space<vmem>>, vector<16xf32>,
        %get3A_742 = arith.index_cast %scan3A_99 : i32 to index
        %get3A_743 = arith.constant 320 : index
        %get3A_744 = tpu.vector_load %arg25[%get3A_742, %get3A_743] {strides = array<i32>} : memref<16x768xf32, #tpu.memory_space<vmem>>, vector<16xf32>,
        %add3A_745 = arith.addf %get3A_744, %get3A_741 : vector<16xf32>
        %swap3A_746 = arith.index_cast %scan3A_99 : i32 to index
        %swap3A_747 = arith.constant 320 : index
        %swap3A_748 = tpu.vector_load %arg25[%swap3A_746, %swap3A_747] {strides = array<i32>} : memref<16x768xf32, #tpu.memory_space<vmem>>, vector<16xf32>,
        tpu.vector_store %arg25[%swap3A_746, %swap3A_747], %add3A_745 {strides = array<i32>} : memref<16x768xf32, #tpu.memory_space<vmem>>, vector<16xf32>,
        %get3A_749 = arith.index_cast %scan3A_99 : i32 to index
        %get3A_750 = arith.constant 320 : index
        %get3A_751 = tpu.vector_load %arg27[%get3A_749, %get3A_750] {strides = array<i32>} : memref<16x768xf32, #tpu.memory_space<vmem>>, vector<16xf32>,
        %get3A_752 = arith.index_cast %scan3A_99 : i32 to index
        %get3A_753 = arith.constant 320 : index
        %get3A_754 = tpu.vector_load %arg28[%get3A_752, %get3A_753] {strides = array<i32>} : memref<16x768xf32, #tpu.memory_space<vmem>>, vector<16xf32>,
        %add3A_755 = arith.addf %get3A_751, %get3A_754 : vector<16xf32>
        %add3A_756 = arith.addf %add3A_755, %get3A_741 : vector<16xf32>
        %swap3A_757 = arith.index_cast %scan3A_99 : i32 to index
        %swap3A_758 = arith.constant 320 : index
        %swap3A_759 = tpu.vector_load %arg27[%swap3A_757, %swap3A_758] {strides = array<i32>} : memref<16x768xf32, #tpu.memory_space<vmem>>, vector<16xf32>,
        tpu.vector_store %arg27[%swap3A_757, %swap3A_758], %add3A_756 {strides = array<i32>} : memref<16x768xf32, #tpu.memory_space<vmem>>, vector<16xf32>,
        %get3A_760 = arith.index_cast %scan3A_99 : i32 to index
        %get3A_761 = arith.constant 320 : index
        %get3A_762 = tpu.vector_load %arg29[%get3A_760, %get3A_761] {strides = array<i32>} : memref<16x768xf32, #tpu.memory_space<vmem>>, vector<16xf32>,
        %get3A_763 = arith.index_cast %scan3A_99 : i32 to index
        %get3A_764 = arith.constant 320 : index
        %get3A_765 = tpu.vector_load %arg30[%get3A_763, %get3A_764] {strides = array<i32>} : memref<16x768xf32, #tpu.memory_space<vmem>>, vector<16xf32>,
        %add3A_766 = arith.addf %get3A_762, %get3A_765 : vector<16xf32>
        %add3A_767 = arith.addf %add3A_766, %get3A_741 : vector<16xf32>
        %swap3A_768 = arith.index_cast %scan3A_99 : i32 to index
        %swap3A_769 = arith.constant 320 : index
        %swap3A_770 = tpu.vector_load %arg29[%swap3A_768, %swap3A_769] {strides = array<i32>} : memref<16x768xf32, #tpu.memory_space<vmem>>, vector<16xf32>,
        tpu.vector_store %arg29[%swap3A_768, %swap3A_769], %add3A_767 {strides = array<i32>} : memref<16x768xf32, #tpu.memory_space<vmem>>, vector<16xf32>,
        %get3A_771 = arith.index_cast %scan3A_99 : i32 to index
        %get3A_772 = arith.constant 336 : index
        %get3A_773 = tpu.vector_load %arg26[%get3A_771, %get3A_772] {strides = array<i32>} : memref<16x768xf32, #tpu.memory_space<vmem>>, vector<16xf32>,
        %get3A_774 = arith.index_cast %scan3A_99 : i32 to index
        %get3A_775 = arith.constant 336 : index
        %get3A_776 = tpu.vector_load %arg25[%get3A_774, %get3A_775] {strides = array<i32>} : memref<16x768xf32, #tpu.memory_space<vmem>>, vector<16xf32>,
        %add3A_777 = arith.addf %get3A_776, %get3A_773 : vector<16xf32>
        %swap3A_778 = arith.index_cast %scan3A_99 : i32 to index
        %swap3A_779 = arith.constant 336 : index
        %swap3A_780 = tpu.vector_load %arg25[%swap3A_778, %swap3A_779] {strides = array<i32>} : memref<16x768xf32, #tpu.memory_space<vmem>>, vector<16xf32>,
        tpu.vector_store %arg25[%swap3A_778, %swap3A_779], %add3A_777 {strides = array<i32>} : memref<16x768xf32, #tpu.memory_space<vmem>>, vector<16xf32>,
        %get3A_781 = arith.index_cast %scan3A_99 : i32 to index
        %get3A_782 = arith.constant 336 : index
        %get3A_783 = tpu.vector_load %arg27[%get3A_781, %get3A_782] {strides = array<i32>} : memref<16x768xf32, #tpu.memory_space<vmem>>, vector<16xf32>,
        %get3A_784 = arith.index_cast %scan3A_99 : i32 to index
        %get3A_785 = arith.constant 336 : index
        %get3A_786 = tpu.vector_load %arg28[%get3A_784, %get3A_785] {strides = array<i32>} : memref<16x768xf32, #tpu.memory_space<vmem>>, vector<16xf32>,
        %add3A_787 = arith.addf %get3A_783, %get3A_786 : vector<16xf32>
        %add3A_788 = arith.addf %add3A_787, %get3A_773 : vector<16xf32>
        %swap3A_789 = arith.index_cast %scan3A_99 : i32 to index
        %swap3A_790 = arith.constant 336 : index
        %swap3A_791 = tpu.vector_load %arg27[%swap3A_789, %swap3A_790] {strides = array<i32>} : memref<16x768xf32, #tpu.memory_space<vmem>>, vector<16xf32>,
        tpu.vector_store %arg27[%swap3A_789, %swap3A_790], %add3A_788 {strides = array<i32>} : memref<16x768xf32, #tpu.memory_space<vmem>>, vector<16xf32>,
        %get3A_792 = arith.index_cast %scan3A_99 : i32 to index
        %get3A_793 = arith.constant 336 : index
        %get3A_794 = tpu.vector_load %arg29[%get3A_792, %get3A_793] {strides = array<i32>} : memref<16x768xf32, #tpu.memory_space<vmem>>, vector<16xf32>,
        %get3A_795 = arith.index_cast %scan3A_99 : i32 to index
        %get3A_796 = arith.constant 336 : index
        %get3A_797 = tpu.vector_load %arg30[%get3A_795, %get3A_796] {strides = array<i32>} : memref<16x768xf32, #tpu.memory_space<vmem>>, vector<16xf32>,
        %add3A_798 = arith.addf %get3A_794, %get3A_797 : vector<16xf32>
        %add3A_799 = arith.addf %add3A_798, %get3A_773 : vector<16xf32>
        %swap3A_800 = arith.index_cast %scan3A_99 : i32 to index
        %swap3A_801 = arith.constant 336 : index
        %swap3A_802 = tpu.vector_load %arg29[%swap3A_800, %swap3A_801] {strides = array<i32>} : memref<16x768xf32, #tpu.memory_space<vmem>>, vector<16xf32>,
        tpu.vector_store %arg29[%swap3A_800, %swap3A_801], %add3A_799 {strides = array<i32>} : memref<16x768xf32, #tpu.memory_space<vmem>>, vector<16xf32>,
        %get3A_803 = arith.index_cast %scan3A_99 : i32 to index
        %get3A_804 = arith.constant 352 : index
        %get3A_805 = tpu.vector_load %arg26[%get3A_803, %get3A_804] {strides = array<i32>} : memref<16x768xf32, #tpu.memory_space<vmem>>, vector<16xf32>,
        %get3A_806 = arith.index_cast %scan3A_99 : i32 to index
        %get3A_807 = arith.constant 352 : index
        %get3A_808 = tpu.vector_load %arg25[%get3A_806, %get3A_807] {strides = array<i32>} : memref<16x768xf32, #tpu.memory_space<vmem>>, vector<16xf32>,
        %add3A_809 = arith.addf %get3A_808, %get3A_805 : vector<16xf32>
        %swap3A_810 = arith.index_cast %scan3A_99 : i32 to index
        %swap3A_811 = arith.constant 352 : index
        %swap3A_812 = tpu.vector_load %arg25[%swap3A_810, %swap3A_811] {strides = array<i32>} : memref<16x768xf32, #tpu.memory_space<vmem>>, vector<16xf32>,
        tpu.vector_store %arg25[%swap3A_810, %swap3A_811], %add3A_809 {strides = array<i32>} : memref<16x768xf32, #tpu.memory_space<vmem>>, vector<16xf32>,
        %get3A_813 = arith.index_cast %scan3A_99 : i32 to index
        %get3A_814 = arith.constant 352 : index
        %get3A_815 = tpu.vector_load %arg27[%get3A_813, %get3A_814] {strides = array<i32>} : memref<16x768xf32, #tpu.memory_space<vmem>>, vector<16xf32>,
        %get3A_816 = arith.index_cast %scan3A_99 : i32 to index
        %get3A_817 = arith.constant 352 : index
        %get3A_818 = tpu.vector_load %arg28[%get3A_816, %get3A_817] {strides = array<i32>} : memref<16x768xf32, #tpu.memory_space<vmem>>, vector<16xf32>,
        %add3A_819 = arith.addf %get3A_815, %get3A_818 : vector<16xf32>
        %add3A_820 = arith.addf %add3A_819, %get3A_805 : vector<16xf32>
        %swap3A_821 = arith.index_cast %scan3A_99 : i32 to index
        %swap3A_822 = arith.constant 352 : index
        %swap3A_823 = tpu.vector_load %arg27[%swap3A_821, %swap3A_822] {strides = array<i32>} : memref<16x768xf32, #tpu.memory_space<vmem>>, vector<16xf32>,
        tpu.vector_store %arg27[%swap3A_821, %swap3A_822], %add3A_820 {strides = array<i32>} : memref<16x768xf32, #tpu.memory_space<vmem>>, vector<16xf32>,
        %get3A_824 = arith.index_cast %scan3A_99 : i32 to index
        %get3A_825 = arith.constant 352 : index
        %get3A_826 = tpu.vector_load %arg29[%get3A_824, %get3A_825] {strides = array<i32>} : memref<16x768xf32, #tpu.memory_space<vmem>>, vector<16xf32>,
        %get3A_827 = arith.index_cast %scan3A_99 : i32 to index
        %get3A_828 = arith.constant 352 : index
        %get3A_829 = tpu.vector_load %arg30[%get3A_827, %get3A_828] {strides = array<i32>} : memref<16x768xf32, #tpu.memory_space<vmem>>, vector<16xf32>,
        %add3A_830 = arith.addf %get3A_826, %get3A_829 : vector<16xf32>
        %add3A_831 = arith.addf %add3A_830, %get3A_805 : vector<16xf32>
        %swap3A_832 = arith.index_cast %scan3A_99 : i32 to index
        %swap3A_833 = arith.constant 352 : index
        %swap3A_834 = tpu.vector_load %arg29[%swap3A_832, %swap3A_833] {strides = array<i32>} : memref<16x768xf32, #tpu.memory_space<vmem>>, vector<16xf32>,
        tpu.vector_store %arg29[%swap3A_832, %swap3A_833], %add3A_831 {strides = array<i32>} : memref<16x768xf32, #tpu.memory_space<vmem>>, vector<16xf32>,
        %get3A_835 = arith.index_cast %scan3A_99 : i32 to index
        %get3A_836 = arith.constant 368 : index
        %get3A_837 = tpu.vector_load %arg26[%get3A_835, %get3A_836] {strides = array<i32>} : memref<16x768xf32, #tpu.memory_space<vmem>>, vector<16xf32>,
        %get3A_838 = arith.index_cast %scan3A_99 : i32 to index
        %get3A_839 = arith.constant 368 : index
        %get3A_840 = tpu.vector_load %arg25[%get3A_838, %get3A_839] {strides = array<i32>} : memref<16x768xf32, #tpu.memory_space<vmem>>, vector<16xf32>,
        %add3A_841 = arith.addf %get3A_840, %get3A_837 : vector<16xf32>
        %swap3A_842 = arith.index_cast %scan3A_99 : i32 to index
        %swap3A_843 = arith.constant 368 : index
        %swap3A_844 = tpu.vector_load %arg25[%swap3A_842, %swap3A_843] {strides = array<i32>} : memref<16x768xf32, #tpu.memory_space<vmem>>, vector<16xf32>,
        tpu.vector_store %arg25[%swap3A_842, %swap3A_843], %add3A_841 {strides = array<i32>} : memref<16x768xf32, #tpu.memory_space<vmem>>, vector<16xf32>,
        %get3A_845 = arith.index_cast %scan3A_99 : i32 to index
        %get3A_846 = arith.constant 368 : index
        %get3A_847 = tpu.vector_load %arg27[%get3A_845, %get3A_846] {strides = array<i32>} : memref<16x768xf32, #tpu.memory_space<vmem>>, vector<16xf32>,
        %get3A_848 = arith.index_cast %scan3A_99 : i32 to index
        %get3A_849 = arith.constant 368 : index
        %get3A_850 = tpu.vector_load %arg28[%get3A_848, %get3A_849] {strides = array<i32>} : memref<16x768xf32, #tpu.memory_space<vmem>>, vector<16xf32>,
        %add3A_851 = arith.addf %get3A_847, %get3A_850 : vector<16xf32>
        %add3A_852 = arith.addf %add3A_851, %get3A_837 : vector<16xf32>
        %swap3A_853 = arith.index_cast %scan3A_99 : i32 to index
        %swap3A_854 = arith.constant 368 : index
        %swap3A_855 = tpu.vector_load %arg27[%swap3A_853, %swap3A_854] {strides = array<i32>} : memref<16x768xf32, #tpu.memory_space<vmem>>, vector<16xf32>,
        tpu.vector_store %arg27[%swap3A_853, %swap3A_854], %add3A_852 {strides = array<i32>} : memref<16x768xf32, #tpu.memory_space<vmem>>, vector<16xf32>,
        %get3A_856 = arith.index_cast %scan3A_99 : i32 to index
        %get3A_857 = arith.constant 368 : index
        %get3A_858 = tpu.vector_load %arg29[%get3A_856, %get3A_857] {strides = array<i32>} : memref<16x768xf32, #tpu.memory_space<vmem>>, vector<16xf32>,
        %get3A_859 = arith.index_cast %scan3A_99 : i32 to index
        %get3A_860 = arith.constant 368 : index
        %get3A_861 = tpu.vector_load %arg30[%get3A_859, %get3A_860] {strides = array<i32>} : memref<16x768xf32, #tpu.memory_space<vmem>>, vector<16xf32>,
        %add3A_862 = arith.addf %get3A_858, %get3A_861 : vector<16xf32>
        %add3A_863 = arith.addf %add3A_862, %get3A_837 : vector<16xf32>
        %swap3A_864 = arith.index_cast %scan3A_99 : i32 to index
        %swap3A_865 = arith.constant 368 : index
        %swap3A_866 = tpu.vector_load %arg29[%swap3A_864, %swap3A_865] {strides = array<i32>} : memref<16x768xf32, #tpu.memory_space<vmem>>, vector<16xf32>,
        tpu.vector_store %arg29[%swap3A_864, %swap3A_865], %add3A_863 {strides = array<i32>} : memref<16x768xf32, #tpu.memory_space<vmem>>, vector<16xf32>,
        %get3A_867 = arith.index_cast %scan3A_99 : i32 to index
        %get3A_868 = arith.constant 384 : index
        %get3A_869 = tpu.vector_load %arg26[%get3A_867, %get3A_868] {strides = array<i32>} : memref<16x768xf32, #tpu.memory_space<vmem>>, vector<16xf32>,
        %get3A_870 = arith.index_cast %scan3A_99 : i32 to index
        %get3A_871 = arith.constant 384 : index
        %get3A_872 = tpu.vector_load %arg25[%get3A_870, %get3A_871] {strides = array<i32>} : memref<16x768xf32, #tpu.memory_space<vmem>>, vector<16xf32>,
        %add3A_873 = arith.addf %get3A_872, %get3A_869 : vector<16xf32>
        %swap3A_874 = arith.index_cast %scan3A_99 : i32 to index
        %swap3A_875 = arith.constant 384 : index
        %swap3A_876 = tpu.vector_load %arg25[%swap3A_874, %swap3A_875] {strides = array<i32>} : memref<16x768xf32, #tpu.memory_space<vmem>>, vector<16xf32>,
        tpu.vector_store %arg25[%swap3A_874, %swap3A_875], %add3A_873 {strides = array<i32>} : memref<16x768xf32, #tpu.memory_space<vmem>>, vector<16xf32>,
        %get3A_877 = arith.index_cast %scan3A_99 : i32 to index
        %get3A_878 = arith.constant 384 : index
        %get3A_879 = tpu.vector_load %arg27[%get3A_877, %get3A_878] {strides = array<i32>} : memref<16x768xf32, #tpu.memory_space<vmem>>, vector<16xf32>,
        %get3A_880 = arith.index_cast %scan3A_99 : i32 to index
        %get3A_881 = arith.constant 384 : index
        %get3A_882 = tpu.vector_load %arg28[%get3A_880, %get3A_881] {strides = array<i32>} : memref<16x768xf32, #tpu.memory_space<vmem>>, vector<16xf32>,
        %add3A_883 = arith.addf %get3A_879, %get3A_882 : vector<16xf32>
        %add3A_884 = arith.addf %add3A_883, %get3A_869 : vector<16xf32>
        %swap3A_885 = arith.index_cast %scan3A_99 : i32 to index
        %swap3A_886 = arith.constant 384 : index
        %swap3A_887 = tpu.vector_load %arg27[%swap3A_885, %swap3A_886] {strides = array<i32>} : memref<16x768xf32, #tpu.memory_space<vmem>>, vector<16xf32>,
        tpu.vector_store %arg27[%swap3A_885, %swap3A_886], %add3A_884 {strides = array<i32>} : memref<16x768xf32, #tpu.memory_space<vmem>>, vector<16xf32>,
        %get3A_888 = arith.index_cast %scan3A_99 : i32 to index
        %get3A_889 = arith.constant 384 : index
        %get3A_890 = tpu.vector_load %arg29[%get3A_888, %get3A_889] {strides = array<i32>} : memref<16x768xf32, #tpu.memory_space<vmem>>, vector<16xf32>,
        %get3A_891 = arith.index_cast %scan3A_99 : i32 to index
        %get3A_892 = arith.constant 384 : index
        %get3A_893 = tpu.vector_load %arg30[%get3A_891, %get3A_892] {strides = array<i32>} : memref<16x768xf32, #tpu.memory_space<vmem>>, vector<16xf32>,
        %add3A_894 = arith.addf %get3A_890, %get3A_893 : vector<16xf32>
        %add3A_895 = arith.addf %add3A_894, %get3A_869 : vector<16xf32>
        %swap3A_896 = arith.index_cast %scan3A_99 : i32 to index
        %swap3A_897 = arith.constant 384 : index
        %swap3A_898 = tpu.vector_load %arg29[%swap3A_896, %swap3A_897] {strides = array<i32>} : memref<16x768xf32, #tpu.memory_space<vmem>>, vector<16xf32>,
        tpu.vector_store %arg29[%swap3A_896, %swap3A_897], %add3A_895 {strides = array<i32>} : memref<16x768xf32, #tpu.memory_space<vmem>>, vector<16xf32>,
        %get3A_899 = arith.index_cast %scan3A_99 : i32 to index
        %get3A_900 = arith.constant 400 : index
        %get3A_901 = tpu.vector_load %arg26[%get3A_899, %get3A_900] {strides = array<i32>} : memref<16x768xf32, #tpu.memory_space<vmem>>, vector<16xf32>,
        %get3A_902 = arith.index_cast %scan3A_99 : i32 to index
        %get3A_903 = arith.constant 400 : index
        %get3A_904 = tpu.vector_load %arg25[%get3A_902, %get3A_903] {strides = array<i32>} : memref<16x768xf32, #tpu.memory_space<vmem>>, vector<16xf32>,
        %add3A_905 = arith.addf %get3A_904, %get3A_901 : vector<16xf32>
        %swap3A_906 = arith.index_cast %scan3A_99 : i32 to index
        %swap3A_907 = arith.constant 400 : index
        %swap3A_908 = tpu.vector_load %arg25[%swap3A_906, %swap3A_907] {strides = array<i32>} : memref<16x768xf32, #tpu.memory_space<vmem>>, vector<16xf32>,
        tpu.vector_store %arg25[%swap3A_906, %swap3A_907], %add3A_905 {strides = array<i32>} : memref<16x768xf32, #tpu.memory_space<vmem>>, vector<16xf32>,
        %get3A_909 = arith.index_cast %scan3A_99 : i32 to index
        %get3A_910 = arith.constant 400 : index
        %get3A_911 = tpu.vector_load %arg27[%get3A_909, %get3A_910] {strides = array<i32>} : memref<16x768xf32, #tpu.memory_space<vmem>>, vector<16xf32>,
        %get3A_912 = arith.index_cast %scan3A_99 : i32 to index
        %get3A_913 = arith.constant 400 : index
        %get3A_914 = tpu.vector_load %arg28[%get3A_912, %get3A_913] {strides = array<i32>} : memref<16x768xf32, #tpu.memory_space<vmem>>, vector<16xf32>,
        %add3A_915 = arith.addf %get3A_911, %get3A_914 : vector<16xf32>
        %add3A_916 = arith.addf %add3A_915, %get3A_901 : vector<16xf32>
        %swap3A_917 = arith.index_cast %scan3A_99 : i32 to index
        %swap3A_918 = arith.constant 400 : index
        %swap3A_919 = tpu.vector_load %arg27[%swap3A_917, %swap3A_918] {strides = array<i32>} : memref<16x768xf32, #tpu.memory_space<vmem>>, vector<16xf32>,
        tpu.vector_store %arg27[%swap3A_917, %swap3A_918], %add3A_916 {strides = array<i32>} : memref<16x768xf32, #tpu.memory_space<vmem>>, vector<16xf32>,
        %get3A_920 = arith.index_cast %scan3A_99 : i32 to index
        %get3A_921 = arith.constant 400 : index
        %get3A_922 = tpu.vector_load %arg29[%get3A_920, %get3A_921] {strides = array<i32>} : memref<16x768xf32, #tpu.memory_space<vmem>>, vector<16xf32>,
        %get3A_923 = arith.index_cast %scan3A_99 : i32 to index
        %get3A_924 = arith.constant 400 : index
        %get3A_925 = tpu.vector_load %arg30[%get3A_923, %get3A_924] {strides = array<i32>} : memref<16x768xf32, #tpu.memory_space<vmem>>, vector<16xf32>,
        %add3A_926 = arith.addf %get3A_922, %get3A_925 : vector<16xf32>
        %add3A_927 = arith.addf %add3A_926, %get3A_901 : vector<16xf32>
        %swap3A_928 = arith.index_cast %scan3A_99 : i32 to index
        %swap3A_929 = arith.constant 400 : index
        %swap3A_930 = tpu.vector_load %arg29[%swap3A_928, %swap3A_929] {strides = array<i32>} : memref<16x768xf32, #tpu.memory_space<vmem>>, vector<16xf32>,
        tpu.vector_store %arg29[%swap3A_928, %swap3A_929], %add3A_927 {strides = array<i32>} : memref<16x768xf32, #tpu.memory_space<vmem>>, vector<16xf32>,
        %get3A_931 = arith.index_cast %scan3A_99 : i32 to index
        %get3A_932 = arith.constant 416 : index
        %get3A_933 = tpu.vector_load %arg26[%get3A_931, %get3A_932] {strides = array<i32>} : memref<16x768xf32, #tpu.memory_space<vmem>>, vector<16xf32>,
        %get3A_934 = arith.index_cast %scan3A_99 : i32 to index
        %get3A_935 = arith.constant 416 : index
        %get3A_936 = tpu.vector_load %arg25[%get3A_934, %get3A_935] {strides = array<i32>} : memref<16x768xf32, #tpu.memory_space<vmem>>, vector<16xf32>,
        %add3A_937 = arith.addf %get3A_936, %get3A_933 : vector<16xf32>
        %swap3A_938 = arith.index_cast %scan3A_99 : i32 to index
        %swap3A_939 = arith.constant 416 : index
        %swap3A_940 = tpu.vector_load %arg25[%swap3A_938, %swap3A_939] {strides = array<i32>} : memref<16x768xf32, #tpu.memory_space<vmem>>, vector<16xf32>,
        tpu.vector_store %arg25[%swap3A_938, %swap3A_939], %add3A_937 {strides = array<i32>} : memref<16x768xf32, #tpu.memory_space<vmem>>, vector<16xf32>,
        %get3A_941 = arith.index_cast %scan3A_99 : i32 to index
        %get3A_942 = arith.constant 416 : index
        %get3A_943 = tpu.vector_load %arg27[%get3A_941, %get3A_942] {strides = array<i32>} : memref<16x768xf32, #tpu.memory_space<vmem>>, vector<16xf32>,
        %get3A_944 = arith.index_cast %scan3A_99 : i32 to index
        %get3A_945 = arith.constant 416 : index
        %get3A_946 = tpu.vector_load %arg28[%get3A_944, %get3A_945] {strides = array<i32>} : memref<16x768xf32, #tpu.memory_space<vmem>>, vector<16xf32>,
        %add3A_947 = arith.addf %get3A_943, %get3A_946 : vector<16xf32>
        %add3A_948 = arith.addf %add3A_947, %get3A_933 : vector<16xf32>
        %swap3A_949 = arith.index_cast %scan3A_99 : i32 to index
        %swap3A_950 = arith.constant 416 : index
        %swap3A_951 = tpu.vector_load %arg27[%swap3A_949, %swap3A_950] {strides = array<i32>} : memref<16x768xf32, #tpu.memory_space<vmem>>, vector<16xf32>,
        tpu.vector_store %arg27[%swap3A_949, %swap3A_950], %add3A_948 {strides = array<i32>} : memref<16x768xf32, #tpu.memory_space<vmem>>, vector<16xf32>,
        %get3A_952 = arith.index_cast %scan3A_99 : i32 to index
        %get3A_953 = arith.constant 416 : index
        %get3A_954 = tpu.vector_load %arg29[%get3A_952, %get3A_953] {strides = array<i32>} : memref<16x768xf32, #tpu.memory_space<vmem>>, vector<16xf32>,
        %get3A_955 = arith.index_cast %scan3A_99 : i32 to index
        %get3A_956 = arith.constant 416 : index
        %get3A_957 = tpu.vector_load %arg30[%get3A_955, %get3A_956] {strides = array<i32>} : memref<16x768xf32, #tpu.memory_space<vmem>>, vector<16xf32>,
        %add3A_958 = arith.addf %get3A_954, %get3A_957 : vector<16xf32>
        %add3A_959 = arith.addf %add3A_958, %get3A_933 : vector<16xf32>
        %swap3A_960 = arith.index_cast %scan3A_99 : i32 to index
        %swap3A_961 = arith.constant 416 : index
        %swap3A_962 = tpu.vector_load %arg29[%swap3A_960, %swap3A_961] {strides = array<i32>} : memref<16x768xf32, #tpu.memory_space<vmem>>, vector<16xf32>,
        tpu.vector_store %arg29[%swap3A_960, %swap3A_961], %add3A_959 {strides = array<i32>} : memref<16x768xf32, #tpu.memory_space<vmem>>, vector<16xf32>,
        %get3A_963 = arith.index_cast %scan3A_99 : i32 to index
        %get3A_964 = arith.constant 432 : index
        %get3A_965 = tpu.vector_load %arg26[%get3A_963, %get3A_964] {strides = array<i32>} : memref<16x768xf32, #tpu.memory_space<vmem>>, vector<16xf32>,
        %get3A_966 = arith.index_cast %scan3A_99 : i32 to index
        %get3A_967 = arith.constant 432 : index
        %get3A_968 = tpu.vector_load %arg25[%get3A_966, %get3A_967] {strides = array<i32>} : memref<16x768xf32, #tpu.memory_space<vmem>>, vector<16xf32>,
        %add3A_969 = arith.addf %get3A_968, %get3A_965 : vector<16xf32>
        %swap3A_970 = arith.index_cast %scan3A_99 : i32 to index
        %swap3A_971 = arith.constant 432 : index
        %swap3A_972 = tpu.vector_load %arg25[%swap3A_970, %swap3A_971] {strides = array<i32>} : memref<16x768xf32, #tpu.memory_space<vmem>>, vector<16xf32>,
        tpu.vector_store %arg25[%swap3A_970, %swap3A_971], %add3A_969 {strides = array<i32>} : memref<16x768xf32, #tpu.memory_space<vmem>>, vector<16xf32>,
        %get3A_973 = arith.index_cast %scan3A_99 : i32 to index
        %get3A_974 = arith.constant 432 : index
        %get3A_975 = tpu.vector_load %arg27[%get3A_973, %get3A_974] {strides = array<i32>} : memref<16x768xf32, #tpu.memory_space<vmem>>, vector<16xf32>,
        %get3A_976 = arith.index_cast %scan3A_99 : i32 to index
        %get3A_977 = arith.constant 432 : index
        %get3A_978 = tpu.vector_load %arg28[%get3A_976, %get3A_977] {strides = array<i32>} : memref<16x768xf32, #tpu.memory_space<vmem>>, vector<16xf32>,
        %add3A_979 = arith.addf %get3A_975, %get3A_978 : vector<16xf32>
        %add3A_980 = arith.addf %add3A_979, %get3A_965 : vector<16xf32>
        %swap3A_981 = arith.index_cast %scan3A_99 : i32 to index
        %swap3A_982 = arith.constant 432 : index
        %swap3A_983 = tpu.vector_load %arg27[%swap3A_981, %swap3A_982] {strides = array<i32>} : memref<16x768xf32, #tpu.memory_space<vmem>>, vector<16xf32>,
        tpu.vector_store %arg27[%swap3A_981, %swap3A_982], %add3A_980 {strides = array<i32>} : memref<16x768xf32, #tpu.memory_space<vmem>>, vector<16xf32>,
        %get3A_984 = arith.index_cast %scan3A_99 : i32 to index
        %get3A_985 = arith.constant 432 : index
        %get3A_986 = tpu.vector_load %arg29[%get3A_984, %get3A_985] {strides = array<i32>} : memref<16x768xf32, #tpu.memory_space<vmem>>, vector<16xf32>,
        %get3A_987 = arith.index_cast %scan3A_99 : i32 to index
        %get3A_988 = arith.constant 432 : index
        %get3A_989 = tpu.vector_load %arg30[%get3A_987, %get3A_988] {strides = array<i32>} : memref<16x768xf32, #tpu.memory_space<vmem>>, vector<16xf32>,
        %add3A_990 = arith.addf %get3A_986, %get3A_989 : vector<16xf32>
        %add3A_991 = arith.addf %add3A_990, %get3A_965 : vector<16xf32>
        %swap3A_992 = arith.index_cast %scan3A_99 : i32 to index
        %swap3A_993 = arith.constant 432 : index
        %swap3A_994 = tpu.vector_load %arg29[%swap3A_992, %swap3A_993] {strides = array<i32>} : memref<16x768xf32, #tpu.memory_space<vmem>>, vector<16xf32>,
        tpu.vector_store %arg29[%swap3A_992, %swap3A_993], %add3A_991 {strides = array<i32>} : memref<16x768xf32, #tpu.memory_space<vmem>>, vector<16xf32>,
        %get3A_995 = arith.index_cast %scan3A_99 : i32 to index
        %get3A_996 = arith.constant 448 : index
        %get3A_997 = tpu.vector_load %arg26[%get3A_995, %get3A_996] {strides = array<i32>} : memref<16x768xf32, #tpu.memory_space<vmem>>, vector<16xf32>,
        %get3A_998 = arith.index_cast %scan3A_99 : i32 to index
        %get3A_999 = arith.constant 448 : index
        %get3A_1000 = tpu.vector_load %arg25[%get3A_998, %get3A_999] {strides = array<i32>} : memref<16x768xf32, #tpu.memory_space<vmem>>, vector<16xf32>,
        %add3A_1001 = arith.addf %get3A_1000, %get3A_997 : vector<16xf32>
        %swap3A_1002 = arith.index_cast %scan3A_99 : i32 to index
        %swap3A_1003 = arith.constant 448 : index
        %swap3A_1004 = tpu.vector_load %arg25[%swap3A_1002, %swap3A_1003] {strides = array<i32>} : memref<16x768xf32, #tpu.memory_space<vmem>>, vector<16xf32>,
        tpu.vector_store %arg25[%swap3A_1002, %swap3A_1003], %add3A_1001 {strides = array<i32>} : memref<16x768xf32, #tpu.memory_space<vmem>>, vector<16xf32>,
        %get3A_1005 = arith.index_cast %scan3A_99 : i32 to index
        %get3A_1006 = arith.constant 448 : index
        %get3A_1007 = tpu.vector_load %arg27[%get3A_1005, %get3A_1006] {strides = array<i32>} : memref<16x768xf32, #tpu.memory_space<vmem>>, vector<16xf32>,
        %get3A_1008 = arith.index_cast %scan3A_99 : i32 to index
        %get3A_1009 = arith.constant 448 : index
        %get3A_1010 = tpu.vector_load %arg28[%get3A_1008, %get3A_1009] {strides = array<i32>} : memref<16x768xf32, #tpu.memory_space<vmem>>, vector<16xf32>,
        %add3A_1011 = arith.addf %get3A_1007, %get3A_1010 : vector<16xf32>
        %add3A_1012 = arith.addf %add3A_1011, %get3A_997 : vector<16xf32>
        %swap3A_1013 = arith.index_cast %scan3A_99 : i32 to index
        %swap3A_1014 = arith.constant 448 : index
        %swap3A_1015 = tpu.vector_load %arg27[%swap3A_1013, %swap3A_1014] {strides = array<i32>} : memref<16x768xf32, #tpu.memory_space<vmem>>, vector<16xf32>,
        tpu.vector_store %arg27[%swap3A_1013, %swap3A_1014], %add3A_1012 {strides = array<i32>} : memref<16x768xf32, #tpu.memory_space<vmem>>, vector<16xf32>,
        %get3A_1016 = arith.index_cast %scan3A_99 : i32 to index
        %get3A_1017 = arith.constant 448 : index
        %get3A_1018 = tpu.vector_load %arg29[%get3A_1016, %get3A_1017] {strides = array<i32>} : memref<16x768xf32, #tpu.memory_space<vmem>>, vector<16xf32>,
        %get3A_1019 = arith.index_cast %scan3A_99 : i32 to index
        %get3A_1020 = arith.constant 448 : index
        %get3A_1021 = tpu.vector_load %arg30[%get3A_1019, %get3A_1020] {strides = array<i32>} : memref<16x768xf32, #tpu.memory_space<vmem>>, vector<16xf32>,
        %add3A_1022 = arith.addf %get3A_1018, %get3A_1021 : vector<16xf32>
        %add3A_1023 = arith.addf %add3A_1022, %get3A_997 : vector<16xf32>
        %swap3A_1024 = arith.index_cast %scan3A_99 : i32 to index
        %swap3A_1025 = arith.constant 448 : index
        %swap3A_1026 = tpu.vector_load %arg29[%swap3A_1024, %swap3A_1025] {strides = array<i32>} : memref<16x768xf32, #tpu.memory_space<vmem>>, vector<16xf32>,
        tpu.vector_store %arg29[%swap3A_1024, %swap3A_1025], %add3A_1023 {strides = array<i32>} : memref<16x768xf32, #tpu.memory_space<vmem>>, vector<16xf32>,
        %get3A_1027 = arith.index_cast %scan3A_99 : i32 to index
        %get3A_1028 = arith.constant 464 : index
        %get3A_1029 = tpu.vector_load %arg26[%get3A_1027, %get3A_1028] {strides = array<i32>} : memref<16x768xf32, #tpu.memory_space<vmem>>, vector<16xf32>,
        %get3A_1030 = arith.index_cast %scan3A_99 : i32 to index
        %get3A_1031 = arith.constant 464 : index
        %get3A_1032 = tpu.vector_load %arg25[%get3A_1030, %get3A_1031] {strides = array<i32>} : memref<16x768xf32, #tpu.memory_space<vmem>>, vector<16xf32>,
        %add3A_1033 = arith.addf %get3A_1032, %get3A_1029 : vector<16xf32>
        %swap3A_1034 = arith.index_cast %scan3A_99 : i32 to index
        %swap3A_1035 = arith.constant 464 : index
        %swap3A_1036 = tpu.vector_load %arg25[%swap3A_1034, %swap3A_1035] {strides = array<i32>} : memref<16x768xf32, #tpu.memory_space<vmem>>, vector<16xf32>,
        tpu.vector_store %arg25[%swap3A_1034, %swap3A_1035], %add3A_1033 {strides = array<i32>} : memref<16x768xf32, #tpu.memory_space<vmem>>, vector<16xf32>,
        %get3A_1037 = arith.index_cast %scan3A_99 : i32 to index
        %get3A_1038 = arith.constant 464 : index
        %get3A_1039 = tpu.vector_load %arg27[%get3A_1037, %get3A_1038] {strides = array<i32>} : memref<16x768xf32, #tpu.memory_space<vmem>>, vector<16xf32>,
        %get3A_1040 = arith.index_cast %scan3A_99 : i32 to index
        %get3A_1041 = arith.constant 464 : index
        %get3A_1042 = tpu.vector_load %arg28[%get3A_1040, %get3A_1041] {strides = array<i32>} : memref<16x768xf32, #tpu.memory_space<vmem>>, vector<16xf32>,
        %add3A_1043 = arith.addf %get3A_1039, %get3A_1042 : vector<16xf32>
        %add3A_1044 = arith.addf %add3A_1043, %get3A_1029 : vector<16xf32>
        %swap3A_1045 = arith.index_cast %scan3A_99 : i32 to index
        %swap3A_1046 = arith.constant 464 : index
        %swap3A_1047 = tpu.vector_load %arg27[%swap3A_1045, %swap3A_1046] {strides = array<i32>} : memref<16x768xf32, #tpu.memory_space<vmem>>, vector<16xf32>,
        tpu.vector_store %arg27[%swap3A_1045, %swap3A_1046], %add3A_1044 {strides = array<i32>} : memref<16x768xf32, #tpu.memory_space<vmem>>, vector<16xf32>,
        %get3A_1048 = arith.index_cast %scan3A_99 : i32 to index
        %get3A_1049 = arith.constant 464 : index
        %get3A_1050 = tpu.vector_load %arg29[%get3A_1048, %get3A_1049] {strides = array<i32>} : memref<16x768xf32, #tpu.memory_space<vmem>>, vector<16xf32>,
        %get3A_1051 = arith.index_cast %scan3A_99 : i32 to index
        %get3A_1052 = arith.constant 464 : index
        %get3A_1053 = tpu.vector_load %arg30[%get3A_1051, %get3A_1052] {strides = array<i32>} : memref<16x768xf32, #tpu.memory_space<vmem>>, vector<16xf32>,
        %add3A_1054 = arith.addf %get3A_1050, %get3A_1053 : vector<16xf32>
        %add3A_1055 = arith.addf %add3A_1054, %get3A_1029 : vector<16xf32>
        %swap3A_1056 = arith.index_cast %scan3A_99 : i32 to index
        %swap3A_1057 = arith.constant 464 : index
        %swap3A_1058 = tpu.vector_load %arg29[%swap3A_1056, %swap3A_1057] {strides = array<i32>} : memref<16x768xf32, #tpu.memory_space<vmem>>, vector<16xf32>,
        tpu.vector_store %arg29[%swap3A_1056, %swap3A_1057], %add3A_1055 {strides = array<i32>} : memref<16x768xf32, #tpu.memory_space<vmem>>, vector<16xf32>,
        %get3A_1059 = arith.index_cast %scan3A_99 : i32 to index
        %get3A_1060 = arith.constant 480 : index
        %get3A_1061 = tpu.vector_load %arg26[%get3A_1059, %get3A_1060] {strides = array<i32>} : memref<16x768xf32, #tpu.memory_space<vmem>>, vector<16xf32>,
        %get3A_1062 = arith.index_cast %scan3A_99 : i32 to index
        %get3A_1063 = arith.constant 480 : index
        %get3A_1064 = tpu.vector_load %arg25[%get3A_1062, %get3A_1063] {strides = array<i32>} : memref<16x768xf32, #tpu.memory_space<vmem>>, vector<16xf32>,
        %add3A_1065 = arith.addf %get3A_1064, %get3A_1061 : vector<16xf32>
        %swap3A_1066 = arith.index_cast %scan3A_99 : i32 to index
        %swap3A_1067 = arith.constant 480 : index
        %swap3A_1068 = tpu.vector_load %arg25[%swap3A_1066, %swap3A_1067] {strides = array<i32>} : memref<16x768xf32, #tpu.memory_space<vmem>>, vector<16xf32>,
        tpu.vector_store %arg25[%swap3A_1066, %swap3A_1067], %add3A_1065 {strides = array<i32>} : memref<16x768xf32, #tpu.memory_space<vmem>>, vector<16xf32>,
        %get3A_1069 = arith.index_cast %scan3A_99 : i32 to index
        %get3A_1070 = arith.constant 480 : index
        %get3A_1071 = tpu.vector_load %arg27[%get3A_1069, %get3A_1070] {strides = array<i32>} : memref<16x768xf32, #tpu.memory_space<vmem>>, vector<16xf32>,
        %get3A_1072 = arith.index_cast %scan3A_99 : i32 to index
        %get3A_1073 = arith.constant 480 : index
        %get3A_1074 = tpu.vector_load %arg28[%get3A_1072, %get3A_1073] {strides = array<i32>} : memref<16x768xf32, #tpu.memory_space<vmem>>, vector<16xf32>,
        %add3A_1075 = arith.addf %get3A_1071, %get3A_1074 : vector<16xf32>
        %add3A_1076 = arith.addf %add3A_1075, %get3A_1061 : vector<16xf32>
        %swap3A_1077 = arith.index_cast %scan3A_99 : i32 to index
        %swap3A_1078 = arith.constant 480 : index
        %swap3A_1079 = tpu.vector_load %arg27[%swap3A_1077, %swap3A_1078] {strides = array<i32>} : memref<16x768xf32, #tpu.memory_space<vmem>>, vector<16xf32>,
        tpu.vector_store %arg27[%swap3A_1077, %swap3A_1078], %add3A_1076 {strides = array<i32>} : memref<16x768xf32, #tpu.memory_space<vmem>>, vector<16xf32>,
        %get3A_1080 = arith.index_cast %scan3A_99 : i32 to index
        %get3A_1081 = arith.constant 480 : index
        %get3A_1082 = tpu.vector_load %arg29[%get3A_1080, %get3A_1081] {strides = array<i32>} : memref<16x768xf32, #tpu.memory_space<vmem>>, vector<16xf32>,
        %get3A_1083 = arith.index_cast %scan3A_99 : i32 to index
        %get3A_1084 = arith.constant 480 : index
        %get3A_1085 = tpu.vector_load %arg30[%get3A_1083, %get3A_1084] {strides = array<i32>} : memref<16x768xf32, #tpu.memory_space<vmem>>, vector<16xf32>,
        %add3A_1086 = arith.addf %get3A_1082, %get3A_1085 : vector<16xf32>
        %add3A_1087 = arith.addf %add3A_1086, %get3A_1061 : vector<16xf32>
        %swap3A_1088 = arith.index_cast %scan3A_99 : i32 to index
        %swap3A_1089 = arith.constant 480 : index
        %swap3A_1090 = tpu.vector_load %arg29[%swap3A_1088, %swap3A_1089] {strides = array<i32>} : memref<16x768xf32, #tpu.memory_space<vmem>>, vector<16xf32>,
        tpu.vector_store %arg29[%swap3A_1088, %swap3A_1089], %add3A_1087 {strides = array<i32>} : memref<16x768xf32, #tpu.memory_space<vmem>>, vector<16xf32>,
        %get3A_1091 = arith.index_cast %scan3A_99 : i32 to index
        %get3A_1092 = arith.constant 496 : index
        %get3A_1093 = tpu.vector_load %arg26[%get3A_1091, %get3A_1092] {strides = array<i32>} : memref<16x768xf32, #tpu.memory_space<vmem>>, vector<16xf32>,
        %get3A_1094 = arith.index_cast %scan3A_99 : i32 to index
        %get3A_1095 = arith.constant 496 : index
        %get3A_1096 = tpu.vector_load %arg25[%get3A_1094, %get3A_1095] {strides = array<i32>} : memref<16x768xf32, #tpu.memory_space<vmem>>, vector<16xf32>,
        %add3A_1097 = arith.addf %get3A_1096, %get3A_1093 : vector<16xf32>
        %swap3A_1098 = arith.index_cast %scan3A_99 : i32 to index
        %swap3A_1099 = arith.constant 496 : index
        %swap3A_1100 = tpu.vector_load %arg25[%swap3A_1098, %swap3A_1099] {strides = array<i32>} : memref<16x768xf32, #tpu.memory_space<vmem>>, vector<16xf32>,
        tpu.vector_store %arg25[%swap3A_1098, %swap3A_1099], %add3A_1097 {strides = array<i32>} : memref<16x768xf32, #tpu.memory_space<vmem>>, vector<16xf32>,
        %get3A_1101 = arith.index_cast %scan3A_99 : i32 to index
        %get3A_1102 = arith.constant 496 : index
        %get3A_1103 = tpu.vector_load %arg27[%get3A_1101, %get3A_1102] {strides = array<i32>} : memref<16x768xf32, #tpu.memory_space<vmem>>, vector<16xf32>,
        %get3A_1104 = arith.index_cast %scan3A_99 : i32 to index
        %get3A_1105 = arith.constant 496 : index
        %get3A_1106 = tpu.vector_load %arg28[%get3A_1104, %get3A_1105] {strides = array<i32>} : memref<16x768xf32, #tpu.memory_space<vmem>>, vector<16xf32>,
        %add3A_1107 = arith.addf %get3A_1103, %get3A_1106 : vector<16xf32>
        %add3A_1108 = arith.addf %add3A_1107, %get3A_1093 : vector<16xf32>
        %swap3A_1109 = arith.index_cast %scan3A_99 : i32 to index
        %swap3A_1110 = arith.constant 496 : index
        %swap3A_1111 = tpu.vector_load %arg27[%swap3A_1109, %swap3A_1110] {strides = array<i32>} : memref<16x768xf32, #tpu.memory_space<vmem>>, vector<16xf32>,
        tpu.vector_store %arg27[%swap3A_1109, %swap3A_1110], %add3A_1108 {strides = array<i32>} : memref<16x768xf32, #tpu.memory_space<vmem>>, vector<16xf32>,
        %get3A_1112 = arith.index_cast %scan3A_99 : i32 to index
        %get3A_1113 = arith.constant 496 : index
        %get3A_1114 = tpu.vector_load %arg29[%get3A_1112, %get3A_1113] {strides = array<i32>} : memref<16x768xf32, #tpu.memory_space<vmem>>, vector<16xf32>,
        %get3A_1115 = arith.index_cast %scan3A_99 : i32 to index
        %get3A_1116 = arith.constant 496 : index
        %get3A_1117 = tpu.vector_load %arg30[%get3A_1115, %get3A_1116] {strides = array<i32>} : memref<16x768xf32, #tpu.memory_space<vmem>>, vector<16xf32>,
        %add3A_1118 = arith.addf %get3A_1114, %get3A_1117 : vector<16xf32>
        %add3A_1119 = arith.addf %add3A_1118, %get3A_1093 : vector<16xf32>
        %swap3A_1120 = arith.index_cast %scan3A_99 : i32 to index
        %swap3A_1121 = arith.constant 496 : index
        %swap3A_1122 = tpu.vector_load %arg29[%swap3A_1120, %swap3A_1121] {strides = array<i32>} : memref<16x768xf32, #tpu.memory_space<vmem>>, vector<16xf32>,
        tpu.vector_store %arg29[%swap3A_1120, %swap3A_1121], %add3A_1119 {strides = array<i32>} : memref<16x768xf32, #tpu.memory_space<vmem>>, vector<16xf32>,
        %get3A_1123 = arith.index_cast %scan3A_99 : i32 to index
        %get3A_1124 = arith.constant 512 : index
        %get3A_1125 = tpu.vector_load %arg26[%get3A_1123, %get3A_1124] {strides = array<i32>} : memref<16x768xf32, #tpu.memory_space<vmem>>, vector<16xf32>,
        %get3A_1126 = arith.index_cast %scan3A_99 : i32 to index
        %get3A_1127 = arith.constant 512 : index
        %get3A_1128 = tpu.vector_load %arg25[%get3A_1126, %get3A_1127] {strides = array<i32>} : memref<16x768xf32, #tpu.memory_space<vmem>>, vector<16xf32>,
        %add3A_1129 = arith.addf %get3A_1128, %get3A_1125 : vector<16xf32>
        %swap3A_1130 = arith.index_cast %scan3A_99 : i32 to index
        %swap3A_1131 = arith.constant 512 : index
        %swap3A_1132 = tpu.vector_load %arg25[%swap3A_1130, %swap3A_1131] {strides = array<i32>} : memref<16x768xf32, #tpu.memory_space<vmem>>, vector<16xf32>,
        tpu.vector_store %arg25[%swap3A_1130, %swap3A_1131], %add3A_1129 {strides = array<i32>} : memref<16x768xf32, #tpu.memory_space<vmem>>, vector<16xf32>,
        %get3A_1133 = arith.index_cast %scan3A_99 : i32 to index
        %get3A_1134 = arith.constant 512 : index
        %get3A_1135 = tpu.vector_load %arg27[%get3A_1133, %get3A_1134] {strides = array<i32>} : memref<16x768xf32, #tpu.memory_space<vmem>>, vector<16xf32>,
        %get3A_1136 = arith.index_cast %scan3A_99 : i32 to index
        %get3A_1137 = arith.constant 512 : index
        %get3A_1138 = tpu.vector_load %arg28[%get3A_1136, %get3A_1137] {strides = array<i32>} : memref<16x768xf32, #tpu.memory_space<vmem>>, vector<16xf32>,
        %add3A_1139 = arith.addf %get3A_1135, %get3A_1138 : vector<16xf32>
        %add3A_1140 = arith.addf %add3A_1139, %get3A_1125 : vector<16xf32>
        %swap3A_1141 = arith.index_cast %scan3A_99 : i32 to index
        %swap3A_1142 = arith.constant 512 : index
        %swap3A_1143 = tpu.vector_load %arg27[%swap3A_1141, %swap3A_1142] {strides = array<i32>} : memref<16x768xf32, #tpu.memory_space<vmem>>, vector<16xf32>,
        tpu.vector_store %arg27[%swap3A_1141, %swap3A_1142], %add3A_1140 {strides = array<i32>} : memref<16x768xf32, #tpu.memory_space<vmem>>, vector<16xf32>,
        %get3A_1144 = arith.index_cast %scan3A_99 : i32 to index
        %get3A_1145 = arith.constant 512 : index
        %get3A_1146 = tpu.vector_load %arg29[%get3A_1144, %get3A_1145] {strides = array<i32>} : memref<16x768xf32, #tpu.memory_space<vmem>>, vector<16xf32>,
        %get3A_1147 = arith.index_cast %scan3A_99 : i32 to index
        %get3A_1148 = arith.constant 512 : index
        %get3A_1149 = tpu.vector_load %arg30[%get3A_1147, %get3A_1148] {strides = array<i32>} : memref<16x768xf32, #tpu.memory_space<vmem>>, vector<16xf32>,
        %add3A_1150 = arith.addf %get3A_1146, %get3A_1149 : vector<16xf32>
        %add3A_1151 = arith.addf %add3A_1150, %get3A_1125 : vector<16xf32>
        %swap3A_1152 = arith.index_cast %scan3A_99 : i32 to index
        %swap3A_1153 = arith.constant 512 : index
        %swap3A_1154 = tpu.vector_load %arg29[%swap3A_1152, %swap3A_1153] {strides = array<i32>} : memref<16x768xf32, #tpu.memory_space<vmem>>, vector<16xf32>,
        tpu.vector_store %arg29[%swap3A_1152, %swap3A_1153], %add3A_1151 {strides = array<i32>} : memref<16x768xf32, #tpu.memory_space<vmem>>, vector<16xf32>,
        %get3A_1155 = arith.index_cast %scan3A_99 : i32 to index
        %get3A_1156 = arith.constant 528 : index
        %get3A_1157 = tpu.vector_load %arg26[%get3A_1155, %get3A_1156] {strides = array<i32>} : memref<16x768xf32, #tpu.memory_space<vmem>>, vector<16xf32>,
        %get3A_1158 = arith.index_cast %scan3A_99 : i32 to index
        %get3A_1159 = arith.constant 528 : index
        %get3A_1160 = tpu.vector_load %arg25[%get3A_1158, %get3A_1159] {strides = array<i32>} : memref<16x768xf32, #tpu.memory_space<vmem>>, vector<16xf32>,
        %add3A_1161 = arith.addf %get3A_1160, %get3A_1157 : vector<16xf32>
        %swap3A_1162 = arith.index_cast %scan3A_99 : i32 to index
        %swap3A_1163 = arith.constant 528 : index
        %swap3A_1164 = tpu.vector_load %arg25[%swap3A_1162, %swap3A_1163] {strides = array<i32>} : memref<16x768xf32, #tpu.memory_space<vmem>>, vector<16xf32>,
        tpu.vector_store %arg25[%swap3A_1162, %swap3A_1163], %add3A_1161 {strides = array<i32>} : memref<16x768xf32, #tpu.memory_space<vmem>>, vector<16xf32>,
        %get3A_1165 = arith.index_cast %scan3A_99 : i32 to index
        %get3A_1166 = arith.constant 528 : index
        %get3A_1167 = tpu.vector_load %arg27[%get3A_1165, %get3A_1166] {strides = array<i32>} : memref<16x768xf32, #tpu.memory_space<vmem>>, vector<16xf32>,
        %get3A_1168 = arith.index_cast %scan3A_99 : i32 to index
        %get3A_1169 = arith.constant 528 : index
        %get3A_1170 = tpu.vector_load %arg28[%get3A_1168, %get3A_1169] {strides = array<i32>} : memref<16x768xf32, #tpu.memory_space<vmem>>, vector<16xf32>,
        %add3A_1171 = arith.addf %get3A_1167, %get3A_1170 : vector<16xf32>
        %add3A_1172 = arith.addf %add3A_1171, %get3A_1157 : vector<16xf32>
        %swap3A_1173 = arith.index_cast %scan3A_99 : i32 to index
        %swap3A_1174 = arith.constant 528 : index
        %swap3A_1175 = tpu.vector_load %arg27[%swap3A_1173, %swap3A_1174] {strides = array<i32>} : memref<16x768xf32, #tpu.memory_space<vmem>>, vector<16xf32>,
        tpu.vector_store %arg27[%swap3A_1173, %swap3A_1174], %add3A_1172 {strides = array<i32>} : memref<16x768xf32, #tpu.memory_space<vmem>>, vector<16xf32>,
        %get3A_1176 = arith.index_cast %scan3A_99 : i32 to index
        %get3A_1177 = arith.constant 528 : index
        %get3A_1178 = tpu.vector_load %arg29[%get3A_1176, %get3A_1177] {strides = array<i32>} : memref<16x768xf32, #tpu.memory_space<vmem>>, vector<16xf32>,
        %get3A_1179 = arith.index_cast %scan3A_99 : i32 to index
        %get3A_1180 = arith.constant 528 : index
        %get3A_1181 = tpu.vector_load %arg30[%get3A_1179, %get3A_1180] {strides = array<i32>} : memref<16x768xf32, #tpu.memory_space<vmem>>, vector<16xf32>,
        %add3A_1182 = arith.addf %get3A_1178, %get3A_1181 : vector<16xf32>
        %add3A_1183 = arith.addf %add3A_1182, %get3A_1157 : vector<16xf32>
        %swap3A_1184 = arith.index_cast %scan3A_99 : i32 to index
        %swap3A_1185 = arith.constant 528 : index
        %swap3A_1186 = tpu.vector_load %arg29[%swap3A_1184, %swap3A_1185] {strides = array<i32>} : memref<16x768xf32, #tpu.memory_space<vmem>>, vector<16xf32>,
        tpu.vector_store %arg29[%swap3A_1184, %swap3A_1185], %add3A_1183 {strides = array<i32>} : memref<16x768xf32, #tpu.memory_space<vmem>>, vector<16xf32>,
        %get3A_1187 = arith.index_cast %scan3A_99 : i32 to index
        %get3A_1188 = arith.constant 544 : index
        %get3A_1189 = tpu.vector_load %arg26[%get3A_1187, %get3A_1188] {strides = array<i32>} : memref<16x768xf32, #tpu.memory_space<vmem>>, vector<16xf32>,
        %get3A_1190 = arith.index_cast %scan3A_99 : i32 to index
        %get3A_1191 = arith.constant 544 : index
        %get3A_1192 = tpu.vector_load %arg25[%get3A_1190, %get3A_1191] {strides = array<i32>} : memref<16x768xf32, #tpu.memory_space<vmem>>, vector<16xf32>,
        %add3A_1193 = arith.addf %get3A_1192, %get3A_1189 : vector<16xf32>
        %swap3A_1194 = arith.index_cast %scan3A_99 : i32 to index
        %swap3A_1195 = arith.constant 544 : index
        %swap3A_1196 = tpu.vector_load %arg25[%swap3A_1194, %swap3A_1195] {strides = array<i32>} : memref<16x768xf32, #tpu.memory_space<vmem>>, vector<16xf32>,
        tpu.vector_store %arg25[%swap3A_1194, %swap3A_1195], %add3A_1193 {strides = array<i32>} : memref<16x768xf32, #tpu.memory_space<vmem>>, vector<16xf32>,
        %get3A_1197 = arith.index_cast %scan3A_99 : i32 to index
        %get3A_1198 = arith.constant 544 : index
        %get3A_1199 = tpu.vector_load %arg27[%get3A_1197, %get3A_1198] {strides = array<i32>} : memref<16x768xf32, #tpu.memory_space<vmem>>, vector<16xf32>,
        %get3A_1200 = arith.index_cast %scan3A_99 : i32 to index
        %get3A_1201 = arith.constant 544 : index
        %get3A_1202 = tpu.vector_load %arg28[%get3A_1200, %get3A_1201] {strides = array<i32>} : memref<16x768xf32, #tpu.memory_space<vmem>>, vector<16xf32>,
        %add3A_1203 = arith.addf %get3A_1199, %get3A_1202 : vector<16xf32>
        %add3A_1204 = arith.addf %add3A_1203, %get3A_1189 : vector<16xf32>
        %swap3A_1205 = arith.index_cast %scan3A_99 : i32 to index
        %swap3A_1206 = arith.constant 544 : index
        %swap3A_1207 = tpu.vector_load %arg27[%swap3A_1205, %swap3A_1206] {strides = array<i32>} : memref<16x768xf32, #tpu.memory_space<vmem>>, vector<16xf32>,
        tpu.vector_store %arg27[%swap3A_1205, %swap3A_1206], %add3A_1204 {strides = array<i32>} : memref<16x768xf32, #tpu.memory_space<vmem>>, vector<16xf32>,
        %get3A_1208 = arith.index_cast %scan3A_99 : i32 to index
        %get3A_1209 = arith.constant 544 : index
        %get3A_1210 = tpu.vector_load %arg29[%get3A_1208, %get3A_1209] {strides = array<i32>} : memref<16x768xf32, #tpu.memory_space<vmem>>, vector<16xf32>,
        %get3A_1211 = arith.index_cast %scan3A_99 : i32 to index
        %get3A_1212 = arith.constant 544 : index
        %get3A_1213 = tpu.vector_load %arg30[%get3A_1211, %get3A_1212] {strides = array<i32>} : memref<16x768xf32, #tpu.memory_space<vmem>>, vector<16xf32>,
        %add3A_1214 = arith.addf %get3A_1210, %get3A_1213 : vector<16xf32>
        %add3A_1215 = arith.addf %add3A_1214, %get3A_1189 : vector<16xf32>
        %swap3A_1216 = arith.index_cast %scan3A_99 : i32 to index
        %swap3A_1217 = arith.constant 544 : index
        %swap3A_1218 = tpu.vector_load %arg29[%swap3A_1216, %swap3A_1217] {strides = array<i32>} : memref<16x768xf32, #tpu.memory_space<vmem>>, vector<16xf32>,
        tpu.vector_store %arg29[%swap3A_1216, %swap3A_1217], %add3A_1215 {strides = array<i32>} : memref<16x768xf32, #tpu.memory_space<vmem>>, vector<16xf32>,
        %get3A_1219 = arith.index_cast %scan3A_99 : i32 to index
        %get3A_1220 = arith.constant 560 : index
        %get3A_1221 = tpu.vector_load %arg26[%get3A_1219, %get3A_1220] {strides = array<i32>} : memref<16x768xf32, #tpu.memory_space<vmem>>, vector<16xf32>,
        %get3A_1222 = arith.index_cast %scan3A_99 : i32 to index
        %get3A_1223 = arith.constant 560 : index
        %get3A_1224 = tpu.vector_load %arg25[%get3A_1222, %get3A_1223] {strides = array<i32>} : memref<16x768xf32, #tpu.memory_space<vmem>>, vector<16xf32>,
        %add3A_1225 = arith.addf %get3A_1224, %get3A_1221 : vector<16xf32>
        %swap3A_1226 = arith.index_cast %scan3A_99 : i32 to index
        %swap3A_1227 = arith.constant 560 : index
        %swap3A_1228 = tpu.vector_load %arg25[%swap3A_1226, %swap3A_1227] {strides = array<i32>} : memref<16x768xf32, #tpu.memory_space<vmem>>, vector<16xf32>,
        tpu.vector_store %arg25[%swap3A_1226, %swap3A_1227], %add3A_1225 {strides = array<i32>} : memref<16x768xf32, #tpu.memory_space<vmem>>, vector<16xf32>,
        %get3A_1229 = arith.index_cast %scan3A_99 : i32 to index
        %get3A_1230 = arith.constant 560 : index
        %get3A_1231 = tpu.vector_load %arg27[%get3A_1229, %get3A_1230] {strides = array<i32>} : memref<16x768xf32, #tpu.memory_space<vmem>>, vector<16xf32>,
        %get3A_1232 = arith.index_cast %scan3A_99 : i32 to index
        %get3A_1233 = arith.constant 560 : index
        %get3A_1234 = tpu.vector_load %arg28[%get3A_1232, %get3A_1233] {strides = array<i32>} : memref<16x768xf32, #tpu.memory_space<vmem>>, vector<16xf32>,
        %add3A_1235 = arith.addf %get3A_1231, %get3A_1234 : vector<16xf32>
        %add3A_1236 = arith.addf %add3A_1235, %get3A_1221 : vector<16xf32>
        %swap3A_1237 = arith.index_cast %scan3A_99 : i32 to index
        %swap3A_1238 = arith.constant 560 : index
        %swap3A_1239 = tpu.vector_load %arg27[%swap3A_1237, %swap3A_1238] {strides = array<i32>} : memref<16x768xf32, #tpu.memory_space<vmem>>, vector<16xf32>,
        tpu.vector_store %arg27[%swap3A_1237, %swap3A_1238], %add3A_1236 {strides = array<i32>} : memref<16x768xf32, #tpu.memory_space<vmem>>, vector<16xf32>,
        %get3A_1240 = arith.index_cast %scan3A_99 : i32 to index
        %get3A_1241 = arith.constant 560 : index
        %get3A_1242 = tpu.vector_load %arg29[%get3A_1240, %get3A_1241] {strides = array<i32>} : memref<16x768xf32, #tpu.memory_space<vmem>>, vector<16xf32>,
        %get3A_1243 = arith.index_cast %scan3A_99 : i32 to index
        %get3A_1244 = arith.constant 560 : index
        %get3A_1245 = tpu.vector_load %arg30[%get3A_1243, %get3A_1244] {strides = array<i32>} : memref<16x768xf32, #tpu.memory_space<vmem>>, vector<16xf32>,
        %add3A_1246 = arith.addf %get3A_1242, %get3A_1245 : vector<16xf32>
        %add3A_1247 = arith.addf %add3A_1246, %get3A_1221 : vector<16xf32>
        %swap3A_1248 = arith.index_cast %scan3A_99 : i32 to index
        %swap3A_1249 = arith.constant 560 : index
        %swap3A_1250 = tpu.vector_load %arg29[%swap3A_1248, %swap3A_1249] {strides = array<i32>} : memref<16x768xf32, #tpu.memory_space<vmem>>, vector<16xf32>,
        tpu.vector_store %arg29[%swap3A_1248, %swap3A_1249], %add3A_1247 {strides = array<i32>} : memref<16x768xf32, #tpu.memory_space<vmem>>, vector<16xf32>,
        %get3A_1251 = arith.index_cast %scan3A_99 : i32 to index
        %get3A_1252 = arith.constant 576 : index
        %get3A_1253 = tpu.vector_load %arg26[%get3A_1251, %get3A_1252] {strides = array<i32>} : memref<16x768xf32, #tpu.memory_space<vmem>>, vector<16xf32>,
        %get3A_1254 = arith.index_cast %scan3A_99 : i32 to index
        %get3A_1255 = arith.constant 576 : index
        %get3A_1256 = tpu.vector_load %arg25[%get3A_1254, %get3A_1255] {strides = array<i32>} : memref<16x768xf32, #tpu.memory_space<vmem>>, vector<16xf32>,
        %add3A_1257 = arith.addf %get3A_1256, %get3A_1253 : vector<16xf32>
        %swap3A_1258 = arith.index_cast %scan3A_99 : i32 to index
        %swap3A_1259 = arith.constant 576 : index
        %swap3A_1260 = tpu.vector_load %arg25[%swap3A_1258, %swap3A_1259] {strides = array<i32>} : memref<16x768xf32, #tpu.memory_space<vmem>>, vector<16xf32>,
        tpu.vector_store %arg25[%swap3A_1258, %swap3A_1259], %add3A_1257 {strides = array<i32>} : memref<16x768xf32, #tpu.memory_space<vmem>>, vector<16xf32>,
        %get3A_1261 = arith.index_cast %scan3A_99 : i32 to index
        %get3A_1262 = arith.constant 576 : index
        %get3A_1263 = tpu.vector_load %arg27[%get3A_1261, %get3A_1262] {strides = array<i32>} : memref<16x768xf32, #tpu.memory_space<vmem>>, vector<16xf32>,
        %get3A_1264 = arith.index_cast %scan3A_99 : i32 to index
        %get3A_1265 = arith.constant 576 : index
        %get3A_1266 = tpu.vector_load %arg28[%get3A_1264, %get3A_1265] {strides = array<i32>} : memref<16x768xf32, #tpu.memory_space<vmem>>, vector<16xf32>,
        %add3A_1267 = arith.addf %get3A_1263, %get3A_1266 : vector<16xf32>
        %add3A_1268 = arith.addf %add3A_1267, %get3A_1253 : vector<16xf32>
        %swap3A_1269 = arith.index_cast %scan3A_99 : i32 to index
        %swap3A_1270 = arith.constant 576 : index
        %swap3A_1271 = tpu.vector_load %arg27[%swap3A_1269, %swap3A_1270] {strides = array<i32>} : memref<16x768xf32, #tpu.memory_space<vmem>>, vector<16xf32>,
        tpu.vector_store %arg27[%swap3A_1269, %swap3A_1270], %add3A_1268 {strides = array<i32>} : memref<16x768xf32, #tpu.memory_space<vmem>>, vector<16xf32>,
        %get3A_1272 = arith.index_cast %scan3A_99 : i32 to index
        %get3A_1273 = arith.constant 576 : index
        %get3A_1274 = tpu.vector_load %arg29[%get3A_1272, %get3A_1273] {strides = array<i32>} : memref<16x768xf32, #tpu.memory_space<vmem>>, vector<16xf32>,
        %get3A_1275 = arith.index_cast %scan3A_99 : i32 to index
        %get3A_1276 = arith.constant 576 : index
        %get3A_1277 = tpu.vector_load %arg30[%get3A_1275, %get3A_1276] {strides = array<i32>} : memref<16x768xf32, #tpu.memory_space<vmem>>, vector<16xf32>,
        %add3A_1278 = arith.addf %get3A_1274, %get3A_1277 : vector<16xf32>
        %add3A_1279 = arith.addf %add3A_1278, %get3A_1253 : vector<16xf32>
        %swap3A_1280 = arith.index_cast %scan3A_99 : i32 to index
        %swap3A_1281 = arith.constant 576 : index
        %swap3A_1282 = tpu.vector_load %arg29[%swap3A_1280, %swap3A_1281] {strides = array<i32>} : memref<16x768xf32, #tpu.memory_space<vmem>>, vector<16xf32>,
        tpu.vector_store %arg29[%swap3A_1280, %swap3A_1281], %add3A_1279 {strides = array<i32>} : memref<16x768xf32, #tpu.memory_space<vmem>>, vector<16xf32>,
        %get3A_1283 = arith.index_cast %scan3A_99 : i32 to index
        %get3A_1284 = arith.constant 592 : index
        %get3A_1285 = tpu.vector_load %arg26[%get3A_1283, %get3A_1284] {strides = array<i32>} : memref<16x768xf32, #tpu.memory_space<vmem>>, vector<16xf32>,
        %get3A_1286 = arith.index_cast %scan3A_99 : i32 to index
        %get3A_1287 = arith.constant 592 : index
        %get3A_1288 = tpu.vector_load %arg25[%get3A_1286, %get3A_1287] {strides = array<i32>} : memref<16x768xf32, #tpu.memory_space<vmem>>, vector<16xf32>,
        %add3A_1289 = arith.addf %get3A_1288, %get3A_1285 : vector<16xf32>
        %swap3A_1290 = arith.index_cast %scan3A_99 : i32 to index
        %swap3A_1291 = arith.constant 592 : index
        %swap3A_1292 = tpu.vector_load %arg25[%swap3A_1290, %swap3A_1291] {strides = array<i32>} : memref<16x768xf32, #tpu.memory_space<vmem>>, vector<16xf32>,
        tpu.vector_store %arg25[%swap3A_1290, %swap3A_1291], %add3A_1289 {strides = array<i32>} : memref<16x768xf32, #tpu.memory_space<vmem>>, vector<16xf32>,
        %get3A_1293 = arith.index_cast %scan3A_99 : i32 to index
        %get3A_1294 = arith.constant 592 : index
        %get3A_1295 = tpu.vector_load %arg27[%get3A_1293, %get3A_1294] {strides = array<i32>} : memref<16x768xf32, #tpu.memory_space<vmem>>, vector<16xf32>,
        %get3A_1296 = arith.index_cast %scan3A_99 : i32 to index
        %get3A_1297 = arith.constant 592 : index
        %get3A_1298 = tpu.vector_load %arg28[%get3A_1296, %get3A_1297] {strides = array<i32>} : memref<16x768xf32, #tpu.memory_space<vmem>>, vector<16xf32>,
        %add3A_1299 = arith.addf %get3A_1295, %get3A_1298 : vector<16xf32>
        %add3A_1300 = arith.addf %add3A_1299, %get3A_1285 : vector<16xf32>
        %swap3A_1301 = arith.index_cast %scan3A_99 : i32 to index
        %swap3A_1302 = arith.constant 592 : index
        %swap3A_1303 = tpu.vector_load %arg27[%swap3A_1301, %swap3A_1302] {strides = array<i32>} : memref<16x768xf32, #tpu.memory_space<vmem>>, vector<16xf32>,
        tpu.vector_store %arg27[%swap3A_1301, %swap3A_1302], %add3A_1300 {strides = array<i32>} : memref<16x768xf32, #tpu.memory_space<vmem>>, vector<16xf32>,
        %get3A_1304 = arith.index_cast %scan3A_99 : i32 to index
        %get3A_1305 = arith.constant 592 : index
        %get3A_1306 = tpu.vector_load %arg29[%get3A_1304, %get3A_1305] {strides = array<i32>} : memref<16x768xf32, #tpu.memory_space<vmem>>, vector<16xf32>,
        %get3A_1307 = arith.index_cast %scan3A_99 : i32 to index
        %get3A_1308 = arith.constant 592 : index
        %get3A_1309 = tpu.vector_load %arg30[%get3A_1307, %get3A_1308] {strides = array<i32>} : memref<16x768xf32, #tpu.memory_space<vmem>>, vector<16xf32>,
        %add3A_1310 = arith.addf %get3A_1306, %get3A_1309 : vector<16xf32>
        %add3A_1311 = arith.addf %add3A_1310, %get3A_1285 : vector<16xf32>
        %swap3A_1312 = arith.index_cast %scan3A_99 : i32 to index
        %swap3A_1313 = arith.constant 592 : index
        %swap3A_1314 = tpu.vector_load %arg29[%swap3A_1312, %swap3A_1313] {strides = array<i32>} : memref<16x768xf32, #tpu.memory_space<vmem>>, vector<16xf32>,
        tpu.vector_store %arg29[%swap3A_1312, %swap3A_1313], %add3A_1311 {strides = array<i32>} : memref<16x768xf32, #tpu.memory_space<vmem>>, vector<16xf32>,
        %get3A_1315 = arith.index_cast %scan3A_99 : i32 to index
        %get3A_1316 = arith.constant 608 : index
        %get3A_1317 = tpu.vector_load %arg26[%get3A_1315, %get3A_1316] {strides = array<i32>} : memref<16x768xf32, #tpu.memory_space<vmem>>, vector<16xf32>,
        %get3A_1318 = arith.index_cast %scan3A_99 : i32 to index
        %get3A_1319 = arith.constant 608 : index
        %get3A_1320 = tpu.vector_load %arg25[%get3A_1318, %get3A_1319] {strides = array<i32>} : memref<16x768xf32, #tpu.memory_space<vmem>>, vector<16xf32>,
        %add3A_1321 = arith.addf %get3A_1320, %get3A_1317 : vector<16xf32>
        %swap3A_1322 = arith.index_cast %scan3A_99 : i32 to index
        %swap3A_1323 = arith.constant 608 : index
        %swap3A_1324 = tpu.vector_load %arg25[%swap3A_1322, %swap3A_1323] {strides = array<i32>} : memref<16x768xf32, #tpu.memory_space<vmem>>, vector<16xf32>,
        tpu.vector_store %arg25[%swap3A_1322, %swap3A_1323], %add3A_1321 {strides = array<i32>} : memref<16x768xf32, #tpu.memory_space<vmem>>, vector<16xf32>,
        %get3A_1325 = arith.index_cast %scan3A_99 : i32 to index
        %get3A_1326 = arith.constant 608 : index
        %get3A_1327 = tpu.vector_load %arg27[%get3A_1325, %get3A_1326] {strides = array<i32>} : memref<16x768xf32, #tpu.memory_space<vmem>>, vector<16xf32>,
        %get3A_1328 = arith.index_cast %scan3A_99 : i32 to index
        %get3A_1329 = arith.constant 608 : index
        %get3A_1330 = tpu.vector_load %arg28[%get3A_1328, %get3A_1329] {strides = array<i32>} : memref<16x768xf32, #tpu.memory_space<vmem>>, vector<16xf32>,
        %add3A_1331 = arith.addf %get3A_1327, %get3A_1330 : vector<16xf32>
        %add3A_1332 = arith.addf %add3A_1331, %get3A_1317 : vector<16xf32>
        %swap3A_1333 = arith.index_cast %scan3A_99 : i32 to index
        %swap3A_1334 = arith.constant 608 : index
        %swap3A_1335 = tpu.vector_load %arg27[%swap3A_1333, %swap3A_1334] {strides = array<i32>} : memref<16x768xf32, #tpu.memory_space<vmem>>, vector<16xf32>,
        tpu.vector_store %arg27[%swap3A_1333, %swap3A_1334], %add3A_1332 {strides = array<i32>} : memref<16x768xf32, #tpu.memory_space<vmem>>, vector<16xf32>,
        %get3A_1336 = arith.index_cast %scan3A_99 : i32 to index
        %get3A_1337 = arith.constant 608 : index
        %get3A_1338 = tpu.vector_load %arg29[%get3A_1336, %get3A_1337] {strides = array<i32>} : memref<16x768xf32, #tpu.memory_space<vmem>>, vector<16xf32>,
        %get3A_1339 = arith.index_cast %scan3A_99 : i32 to index
        %get3A_1340 = arith.constant 608 : index
        %get3A_1341 = tpu.vector_load %arg30[%get3A_1339, %get3A_1340] {strides = array<i32>} : memref<16x768xf32, #tpu.memory_space<vmem>>, vector<16xf32>,
        %add3A_1342 = arith.addf %get3A_1338, %get3A_1341 : vector<16xf32>
        %add3A_1343 = arith.addf %add3A_1342, %get3A_1317 : vector<16xf32>
        %swap3A_1344 = arith.index_cast %scan3A_99 : i32 to index
        %swap3A_1345 = arith.constant 608 : index
        %swap3A_1346 = tpu.vector_load %arg29[%swap3A_1344, %swap3A_1345] {strides = array<i32>} : memref<16x768xf32, #tpu.memory_space<vmem>>, vector<16xf32>,
        tpu.vector_store %arg29[%swap3A_1344, %swap3A_1345], %add3A_1343 {strides = array<i32>} : memref<16x768xf32, #tpu.memory_space<vmem>>, vector<16xf32>,
        %get3A_1347 = arith.index_cast %scan3A_99 : i32 to index
        %get3A_1348 = arith.constant 624 : index
        %get3A_1349 = tpu.vector_load %arg26[%get3A_1347, %get3A_1348] {strides = array<i32>} : memref<16x768xf32, #tpu.memory_space<vmem>>, vector<16xf32>,
        %get3A_1350 = arith.index_cast %scan3A_99 : i32 to index
        %get3A_1351 = arith.constant 624 : index
        %get3A_1352 = tpu.vector_load %arg25[%get3A_1350, %get3A_1351] {strides = array<i32>} : memref<16x768xf32, #tpu.memory_space<vmem>>, vector<16xf32>,
        %add3A_1353 = arith.addf %get3A_1352, %get3A_1349 : vector<16xf32>
        %swap3A_1354 = arith.index_cast %scan3A_99 : i32 to index
        %swap3A_1355 = arith.constant 624 : index
        %swap3A_1356 = tpu.vector_load %arg25[%swap3A_1354, %swap3A_1355] {strides = array<i32>} : memref<16x768xf32, #tpu.memory_space<vmem>>, vector<16xf32>,
        tpu.vector_store %arg25[%swap3A_1354, %swap3A_1355], %add3A_1353 {strides = array<i32>} : memref<16x768xf32, #tpu.memory_space<vmem>>, vector<16xf32>,
        %get3A_1357 = arith.index_cast %scan3A_99 : i32 to index
        %get3A_1358 = arith.constant 624 : index
        %get3A_1359 = tpu.vector_load %arg27[%get3A_1357, %get3A_1358] {strides = array<i32>} : memref<16x768xf32, #tpu.memory_space<vmem>>, vector<16xf32>,
        %get3A_1360 = arith.index_cast %scan3A_99 : i32 to index
        %get3A_1361 = arith.constant 624 : index
        %get3A_1362 = tpu.vector_load %arg28[%get3A_1360, %get3A_1361] {strides = array<i32>} : memref<16x768xf32, #tpu.memory_space<vmem>>, vector<16xf32>,
        %add3A_1363 = arith.addf %get3A_1359, %get3A_1362 : vector<16xf32>
        %add3A_1364 = arith.addf %add3A_1363, %get3A_1349 : vector<16xf32>
        %swap3A_1365 = arith.index_cast %scan3A_99 : i32 to index
        %swap3A_1366 = arith.constant 624 : index
        %swap3A_1367 = tpu.vector_load %arg27[%swap3A_1365, %swap3A_1366] {strides = array<i32>} : memref<16x768xf32, #tpu.memory_space<vmem>>, vector<16xf32>,
        tpu.vector_store %arg27[%swap3A_1365, %swap3A_1366], %add3A_1364 {strides = array<i32>} : memref<16x768xf32, #tpu.memory_space<vmem>>, vector<16xf32>,
        %get3A_1368 = arith.index_cast %scan3A_99 : i32 to index
        %get3A_1369 = arith.constant 624 : index
        %get3A_1370 = tpu.vector_load %arg29[%get3A_1368, %get3A_1369] {strides = array<i32>} : memref<16x768xf32, #tpu.memory_space<vmem>>, vector<16xf32>,
        %get3A_1371 = arith.index_cast %scan3A_99 : i32 to index
        %get3A_1372 = arith.constant 624 : index
        %get3A_1373 = tpu.vector_load %arg30[%get3A_1371, %get3A_1372] {strides = array<i32>} : memref<16x768xf32, #tpu.memory_space<vmem>>, vector<16xf32>,
        %add3A_1374 = arith.addf %get3A_1370, %get3A_1373 : vector<16xf32>
        %add3A_1375 = arith.addf %add3A_1374, %get3A_1349 : vector<16xf32>
        %swap3A_1376 = arith.index_cast %scan3A_99 : i32 to index
        %swap3A_1377 = arith.constant 624 : index
        %swap3A_1378 = tpu.vector_load %arg29[%swap3A_1376, %swap3A_1377] {strides = array<i32>} : memref<16x768xf32, #tpu.memory_space<vmem>>, vector<16xf32>,
        tpu.vector_store %arg29[%swap3A_1376, %swap3A_1377], %add3A_1375 {strides = array<i32>} : memref<16x768xf32, #tpu.memory_space<vmem>>, vector<16xf32>,
        %get3A_1379 = arith.index_cast %scan3A_99 : i32 to index
        %get3A_1380 = arith.constant 640 : index
        %get3A_1381 = tpu.vector_load %arg26[%get3A_1379, %get3A_1380] {strides = array<i32>} : memref<16x768xf32, #tpu.memory_space<vmem>>, vector<16xf32>,
        %get3A_1382 = arith.index_cast %scan3A_99 : i32 to index
        %get3A_1383 = arith.constant 640 : index
        %get3A_1384 = tpu.vector_load %arg25[%get3A_1382, %get3A_1383] {strides = array<i32>} : memref<16x768xf32, #tpu.memory_space<vmem>>, vector<16xf32>,
        %add3A_1385 = arith.addf %get3A_1384, %get3A_1381 : vector<16xf32>
        %swap3A_1386 = arith.index_cast %scan3A_99 : i32 to index
        %swap3A_1387 = arith.constant 640 : index
        %swap3A_1388 = tpu.vector_load %arg25[%swap3A_1386, %swap3A_1387] {strides = array<i32>} : memref<16x768xf32, #tpu.memory_space<vmem>>, vector<16xf32>,
        tpu.vector_store %arg25[%swap3A_1386, %swap3A_1387], %add3A_1385 {strides = array<i32>} : memref<16x768xf32, #tpu.memory_space<vmem>>, vector<16xf32>,
        %get3A_1389 = arith.index_cast %scan3A_99 : i32 to index
        %get3A_1390 = arith.constant 640 : index
        %get3A_1391 = tpu.vector_load %arg27[%get3A_1389, %get3A_1390] {strides = array<i32>} : memref<16x768xf32, #tpu.memory_space<vmem>>, vector<16xf32>,
        %get3A_1392 = arith.index_cast %scan3A_99 : i32 to index
        %get3A_1393 = arith.constant 640 : index
        %get3A_1394 = tpu.vector_load %arg28[%get3A_1392, %get3A_1393] {strides = array<i32>} : memref<16x768xf32, #tpu.memory_space<vmem>>, vector<16xf32>,
        %add3A_1395 = arith.addf %get3A_1391, %get3A_1394 : vector<16xf32>
        %add3A_1396 = arith.addf %add3A_1395, %get3A_1381 : vector<16xf32>
        %swap3A_1397 = arith.index_cast %scan3A_99 : i32 to index
        %swap3A_1398 = arith.constant 640 : index
        %swap3A_1399 = tpu.vector_load %arg27[%swap3A_1397, %swap3A_1398] {strides = array<i32>} : memref<16x768xf32, #tpu.memory_space<vmem>>, vector<16xf32>,
        tpu.vector_store %arg27[%swap3A_1397, %swap3A_1398], %add3A_1396 {strides = array<i32>} : memref<16x768xf32, #tpu.memory_space<vmem>>, vector<16xf32>,
        %get3A_1400 = arith.index_cast %scan3A_99 : i32 to index
        %get3A_1401 = arith.constant 640 : index
        %get3A_1402 = tpu.vector_load %arg29[%get3A_1400, %get3A_1401] {strides = array<i32>} : memref<16x768xf32, #tpu.memory_space<vmem>>, vector<16xf32>,
        %get3A_1403 = arith.index_cast %scan3A_99 : i32 to index
        %get3A_1404 = arith.constant 640 : index
        %get3A_1405 = tpu.vector_load %arg30[%get3A_1403, %get3A_1404] {strides = array<i32>} : memref<16x768xf32, #tpu.memory_space<vmem>>, vector<16xf32>,
        %add3A_1406 = arith.addf %get3A_1402, %get3A_1405 : vector<16xf32>
        %add3A_1407 = arith.addf %add3A_1406, %get3A_1381 : vector<16xf32>
        %swap3A_1408 = arith.index_cast %scan3A_99 : i32 to index
        %swap3A_1409 = arith.constant 640 : index
        %swap3A_1410 = tpu.vector_load %arg29[%swap3A_1408, %swap3A_1409] {strides = array<i32>} : memref<16x768xf32, #tpu.memory_space<vmem>>, vector<16xf32>,
        tpu.vector_store %arg29[%swap3A_1408, %swap3A_1409], %add3A_1407 {strides = array<i32>} : memref<16x768xf32, #tpu.memory_space<vmem>>, vector<16xf32>,
        %get3A_1411 = arith.index_cast %scan3A_99 : i32 to index
        %get3A_1412 = arith.constant 656 : index
        %get3A_1413 = tpu.vector_load %arg26[%get3A_1411, %get3A_1412] {strides = array<i32>} : memref<16x768xf32, #tpu.memory_space<vmem>>, vector<16xf32>,
        %get3A_1414 = arith.index_cast %scan3A_99 : i32 to index
        %get3A_1415 = arith.constant 656 : index
        %get3A_1416 = tpu.vector_load %arg25[%get3A_1414, %get3A_1415] {strides = array<i32>} : memref<16x768xf32, #tpu.memory_space<vmem>>, vector<16xf32>,
        %add3A_1417 = arith.addf %get3A_1416, %get3A_1413 : vector<16xf32>
        %swap3A_1418 = arith.index_cast %scan3A_99 : i32 to index
        %swap3A_1419 = arith.constant 656 : index
        %swap3A_1420 = tpu.vector_load %arg25[%swap3A_1418, %swap3A_1419] {strides = array<i32>} : memref<16x768xf32, #tpu.memory_space<vmem>>, vector<16xf32>,
        tpu.vector_store %arg25[%swap3A_1418, %swap3A_1419], %add3A_1417 {strides = array<i32>} : memref<16x768xf32, #tpu.memory_space<vmem>>, vector<16xf32>,
        %get3A_1421 = arith.index_cast %scan3A_99 : i32 to index
        %get3A_1422 = arith.constant 656 : index
        %get3A_1423 = tpu.vector_load %arg27[%get3A_1421, %get3A_1422] {strides = array<i32>} : memref<16x768xf32, #tpu.memory_space<vmem>>, vector<16xf32>,
        %get3A_1424 = arith.index_cast %scan3A_99 : i32 to index
        %get3A_1425 = arith.constant 656 : index
        %get3A_1426 = tpu.vector_load %arg28[%get3A_1424, %get3A_1425] {strides = array<i32>} : memref<16x768xf32, #tpu.memory_space<vmem>>, vector<16xf32>,
        %add3A_1427 = arith.addf %get3A_1423, %get3A_1426 : vector<16xf32>
        %add3A_1428 = arith.addf %add3A_1427, %get3A_1413 : vector<16xf32>
        %swap3A_1429 = arith.index_cast %scan3A_99 : i32 to index
        %swap3A_1430 = arith.constant 656 : index
        %swap3A_1431 = tpu.vector_load %arg27[%swap3A_1429, %swap3A_1430] {strides = array<i32>} : memref<16x768xf32, #tpu.memory_space<vmem>>, vector<16xf32>,
        tpu.vector_store %arg27[%swap3A_1429, %swap3A_1430], %add3A_1428 {strides = array<i32>} : memref<16x768xf32, #tpu.memory_space<vmem>>, vector<16xf32>,
        %get3A_1432 = arith.index_cast %scan3A_99 : i32 to index
        %get3A_1433 = arith.constant 656 : index
        %get3A_1434 = tpu.vector_load %arg29[%get3A_1432, %get3A_1433] {strides = array<i32>} : memref<16x768xf32, #tpu.memory_space<vmem>>, vector<16xf32>,
        %get3A_1435 = arith.index_cast %scan3A_99 : i32 to index
        %get3A_1436 = arith.constant 656 : index
        %get3A_1437 = tpu.vector_load %arg30[%get3A_1435, %get3A_1436] {strides = array<i32>} : memref<16x768xf32, #tpu.memory_space<vmem>>, vector<16xf32>,
        %add3A_1438 = arith.addf %get3A_1434, %get3A_1437 : vector<16xf32>
        %add3A_1439 = arith.addf %add3A_1438, %get3A_1413 : vector<16xf32>
        %swap3A_1440 = arith.index_cast %scan3A_99 : i32 to index
        %swap3A_1441 = arith.constant 656 : index
        %swap3A_1442 = tpu.vector_load %arg29[%swap3A_1440, %swap3A_1441] {strides = array<i32>} : memref<16x768xf32, #tpu.memory_space<vmem>>, vector<16xf32>,
        tpu.vector_store %arg29[%swap3A_1440, %swap3A_1441], %add3A_1439 {strides = array<i32>} : memref<16x768xf32, #tpu.memory_space<vmem>>, vector<16xf32>,
        %get3A_1443 = arith.index_cast %scan3A_99 : i32 to index
        %get3A_1444 = arith.constant 672 : index
        %get3A_1445 = tpu.vector_load %arg26[%get3A_1443, %get3A_1444] {strides = array<i32>} : memref<16x768xf32, #tpu.memory_space<vmem>>, vector<16xf32>,
        %get3A_1446 = arith.index_cast %scan3A_99 : i32 to index
        %get3A_1447 = arith.constant 672 : index
        %get3A_1448 = tpu.vector_load %arg25[%get3A_1446, %get3A_1447] {strides = array<i32>} : memref<16x768xf32, #tpu.memory_space<vmem>>, vector<16xf32>,
        %add3A_1449 = arith.addf %get3A_1448, %get3A_1445 : vector<16xf32>
        %swap3A_1450 = arith.index_cast %scan3A_99 : i32 to index
        %swap3A_1451 = arith.constant 672 : index
        %swap3A_1452 = tpu.vector_load %arg25[%swap3A_1450, %swap3A_1451] {strides = array<i32>} : memref<16x768xf32, #tpu.memory_space<vmem>>, vector<16xf32>,
        tpu.vector_store %arg25[%swap3A_1450, %swap3A_1451], %add3A_1449 {strides = array<i32>} : memref<16x768xf32, #tpu.memory_space<vmem>>, vector<16xf32>,
        %get3A_1453 = arith.index_cast %scan3A_99 : i32 to index
        %get3A_1454 = arith.constant 672 : index
        %get3A_1455 = tpu.vector_load %arg27[%get3A_1453, %get3A_1454] {strides = array<i32>} : memref<16x768xf32, #tpu.memory_space<vmem>>, vector<16xf32>,
        %get3A_1456 = arith.index_cast %scan3A_99 : i32 to index
        %get3A_1457 = arith.constant 672 : index
        %get3A_1458 = tpu.vector_load %arg28[%get3A_1456, %get3A_1457] {strides = array<i32>} : memref<16x768xf32, #tpu.memory_space<vmem>>, vector<16xf32>,
        %add3A_1459 = arith.addf %get3A_1455, %get3A_1458 : vector<16xf32>
        %add3A_1460 = arith.addf %add3A_1459, %get3A_1445 : vector<16xf32>
        %swap3A_1461 = arith.index_cast %scan3A_99 : i32 to index
        %swap3A_1462 = arith.constant 672 : index
        %swap3A_1463 = tpu.vector_load %arg27[%swap3A_1461, %swap3A_1462] {strides = array<i32>} : memref<16x768xf32, #tpu.memory_space<vmem>>, vector<16xf32>,
        tpu.vector_store %arg27[%swap3A_1461, %swap3A_1462], %add3A_1460 {strides = array<i32>} : memref<16x768xf32, #tpu.memory_space<vmem>>, vector<16xf32>,
        %get3A_1464 = arith.index_cast %scan3A_99 : i32 to index
        %get3A_1465 = arith.constant 672 : index
        %get3A_1466 = tpu.vector_load %arg29[%get3A_1464, %get3A_1465] {strides = array<i32>} : memref<16x768xf32, #tpu.memory_space<vmem>>, vector<16xf32>,
        %get3A_1467 = arith.index_cast %scan3A_99 : i32 to index
        %get3A_1468 = arith.constant 672 : index
        %get3A_1469 = tpu.vector_load %arg30[%get3A_1467, %get3A_1468] {strides = array<i32>} : memref<16x768xf32, #tpu.memory_space<vmem>>, vector<16xf32>,
        %add3A_1470 = arith.addf %get3A_1466, %get3A_1469 : vector<16xf32>
        %add3A_1471 = arith.addf %add3A_1470, %get3A_1445 : vector<16xf32>
        %swap3A_1472 = arith.index_cast %scan3A_99 : i32 to index
        %swap3A_1473 = arith.constant 672 : index
        %swap3A_1474 = tpu.vector_load %arg29[%swap3A_1472, %swap3A_1473] {strides = array<i32>} : memref<16x768xf32, #tpu.memory_space<vmem>>, vector<16xf32>,
        tpu.vector_store %arg29[%swap3A_1472, %swap3A_1473], %add3A_1471 {strides = array<i32>} : memref<16x768xf32, #tpu.memory_space<vmem>>, vector<16xf32>,
        %get3A_1475 = arith.index_cast %scan3A_99 : i32 to index
        %get3A_1476 = arith.constant 688 : index
        %get3A_1477 = tpu.vector_load %arg26[%get3A_1475, %get3A_1476] {strides = array<i32>} : memref<16x768xf32, #tpu.memory_space<vmem>>, vector<16xf32>,
        %get3A_1478 = arith.index_cast %scan3A_99 : i32 to index
        %get3A_1479 = arith.constant 688 : index
        %get3A_1480 = tpu.vector_load %arg25[%get3A_1478, %get3A_1479] {strides = array<i32>} : memref<16x768xf32, #tpu.memory_space<vmem>>, vector<16xf32>,
        %add3A_1481 = arith.addf %get3A_1480, %get3A_1477 : vector<16xf32>
        %swap3A_1482 = arith.index_cast %scan3A_99 : i32 to index
        %swap3A_1483 = arith.constant 688 : index
        %swap3A_1484 = tpu.vector_load %arg25[%swap3A_1482, %swap3A_1483] {strides = array<i32>} : memref<16x768xf32, #tpu.memory_space<vmem>>, vector<16xf32>,
        tpu.vector_store %arg25[%swap3A_1482, %swap3A_1483], %add3A_1481 {strides = array<i32>} : memref<16x768xf32, #tpu.memory_space<vmem>>, vector<16xf32>,
        %get3A_1485 = arith.index_cast %scan3A_99 : i32 to index
        %get3A_1486 = arith.constant 688 : index
        %get3A_1487 = tpu.vector_load %arg27[%get3A_1485, %get3A_1486] {strides = array<i32>} : memref<16x768xf32, #tpu.memory_space<vmem>>, vector<16xf32>,
        %get3A_1488 = arith.index_cast %scan3A_99 : i32 to index
        %get3A_1489 = arith.constant 688 : index
        %get3A_1490 = tpu.vector_load %arg28[%get3A_1488, %get3A_1489] {strides = array<i32>} : memref<16x768xf32, #tpu.memory_space<vmem>>, vector<16xf32>,
        %add3A_1491 = arith.addf %get3A_1487, %get3A_1490 : vector<16xf32>
        %add3A_1492 = arith.addf %add3A_1491, %get3A_1477 : vector<16xf32>
        %swap3A_1493 = arith.index_cast %scan3A_99 : i32 to index
        %swap3A_1494 = arith.constant 688 : index
        %swap3A_1495 = tpu.vector_load %arg27[%swap3A_1493, %swap3A_1494] {strides = array<i32>} : memref<16x768xf32, #tpu.memory_space<vmem>>, vector<16xf32>,
        tpu.vector_store %arg27[%swap3A_1493, %swap3A_1494], %add3A_1492 {strides = array<i32>} : memref<16x768xf32, #tpu.memory_space<vmem>>, vector<16xf32>,
        %get3A_1496 = arith.index_cast %scan3A_99 : i32 to index
        %get3A_1497 = arith.constant 688 : index
        %get3A_1498 = tpu.vector_load %arg29[%get3A_1496, %get3A_1497] {strides = array<i32>} : memref<16x768xf32, #tpu.memory_space<vmem>>, vector<16xf32>,
        %get3A_1499 = arith.index_cast %scan3A_99 : i32 to index
        %get3A_1500 = arith.constant 688 : index
        %get3A_1501 = tpu.vector_load %arg30[%get3A_1499, %get3A_1500] {strides = array<i32>} : memref<16x768xf32, #tpu.memory_space<vmem>>, vector<16xf32>,
        %add3A_1502 = arith.addf %get3A_1498, %get3A_1501 : vector<16xf32>
        %add3A_1503 = arith.addf %add3A_1502, %get3A_1477 : vector<16xf32>
        %swap3A_1504 = arith.index_cast %scan3A_99 : i32 to index
        %swap3A_1505 = arith.constant 688 : index
        %swap3A_1506 = tpu.vector_load %arg29[%swap3A_1504, %swap3A_1505] {strides = array<i32>} : memref<16x768xf32, #tpu.memory_space<vmem>>, vector<16xf32>,
        tpu.vector_store %arg29[%swap3A_1504, %swap3A_1505], %add3A_1503 {strides = array<i32>} : memref<16x768xf32, #tpu.memory_space<vmem>>, vector<16xf32>,
        %get3A_1507 = arith.index_cast %scan3A_99 : i32 to index
        %get3A_1508 = arith.constant 704 : index
        %get3A_1509 = tpu.vector_load %arg26[%get3A_1507, %get3A_1508] {strides = array<i32>} : memref<16x768xf32, #tpu.memory_space<vmem>>, vector<16xf32>,
        %get3A_1510 = arith.index_cast %scan3A_99 : i32 to index
        %get3A_1511 = arith.constant 704 : index
        %get3A_1512 = tpu.vector_load %arg25[%get3A_1510, %get3A_1511] {strides = array<i32>} : memref<16x768xf32, #tpu.memory_space<vmem>>, vector<16xf32>,
        %add3A_1513 = arith.addf %get3A_1512, %get3A_1509 : vector<16xf32>
        %swap3A_1514 = arith.index_cast %scan3A_99 : i32 to index
        %swap3A_1515 = arith.constant 704 : index
        %swap3A_1516 = tpu.vector_load %arg25[%swap3A_1514, %swap3A_1515] {strides = array<i32>} : memref<16x768xf32, #tpu.memory_space<vmem>>, vector<16xf32>,
        tpu.vector_store %arg25[%swap3A_1514, %swap3A_1515], %add3A_1513 {strides = array<i32>} : memref<16x768xf32, #tpu.memory_space<vmem>>, vector<16xf32>,
        %get3A_1517 = arith.index_cast %scan3A_99 : i32 to index
        %get3A_1518 = arith.constant 704 : index
        %get3A_1519 = tpu.vector_load %arg27[%get3A_1517, %get3A_1518] {strides = array<i32>} : memref<16x768xf32, #tpu.memory_space<vmem>>, vector<16xf32>,
        %get3A_1520 = arith.index_cast %scan3A_99 : i32 to index
        %get3A_1521 = arith.constant 704 : index
        %get3A_1522 = tpu.vector_load %arg28[%get3A_1520, %get3A_1521] {strides = array<i32>} : memref<16x768xf32, #tpu.memory_space<vmem>>, vector<16xf32>,
        %add3A_1523 = arith.addf %get3A_1519, %get3A_1522 : vector<16xf32>
        %add3A_1524 = arith.addf %add3A_1523, %get3A_1509 : vector<16xf32>
        %swap3A_1525 = arith.index_cast %scan3A_99 : i32 to index
        %swap3A_1526 = arith.constant 704 : index
        %swap3A_1527 = tpu.vector_load %arg27[%swap3A_1525, %swap3A_1526] {strides = array<i32>} : memref<16x768xf32, #tpu.memory_space<vmem>>, vector<16xf32>,
        tpu.vector_store %arg27[%swap3A_1525, %swap3A_1526], %add3A_1524 {strides = array<i32>} : memref<16x768xf32, #tpu.memory_space<vmem>>, vector<16xf32>,
        %get3A_1528 = arith.index_cast %scan3A_99 : i32 to index
        %get3A_1529 = arith.constant 704 : index
        %get3A_1530 = tpu.vector_load %arg29[%get3A_1528, %get3A_1529] {strides = array<i32>} : memref<16x768xf32, #tpu.memory_space<vmem>>, vector<16xf32>,
        %get3A_1531 = arith.index_cast %scan3A_99 : i32 to index
        %get3A_1532 = arith.constant 704 : index
        %get3A_1533 = tpu.vector_load %arg30[%get3A_1531, %get3A_1532] {strides = array<i32>} : memref<16x768xf32, #tpu.memory_space<vmem>>, vector<16xf32>,
        %add3A_1534 = arith.addf %get3A_1530, %get3A_1533 : vector<16xf32>
        %add3A_1535 = arith.addf %add3A_1534, %get3A_1509 : vector<16xf32>
        %swap3A_1536 = arith.index_cast %scan3A_99 : i32 to index
        %swap3A_1537 = arith.constant 704 : index
        %swap3A_1538 = tpu.vector_load %arg29[%swap3A_1536, %swap3A_1537] {strides = array<i32>} : memref<16x768xf32, #tpu.memory_space<vmem>>, vector<16xf32>,
        tpu.vector_store %arg29[%swap3A_1536, %swap3A_1537], %add3A_1535 {strides = array<i32>} : memref<16x768xf32, #tpu.memory_space<vmem>>, vector<16xf32>,
        %get3A_1539 = arith.index_cast %scan3A_99 : i32 to index
        %get3A_1540 = arith.constant 720 : index
        %get3A_1541 = tpu.vector_load %arg26[%get3A_1539, %get3A_1540] {strides = array<i32>} : memref<16x768xf32, #tpu.memory_space<vmem>>, vector<16xf32>,
        %get3A_1542 = arith.index_cast %scan3A_99 : i32 to index
        %get3A_1543 = arith.constant 720 : index
        %get3A_1544 = tpu.vector_load %arg25[%get3A_1542, %get3A_1543] {strides = array<i32>} : memref<16x768xf32, #tpu.memory_space<vmem>>, vector<16xf32>,
        %add3A_1545 = arith.addf %get3A_1544, %get3A_1541 : vector<16xf32>
        %swap3A_1546 = arith.index_cast %scan3A_99 : i32 to index
        %swap3A_1547 = arith.constant 720 : index
        %swap3A_1548 = tpu.vector_load %arg25[%swap3A_1546, %swap3A_1547] {strides = array<i32>} : memref<16x768xf32, #tpu.memory_space<vmem>>, vector<16xf32>,
        tpu.vector_store %arg25[%swap3A_1546, %swap3A_1547], %add3A_1545 {strides = array<i32>} : memref<16x768xf32, #tpu.memory_space<vmem>>, vector<16xf32>,
        %get3A_1549 = arith.index_cast %scan3A_99 : i32 to index
        %get3A_1550 = arith.constant 720 : index
        %get3A_1551 = tpu.vector_load %arg27[%get3A_1549, %get3A_1550] {strides = array<i32>} : memref<16x768xf32, #tpu.memory_space<vmem>>, vector<16xf32>,
        %get3A_1552 = arith.index_cast %scan3A_99 : i32 to index
        %get3A_1553 = arith.constant 720 : index
        %get3A_1554 = tpu.vector_load %arg28[%get3A_1552, %get3A_1553] {strides = array<i32>} : memref<16x768xf32, #tpu.memory_space<vmem>>, vector<16xf32>,
        %add3A_1555 = arith.addf %get3A_1551, %get3A_1554 : vector<16xf32>
        %add3A_1556 = arith.addf %add3A_1555, %get3A_1541 : vector<16xf32>
        %swap3A_1557 = arith.index_cast %scan3A_99 : i32 to index
        %swap3A_1558 = arith.constant 720 : index
        %swap3A_1559 = tpu.vector_load %arg27[%swap3A_1557, %swap3A_1558] {strides = array<i32>} : memref<16x768xf32, #tpu.memory_space<vmem>>, vector<16xf32>,
        tpu.vector_store %arg27[%swap3A_1557, %swap3A_1558], %add3A_1556 {strides = array<i32>} : memref<16x768xf32, #tpu.memory_space<vmem>>, vector<16xf32>,
        %get3A_1560 = arith.index_cast %scan3A_99 : i32 to index
        %get3A_1561 = arith.constant 720 : index
        %get3A_1562 = tpu.vector_load %arg29[%get3A_1560, %get3A_1561] {strides = array<i32>} : memref<16x768xf32, #tpu.memory_space<vmem>>, vector<16xf32>,
        %get3A_1563 = arith.index_cast %scan3A_99 : i32 to index
        %get3A_1564 = arith.constant 720 : index
        %get3A_1565 = tpu.vector_load %arg30[%get3A_1563, %get3A_1564] {strides = array<i32>} : memref<16x768xf32, #tpu.memory_space<vmem>>, vector<16xf32>,
        %add3A_1566 = arith.addf %get3A_1562, %get3A_1565 : vector<16xf32>
        %add3A_1567 = arith.addf %add3A_1566, %get3A_1541 : vector<16xf32>
        %swap3A_1568 = arith.index_cast %scan3A_99 : i32 to index
        %swap3A_1569 = arith.constant 720 : index
        %swap3A_1570 = tpu.vector_load %arg29[%swap3A_1568, %swap3A_1569] {strides = array<i32>} : memref<16x768xf32, #tpu.memory_space<vmem>>, vector<16xf32>,
        tpu.vector_store %arg29[%swap3A_1568, %swap3A_1569], %add3A_1567 {strides = array<i32>} : memref<16x768xf32, #tpu.memory_space<vmem>>, vector<16xf32>,
        %get3A_1571 = arith.index_cast %scan3A_99 : i32 to index
        %get3A_1572 = arith.constant 736 : index
        %get3A_1573 = tpu.vector_load %arg26[%get3A_1571, %get3A_1572] {strides = array<i32>} : memref<16x768xf32, #tpu.memory_space<vmem>>, vector<16xf32>,
        %get3A_1574 = arith.index_cast %scan3A_99 : i32 to index
        %get3A_1575 = arith.constant 736 : index
        %get3A_1576 = tpu.vector_load %arg25[%get3A_1574, %get3A_1575] {strides = array<i32>} : memref<16x768xf32, #tpu.memory_space<vmem>>, vector<16xf32>,
        %add3A_1577 = arith.addf %get3A_1576, %get3A_1573 : vector<16xf32>
        %swap3A_1578 = arith.index_cast %scan3A_99 : i32 to index
        %swap3A_1579 = arith.constant 736 : index
        %swap3A_1580 = tpu.vector_load %arg25[%swap3A_1578, %swap3A_1579] {strides = array<i32>} : memref<16x768xf32, #tpu.memory_space<vmem>>, vector<16xf32>,
        tpu.vector_store %arg25[%swap3A_1578, %swap3A_1579], %add3A_1577 {strides = array<i32>} : memref<16x768xf32, #tpu.memory_space<vmem>>, vector<16xf32>,
        %get3A_1581 = arith.index_cast %scan3A_99 : i32 to index
        %get3A_1582 = arith.constant 736 : index
        %get3A_1583 = tpu.vector_load %arg27[%get3A_1581, %get3A_1582] {strides = array<i32>} : memref<16x768xf32, #tpu.memory_space<vmem>>, vector<16xf32>,
        %get3A_1584 = arith.index_cast %scan3A_99 : i32 to index
        %get3A_1585 = arith.constant 736 : index
        %get3A_1586 = tpu.vector_load %arg28[%get3A_1584, %get3A_1585] {strides = array<i32>} : memref<16x768xf32, #tpu.memory_space<vmem>>, vector<16xf32>,
        %add3A_1587 = arith.addf %get3A_1583, %get3A_1586 : vector<16xf32>
        %add3A_1588 = arith.addf %add3A_1587, %get3A_1573 : vector<16xf32>
        %swap3A_1589 = arith.index_cast %scan3A_99 : i32 to index
        %swap3A_1590 = arith.constant 736 : index
        %swap3A_1591 = tpu.vector_load %arg27[%swap3A_1589, %swap3A_1590] {strides = array<i32>} : memref<16x768xf32, #tpu.memory_space<vmem>>, vector<16xf32>,
        tpu.vector_store %arg27[%swap3A_1589, %swap3A_1590], %add3A_1588 {strides = array<i32>} : memref<16x768xf32, #tpu.memory_space<vmem>>, vector<16xf32>,
        %get3A_1592 = arith.index_cast %scan3A_99 : i32 to index
        %get3A_1593 = arith.constant 736 : index
        %get3A_1594 = tpu.vector_load %arg29[%get3A_1592, %get3A_1593] {strides = array<i32>} : memref<16x768xf32, #tpu.memory_space<vmem>>, vector<16xf32>,
        %get3A_1595 = arith.index_cast %scan3A_99 : i32 to index
        %get3A_1596 = arith.constant 736 : index
        %get3A_1597 = tpu.vector_load %arg30[%get3A_1595, %get3A_1596] {strides = array<i32>} : memref<16x768xf32, #tpu.memory_space<vmem>>, vector<16xf32>,
        %add3A_1598 = arith.addf %get3A_1594, %get3A_1597 : vector<16xf32>
        %add3A_1599 = arith.addf %add3A_1598, %get3A_1573 : vector<16xf32>
        %swap3A_1600 = arith.index_cast %scan3A_99 : i32 to index
        %swap3A_1601 = arith.constant 736 : index
        %swap3A_1602 = tpu.vector_load %arg29[%swap3A_1600, %swap3A_1601] {strides = array<i32>} : memref<16x768xf32, #tpu.memory_space<vmem>>, vector<16xf32>,
        tpu.vector_store %arg29[%swap3A_1600, %swap3A_1601], %add3A_1599 {strides = array<i32>} : memref<16x768xf32, #tpu.memory_space<vmem>>, vector<16xf32>,
        %get3A_1603 = arith.index_cast %scan3A_99 : i32 to index
        %get3A_1604 = arith.constant 752 : index
        %get3A_1605 = tpu.vector_load %arg26[%get3A_1603, %get3A_1604] {strides = array<i32>} : memref<16x768xf32, #tpu.memory_space<vmem>>, vector<16xf32>,
        %get3A_1606 = arith.index_cast %scan3A_99 : i32 to index
        %get3A_1607 = arith.constant 752 : index
        %get3A_1608 = tpu.vector_load %arg25[%get3A_1606, %get3A_1607] {strides = array<i32>} : memref<16x768xf32, #tpu.memory_space<vmem>>, vector<16xf32>,
        %add3A_1609 = arith.addf %get3A_1608, %get3A_1605 : vector<16xf32>
        %swap3A_1610 = arith.index_cast %scan3A_99 : i32 to index
        %swap3A_1611 = arith.constant 752 : index
        %swap3A_1612 = tpu.vector_load %arg25[%swap3A_1610, %swap3A_1611] {strides = array<i32>} : memref<16x768xf32, #tpu.memory_space<vmem>>, vector<16xf32>,
        tpu.vector_store %arg25[%swap3A_1610, %swap3A_1611], %add3A_1609 {strides = array<i32>} : memref<16x768xf32, #tpu.memory_space<vmem>>, vector<16xf32>,
        %get3A_1613 = arith.index_cast %scan3A_99 : i32 to index
        %get3A_1614 = arith.constant 752 : index
        %get3A_1615 = tpu.vector_load %arg27[%get3A_1613, %get3A_1614] {strides = array<i32>} : memref<16x768xf32, #tpu.memory_space<vmem>>, vector<16xf32>,
        %get3A_1616 = arith.index_cast %scan3A_99 : i32 to index
        %get3A_1617 = arith.constant 752 : index
        %get3A_1618 = tpu.vector_load %arg28[%get3A_1616, %get3A_1617] {strides = array<i32>} : memref<16x768xf32, #tpu.memory_space<vmem>>, vector<16xf32>,
        %add3A_1619 = arith.addf %get3A_1615, %get3A_1618 : vector<16xf32>
        %add3A_1620 = arith.addf %add3A_1619, %get3A_1605 : vector<16xf32>
        %swap3A_1621 = arith.index_cast %scan3A_99 : i32 to index
        %swap3A_1622 = arith.constant 752 : index
        %swap3A_1623 = tpu.vector_load %arg27[%swap3A_1621, %swap3A_1622] {strides = array<i32>} : memref<16x768xf32, #tpu.memory_space<vmem>>, vector<16xf32>,
        tpu.vector_store %arg27[%swap3A_1621, %swap3A_1622], %add3A_1620 {strides = array<i32>} : memref<16x768xf32, #tpu.memory_space<vmem>>, vector<16xf32>,
        %get3A_1624 = arith.index_cast %scan3A_99 : i32 to index
        %get3A_1625 = arith.constant 752 : index
        %get3A_1626 = tpu.vector_load %arg29[%get3A_1624, %get3A_1625] {strides = array<i32>} : memref<16x768xf32, #tpu.memory_space<vmem>>, vector<16xf32>,
        %get3A_1627 = arith.index_cast %scan3A_99 : i32 to index
        %get3A_1628 = arith.constant 752 : index
        %get3A_1629 = tpu.vector_load %arg30[%get3A_1627, %get3A_1628] {strides = array<i32>} : memref<16x768xf32, #tpu.memory_space<vmem>>, vector<16xf32>,
        %add3A_1630 = arith.addf %get3A_1626, %get3A_1629 : vector<16xf32>
        %add3A_1631 = arith.addf %add3A_1630, %get3A_1605 : vector<16xf32>
        %swap3A_1632 = arith.index_cast %scan3A_99 : i32 to index
        %swap3A_1633 = arith.constant 752 : index
        %swap3A_1634 = tpu.vector_load %arg29[%swap3A_1632, %swap3A_1633] {strides = array<i32>} : memref<16x768xf32, #tpu.memory_space<vmem>>, vector<16xf32>,
        tpu.vector_store %arg29[%swap3A_1632, %swap3A_1633], %add3A_1631 {strides = array<i32>} : memref<16x768xf32, #tpu.memory_space<vmem>>, vector<16xf32>,
      }
      %scan3A_78 = arith.constant 16 : i32
      %lt3A_79 = arith.cmpi slt, %add3A_70, %get3A_35 : vector<16xi32>
      %add3A_80 = arith.addi %add3A_38, %add3A_70 : vector<16xi32>
      %mul3A_81 = arith.constant 16 : i32
      %mul3A_82 = vector.broadcast %mul3A_81 : i32 to vector<16xi32>
      %mul3A_83 = arith.muli %add3A_80, %mul3A_82 : vector<16xi32>
      %add3A_84 = arith.addi %mul3A_83, %get3A_37 : vector<16xi32>
      %select_n3A_85 = arith.select %lt3A_79, %add3A_84, %add3A_41 : vector<16xi1>, vector<16xi32>
      %mul3A_86 = arith.constant 16 : i32
      %mul3A_87 = vector.broadcast %mul3A_86 : i32 to vector<16xi32>
      %mul3A_88 = arith.muli %get3A_35, %mul3A_87 : vector<16xi32>
      %add3A_89 = arith.addi %add3A_84, %mul3A_88 : vector<16xi32>
      %select_n3A_90 = arith.select %lt3A_79, %add3A_89, %add3A_41 : vector<16xi1>, vector<16xi32>
      %mul3A_91 = arith.constant 2 : i32
      %mul3A_92 = vector.broadcast %mul3A_91 : i32 to vector<16xi32>
      %mul3A_93 = arith.muli %mul3A_92, %get3A_35 : vector<16xi32>
      %mul3A_94 = arith.constant 16 : i32
      %mul3A_95 = vector.broadcast %mul3A_94 : i32 to vector<16xi32>
      %mul3A_96 = arith.muli %mul3A_93, %mul3A_95 : vector<16xi32>
      %add3A_97 = arith.addi %add3A_84, %mul3A_96 : vector<16xi32>
      %select_n3A_98 = arith.select %lt3A_79, %add3A_97, %add3A_41 : vector<16xi1>, vector<16xi32>
      "tpu.region"() ({
        %run_scoped3A = tpu.sem_alloc : memref<!tpu.dma_semaphore, #tpu.memory_space<semaphore_mem>>
        %dma_start3A = arith.constant 0 : i32
        %dma_start3A_99 = arith.constant 0 : i32
        %dma_start3A_100 = tpu.memref_slice %arg17[%dma_start3A, %dma_start3A_99] : memref<34832x768xf32, #tpu.memory_space<hbm>> -> memref<34832x768xf32, #tpu.memory_space<hbm>>
        tpu.enqueue_indirect_dma source(%arg25 : memref<16x768xf32, #tpu.memory_space<vmem>>) target(%dma_start3A_100 : memref<34832x768xf32, #tpu.memory_space<hbm>>) offsets(%select_n3A_85 : vector<16xi32>) semaphore(%run_scoped3A : memref<!tpu.dma_semaphore, #tpu.memory_space<semaphore_mem>>)
        %dma_wait3A = arith.constant 0 : i32
        %dma_wait3A_101 = arith.constant 0 : i32
        %dma_wait3A_102 = tpu.memref_slice %arg17[%dma_wait3A, %dma_wait3A_101] : memref<34832x768xf32, #tpu.memory_space<hbm>> -> memref<34832x768xf32, #tpu.memory_space<hbm>>
        tpu.wait_indirect_dma semaphore(%run_scoped3A : memref<!tpu.dma_semaphore, #tpu.memory_space<semaphore_mem>>) src(%arg25 : memref<16x768xf32, #tpu.memory_space<vmem>>) dst(%dma_wait3A_102 : memref<34832x768xf32, #tpu.memory_space<hbm>>)
        tpu.yield
      }) : () -> ()
      "tpu.region"() ({
        %run_scoped3A = tpu.sem_alloc : memref<!tpu.dma_semaphore, #tpu.memory_space<semaphore_mem>>
        %dma_start3A = arith.constant 0 : i32
        %dma_start3A_99 = arith.constant 0 : i32
        %dma_start3A_100 = tpu.memref_slice %arg17[%dma_start3A, %dma_start3A_99] : memref<34832x768xf32, #tpu.memory_space<hbm>> -> memref<34832x768xf32, #tpu.memory_space<hbm>>
        tpu.enqueue_indirect_dma source(%arg27 : memref<16x768xf32, #tpu.memory_space<vmem>>) target(%dma_start3A_100 : memref<34832x768xf32, #tpu.memory_space<hbm>>) offsets(%select_n3A_90 : vector<16xi32>) semaphore(%run_scoped3A : memref<!tpu.dma_semaphore, #tpu.memory_space<semaphore_mem>>)
        %dma_wait3A = arith.constant 0 : i32
        %dma_wait3A_101 = arith.constant 0 : i32
        %dma_wait3A_102 = tpu.memref_slice %arg17[%dma_wait3A, %dma_wait3A_101] : memref<34832x768xf32, #tpu.memory_space<hbm>> -> memref<34832x768xf32, #tpu.memory_space<hbm>>
        tpu.wait_indirect_dma semaphore(%run_scoped3A : memref<!tpu.dma_semaphore, #tpu.memory_space<semaphore_mem>>) src(%arg27 : memref<16x768xf32, #tpu.memory_space<vmem>>) dst(%dma_wait3A_102 : memref<34832x768xf32, #tpu.memory_space<hbm>>)
        tpu.yield
      }) : () -> ()
      "tpu.region"() ({
        %run_scoped3A = tpu.sem_alloc : memref<!tpu.dma_semaphore, #tpu.memory_space<semaphore_mem>>
        %dma_start3A = arith.constant 0 : i32
        %dma_start3A_99 = arith.constant 0 : i32
        %dma_start3A_100 = tpu.memref_slice %arg17[%dma_start3A, %dma_start3A_99] : memref<34832x768xf32, #tpu.memory_space<hbm>> -> memref<34832x768xf32, #tpu.memory_space<hbm>>
        tpu.enqueue_indirect_dma source(%arg29 : memref<16x768xf32, #tpu.memory_space<vmem>>) target(%dma_start3A_100 : memref<34832x768xf32, #tpu.memory_space<hbm>>) offsets(%select_n3A_98 : vector<16xi32>) semaphore(%run_scoped3A : memref<!tpu.dma_semaphore, #tpu.memory_space<semaphore_mem>>)
        %dma_wait3A = arith.constant 0 : i32
        %dma_wait3A_101 = arith.constant 0 : i32
        %dma_wait3A_102 = tpu.memref_slice %arg17[%dma_wait3A, %dma_wait3A_101] : memref<34832x768xf32, #tpu.memory_space<hbm>> -> memref<34832x768xf32, #tpu.memory_space<hbm>>
        tpu.wait_indirect_dma semaphore(%run_scoped3A : memref<!tpu.dma_semaphore, #tpu.memory_space<semaphore_mem>>) src(%arg29 : memref<16x768xf32, #tpu.memory_space<vmem>>) dst(%dma_wait3A_102 : memref<34832x768xf32, #tpu.memory_space<hbm>>)
        tpu.yield
      }) : () -> ()
    }
    %scan3A_52 = arith.constant 16 : i32
    %mul3A_53 = arith.constant 3 : i32
    %mul3A_54 = vector.broadcast %mul3A_53 : i32 to vector<16xi32>
    %mul3A_55 = arith.muli %mul3A_54, %get3A_35 : vector<16xi32>
    %add3A_56 = arith.addi %add3A_38, %mul3A_55 : vector<16xi32>
    %scan3A_57 = arith.constant 0 : i32
    %scan3A_58 = arith.constant 0 : i32
    %scan3A_59 = arith.constant 68 : i32
    %scan3A_60 = arith.addi %scan3A_58, %scan3A_59 : i32
    %scan3A_61 = arith.constant 1 : i32
    scf.for %scan3A_63 = %scan3A_58 to %scan3A_60 step %scan3A_61  : i32 {
      %mul3A_64 = arith.constant 2 : i32
      %mul3A_65 = arith.muli %mul3A_64, %scan3A_63 : i32
      %add3A_66 = arith.addi %select_n3A_30, %mul3A_65 : i32
      %mul3A_67 = arith.constant 16 : i32
      %mul3A_68 = arith.muli %add3A_66, %mul3A_67 : i32
      %add3A_69 = vector.broadcast %mul3A_68 : i32 to vector<16xi32>
      %add3A_70 = arith.addi %add3A_69, %iota3A : vector<16xi32>
      %ge3A = arith.cmpi sge, %add3A_70, %add3A_56 : vector<16xi32>
      %mul3A_71 = arith.constant 16 : i32
      %mul3A_72 = vector.broadcast %mul3A_71 : i32 to vector<16xi32>
      %mul3A_73 = arith.muli %add3A_70, %mul3A_72 : vector<16xi32>
      %add3A_74 = arith.addi %mul3A_73, %get3A_37 : vector<16xi32>
      %select_n3A_75 = arith.select %ge3A, %add3A_74, %add3A_41 : vector<16xi1>, vector<16xi32>
      "tpu.region"() ({
        %run_scoped3A = tpu.sem_alloc : memref<!tpu.dma_semaphore, #tpu.memory_space<semaphore_mem>>
        %dma_start3A = arith.constant 0 : i32
        %dma_start3A_76 = arith.constant 0 : i32
        %dma_start3A_77 = tpu.memref_slice %arg17[%dma_start3A, %dma_start3A_76] : memref<34832x768xf32, #tpu.memory_space<hbm>> -> memref<34832x768xf32, #tpu.memory_space<hbm>>
        tpu.enqueue_indirect_dma source(%arg31 : memref<16x768xf32, #tpu.memory_space<vmem>>) target(%dma_start3A_77 : memref<34832x768xf32, #tpu.memory_space<hbm>>) offsets(%select_n3A_75 : vector<16xi32>) semaphore(%run_scoped3A : memref<!tpu.dma_semaphore, #tpu.memory_space<semaphore_mem>>)
        %dma_wait3A = arith.constant 0 : i32
        %dma_wait3A_78 = arith.constant 0 : i32
        %dma_wait3A_79 = tpu.memref_slice %arg17[%dma_wait3A, %dma_wait3A_78] : memref<34832x768xf32, #tpu.memory_space<hbm>> -> memref<34832x768xf32, #tpu.memory_space<hbm>>
        tpu.wait_indirect_dma semaphore(%run_scoped3A : memref<!tpu.dma_semaphore, #tpu.memory_space<semaphore_mem>>) src(%arg31 : memref<16x768xf32, #tpu.memory_space<vmem>>) dst(%dma_wait3A_79 : memref<34832x768xf32, #tpu.memory_space<hbm>>)
        tpu.yield
      }) : () -> ()
    }
    %scan3A_62 = arith.constant 68 : i32
    return
  }
}

module attributes {stable_mosaic.version = 14 : i64} {
  func.func @_tile_kernel(%arg0: i32, %arg1: memref<16xi32, #tpu.memory_space<smem>>, %arg2: memref<16xi32, #tpu.memory_space<smem>>, %arg3: memref<16xi32, #tpu.memory_space<smem>>, %arg4: memref<1x1x512xi32, #tpu.memory_space<smem>>, %arg5: memref<1x512x2xi32, #tpu.memory_space<smem>>, %arg6: memref<1x1x128xi32, #tpu.memory_space<smem>>, %arg7: memref<1x128x2xi32, #tpu.memory_space<smem>>, %arg8: memref<1x1x512xi32, #tpu.memory_space<vmem>>, %arg9: memref<1x1x128xi32, #tpu.memory_space<vmem>>, %arg10: memref<1x1x512xi32, #tpu.memory_space<vmem>>, %arg11: memref<512x16x768xf32, #tpu.memory_space<any>>, %arg12: memref<128x16x768xf32, #tpu.memory_space<any>>, %arg13: memref<768x768xf32, #tpu.memory_space<vmem>>, %arg14: memref<1x768xf32, #tpu.memory_space<vmem>>, %arg15: memref<512x768xf32, #tpu.memory_space<vmem>>, %arg16: memref<2048x768xf32, #tpu.memory_space<vmem>>, %arg17: memref<640x16x768xf32, #tpu.memory_space<any>>, %arg18: memref<1x1x2176xi32, #tpu.memory_space<vmem>>, %arg19: memref<648x768xf32, #tpu.memory_space<vmem>>, %arg20: memref<512x768xf32, #tpu.memory_space<vmem>>, %arg21: memref<128x768xf32, #tpu.memory_space<vmem>>, %arg22: memref<512x768xf32, #tpu.memory_space<vmem>>, %arg23: memref<1x2432xi32, #tpu.memory_space<vmem>>, %arg24: memref<!tpu.dma_semaphore, #tpu.memory_space<semaphore_mem>>, %arg25: memref<!tpu.dma_semaphore, #tpu.memory_space<semaphore_mem>>, %arg26: memref<!tpu.dma_semaphore, #tpu.memory_space<semaphore_mem>>) attributes {dimension_semantics = [#tpu.dimension_semantics<arbitrary>], iteration_bounds = array<i64: 16>, scalar_prefetch = 0 : i64, scratch_operands = 8 : i64, tpu.core_type = #tpu.core_type<tc>, window_params = [{transform_indices = @transform_0, window_bounds = array<i64: 16>}, {transform_indices = @transform_1, window_bounds = array<i64: 16>}, {transform_indices = @transform_2, window_bounds = array<i64: 16>}, {transform_indices = @transform_3, window_bounds = array<i64: 1, 1, 512>}, {transform_indices = @transform_4, window_bounds = array<i64: 1, 512, 2>}, {transform_indices = @transform_5, window_bounds = array<i64: 1, 1, 128>}, {transform_indices = @transform_6, window_bounds = array<i64: 1, 128, 2>}, {transform_indices = @transform_7, window_bounds = array<i64: 1, 1, 512>}, {transform_indices = @transform_8, window_bounds = array<i64: 1, 1, 128>}, {transform_indices = @transform_9, window_bounds = array<i64: 1, 1, 512>}, {}, {}, {pipeline_mode = #tpu.pipeline_mode<synchronous>, transform_indices = @transform_12, window_bounds = array<i64: 768, 768>}, {pipeline_mode = #tpu.pipeline_mode<synchronous>, transform_indices = @transform_13, window_bounds = array<i64: 1, 768>}, {pipeline_mode = #tpu.pipeline_mode<synchronous>, transform_indices = @transform_14, window_bounds = array<i64: 512, 768>}, {pipeline_mode = #tpu.pipeline_mode<synchronous>, transform_indices = @transform_15, window_bounds = array<i64: 2048, 768>}, {}, {transform_indices = @transform_17, window_bounds = array<i64: 1, 1, 2176>}]} {
    %get3A = arith.index_cast %arg0 : i32 to index
    %get3A_0 = memref.load %arg1[%get3A] : memref<16xi32, #tpu.memory_space<smem>>
    %get3A_1 = arith.index_cast %arg0 : i32 to index
    %get3A_2 = memref.load %arg2[%get3A_1] : memref<16xi32, #tpu.memory_space<smem>>
    %get3A_3 = arith.index_cast %arg0 : i32 to index
    %get3A_4 = memref.load %arg3[%get3A_3] : memref<16xi32, #tpu.memory_space<smem>>
    %dma_start3A = arith.constant 0 : i32
    %dma_start3A_5 = arith.constant 0 : i32
    %dma_start3A_6 = tpu.memref_slice %arg11[%dma_start3A, %arg0, %dma_start3A_5] : memref<512x16x768xf32, #tpu.memory_space<any>> -> memref<512x1x768xf32, #tpu.memory_space<any>>
    %dma_start3A_7 = tpu.memref_squeeze %dma_start3A_6 : memref<512x1x768xf32, #tpu.memory_space<any>> -> memref<512x768xf32, #tpu.memory_space<any>>
    tpu.enqueue_dma source(%dma_start3A_7 : memref<512x768xf32, #tpu.memory_space<any>>) target(%arg20 : memref<512x768xf32, #tpu.memory_space<vmem>>) target_semaphore(%arg24 : memref<!tpu.dma_semaphore, #tpu.memory_space<semaphore_mem>>)
    %dma_start3A_8 = arith.constant 0 : i32
    %dma_start3A_9 = arith.constant 0 : i32
    %dma_start3A_10 = tpu.memref_slice %arg12[%dma_start3A_8, %arg0, %dma_start3A_9] : memref<128x16x768xf32, #tpu.memory_space<any>> -> memref<128x1x768xf32, #tpu.memory_space<any>>
    %dma_start3A_11 = tpu.memref_squeeze %dma_start3A_10 : memref<128x1x768xf32, #tpu.memory_space<any>> -> memref<128x768xf32, #tpu.memory_space<any>>
    tpu.enqueue_dma source(%dma_start3A_11 : memref<128x768xf32, #tpu.memory_space<any>>) target(%arg21 : memref<128x768xf32, #tpu.memory_space<vmem>>) target_semaphore(%arg25 : memref<!tpu.dma_semaphore, #tpu.memory_space<semaphore_mem>>)
    %broadcast_in_dim3A = arith.constant 0.000000e+00 : f32
    %broadcast_in_dim3A_12 = vector.broadcast %broadcast_in_dim3A : f32 to vector<648x768xf32>
    %swap3A = arith.constant 0 : index
    %swap3A_13 = arith.constant 0 : index
    %swap3A_14 = vector.load %arg19[%swap3A, %swap3A_13] : memref<648x768xf32, #tpu.memory_space<vmem>>, vector<648x768xf32>
    tpu.vector_store %arg19[%swap3A, %swap3A_13], %broadcast_in_dim3A_12 {strides = array<i32>} : memref<648x768xf32, #tpu.memory_space<vmem>>, vector<648x768xf32>,
    %dma_wait3A = arith.constant 0 : i32
    %dma_wait3A_15 = arith.constant 0 : i32
    %dma_wait3A_16 = tpu.memref_slice %arg11[%dma_wait3A, %arg0, %dma_wait3A_15] : memref<512x16x768xf32, #tpu.memory_space<any>> -> memref<512x1x768xf32, #tpu.memory_space<any>>
    %dma_wait3A_17 = tpu.memref_squeeze %dma_wait3A_16 : memref<512x1x768xf32, #tpu.memory_space<any>> -> memref<512x768xf32, #tpu.memory_space<any>>
    tpu.wait_dma2 semaphore(%arg24 : memref<!tpu.dma_semaphore, #tpu.memory_space<semaphore_mem>>) src(%dma_wait3A_17 : memref<512x768xf32, #tpu.memory_space<any>>) dst(%arg20 : memref<512x768xf32, #tpu.memory_space<vmem>>)
    %get3A_18 = arith.constant 0 : index
    %get3A_19 = arith.constant 0 : index
    %get3A_20 = vector.load %arg20[%get3A_18, %get3A_19] : memref<512x768xf32, #tpu.memory_space<vmem>>, vector<512x768xf32>
    %get3A_21 = arith.constant 0 : index
    %get3A_22 = arith.constant 0 : index
    %get3A_23 = vector.load %arg13[%get3A_21, %get3A_22] : memref<768x768xf32, #tpu.memory_space<vmem>>, vector<768x768xf32>
    %dot_general3A = arith.constant dense<0.000000e+00> : vector<512x768xf32>
    %dot_general3A_24 = tpu.matmul %get3A_20, %get3A_23, %dot_general3A {dimension_numbers = #tpu.dot_dimension_numbers<[1], [0], [0], [1], [0, 0, 1, 1], [], []>, transpose_lhs_hint = false} : vector<512x768xf32>, vector<768x768xf32>, vector<512x768xf32> -> vector<512x768xf32>
    %get3A_25 = arith.constant 0 : index
    %get3A_26 = arith.constant 0 : index
    %get3A_27 = vector.load %arg14[%get3A_25, %get3A_26] : memref<1x768xf32, #tpu.memory_space<vmem>>, vector<1x768xf32>
    %add3A = vector.broadcast %get3A_27 : vector<1x768xf32> to vector<512x768xf32>
    %add3A_28 = arith.addf %dot_general3A_24, %add3A : vector<512x768xf32>
    %swap3A_29 = arith.constant 0 : index
    %swap3A_30 = arith.constant 0 : index
    %swap3A_31 = vector.load %arg22[%swap3A_29, %swap3A_30] : memref<512x768xf32, #tpu.memory_space<vmem>>, vector<512x768xf32>
    tpu.vector_store %arg22[%swap3A_29, %swap3A_30], %add3A_28 {strides = array<i32>} : memref<512x768xf32, #tpu.memory_space<vmem>>, vector<512x768xf32>,
    %scan3A = arith.constant 0 : i32
    %scan3A_32 = arith.constant 512 : i32
    %scan3A_33 = arith.addi %scan3A, %scan3A_32 : i32
    %scan3A_34 = arith.constant 4 : i32
    scf.for %scan3A_350 = %scan3A to %scan3A_33 step %scan3A_34  : i32 {
      %get3A_351 = arith.constant 0 : index
      %get3A_352 = arith.constant 0 : index
      %get3A_353 = arith.index_cast %scan3A_350 : i32 to index
      %get3A_354 = memref.load %arg4[%get3A_351, %get3A_352, %get3A_353] : memref<1x1x512xi32, #tpu.memory_space<smem>>
      %get3A_355 = arith.constant 0 : index
      %get3A_356 = arith.index_cast %scan3A_350 : i32 to index
      %get3A_357 = arith.constant 0 : index
      %get3A_358 = memref.load %arg5[%get3A_355, %get3A_356, %get3A_357] : memref<1x512x2xi32, #tpu.memory_space<smem>>
      %mul3A_359 = arith.constant 16 : i32
      %mul3A_360 = arith.muli %get3A_358, %mul3A_359 : i32
      %get3A_361 = arith.constant 0 : index
      %get3A_362 = arith.index_cast %scan3A_350 : i32 to index
      %get3A_363 = arith.constant 1 : index
      %get3A_364 = memref.load %arg5[%get3A_361, %get3A_362, %get3A_363] : memref<1x512x2xi32, #tpu.memory_space<smem>>
      %add3A_365 = arith.addi %mul3A_360, %get3A_364 : i32
      %get3A_366 = arith.index_cast %scan3A_350 : i32 to index
      %get3A_367 = arith.constant 0 : index
      %get3A_368 = vector.load %arg22[%get3A_366, %get3A_367] : memref<512x768xf32, #tpu.memory_space<vmem>>, vector<1x768xf32>
      %get3A_369 = arith.index_cast %get3A_354 : i32 to index
      %get3A_370 = arith.constant 0 : index
      %get3A_371 = vector.load %arg16[%get3A_369, %get3A_370] : memref<2048x768xf32, #tpu.memory_space<vmem>>, vector<1x768xf32>
      %get3A_372 = arith.index_cast %add3A_365 : i32 to index
      %get3A_373 = arith.constant 0 : index
      %get3A_374 = vector.load %arg15[%get3A_372, %get3A_373] : memref<512x768xf32, #tpu.memory_space<vmem>>, vector<1x768xf32>
      %add3A_375 = arith.addf %get3A_371, %get3A_374 : vector<1x768xf32>
      %add3A_376 = arith.addf %get3A_368, %add3A_375 : vector<1x768xf32>
      %swap3A_377 = arith.index_cast %scan3A_350 : i32 to index
      %swap3A_378 = arith.constant 0 : index
      %swap3A_379 = vector.load %arg22[%swap3A_377, %swap3A_378] : memref<512x768xf32, #tpu.memory_space<vmem>>, vector<1x768xf32>
      tpu.vector_store %arg22[%swap3A_377, %swap3A_378], %add3A_376 {strides = array<i32>} : memref<512x768xf32, #tpu.memory_space<vmem>>, vector<1x768xf32>,
      %scan3A_380 = arith.constant 1 : i32
      %scan3A_381 = arith.addi %scan3A_350, %scan3A_380 : i32
      %get3A_382 = arith.constant 0 : index
      %get3A_383 = arith.constant 0 : index
      %get3A_384 = arith.index_cast %scan3A_381 : i32 to index
      %get3A_385 = memref.load %arg4[%get3A_382, %get3A_383, %get3A_384] : memref<1x1x512xi32, #tpu.memory_space<smem>>
      %get3A_386 = arith.constant 0 : index
      %get3A_387 = arith.index_cast %scan3A_381 : i32 to index
      %get3A_388 = arith.constant 0 : index
      %get3A_389 = memref.load %arg5[%get3A_386, %get3A_387, %get3A_388] : memref<1x512x2xi32, #tpu.memory_space<smem>>
      %mul3A_390 = arith.constant 16 : i32
      %mul3A_391 = arith.muli %get3A_389, %mul3A_390 : i32
      %get3A_392 = arith.constant 0 : index
      %get3A_393 = arith.index_cast %scan3A_381 : i32 to index
      %get3A_394 = arith.constant 1 : index
      %get3A_395 = memref.load %arg5[%get3A_392, %get3A_393, %get3A_394] : memref<1x512x2xi32, #tpu.memory_space<smem>>
      %add3A_396 = arith.addi %mul3A_391, %get3A_395 : i32
      %get3A_397 = arith.index_cast %scan3A_381 : i32 to index
      %get3A_398 = arith.constant 0 : index
      %get3A_399 = vector.load %arg22[%get3A_397, %get3A_398] : memref<512x768xf32, #tpu.memory_space<vmem>>, vector<1x768xf32>
      %get3A_400 = arith.index_cast %get3A_385 : i32 to index
      %get3A_401 = arith.constant 0 : index
      %get3A_402 = vector.load %arg16[%get3A_400, %get3A_401] : memref<2048x768xf32, #tpu.memory_space<vmem>>, vector<1x768xf32>
      %get3A_403 = arith.index_cast %add3A_396 : i32 to index
      %get3A_404 = arith.constant 0 : index
      %get3A_405 = vector.load %arg15[%get3A_403, %get3A_404] : memref<512x768xf32, #tpu.memory_space<vmem>>, vector<1x768xf32>
      %add3A_406 = arith.addf %get3A_402, %get3A_405 : vector<1x768xf32>
      %add3A_407 = arith.addf %get3A_399, %add3A_406 : vector<1x768xf32>
      %swap3A_408 = arith.index_cast %scan3A_381 : i32 to index
      %swap3A_409 = arith.constant 0 : index
      %swap3A_410 = vector.load %arg22[%swap3A_408, %swap3A_409] : memref<512x768xf32, #tpu.memory_space<vmem>>, vector<1x768xf32>
      tpu.vector_store %arg22[%swap3A_408, %swap3A_409], %add3A_407 {strides = array<i32>} : memref<512x768xf32, #tpu.memory_space<vmem>>, vector<1x768xf32>,
      %scan3A_411 = arith.constant 2 : i32
      %scan3A_412 = arith.addi %scan3A_350, %scan3A_411 : i32
      %get3A_413 = arith.constant 0 : index
      %get3A_414 = arith.constant 0 : index
      %get3A_415 = arith.index_cast %scan3A_412 : i32 to index
      %get3A_416 = memref.load %arg4[%get3A_413, %get3A_414, %get3A_415] : memref<1x1x512xi32, #tpu.memory_space<smem>>
      %get3A_417 = arith.constant 0 : index
      %get3A_418 = arith.index_cast %scan3A_412 : i32 to index
      %get3A_419 = arith.constant 0 : index
      %get3A_420 = memref.load %arg5[%get3A_417, %get3A_418, %get3A_419] : memref<1x512x2xi32, #tpu.memory_space<smem>>
      %mul3A_421 = arith.constant 16 : i32
      %mul3A_422 = arith.muli %get3A_420, %mul3A_421 : i32
      %get3A_423 = arith.constant 0 : index
      %get3A_424 = arith.index_cast %scan3A_412 : i32 to index
      %get3A_425 = arith.constant 1 : index
      %get3A_426 = memref.load %arg5[%get3A_423, %get3A_424, %get3A_425] : memref<1x512x2xi32, #tpu.memory_space<smem>>
      %add3A_427 = arith.addi %mul3A_422, %get3A_426 : i32
      %get3A_428 = arith.index_cast %scan3A_412 : i32 to index
      %get3A_429 = arith.constant 0 : index
      %get3A_430 = vector.load %arg22[%get3A_428, %get3A_429] : memref<512x768xf32, #tpu.memory_space<vmem>>, vector<1x768xf32>
      %get3A_431 = arith.index_cast %get3A_416 : i32 to index
      %get3A_432 = arith.constant 0 : index
      %get3A_433 = vector.load %arg16[%get3A_431, %get3A_432] : memref<2048x768xf32, #tpu.memory_space<vmem>>, vector<1x768xf32>
      %get3A_434 = arith.index_cast %add3A_427 : i32 to index
      %get3A_435 = arith.constant 0 : index
      %get3A_436 = vector.load %arg15[%get3A_434, %get3A_435] : memref<512x768xf32, #tpu.memory_space<vmem>>, vector<1x768xf32>
      %add3A_437 = arith.addf %get3A_433, %get3A_436 : vector<1x768xf32>
      %add3A_438 = arith.addf %get3A_430, %add3A_437 : vector<1x768xf32>
      %swap3A_439 = arith.index_cast %scan3A_412 : i32 to index
      %swap3A_440 = arith.constant 0 : index
      %swap3A_441 = vector.load %arg22[%swap3A_439, %swap3A_440] : memref<512x768xf32, #tpu.memory_space<vmem>>, vector<1x768xf32>
      tpu.vector_store %arg22[%swap3A_439, %swap3A_440], %add3A_438 {strides = array<i32>} : memref<512x768xf32, #tpu.memory_space<vmem>>, vector<1x768xf32>,
      %scan3A_442 = arith.constant 3 : i32
      %scan3A_443 = arith.addi %scan3A_350, %scan3A_442 : i32
      %get3A_444 = arith.constant 0 : index
      %get3A_445 = arith.constant 0 : index
      %get3A_446 = arith.index_cast %scan3A_443 : i32 to index
      %get3A_447 = memref.load %arg4[%get3A_444, %get3A_445, %get3A_446] : memref<1x1x512xi32, #tpu.memory_space<smem>>
      %get3A_448 = arith.constant 0 : index
      %get3A_449 = arith.index_cast %scan3A_443 : i32 to index
      %get3A_450 = arith.constant 0 : index
      %get3A_451 = memref.load %arg5[%get3A_448, %get3A_449, %get3A_450] : memref<1x512x2xi32, #tpu.memory_space<smem>>
      %mul3A_452 = arith.constant 16 : i32
      %mul3A_453 = arith.muli %get3A_451, %mul3A_452 : i32
      %get3A_454 = arith.constant 0 : index
      %get3A_455 = arith.index_cast %scan3A_443 : i32 to index
      %get3A_456 = arith.constant 1 : index
      %get3A_457 = memref.load %arg5[%get3A_454, %get3A_455, %get3A_456] : memref<1x512x2xi32, #tpu.memory_space<smem>>
      %add3A_458 = arith.addi %mul3A_453, %get3A_457 : i32
      %get3A_459 = arith.index_cast %scan3A_443 : i32 to index
      %get3A_460 = arith.constant 0 : index
      %get3A_461 = vector.load %arg22[%get3A_459, %get3A_460] : memref<512x768xf32, #tpu.memory_space<vmem>>, vector<1x768xf32>
      %get3A_462 = arith.index_cast %get3A_447 : i32 to index
      %get3A_463 = arith.constant 0 : index
      %get3A_464 = vector.load %arg16[%get3A_462, %get3A_463] : memref<2048x768xf32, #tpu.memory_space<vmem>>, vector<1x768xf32>
      %get3A_465 = arith.index_cast %add3A_458 : i32 to index
      %get3A_466 = arith.constant 0 : index
      %get3A_467 = vector.load %arg15[%get3A_465, %get3A_466] : memref<512x768xf32, #tpu.memory_space<vmem>>, vector<1x768xf32>
      %add3A_468 = arith.addf %get3A_464, %get3A_467 : vector<1x768xf32>
      %add3A_469 = arith.addf %get3A_461, %add3A_468 : vector<1x768xf32>
      %swap3A_470 = arith.index_cast %scan3A_443 : i32 to index
      %swap3A_471 = arith.constant 0 : index
      %swap3A_472 = vector.load %arg22[%swap3A_470, %swap3A_471] : memref<512x768xf32, #tpu.memory_space<vmem>>, vector<1x768xf32>
      tpu.vector_store %arg22[%swap3A_470, %swap3A_471], %add3A_469 {strides = array<i32>} : memref<512x768xf32, #tpu.memory_space<vmem>>, vector<1x768xf32>,
    }
    %scan3A_35 = arith.constant 512 : i32
    %iota3A = tpu.iota {dimensions = array<i32: 0>} : vector<512x1xi32>
    %lt3A = vector.broadcast %get3A_0 : i32 to vector<512x1xi32>
    %lt3A_36 = arith.cmpi slt, %iota3A, %lt3A : vector<512x1xi32>
    %get3A_37 = arith.constant 0 : index
    %get3A_38 = arith.constant 0 : index
    %get3A_39 = vector.load %arg22[%get3A_37, %get3A_38] : memref<512x768xf32, #tpu.memory_space<vmem>>, vector<512x768xf32>
    %jit3A = arith.constant 0.000000e+00 : f32
    %broadcast_in_dim3A_40 = vector.shape_cast %lt3A_36 : vector<512x1xi1> to vector<512x1xi1>
    %broadcast_in_dim3A_41 = vector.broadcast %broadcast_in_dim3A_40 : vector<512x1xi1> to vector<512x768xi1>
    %broadcast_in_dim3A_42 = vector.broadcast %jit3A : f32 to vector<512x768xf32>
    %select_n3A = arith.select %broadcast_in_dim3A_41, %get3A_39, %broadcast_in_dim3A_42 : vector<512x768xi1>, vector<512x768xf32>
    %swap3A_43 = arith.constant 0 : index
    %swap3A_44 = arith.constant 0 : index
    %swap3A_45 = vector.load %arg19[%swap3A_43, %swap3A_44] : memref<648x768xf32, #tpu.memory_space<vmem>>, vector<512x768xf32>
    tpu.vector_store %arg19[%swap3A_43, %swap3A_44], %select_n3A {strides = array<i32>} : memref<648x768xf32, #tpu.memory_space<vmem>>, vector<512x768xf32>,
    %dma_wait3A_46 = arith.constant 0 : i32
    %dma_wait3A_47 = arith.constant 0 : i32
    %dma_wait3A_48 = tpu.memref_slice %arg12[%dma_wait3A_46, %arg0, %dma_wait3A_47] : memref<128x16x768xf32, #tpu.memory_space<any>> -> memref<128x1x768xf32, #tpu.memory_space<any>>
    %dma_wait3A_49 = tpu.memref_squeeze %dma_wait3A_48 : memref<128x1x768xf32, #tpu.memory_space<any>> -> memref<128x768xf32, #tpu.memory_space<any>>
    tpu.wait_dma2 semaphore(%arg25 : memref<!tpu.dma_semaphore, #tpu.memory_space<semaphore_mem>>) src(%dma_wait3A_49 : memref<128x768xf32, #tpu.memory_space<any>>) dst(%arg21 : memref<128x768xf32, #tpu.memory_space<vmem>>)
    %get3A_50 = arith.constant 0 : index
    %get3A_51 = arith.constant 0 : index
    %get3A_52 = vector.load %arg21[%get3A_50, %get3A_51] : memref<128x768xf32, #tpu.memory_space<vmem>>, vector<128x768xf32>
    %get3A_53 = arith.constant 0 : index
    %get3A_54 = arith.constant 0 : index
    %get3A_55 = vector.load %arg13[%get3A_53, %get3A_54] : memref<768x768xf32, #tpu.memory_space<vmem>>, vector<768x768xf32>
    %dot_general3A_56 = arith.constant dense<0.000000e+00> : vector<128x768xf32>
    %dot_general3A_57 = tpu.matmul %get3A_52, %get3A_55, %dot_general3A_56 {dimension_numbers = #tpu.dot_dimension_numbers<[1], [0], [0], [1], [0, 0, 1, 1], [], []>, transpose_lhs_hint = false} : vector<128x768xf32>, vector<768x768xf32>, vector<128x768xf32> -> vector<128x768xf32>
    %get3A_58 = arith.constant 0 : index
    %get3A_59 = arith.constant 0 : index
    %get3A_60 = vector.load %arg14[%get3A_58, %get3A_59] : memref<1x768xf32, #tpu.memory_space<vmem>>, vector<1x768xf32>
    %add3A_61 = vector.broadcast %get3A_60 : vector<1x768xf32> to vector<128x768xf32>
    %add3A_62 = arith.addf %dot_general3A_57, %add3A_61 : vector<128x768xf32>
    %swap3A_63 = arith.constant 0 : index
    %swap3A_64 = arith.constant 0 : index
    %swap3A_65 = vector.load %arg22[%swap3A_63, %swap3A_64] : memref<512x768xf32, #tpu.memory_space<vmem>>, vector<128x768xf32>
    tpu.vector_store %arg22[%swap3A_63, %swap3A_64], %add3A_62 {strides = array<i32>} : memref<512x768xf32, #tpu.memory_space<vmem>>, vector<128x768xf32>,
    %scan3A_66 = arith.constant 0 : i32
    %scan3A_67 = arith.constant 128 : i32
    %scan3A_68 = arith.addi %scan3A_66, %scan3A_67 : i32
    %scan3A_69 = arith.constant 4 : i32
    scf.for %scan3A_350 = %scan3A_66 to %scan3A_68 step %scan3A_69  : i32 {
      %get3A_351 = arith.constant 0 : index
      %get3A_352 = arith.constant 0 : index
      %get3A_353 = arith.index_cast %scan3A_350 : i32 to index
      %get3A_354 = memref.load %arg6[%get3A_351, %get3A_352, %get3A_353] : memref<1x1x128xi32, #tpu.memory_space<smem>>
      %get3A_355 = arith.constant 0 : index
      %get3A_356 = arith.index_cast %scan3A_350 : i32 to index
      %get3A_357 = arith.constant 0 : index
      %get3A_358 = memref.load %arg7[%get3A_355, %get3A_356, %get3A_357] : memref<1x128x2xi32, #tpu.memory_space<smem>>
      %mul3A_359 = arith.constant 8 : i32
      %mul3A_360 = arith.muli %get3A_358, %mul3A_359 : i32
      %get3A_361 = arith.constant 0 : index
      %get3A_362 = arith.index_cast %scan3A_350 : i32 to index
      %get3A_363 = arith.constant 1 : index
      %get3A_364 = memref.load %arg7[%get3A_361, %get3A_362, %get3A_363] : memref<1x128x2xi32, #tpu.memory_space<smem>>
      %add3A_365 = arith.addi %mul3A_360, %get3A_364 : i32
      %get3A_366 = arith.index_cast %scan3A_350 : i32 to index
      %get3A_367 = arith.constant 0 : index
      %get3A_368 = vector.load %arg22[%get3A_366, %get3A_367] : memref<512x768xf32, #tpu.memory_space<vmem>>, vector<1x768xf32>
      %get3A_369 = arith.index_cast %get3A_354 : i32 to index
      %get3A_370 = arith.constant 0 : index
      %get3A_371 = vector.load %arg16[%get3A_369, %get3A_370] : memref<2048x768xf32, #tpu.memory_space<vmem>>, vector<1x768xf32>
      %get3A_372 = arith.index_cast %add3A_365 : i32 to index
      %get3A_373 = arith.constant 0 : index
      %get3A_374 = vector.load %arg15[%get3A_372, %get3A_373] : memref<512x768xf32, #tpu.memory_space<vmem>>, vector<1x768xf32>
      %add3A_375 = arith.addf %get3A_371, %get3A_374 : vector<1x768xf32>
      %add3A_376 = arith.addf %get3A_368, %add3A_375 : vector<1x768xf32>
      %swap3A_377 = arith.index_cast %scan3A_350 : i32 to index
      %swap3A_378 = arith.constant 0 : index
      %swap3A_379 = vector.load %arg22[%swap3A_377, %swap3A_378] : memref<512x768xf32, #tpu.memory_space<vmem>>, vector<1x768xf32>
      tpu.vector_store %arg22[%swap3A_377, %swap3A_378], %add3A_376 {strides = array<i32>} : memref<512x768xf32, #tpu.memory_space<vmem>>, vector<1x768xf32>,
      %scan3A_380 = arith.constant 1 : i32
      %scan3A_381 = arith.addi %scan3A_350, %scan3A_380 : i32
      %get3A_382 = arith.constant 0 : index
      %get3A_383 = arith.constant 0 : index
      %get3A_384 = arith.index_cast %scan3A_381 : i32 to index
      %get3A_385 = memref.load %arg6[%get3A_382, %get3A_383, %get3A_384] : memref<1x1x128xi32, #tpu.memory_space<smem>>
      %get3A_386 = arith.constant 0 : index
      %get3A_387 = arith.index_cast %scan3A_381 : i32 to index
      %get3A_388 = arith.constant 0 : index
      %get3A_389 = memref.load %arg7[%get3A_386, %get3A_387, %get3A_388] : memref<1x128x2xi32, #tpu.memory_space<smem>>
      %mul3A_390 = arith.constant 8 : i32
      %mul3A_391 = arith.muli %get3A_389, %mul3A_390 : i32
      %get3A_392 = arith.constant 0 : index
      %get3A_393 = arith.index_cast %scan3A_381 : i32 to index
      %get3A_394 = arith.constant 1 : index
      %get3A_395 = memref.load %arg7[%get3A_392, %get3A_393, %get3A_394] : memref<1x128x2xi32, #tpu.memory_space<smem>>
      %add3A_396 = arith.addi %mul3A_391, %get3A_395 : i32
      %get3A_397 = arith.index_cast %scan3A_381 : i32 to index
      %get3A_398 = arith.constant 0 : index
      %get3A_399 = vector.load %arg22[%get3A_397, %get3A_398] : memref<512x768xf32, #tpu.memory_space<vmem>>, vector<1x768xf32>
      %get3A_400 = arith.index_cast %get3A_385 : i32 to index
      %get3A_401 = arith.constant 0 : index
      %get3A_402 = vector.load %arg16[%get3A_400, %get3A_401] : memref<2048x768xf32, #tpu.memory_space<vmem>>, vector<1x768xf32>
      %get3A_403 = arith.index_cast %add3A_396 : i32 to index
      %get3A_404 = arith.constant 0 : index
      %get3A_405 = vector.load %arg15[%get3A_403, %get3A_404] : memref<512x768xf32, #tpu.memory_space<vmem>>, vector<1x768xf32>
      %add3A_406 = arith.addf %get3A_402, %get3A_405 : vector<1x768xf32>
      %add3A_407 = arith.addf %get3A_399, %add3A_406 : vector<1x768xf32>
      %swap3A_408 = arith.index_cast %scan3A_381 : i32 to index
      %swap3A_409 = arith.constant 0 : index
      %swap3A_410 = vector.load %arg22[%swap3A_408, %swap3A_409] : memref<512x768xf32, #tpu.memory_space<vmem>>, vector<1x768xf32>
      tpu.vector_store %arg22[%swap3A_408, %swap3A_409], %add3A_407 {strides = array<i32>} : memref<512x768xf32, #tpu.memory_space<vmem>>, vector<1x768xf32>,
      %scan3A_411 = arith.constant 2 : i32
      %scan3A_412 = arith.addi %scan3A_350, %scan3A_411 : i32
      %get3A_413 = arith.constant 0 : index
      %get3A_414 = arith.constant 0 : index
      %get3A_415 = arith.index_cast %scan3A_412 : i32 to index
      %get3A_416 = memref.load %arg6[%get3A_413, %get3A_414, %get3A_415] : memref<1x1x128xi32, #tpu.memory_space<smem>>
      %get3A_417 = arith.constant 0 : index
      %get3A_418 = arith.index_cast %scan3A_412 : i32 to index
      %get3A_419 = arith.constant 0 : index
      %get3A_420 = memref.load %arg7[%get3A_417, %get3A_418, %get3A_419] : memref<1x128x2xi32, #tpu.memory_space<smem>>
      %mul3A_421 = arith.constant 8 : i32
      %mul3A_422 = arith.muli %get3A_420, %mul3A_421 : i32
      %get3A_423 = arith.constant 0 : index
      %get3A_424 = arith.index_cast %scan3A_412 : i32 to index
      %get3A_425 = arith.constant 1 : index
      %get3A_426 = memref.load %arg7[%get3A_423, %get3A_424, %get3A_425] : memref<1x128x2xi32, #tpu.memory_space<smem>>
      %add3A_427 = arith.addi %mul3A_422, %get3A_426 : i32
      %get3A_428 = arith.index_cast %scan3A_412 : i32 to index
      %get3A_429 = arith.constant 0 : index
      %get3A_430 = vector.load %arg22[%get3A_428, %get3A_429] : memref<512x768xf32, #tpu.memory_space<vmem>>, vector<1x768xf32>
      %get3A_431 = arith.index_cast %get3A_416 : i32 to index
      %get3A_432 = arith.constant 0 : index
      %get3A_433 = vector.load %arg16[%get3A_431, %get3A_432] : memref<2048x768xf32, #tpu.memory_space<vmem>>, vector<1x768xf32>
      %get3A_434 = arith.index_cast %add3A_427 : i32 to index
      %get3A_435 = arith.constant 0 : index
      %get3A_436 = vector.load %arg15[%get3A_434, %get3A_435] : memref<512x768xf32, #tpu.memory_space<vmem>>, vector<1x768xf32>
      %add3A_437 = arith.addf %get3A_433, %get3A_436 : vector<1x768xf32>
      %add3A_438 = arith.addf %get3A_430, %add3A_437 : vector<1x768xf32>
      %swap3A_439 = arith.index_cast %scan3A_412 : i32 to index
      %swap3A_440 = arith.constant 0 : index
      %swap3A_441 = vector.load %arg22[%swap3A_439, %swap3A_440] : memref<512x768xf32, #tpu.memory_space<vmem>>, vector<1x768xf32>
      tpu.vector_store %arg22[%swap3A_439, %swap3A_440], %add3A_438 {strides = array<i32>} : memref<512x768xf32, #tpu.memory_space<vmem>>, vector<1x768xf32>,
      %scan3A_442 = arith.constant 3 : i32
      %scan3A_443 = arith.addi %scan3A_350, %scan3A_442 : i32
      %get3A_444 = arith.constant 0 : index
      %get3A_445 = arith.constant 0 : index
      %get3A_446 = arith.index_cast %scan3A_443 : i32 to index
      %get3A_447 = memref.load %arg6[%get3A_444, %get3A_445, %get3A_446] : memref<1x1x128xi32, #tpu.memory_space<smem>>
      %get3A_448 = arith.constant 0 : index
      %get3A_449 = arith.index_cast %scan3A_443 : i32 to index
      %get3A_450 = arith.constant 0 : index
      %get3A_451 = memref.load %arg7[%get3A_448, %get3A_449, %get3A_450] : memref<1x128x2xi32, #tpu.memory_space<smem>>
      %mul3A_452 = arith.constant 8 : i32
      %mul3A_453 = arith.muli %get3A_451, %mul3A_452 : i32
      %get3A_454 = arith.constant 0 : index
      %get3A_455 = arith.index_cast %scan3A_443 : i32 to index
      %get3A_456 = arith.constant 1 : index
      %get3A_457 = memref.load %arg7[%get3A_454, %get3A_455, %get3A_456] : memref<1x128x2xi32, #tpu.memory_space<smem>>
      %add3A_458 = arith.addi %mul3A_453, %get3A_457 : i32
      %get3A_459 = arith.index_cast %scan3A_443 : i32 to index
      %get3A_460 = arith.constant 0 : index
      %get3A_461 = vector.load %arg22[%get3A_459, %get3A_460] : memref<512x768xf32, #tpu.memory_space<vmem>>, vector<1x768xf32>
      %get3A_462 = arith.index_cast %get3A_447 : i32 to index
      %get3A_463 = arith.constant 0 : index
      %get3A_464 = vector.load %arg16[%get3A_462, %get3A_463] : memref<2048x768xf32, #tpu.memory_space<vmem>>, vector<1x768xf32>
      %get3A_465 = arith.index_cast %add3A_458 : i32 to index
      %get3A_466 = arith.constant 0 : index
      %get3A_467 = vector.load %arg15[%get3A_465, %get3A_466] : memref<512x768xf32, #tpu.memory_space<vmem>>, vector<1x768xf32>
      %add3A_468 = arith.addf %get3A_464, %get3A_467 : vector<1x768xf32>
      %add3A_469 = arith.addf %get3A_461, %add3A_468 : vector<1x768xf32>
      %swap3A_470 = arith.index_cast %scan3A_443 : i32 to index
      %swap3A_471 = arith.constant 0 : index
      %swap3A_472 = vector.load %arg22[%swap3A_470, %swap3A_471] : memref<512x768xf32, #tpu.memory_space<vmem>>, vector<1x768xf32>
      tpu.vector_store %arg22[%swap3A_470, %swap3A_471], %add3A_469 {strides = array<i32>} : memref<512x768xf32, #tpu.memory_space<vmem>>, vector<1x768xf32>,
    }
    %scan3A_70 = arith.constant 128 : i32
    %jit3A_71 = arith.constant 8 : i32
    %div3A = arith.divsi %get3A_0, %jit3A_71 : i32
    %sign3A = arith.constant 0 : i32
    %sign3A_72 = arith.cmpi sgt, %get3A_0, %sign3A : i32
    %sign3A_73 = arith.extui %sign3A_72 : i1 to i32
    %sign3A_74 = arith.constant 0 : i32
    %sign3A_75 = arith.cmpi slt, %get3A_0, %sign3A_74 : i32
    %sign3A_76 = arith.extui %sign3A_75 : i1 to i32
    %sign3A_77 = arith.subi %sign3A_73, %sign3A_76 : i32
    %sign3A_78 = arith.constant 0 : i32
    %sign3A_79 = arith.cmpi sgt, %jit3A_71, %sign3A_78 : i32
    %sign3A_80 = arith.extui %sign3A_79 : i1 to i32
    %sign3A_81 = arith.constant 0 : i32
    %sign3A_82 = arith.cmpi slt, %jit3A_71, %sign3A_81 : i32
    %sign3A_83 = arith.extui %sign3A_82 : i1 to i32
    %sign3A_84 = arith.subi %sign3A_80, %sign3A_83 : i32
    %ne3A = arith.cmpi ne, %sign3A_77, %sign3A_84 : i32
    %rem3A = arith.remsi %get3A_0, %jit3A_71 : i32
    %ne3A_85 = arith.constant 0 : i32
    %ne3A_86 = arith.cmpi ne, %rem3A, %ne3A_85 : i32
    %and3A = arith.andi %ne3A, %ne3A_86 : i1
    %sub3A = arith.constant 1 : i32
    %sub3A_87 = arith.subi %div3A, %sub3A : i32
    %select_n3A_88 = arith.select %and3A, %sub3A_87, %div3A : i32
    %mul3A = arith.constant 8 : i32
    %mul3A_89 = arith.muli %select_n3A_88, %mul3A : i32
    %multiple_of3A = tpu.assume_multiple %mul3A_89, 8 : i32
    %sub3A_90 = arith.subi %get3A_0, %multiple_of3A : i32
    %get3A_91 = arith.constant 0 : index
    %get3A_92 = arith.constant 0 : index
    %get3A_93 = vector.load %arg22[%get3A_91, %get3A_92] : memref<512x768xf32, #tpu.memory_space<vmem>>, vector<128x768xf32>
    %broadcast_in_dim3A_94 = arith.constant 0.000000e+00 : f32
    %broadcast_in_dim3A_95 = vector.broadcast %broadcast_in_dim3A_94 : f32 to vector<8x768xf32>
    %concatenate3A = tpu.concatenate %get3A_93, %broadcast_in_dim3A_95 in 0 : vector<128x768xf32>, vector<8x768xf32> -> vector<136x768xf32>
    %roll3A = tpu.dynamic_rotate %concatenate3A by %sub3A_90 dim 0 : vector<136x768xf32>, i32 -> vector<136x768xf32>
    %iota3A_96 = tpu.iota {dimensions = array<i32: 0>} : vector<136x1xi32>
    %ge3A = vector.broadcast %sub3A_90 : i32 to vector<136x1xi32>
    %ge3A_97 = arith.cmpi sge, %iota3A_96, %ge3A : vector<136x1xi32>
    %add3A_98 = arith.addi %sub3A_90, %get3A_2 : i32
    %lt3A_99 = vector.broadcast %add3A_98 : i32 to vector<136x1xi32>
    %lt3A_100 = arith.cmpi slt, %iota3A_96, %lt3A_99 : vector<136x1xi32>
    %and3A_101 = arith.andi %ge3A_97, %lt3A_100 : vector<136x1xi1>
    %get3A_102 = arith.index_cast %multiple_of3A : i32 to index
    %get3A_103 = arith.constant 0 : index
    %get3A_104 = vector.load %arg19[%get3A_102, %get3A_103] : memref<648x768xf32, #tpu.memory_space<vmem>>, vector<136x768xf32>
    %broadcast_in_dim3A_105 = vector.shape_cast %and3A_101 : vector<136x1xi1> to vector<136x1xi1>
    %broadcast_in_dim3A_106 = vector.broadcast %broadcast_in_dim3A_105 : vector<136x1xi1> to vector<136x768xi1>
    %select_n3A_107 = arith.select %broadcast_in_dim3A_106, %roll3A, %get3A_104 : vector<136x768xi1>, vector<136x768xf32>
    %swap3A_108 = arith.index_cast %multiple_of3A : i32 to index
    %swap3A_109 = arith.constant 0 : index
    %swap3A_110 = vector.load %arg19[%swap3A_108, %swap3A_109] : memref<648x768xf32, #tpu.memory_space<vmem>>, vector<136x768xf32>
    tpu.vector_store %arg19[%swap3A_108, %swap3A_109], %select_n3A_107 {strides = array<i32>} : memref<648x768xf32, #tpu.memory_space<vmem>>, vector<136x768xf32>,
    %dma_start3A_111 = arith.constant 0 : i32
    %dma_start3A_112 = arith.constant 0 : i32
    %dma_start3A_113 = tpu.memref_slice %arg17[%dma_start3A_111, %arg0, %dma_start3A_112] : memref<640x16x768xf32, #tpu.memory_space<any>> -> memref<640x1x768xf32, #tpu.memory_space<any>>
    %dma_start3A_114 = tpu.memref_squeeze %dma_start3A_113 : memref<640x1x768xf32, #tpu.memory_space<any>> -> memref<640x768xf32, #tpu.memory_space<any>>
    %dma_start3A_115 = arith.constant 0 : i32
    %dma_start3A_116 = arith.constant 0 : i32
    %dma_start3A_117 = tpu.memref_slice %arg19[%dma_start3A_115, %dma_start3A_116] : memref<648x768xf32, #tpu.memory_space<vmem>> -> memref<640x768xf32, #tpu.memory_space<vmem>>
    tpu.enqueue_dma source(%dma_start3A_117 : memref<640x768xf32, #tpu.memory_space<vmem>>) target(%dma_start3A_114 : memref<640x768xf32, #tpu.memory_space<any>>) target_semaphore(%arg26 : memref<!tpu.dma_semaphore, #tpu.memory_space<semaphore_mem>>)
    %add3A_118 = arith.addi %get3A_0, %get3A_2 : i32
    %add3A_119 = arith.addi %add3A_118, %get3A_4 : i32
    %add3A_120 = arith.addi %add3A_119, %get3A_4 : i32
    %broadcast_in_dim3A_121 = arith.constant 0 : i32
    %broadcast_in_dim3A_122 = vector.broadcast %broadcast_in_dim3A_121 : i32 to vector<1x2432xi32>
    %swap3A_123 = arith.constant 0 : index
    %swap3A_124 = arith.constant 0 : index
    %swap3A_125 = vector.load %arg23[%swap3A_123, %swap3A_124] : memref<1x2432xi32, #tpu.memory_space<vmem>>, vector<1x2432xi32>
    tpu.vector_store %arg23[%swap3A_123, %swap3A_124], %broadcast_in_dim3A_122 {strides = array<i32>} : memref<1x2432xi32, #tpu.memory_space<vmem>>, vector<1x2432xi32>,
    %iota3A_126 = tpu.iota {dimensions = array<i32: 1>} : vector<1x512xi32>
    %lt3A_127 = vector.broadcast %get3A_0 : i32 to vector<1x512xi32>
    %lt3A_128 = arith.cmpi slt, %iota3A_126, %lt3A_127 : vector<1x512xi32>
    %get3A_129 = arith.constant 0 : index
    %get3A_130 = arith.constant 0 : index
    %get3A_131 = arith.constant 0 : index
    %get3A_132 = vector.load %arg8[%get3A_129, %get3A_130, %get3A_131] : memref<1x1x512xi32, #tpu.memory_space<vmem>>, vector<1x1x512xi32>
    %get3A_133 = vector.shape_cast %get3A_132 : vector<1x1x512xi32> to vector<1x512xi32>
    %jit3A_134 = arith.constant 0 : i32
    %broadcast_in_dim3A_135 = vector.broadcast %jit3A_134 : i32 to vector<1x512xi32>
    %select_n3A_136 = arith.select %lt3A_128, %get3A_133, %broadcast_in_dim3A_135 : vector<1x512xi1>, vector<1x512xi32>
    %swap3A_137 = arith.constant 0 : index
    %swap3A_138 = arith.constant 0 : index
    %swap3A_139 = vector.load %arg23[%swap3A_137, %swap3A_138] : memref<1x2432xi32, #tpu.memory_space<vmem>>, vector<1x512xi32>
    tpu.vector_store %arg23[%swap3A_137, %swap3A_138], %select_n3A_136 {strides = array<i32>} : memref<1x2432xi32, #tpu.memory_space<vmem>>, vector<1x512xi32>,
    %get3A_140 = arith.constant 0 : index
    %get3A_141 = arith.constant 0 : index
    %get3A_142 = arith.constant 0 : index
    %get3A_143 = vector.load %arg9[%get3A_140, %get3A_141, %get3A_142] : memref<1x1x128xi32, #tpu.memory_space<vmem>>, vector<1x1x128xi32>
    %get3A_144 = vector.shape_cast %get3A_143 : vector<1x1x128xi32> to vector<1x128xi32>
    %jit3A_145 = arith.constant 128 : i32
    %div3A_146 = arith.divsi %get3A_0, %jit3A_145 : i32
    %sign3A_147 = arith.constant 0 : i32
    %sign3A_148 = arith.cmpi sgt, %get3A_0, %sign3A_147 : i32
    %sign3A_149 = arith.extui %sign3A_148 : i1 to i32
    %sign3A_150 = arith.constant 0 : i32
    %sign3A_151 = arith.cmpi slt, %get3A_0, %sign3A_150 : i32
    %sign3A_152 = arith.extui %sign3A_151 : i1 to i32
    %sign3A_153 = arith.subi %sign3A_149, %sign3A_152 : i32
    %sign3A_154 = arith.constant 0 : i32
    %sign3A_155 = arith.cmpi sgt, %jit3A_145, %sign3A_154 : i32
    %sign3A_156 = arith.extui %sign3A_155 : i1 to i32
    %sign3A_157 = arith.constant 0 : i32
    %sign3A_158 = arith.cmpi slt, %jit3A_145, %sign3A_157 : i32
    %sign3A_159 = arith.extui %sign3A_158 : i1 to i32
    %sign3A_160 = arith.subi %sign3A_156, %sign3A_159 : i32
    %ne3A_161 = arith.cmpi ne, %sign3A_153, %sign3A_160 : i32
    %rem3A_162 = arith.remsi %get3A_0, %jit3A_145 : i32
    %ne3A_163 = arith.constant 0 : i32
    %ne3A_164 = arith.cmpi ne, %rem3A_162, %ne3A_163 : i32
    %and3A_165 = arith.andi %ne3A_161, %ne3A_164 : i1
    %sub3A_166 = arith.constant 1 : i32
    %sub3A_167 = arith.subi %div3A_146, %sub3A_166 : i32
    %select_n3A_168 = arith.select %and3A_165, %sub3A_167, %div3A_146 : i32
    %mul3A_169 = arith.constant 128 : i32
    %mul3A_170 = arith.muli %select_n3A_168, %mul3A_169 : i32
    %multiple_of3A_171 = tpu.assume_multiple %mul3A_170, 128 : i32
    %sub3A_172 = arith.subi %get3A_0, %multiple_of3A_171 : i32
    %broadcast_in_dim3A_173 = arith.constant 0 : i32
    %broadcast_in_dim3A_174 = vector.broadcast %broadcast_in_dim3A_173 : i32 to vector<1x128xi32>
    %concatenate3A_175 = tpu.concatenate %get3A_144, %broadcast_in_dim3A_174 in 1 : vector<1x128xi32>, vector<1x128xi32> -> vector<1x256xi32>
    %roll3A_176 = tpu.dynamic_rotate %concatenate3A_175 by %sub3A_172 dim 1 : vector<1x256xi32>, i32 -> vector<1x256xi32>
    %iota3A_177 = tpu.iota {dimensions = array<i32: 1>} : vector<1x256xi32>
    %ge3A_178 = vector.broadcast %sub3A_172 : i32 to vector<1x256xi32>
    %ge3A_179 = arith.cmpi sge, %iota3A_177, %ge3A_178 : vector<1x256xi32>
    %add3A_180 = arith.addi %sub3A_172, %get3A_2 : i32
    %lt3A_181 = vector.broadcast %add3A_180 : i32 to vector<1x256xi32>
    %lt3A_182 = arith.cmpi slt, %iota3A_177, %lt3A_181 : vector<1x256xi32>
    %and3A_183 = arith.andi %ge3A_179, %lt3A_182 : vector<1x256xi1>
    %get3A_184 = arith.constant 0 : index
    %get3A_185 = arith.index_cast %multiple_of3A_171 : i32 to index
    %get3A_186 = vector.load %arg23[%get3A_184, %get3A_185] : memref<1x2432xi32, #tpu.memory_space<vmem>>, vector<1x256xi32>
    %select_n3A_187 = arith.select %and3A_183, %roll3A_176, %get3A_186 : vector<1x256xi1>, vector<1x256xi32>
    %swap3A_188 = arith.constant 0 : index
    %swap3A_189 = arith.index_cast %multiple_of3A_171 : i32 to index
    %swap3A_190 = vector.load %arg23[%swap3A_188, %swap3A_189] : memref<1x2432xi32, #tpu.memory_space<vmem>>, vector<1x256xi32>
    tpu.vector_store %arg23[%swap3A_188, %swap3A_189], %select_n3A_187 {strides = array<i32>} : memref<1x2432xi32, #tpu.memory_space<vmem>>, vector<1x256xi32>,
    %get3A_191 = arith.constant 0 : index
    %get3A_192 = arith.constant 0 : index
    %get3A_193 = arith.constant 0 : index
    %get3A_194 = vector.load %arg10[%get3A_191, %get3A_192, %get3A_193] : memref<1x1x512xi32, #tpu.memory_space<vmem>>, vector<1x1x512xi32>
    %get3A_195 = vector.shape_cast %get3A_194 : vector<1x1x512xi32> to vector<1x512xi32>
    %jit3A_196 = arith.constant 128 : i32
    %div3A_197 = arith.divsi %add3A_118, %jit3A_196 : i32
    %sign3A_198 = arith.constant 0 : i32
    %sign3A_199 = arith.cmpi sgt, %add3A_118, %sign3A_198 : i32
    %sign3A_200 = arith.extui %sign3A_199 : i1 to i32
    %sign3A_201 = arith.constant 0 : i32
    %sign3A_202 = arith.cmpi slt, %add3A_118, %sign3A_201 : i32
    %sign3A_203 = arith.extui %sign3A_202 : i1 to i32
    %sign3A_204 = arith.subi %sign3A_200, %sign3A_203 : i32
    %sign3A_205 = arith.constant 0 : i32
    %sign3A_206 = arith.cmpi sgt, %jit3A_196, %sign3A_205 : i32
    %sign3A_207 = arith.extui %sign3A_206 : i1 to i32
    %sign3A_208 = arith.constant 0 : i32
    %sign3A_209 = arith.cmpi slt, %jit3A_196, %sign3A_208 : i32
    %sign3A_210 = arith.extui %sign3A_209 : i1 to i32
    %sign3A_211 = arith.subi %sign3A_207, %sign3A_210 : i32
    %ne3A_212 = arith.cmpi ne, %sign3A_204, %sign3A_211 : i32
    %rem3A_213 = arith.remsi %add3A_118, %jit3A_196 : i32
    %ne3A_214 = arith.constant 0 : i32
    %ne3A_215 = arith.cmpi ne, %rem3A_213, %ne3A_214 : i32
    %and3A_216 = arith.andi %ne3A_212, %ne3A_215 : i1
    %sub3A_217 = arith.constant 1 : i32
    %sub3A_218 = arith.subi %div3A_197, %sub3A_217 : i32
    %select_n3A_219 = arith.select %and3A_216, %sub3A_218, %div3A_197 : i32
    %mul3A_220 = arith.constant 128 : i32
    %mul3A_221 = arith.muli %select_n3A_219, %mul3A_220 : i32
    %multiple_of3A_222 = tpu.assume_multiple %mul3A_221, 128 : i32
    %sub3A_223 = arith.subi %add3A_118, %multiple_of3A_222 : i32
    %broadcast_in_dim3A_224 = arith.constant 0 : i32
    %broadcast_in_dim3A_225 = vector.broadcast %broadcast_in_dim3A_224 : i32 to vector<1x128xi32>
    %concatenate3A_226 = tpu.concatenate %get3A_195, %broadcast_in_dim3A_225 in 1 : vector<1x512xi32>, vector<1x128xi32> -> vector<1x640xi32>
    %roll3A_227 = tpu.dynamic_rotate %concatenate3A_226 by %sub3A_223 dim 1 : vector<1x640xi32>, i32 -> vector<1x640xi32>
    %iota3A_228 = tpu.iota {dimensions = array<i32: 1>} : vector<1x640xi32>
    %ge3A_229 = vector.broadcast %sub3A_223 : i32 to vector<1x640xi32>
    %ge3A_230 = arith.cmpi sge, %iota3A_228, %ge3A_229 : vector<1x640xi32>
    %add3A_231 = arith.addi %sub3A_223, %get3A_4 : i32
    %lt3A_232 = vector.broadcast %add3A_231 : i32 to vector<1x640xi32>
    %lt3A_233 = arith.cmpi slt, %iota3A_228, %lt3A_232 : vector<1x640xi32>
    %and3A_234 = arith.andi %ge3A_230, %lt3A_233 : vector<1x640xi1>
    %get3A_235 = arith.constant 0 : index
    %get3A_236 = arith.index_cast %multiple_of3A_222 : i32 to index
    %get3A_237 = vector.load %arg23[%get3A_235, %get3A_236] : memref<1x2432xi32, #tpu.memory_space<vmem>>, vector<1x640xi32>
    %select_n3A_238 = arith.select %and3A_234, %roll3A_227, %get3A_237 : vector<1x640xi1>, vector<1x640xi32>
    %swap3A_239 = arith.constant 0 : index
    %swap3A_240 = arith.index_cast %multiple_of3A_222 : i32 to index
    %swap3A_241 = vector.load %arg23[%swap3A_239, %swap3A_240] : memref<1x2432xi32, #tpu.memory_space<vmem>>, vector<1x640xi32>
    tpu.vector_store %arg23[%swap3A_239, %swap3A_240], %select_n3A_238 {strides = array<i32>} : memref<1x2432xi32, #tpu.memory_space<vmem>>, vector<1x640xi32>,
    %jit3A_242 = arith.constant 128 : i32
    %div3A_243 = arith.divsi %add3A_119, %jit3A_242 : i32
    %sign3A_244 = arith.constant 0 : i32
    %sign3A_245 = arith.cmpi sgt, %add3A_119, %sign3A_244 : i32
    %sign3A_246 = arith.extui %sign3A_245 : i1 to i32
    %sign3A_247 = arith.constant 0 : i32
    %sign3A_248 = arith.cmpi slt, %add3A_119, %sign3A_247 : i32
    %sign3A_249 = arith.extui %sign3A_248 : i1 to i32
    %sign3A_250 = arith.subi %sign3A_246, %sign3A_249 : i32
    %sign3A_251 = arith.constant 0 : i32
    %sign3A_252 = arith.cmpi sgt, %jit3A_242, %sign3A_251 : i32
    %sign3A_253 = arith.extui %sign3A_252 : i1 to i32
    %sign3A_254 = arith.constant 0 : i32
    %sign3A_255 = arith.cmpi slt, %jit3A_242, %sign3A_254 : i32
    %sign3A_256 = arith.extui %sign3A_255 : i1 to i32
    %sign3A_257 = arith.subi %sign3A_253, %sign3A_256 : i32
    %ne3A_258 = arith.cmpi ne, %sign3A_250, %sign3A_257 : i32
    %rem3A_259 = arith.remsi %add3A_119, %jit3A_242 : i32
    %ne3A_260 = arith.constant 0 : i32
    %ne3A_261 = arith.cmpi ne, %rem3A_259, %ne3A_260 : i32
    %and3A_262 = arith.andi %ne3A_258, %ne3A_261 : i1
    %sub3A_263 = arith.constant 1 : i32
    %sub3A_264 = arith.subi %div3A_243, %sub3A_263 : i32
    %select_n3A_265 = arith.select %and3A_262, %sub3A_264, %div3A_243 : i32
    %mul3A_266 = arith.constant 128 : i32
    %mul3A_267 = arith.muli %select_n3A_265, %mul3A_266 : i32
    %multiple_of3A_268 = tpu.assume_multiple %mul3A_267, 128 : i32
    %sub3A_269 = arith.subi %add3A_119, %multiple_of3A_268 : i32
    %broadcast_in_dim3A_270 = arith.constant 0 : i32
    %broadcast_in_dim3A_271 = vector.broadcast %broadcast_in_dim3A_270 : i32 to vector<1x128xi32>
    %concatenate3A_272 = tpu.concatenate %get3A_195, %broadcast_in_dim3A_271 in 1 : vector<1x512xi32>, vector<1x128xi32> -> vector<1x640xi32>
    %roll3A_273 = tpu.dynamic_rotate %concatenate3A_272 by %sub3A_269 dim 1 : vector<1x640xi32>, i32 -> vector<1x640xi32>
    %iota3A_274 = tpu.iota {dimensions = array<i32: 1>} : vector<1x640xi32>
    %ge3A_275 = vector.broadcast %sub3A_269 : i32 to vector<1x640xi32>
    %ge3A_276 = arith.cmpi sge, %iota3A_274, %ge3A_275 : vector<1x640xi32>
    %add3A_277 = arith.addi %sub3A_269, %get3A_4 : i32
    %lt3A_278 = vector.broadcast %add3A_277 : i32 to vector<1x640xi32>
    %lt3A_279 = arith.cmpi slt, %iota3A_274, %lt3A_278 : vector<1x640xi32>
    %and3A_280 = arith.andi %ge3A_276, %lt3A_279 : vector<1x640xi1>
    %get3A_281 = arith.constant 0 : index
    %get3A_282 = arith.index_cast %multiple_of3A_268 : i32 to index
    %get3A_283 = vector.load %arg23[%get3A_281, %get3A_282] : memref<1x2432xi32, #tpu.memory_space<vmem>>, vector<1x640xi32>
    %select_n3A_284 = arith.select %and3A_280, %roll3A_273, %get3A_283 : vector<1x640xi1>, vector<1x640xi32>
    %swap3A_285 = arith.constant 0 : index
    %swap3A_286 = arith.index_cast %multiple_of3A_268 : i32 to index
    %swap3A_287 = vector.load %arg23[%swap3A_285, %swap3A_286] : memref<1x2432xi32, #tpu.memory_space<vmem>>, vector<1x640xi32>
    tpu.vector_store %arg23[%swap3A_285, %swap3A_286], %select_n3A_284 {strides = array<i32>} : memref<1x2432xi32, #tpu.memory_space<vmem>>, vector<1x640xi32>,
    %jit3A_288 = arith.constant 128 : i32
    %div3A_289 = arith.divsi %add3A_120, %jit3A_288 : i32
    %sign3A_290 = arith.constant 0 : i32
    %sign3A_291 = arith.cmpi sgt, %add3A_120, %sign3A_290 : i32
    %sign3A_292 = arith.extui %sign3A_291 : i1 to i32
    %sign3A_293 = arith.constant 0 : i32
    %sign3A_294 = arith.cmpi slt, %add3A_120, %sign3A_293 : i32
    %sign3A_295 = arith.extui %sign3A_294 : i1 to i32
    %sign3A_296 = arith.subi %sign3A_292, %sign3A_295 : i32
    %sign3A_297 = arith.constant 0 : i32
    %sign3A_298 = arith.cmpi sgt, %jit3A_288, %sign3A_297 : i32
    %sign3A_299 = arith.extui %sign3A_298 : i1 to i32
    %sign3A_300 = arith.constant 0 : i32
    %sign3A_301 = arith.cmpi slt, %jit3A_288, %sign3A_300 : i32
    %sign3A_302 = arith.extui %sign3A_301 : i1 to i32
    %sign3A_303 = arith.subi %sign3A_299, %sign3A_302 : i32
    %ne3A_304 = arith.cmpi ne, %sign3A_296, %sign3A_303 : i32
    %rem3A_305 = arith.remsi %add3A_120, %jit3A_288 : i32
    %ne3A_306 = arith.constant 0 : i32
    %ne3A_307 = arith.cmpi ne, %rem3A_305, %ne3A_306 : i32
    %and3A_308 = arith.andi %ne3A_304, %ne3A_307 : i1
    %sub3A_309 = arith.constant 1 : i32
    %sub3A_310 = arith.subi %div3A_289, %sub3A_309 : i32
    %select_n3A_311 = arith.select %and3A_308, %sub3A_310, %div3A_289 : i32
    %mul3A_312 = arith.constant 128 : i32
    %mul3A_313 = arith.muli %select_n3A_311, %mul3A_312 : i32
    %multiple_of3A_314 = tpu.assume_multiple %mul3A_313, 128 : i32
    %sub3A_315 = arith.subi %add3A_120, %multiple_of3A_314 : i32
    %broadcast_in_dim3A_316 = arith.constant 0 : i32
    %broadcast_in_dim3A_317 = vector.broadcast %broadcast_in_dim3A_316 : i32 to vector<1x128xi32>
    %concatenate3A_318 = tpu.concatenate %get3A_195, %broadcast_in_dim3A_317 in 1 : vector<1x512xi32>, vector<1x128xi32> -> vector<1x640xi32>
    %roll3A_319 = tpu.dynamic_rotate %concatenate3A_318 by %sub3A_315 dim 1 : vector<1x640xi32>, i32 -> vector<1x640xi32>
    %iota3A_320 = tpu.iota {dimensions = array<i32: 1>} : vector<1x640xi32>
    %ge3A_321 = vector.broadcast %sub3A_315 : i32 to vector<1x640xi32>
    %ge3A_322 = arith.cmpi sge, %iota3A_320, %ge3A_321 : vector<1x640xi32>
    %add3A_323 = arith.addi %sub3A_315, %get3A_4 : i32
    %lt3A_324 = vector.broadcast %add3A_323 : i32 to vector<1x640xi32>
    %lt3A_325 = arith.cmpi slt, %iota3A_320, %lt3A_324 : vector<1x640xi32>
    %and3A_326 = arith.andi %ge3A_322, %lt3A_325 : vector<1x640xi1>
    %get3A_327 = arith.constant 0 : index
    %get3A_328 = arith.index_cast %multiple_of3A_314 : i32 to index
    %get3A_329 = vector.load %arg23[%get3A_327, %get3A_328] : memref<1x2432xi32, #tpu.memory_space<vmem>>, vector<1x640xi32>
    %select_n3A_330 = arith.select %and3A_326, %roll3A_319, %get3A_329 : vector<1x640xi1>, vector<1x640xi32>
    %swap3A_331 = arith.constant 0 : index
    %swap3A_332 = arith.index_cast %multiple_of3A_314 : i32 to index
    %swap3A_333 = vector.load %arg23[%swap3A_331, %swap3A_332] : memref<1x2432xi32, #tpu.memory_space<vmem>>, vector<1x640xi32>
    tpu.vector_store %arg23[%swap3A_331, %swap3A_332], %select_n3A_330 {strides = array<i32>} : memref<1x2432xi32, #tpu.memory_space<vmem>>, vector<1x640xi32>,
    %get3A_334 = arith.constant 0 : index
    %get3A_335 = arith.constant 0 : index
    %get3A_336 = vector.load %arg23[%get3A_334, %get3A_335] : memref<1x2432xi32, #tpu.memory_space<vmem>>, vector<1x2176xi32>
    %swap3A_337 = arith.constant 0 : index
    %swap3A_338 = arith.constant 0 : index
    %swap3A_339 = arith.constant 0 : index
    %swap3A_340 = vector.load %arg18[%swap3A_337, %swap3A_338, %swap3A_339] : memref<1x1x2176xi32, #tpu.memory_space<vmem>>, vector<1x1x2176xi32>
    %swap3A_341 = vector.shape_cast %swap3A_340 : vector<1x1x2176xi32> to vector<1x2176xi32>
    %swap3A_342 = vector.shape_cast %get3A_336 : vector<1x2176xi32> to vector<1x1x2176xi32>
    tpu.vector_store %arg18[%swap3A_337, %swap3A_338, %swap3A_339], %swap3A_342 {strides = array<i32>} : memref<1x1x2176xi32, #tpu.memory_space<vmem>>, vector<1x1x2176xi32>,
    %dma_wait3A_343 = arith.constant 0 : i32
    %dma_wait3A_344 = arith.constant 0 : i32
    %dma_wait3A_345 = tpu.memref_slice %arg17[%dma_wait3A_343, %arg0, %dma_wait3A_344] : memref<640x16x768xf32, #tpu.memory_space<any>> -> memref<640x1x768xf32, #tpu.memory_space<any>>
    %dma_wait3A_346 = tpu.memref_squeeze %dma_wait3A_345 : memref<640x1x768xf32, #tpu.memory_space<any>> -> memref<640x768xf32, #tpu.memory_space<any>>
    %dma_wait3A_347 = arith.constant 0 : i32
    %dma_wait3A_348 = arith.constant 0 : i32
    %dma_wait3A_349 = tpu.memref_slice %arg19[%dma_wait3A_347, %dma_wait3A_348] : memref<648x768xf32, #tpu.memory_space<vmem>> -> memref<640x768xf32, #tpu.memory_space<vmem>>
    tpu.wait_dma2 semaphore(%arg26 : memref<!tpu.dma_semaphore, #tpu.memory_space<semaphore_mem>>) src(%dma_wait3A_349 : memref<640x768xf32, #tpu.memory_space<vmem>>) dst(%dma_wait3A_346 : memref<640x768xf32, #tpu.memory_space<any>>)
    return
  }
  func.func @transform_0(%arg0: i32) -> i32 {
    %c0_i32 = arith.constant 0 : i32
    %c0_i32_0 = arith.constant 0 : i32
    return %c0_i32 : i32
  }
  func.func @transform_1(%arg0: i32) -> i32 {
    %c0_i32 = arith.constant 0 : i32
    %c0_i32_0 = arith.constant 0 : i32
    return %c0_i32 : i32
  }
  func.func @transform_2(%arg0: i32) -> i32 {
    %c0_i32 = arith.constant 0 : i32
    %c0_i32_0 = arith.constant 0 : i32
    return %c0_i32 : i32
  }
  func.func @transform_3(%arg0: i32) -> (i32, i32, i32) {
    %c0_i32 = arith.constant 0 : i32
    %c0_i32_0 = arith.constant 0 : i32
    %c0_i32_1 = arith.constant 0 : i32
    return %arg0, %c0_i32, %c0_i32_0 : i32, i32, i32
  }
  func.func @transform_4(%arg0: i32) -> (i32, i32, i32) {
    %c0_i32 = arith.constant 0 : i32
    %c0_i32_0 = arith.constant 0 : i32
    %c0_i32_1 = arith.constant 0 : i32
    return %arg0, %c0_i32, %c0_i32_0 : i32, i32, i32
  }
  func.func @transform_5(%arg0: i32) -> (i32, i32, i32) {
    %c0_i32 = arith.constant 0 : i32
    %c0_i32_0 = arith.constant 0 : i32
    %c0_i32_1 = arith.constant 0 : i32
    return %arg0, %c0_i32, %c0_i32_0 : i32, i32, i32
  }
  func.func @transform_6(%arg0: i32) -> (i32, i32, i32) {
    %c0_i32 = arith.constant 0 : i32
    %c0_i32_0 = arith.constant 0 : i32
    %c0_i32_1 = arith.constant 0 : i32
    return %arg0, %c0_i32, %c0_i32_0 : i32, i32, i32
  }
  func.func @transform_7(%arg0: i32) -> (i32, i32, i32) {
    %c0_i32 = arith.constant 0 : i32
    %c0_i32_0 = arith.constant 0 : i32
    %c0_i32_1 = arith.constant 0 : i32
    return %arg0, %c0_i32, %c0_i32_0 : i32, i32, i32
  }
  func.func @transform_8(%arg0: i32) -> (i32, i32, i32) {
    %c0_i32 = arith.constant 0 : i32
    %c0_i32_0 = arith.constant 0 : i32
    %c0_i32_1 = arith.constant 0 : i32
    return %arg0, %c0_i32, %c0_i32_0 : i32, i32, i32
  }
  func.func @transform_9(%arg0: i32) -> (i32, i32, i32) {
    %c0_i32 = arith.constant 0 : i32
    %c0_i32_0 = arith.constant 0 : i32
    %c0_i32_1 = arith.constant 0 : i32
    return %arg0, %c0_i32, %c0_i32_0 : i32, i32, i32
  }
  func.func @transform_12(%arg0: i32) -> (i32, i32) {
    %c0_i32 = arith.constant 0 : i32
    %c0_i32_0 = arith.constant 0 : i32
    %c0_i32_1 = arith.constant 0 : i32
    return %c0_i32, %c0_i32_0 : i32, i32
  }
  func.func @transform_13(%arg0: i32) -> (i32, i32) {
    %c0_i32 = arith.constant 0 : i32
    %c0_i32_0 = arith.constant 0 : i32
    %c0_i32_1 = arith.constant 0 : i32
    return %c0_i32, %c0_i32_0 : i32, i32
  }
  func.func @transform_14(%arg0: i32) -> (i32, i32) {
    %c0_i32 = arith.constant 0 : i32
    %c0_i32_0 = arith.constant 0 : i32
    %c0_i32_1 = arith.constant 0 : i32
    return %c0_i32, %c0_i32_0 : i32, i32
  }
  func.func @transform_15(%arg0: i32) -> (i32, i32) {
    %c0_i32 = arith.constant 0 : i32
    %c0_i32_0 = arith.constant 0 : i32
    %c0_i32_1 = arith.constant 0 : i32
    return %c0_i32, %c0_i32_0 : i32, i32
  }
  func.func @transform_17(%arg0: i32) -> (i32, i32, i32) {
    %c0_i32 = arith.constant 0 : i32
    %c0_i32_0 = arith.constant 0 : i32
    %c0_i32_1 = arith.constant 0 : i32
    return %arg0, %c0_i32, %c0_i32_0 : i32, i32, i32
  }
}

</mosaic_0001>

<sc_bundles>
// kernel: kernel.4.cloned.1.call-start
scs
__scs_entry_jumppad:
0x0: {  	(pc) =	sbr.rel $0x88, $3  }
0x1: {  	(tag) =	ssettag $0x0;
	lr =	simm.s32 $0x1  }
0x2: {  	[smem:$0x3F89] =	sst lr;
	_ =	strace $0xD0000000  }
0x3: {  	_ = 	snop  }
0x4: {  	_ = 	snop  }
0x5: {  	_ = 	snop  }
0x6: {  	_ = 	snop  }
0x7: {  	_ = 	snop  }
__scs_overlays_trampoline_lowered:
0x8: {  	[smem:$0x3F98] =	sst s0  }
0x9: {  	[smem:$0x3F99] =	sst s1  }
0xa: {  	[smem:$0x3F9A] =	sst s2  }
0xb: {  	[smem:$0x3F9B] =	sst s3  }
0xc: {  	[smem:$0x3F9C] =	sst s4  }
0xd: {  	[smem:$0x3F9D] =	sst s5  }
0xe: {  	[smem:$0x3F9E] =	sst s6  }
0xf: {  	[smem:$0x3F9F] =	sst s7  }
0x10: {  	[smem:$0x3FA0] =	sst s8  }
0x11: {  	[smem:$0x3FA1] =	sst s9;
	s0 =	simm.s32 @!p0 $0x0  }
0x12: {  	s1 =	sld [smem:$0x3F87];
	s0 =	simm.s32 @p0 $0x1  }
0x13: {  	[smem:$0x3FA2] =	sst s0;
	s0 =	simm.s32 @!p1 $0x0  }
0x14: {  	s2 =	sld [smem:$0x3F86];
	s0 =	simm.s32 @p1 $0x1  }
0x15: {  	[smem:$0x3FA3] =	sst s0;
	s0 =	simm.s32 @!p2 $0x0  }
0x16: {  	s3 =	sld [smem:$0x3FDB];
	s0 =	simm.s32 @p2 $0x1  }
0x17: {  	s4 =	simm.s32 $0x1BF5;
	[smem:$0x3FA5] =	sst s0  }
0x18: {  	s0 =	sld [smem:$0x3F88];
	_ =	swait.ge [sflag:s4], $0x0  }
0x19: {  	s7 =	sld [smem:$0x3F89]  }
0x1a: {  	s8 =	sadd.s32 $0xFFFFE003, lr  }
0x1b: {  	s9 =	sadd.s32 $0xFFFFFEF7, lr;
	s5 =	simm.s32 $0xFFFFFFFF;
	p2 =	slt.u32 s8, $0xFFFFF086  }
0x1c: {  	p1 =	slt.u32 s9, $0xF7A;
	s5 =	simm.s32 @!p2 $0x0  }
0x1d: {  	s5 =	simm.s32 @p1 $0x1;
	p0 =	seq.s32 s7, s2  }
0x1e: {  	s7 =	smul.u32 @!p0 $0xF7A, s2;
	p2 =	seq.s32 @!p0 s5, $0x0  }
0x1f: {  	s9 =	smul.u32 $0xF7A, s1;
	s8 =	simm.s32 @!p0 $0x1BF5;
	p2 =	por !p2, p0  }
0x20: {  	[sflag:s8] =	ssyncset.s32 @!p0 $0xFFFFF086;
	s6 =	sadd.s32 @!p0 s3, s7;
	s7 =	simm.s32 @!p0 $0x108  }
0x21: {  	s3 =	sadd.s32 s3, s9;
	s6 =	sadd.s32 @!p0 $0x88, s6;
	s7 =	simm.s32 @p2 $0x1082  }
0x22: {  	[simem:s7], [sflag:s8] =	dma.local @!p0 [hbm:s6], $0xF7A  }
0x23: {  	s9 =	sor.u32 $0xD0000000, s2;
	s6 =	simm.s32 $0x108;
	_ =	swait.ge @!p0 [sflag:s8], $0x0  }
0x24: {  	s3 =	sadd.s32 $0x88, s3;
	s6 =	simm.s32 @!p1 $0x1082;
	[sflag:s4] =	ssyncset.s32 $0xFFFFF086  }
0x25: {  	[simem:s6], [sflag:s4] =	dma.local [hbm:s3], $0xF7A  }
0x26: {  	[smem:$0x3F89] =	sst s1;
	(tag) =	ssettag s2;
	_ =	strace s9  }
0x27: {  	s1 =	sld [smem:$0x3F99]  }
0x28: {  	s2 =	sld [smem:$0x3F9A]  }
0x29: {  	s4 =	sld [smem:$0x3F9C]  }
0x2a: {  	p0 =	seq.s32 s5, $0x0;
	s5 =	sld [smem:$0x3F9D]  }
0x2b: {  	s6 =	sld [smem:$0x3F9E]  }
0x2c: {  	s7 =	sld [smem:$0x3F9F]  }
0x2d: {  	s3 =	simm.s32 $0x108;
	s8 =	sld [smem:$0x3FA0]  }
0x2e: {  	s3 =	simm.s32 @!p0 $0x1082;
	s9 =	sld [smem:$0x3FA1]  }
0x2f: {  	lr =	sadd.s32 s0, s3;
	s0 =	sld [smem:$0x3F98]  }
0x30: {  	s3 =	sld [smem:$0x3F9B]  }
0x31: {  	[smem:$0x3FA4] =	sst s10  }
0x32: {  	s10 =	sld [smem:$0x3FA2];
	_ =	sdelay $0x3  }
0x33: {  	p0 =	seq.s32 s10, $0x1;
	s10 =	sld [smem:$0x3FA4];
	_ =	sdelay $0x3  }
0x34: {  	[smem:$0x3FA4] =	sst s10  }
0x35: {  	s10 =	sld [smem:$0x3FA3];
	_ =	sdelay $0x3  }
0x36: {  	p1 =	seq.s32 s10, $0x1;
	s10 =	sld [smem:$0x3FA4];
	_ =	sdelay $0x3  }
0x37: {  	[smem:$0x3FA4] =	sst s10  }
0x38: {  	s10 =	sld [smem:$0x3FA5]  }
0x39: {  	_ = 	snop;
	(pc) =	sbr.ind lr, $3  }
0x3a: {  	_ = 	snop  }
0x3b: {  	_ = 	snop  }
0x3c: {  	p2 =	seq.s32 s10, $0x1;
	s10 =	sld [smem:$0x3FA4]  }
0x3d: {  	_ =	shalt  }
0x3e: {  	_ =	shalt  }
0x3f: {  	_ =	shalt  }
0x40: {  	_ =	shalt  }
0x41: {  	_ =	shalt  }
0x42: {  	_ =	shalt  }
0x43: {  	_ =	shalt  }
0x44: {  	_ =	shalt  }
0x45: {  	_ =	shalt  }
0x46: {  	_ =	shalt  }
0x47: {  	_ =	shalt  }
0x48: {  	_ =	shalt  }
0x49: {  	_ =	shalt  }
0x4a: {  	_ =	shalt  }
0x4b: {  	_ =	shalt  }
0x4c: {  	_ =	shalt  }
0x4d: {  	_ =	shalt  }
0x4e: {  	_ =	shalt  }
0x4f: {  	_ =	shalt  }
0x50: {  	_ =	shalt  }
0x51: {  	_ =	shalt  }
0x52: {  	_ =	shalt  }
0x53: {  	_ =	shalt  }
0x54: {  	_ =	shalt  }
0x55: {  	_ =	shalt  }
0x56: {  	_ =	shalt  }
0x57: {  	_ =	shalt  }
0x58: {  	_ =	shalt  }
0x59: {  	_ =	shalt  }
0x5a: {  	_ =	shalt  }
0x5b: {  	_ =	shalt  }
0x5c: {  	_ =	shalt  }
0x5d: {  	_ =	shalt  }
0x5e: {  	_ =	shalt  }
0x5f: {  	_ =	shalt  }
0x60: {  	_ =	shalt  }
0x61: {  	_ =	shalt  }
0x62: {  	_ =	shalt  }
0x63: {  	_ =	shalt  }
0x64: {  	_ =	shalt  }
0x65: {  	_ =	shalt  }
0x66: {  	_ =	shalt  }
0x67: {  	_ =	shalt  }
0x68: {  	_ =	shalt  }
0x69: {  	_ =	shalt  }
0x6a: {  	_ =	shalt  }
0x6b: {  	_ =	shalt  }
0x6c: {  	_ =	shalt  }
0x6d: {  	_ =	shalt  }
0x6e: {  	_ =	shalt  }
0x6f: {  	_ =	shalt  }
0x70: {  	_ =	shalt  }
0x71: {  	_ =	shalt  }
0x72: {  	_ =	shalt  }
0x73: {  	_ =	shalt  }
0x74: {  	_ =	shalt  }
0x75: {  	_ =	shalt  }
0x76: {  	_ =	shalt  }
0x77: {  	_ =	shalt  }
0x78: {  	_ =	shalt  }
0x79: {  	_ =	shalt  }
0x7a: {  	_ =	shalt  }
0x7b: {  	_ =	shalt  }
0x7c: {  	_ =	shalt  }
0x7d: {  	_ =	shalt  }
0x7e: {  	_ =	shalt  }
0x7f: {  	_ =	shalt  }
0x80: {  	_ =	shalt  }
0x81: {  	_ =	shalt  }
0x82: {  	_ =	shalt  }
0x83: {  	_ =	shalt  }
0x84: {  	_ =	shalt  }
0x85: {  	_ =	shalt  }
0x86: {  	_ =	shalt  }
0x87: {  	_ =	shalt  }
.Lfunc_end0:
.L_simem_size_0:
called_computation_lowered:
.L_overlay_start_0:
0x88: {  	s2 =	sld [smem:$0x3FD9]  }
0x89: {  	s3 =	sld [smem:$0x3FFE];
	_ =	sdelay $0x1  }
0x8a: {  	s1 =	srdreg.scid  }
0x8b: {  	s0 =	sand.u32 $0x1, s1  }
0x8c: {  	s23 =	sshll.u32 s0, $0xA;
	s2 =	sadd.s32 s3, s2  }
0x8d: {  	s2 =	sadd.s32 s2, s23  }
0x8e: {  	[smem:$0x3FB0] =	sst s2  }
0x8f: {  	_ = 	snop  }
0x90: {  	s8 =	sld [smem:$0x3FC1]  }
0x91: {  	s2 =	sld [smem:$0x3FC0]  }
0x92: {  	s3 =	sld [smem:$0x3FBF]  }
0x93: {  	s4 =	sld [smem:$0x3FBE]  }
0x94: {  	s5 =	sld [smem:$0x3FBD]  }
0x95: {  	s12 =	sld [smem:$0x3FBC]  }
0x96: {  	s9 =	sld [smem:$0x3FB8]  }
0x97: {  	s6 =	sld [smem:$0x3FB7]  }
0x98: {  	s7 =	sld [smem:$0x3FB6]  }
0x99: {  	s14 =	sld [smem:$0x3FD0]  }
0x9a: {  	s10 =	sld [smem:$0x3FB5]  }
0x9b: {  	s11 =	sld [smem:$0x3FB4]  }
0x9c: {  	s15 =	simm.s32 $0xA;
	s16 =	simm.s32 $0x10;
	s13 =	sld [smem:$0x3FB2]  }
0x9d: {  	[smem:s16], [sflag:s15] =	dma.local [hbm:s14], $0x1  }
0x9e: {  	_ =	swait.eq [sflag:s15], $0x1  }
0x9f: {  	[sflag:s15] =	ssyncset.done $0x0  }
0xa0: {  	[sflag:s15] =	ssyncadd.s32 $0xFFFFFFFF  }
0xa1: {  	s15 =	sld [smem:$0x10];
	(tm) =	ssettm $0x1  }
0xa2: {  	s24 =	sld [smem:$0x3FFB];
	_ =	sdelay $0x3  }
0xa3: {  	_ =	strace s24  }
0xa4: {  	s14 =	sld [smem:$0x3FFC];
	_ =	sdelay $0x3  }
0xa5: {  	_ =	strace s14  }
0xa6: {  	s14 =	sld [smem:$0x3FFD];
	_ =	sdelay $0x3  }
0xa7: {  	_ =	strace s14  }
0xa8: {  	_ =	strace $0x8FFFFFFF  }
0xa9: {  	s25 =	sld [smem:$0x3FDB];
	_ =	sdelay $0x1  }
0xaa: {  	s26 =	simm.s32 $_scs_section_size  }
0xab: {  	s17 =	simm.s32 $_size__tile_task_arg_handler_lowered;
	s18 =	simm.s32 $_tile_task_arg_handler_lowered  }
0xac: {  	s30 =	simm.s32 $0x1BFF;
	s29 =	sshll.u32 s18, $0x1;
	s16 =	sadd.s32 s26, s25  }
0xad: {  	s19 =	simm.s32 $0x60;
	s28 =	sshll.u32 s17, $0x1;
	s17 =	sadd.s32 s29, s16  }
0xae: {  	[timem:s19], [sflag:s30] =	dma.local [hbm:s17], s28  }
0xaf: {  	_ =	swait.ge [sflag:s30], s28  }
0xb0: {  	s31 =	simm.s32 $_tile_overlayer_lowered;
	s14 =	ssub.s32 $0x0, s28;
	[sflag:s30] =	ssyncset.done $0x0  }
0xb1: {  	s19 =	simm.s32 $_size__tile_overlayer_lowered;
	s17 =	sshll.u32 s31, $0x1;
	[sflag:s30] =	ssyncadd.s32 s14  }
0xb2: {  	s21 =	simm.s32 $0x0;
	s20 =	sshll.u32 s19, $0x1;
	s17 =	sadd.s32 s17, s16  }
0xb3: {  	[timem:s21], [sflag:s30] =	dma.local [hbm:s17], s20  }
0xb4: {  	_ =	swait.ge [sflag:s30], s20  }
0xb5: {  	s22 =	ssub.s32 $0x0, s20;
	[sflag:s30] =	ssyncset.done $0x0  }
0xb6: {  	[sflag:s30] =	ssyncadd.s32 s22;
	_ =	sdelay $0x1  }
0xb7: {  	s23 =	simm.s32 $0x1B8B  }
0xb8: {  	_ =	swait.ge [sflag:s23], $0x1  }
0xb9: {  	[sflag:s23] =	ssyncset.done $0x0  }
0xba: {  	s25 =	simm.s32 $0x1B8E;
	s24 =	sld [smem:$0x3FFE];
	[sflag:s23] =	ssyncadd.s32 $0xFFFFFFFF  }
0xbb: {  	s26 =	simm.s32 $execute0_lowered;
	[smem:$0x3FD2] =	sst s25  }
0xbc: {  	s18 =	sshll.u32 s26, $0x1;
	_ =	strace $0x80000046;
	[dreg:$0x1] =	wrdreg $0xFFFFFFFF  }
0xbd: {  	s16 =	sadd.s32 s16, s18;
	s28 =	simm.s32 $_size_execute0_lowered;
	[dreg:$0x0] =	wrdreg $0x0  }
0xbe: {  	s18 =	sshll.u32 s28, $0x1;
	[dreg:$0x2] =	wrdreg s16  }
0xbf: {  	[dreg:$0x3] =	wrdreg s18  }
0xc0: {  	[dreg:$0x4] =	wrdreg $0xC0  }
0xc1: {  	_ =	task [dreg:s21], $0x5FFFF  }
0xc2: {  	[dreg:$0x1] =	wrdreg $0xFFFFFFFF  }
0xc3: {  	[dreg:$0x0] =	wrdreg $0x30  }
0xc4: {  	[dreg:$0x2] =	wrdreg $0x0  }
0xc5: {  	[dreg:$0x3] =	wrdreg $0x9  }
0xc6: {  	_ =	task [dreg:s21], $0x4FFFF  }
0xc7: {  	[dreg:$0x1] =	wrdreg $0xFFFFFFFF  }
0xc8: {  	[dreg:$0x0] =	wrdreg $0x60  }
0xc9: {  	[dreg:$0x2] =	wrdreg s15  }
0xca: {  	[dreg:$0x3] =	wrdreg s24  }
0xcb: {  	[dreg:$0x4] =	wrdreg s8  }
0xcc: {  	[dreg:$0x5] =	wrdreg s12  }
0xcd: {  	[dreg:$0x6] =	wrdreg s2  }
0xce: {  	[dreg:$0x7] =	wrdreg s3  }
0xcf: {  	[dreg:$0x8] =	wrdreg s4  }
0xd0: {  	[dreg:$0x9] =	wrdreg s5  }
0xd1: {  	[dreg:$0xa] =	wrdreg s9  }
0xd2: {  	[dreg:$0xb] =	wrdreg s13  }
0xd3: {  	[dreg:$0xc] =	wrdreg s6  }
0xd4: {  	[dreg:$0xd] =	wrdreg s7  }
0xd5: {  	[dreg:$0xe] =	wrdreg s10  }
0xd6: {  	[dreg:$0xf] =	wrdreg s11  }
0xd7: {  	_ =	task.clear_ibuf [dreg:s21], $0x10FFFF;
	_ =	strace $0x90000046  }
0xd8: {  	s29 =	simm.s32 $0x9;
	_ =	strace $0x80000048  }
0xd9: {  	_ =	swait.ge [sflag:s29], $0x1  }
0xda: {  	[sflag:s29] =	ssyncadd.s32 $0xFFFFFFFF  }
0xdb: {  	_ =	strace $0x90000048  }
0xdc: {  	_ =	sfence  }
0xdd: {  	s30 =	sld [smem:$0x0];
	_ =	sdelay $0x2  }
0xde: {  	s31 =	sshll.u32 s1, $0xD;
	s1 =	sshrl.u32 s1, $0x2  }
0xdf: {  	s3 =	sand.u32 $0x4000, s31;
	s1 =	sadd.s32 s1, s30  }
0xe0: {  	s0 =	sor.u32 s3, s0;
	s1 =	sshll.u32 s1, $0x11  }
0xe1: {  	s0 =	sor.u32 s1, s0  }
0xe2: {  	s0 =	sadd.s32 $0x8F2B, s0  }
0xe3: {  	[sflag:s0] =	ssyncadd.remote.s32 $0x1  }
0xe4: {  	_ =	sfence.sel $0xFFFF  }
0xe5: {  	[dreg:$0x0] =	wrdreg $0xFFFFFFFF;
	(pc) =	sbr.abs _section_cstart, $3  }
0xe6: {  	[dreg:$0x1] =	wrdreg $0xFFFFFFFF  }
0xe7: {  	_ =	task.clear_ibuf [dreg:s21], $0x2FFFF;
	_ =	strace $0x9FFFFFFF  }
0xe8: {  	(tm) =	ssettm $0x7FFFFFFF  }
0xe9: {  	_ =	shalt  }
tec
_tile_task_arg_handler_lowered:
.L_overlay_start_1:
0x0: {  	(tag) =	ssettag $0x1  }
0x1: {  	s0 =	rddreg [dreg:$0x0]  }
0x2: {  	s1 =	rddreg [dreg:$0x1]  }
0x3: {  	s2 =	rddreg [dreg:$0x2]  }
0x4: {  	s3 =	rddreg [dreg:$0x3]  }
0x5: {  	s4 =	rddreg [dreg:$0x4]  }
0x6: {  	s5 =	rddreg [dreg:$0x5]  }
0x7: {  	s6 =	rddreg [dreg:$0x6]  }
0x8: {  	s7 =	rddreg [dreg:$0x7]  }
0x9: {  	s8 =	rddreg [dreg:$0x8]  }
0xa: {  	s9 =	rddreg [dreg:$0x9]  }
0xb: {  	s10 =	rddreg [dreg:$0xa]  }
0xc: {  	s11 =	rddreg [dreg:$0xb]  }
0xd: {  	s12 =	rddreg [dreg:$0xc]  }
0xe: {  	s13 =	rddreg [dreg:$0xd]  }
0xf: {  	[smem:s0] =	sst s1  }
0x10: {  	[smem:s0+$0x1] =	sst s2  }
0x11: {  	[smem:s0+$0x2] =	sst s3  }
0x12: {  	[smem:s0+$0x3] =	sst s4  }
0x13: {  	[smem:s0+$0x4] =	sst s5  }
0x14: {  	[smem:s0+$0x5] =	sst s6  }
0x15: {  	[smem:s0+$0x6] =	sst s7  }
0x16: {  	[smem:s0+$0x7] =	sst s8  }
0x17: {  	[smem:s0+$0x8] =	sst s9  }
0x18: {  	[smem:s0+$0x9] =	sst s10  }
0x19: {  	[smem:s0+$0xA] =	sst s11  }
0x1a: {  	[smem:s0+$0xB] =	sst s12  }
0x1b: {  	[smem:s0+$0xC] =	sst s13;
	_ =	shalt  }
.Lfunc_end2:
execute0_lowered:
.L_overlay_start_2:
0x1c: {  	(tag) =	ssettag $0x2  }
0x1d: {  	s0 =	rddreg [dreg:$0x0]  }
0x1e: {  	s1 =	rddreg [dreg:$0x1]  }
0x1f: {  	s7 =	rddreg [dreg:$0x8]  }
0x20: {  	s8 =	rddreg [dreg:$0x9]  }
0x21: {  	s9 =	rddreg [dreg:$0xa]  }
0x22: {  	s10 =	rddreg [dreg:$0xb]  }
0x23: {  	s2 =	srdreg.scid;
	s11 =	rddreg [dreg:$0xc]  }
0x24: {  	s4 =	stileid.u32;
	s12 =	rddreg [dreg:$0xd]  }
0x25: {  	s15 =	simm.s32 $0x0;
	s17 =	simm.s32 $0x1;
	s2 =	sand.u32 $0x1, s2  }
0x26: {  	s29 =	simm.s32 $0x14380;
	s30 =	simm.s32 $0x14B80;
	s3 =	sor.u32 s2, s4  }
0x27: {  	s31 =	simm.s32 $0x0;
	p1 =	seq.s32 s2, $0x1;
	p0 =	seq.s32 s3, $0x0  }
0x28: {  	[smem:$0x7FF] =	sst s15;
	s13 =	sadd.s32 $0x3200, s1;
	p0 =	por !p0, !p1  }
0x29: {  	s19 =	sadd.s32 $0x3800, s1;
	s3 =	simm.s32 $0x1;
	p0 =	por !p0, !p0  }
0x2a: {  	s22 =	sadd.s32 $0x3900, s1;
	s5 =	sld [smem:$0x0];
	s3 =	simm.s32 @!p0 $0x0  }
0x2b: {  	s23 =	sadd.s32 $0x3A00, s1;
	s28 =	sadd.s32 $0x200, s0;
	s3 =	ssub.s32 s4, s3  }
0x2c: {  	s14 =	sadd.s32 $0x40, s10;
	s4 =	sshrl.u32 s3, $0x3;
	s3 =	sshll.u32 s3, $0x7  }
0x2d: {  	s16 =	sadd.s32 $0x80, s10;
	[dreg:$0xe] =	wrdreg s5;
	s6 =	sand.u32 $0x380, s3  }
0x2e: {  	s25 =	ssub.s32 $0x2, s2;
	s21 =	sshll.u32 s2, $0x4;
	[dreg:$0xf] =	wrdreg s6  }
0x2f: {  	s2 =	sshll.u32 s4, $0xC;
	_ =	strace $0x80000047;
	[dreg:$0x10] =	wrdreg s13  }
0x30: {  	s24 =	sshll.u32 s4, $0xA;
	s4 =	sadd.s32 $0x100, s7;
	[dreg:$0x12] =	wrdreg s2  }
0x31: {  	s3 =	sor.u32 s6, s24;
	s6 =	sadd.s32 $0x100, s8;
	[dreg:$0x14] =	wrdreg s4  }
0x32: {  	s18 =	sadd.s32 $0x100, s11;
	s20 =	sadd.s32 $0x200, s11;
	[dreg:$0x16] =	wrdreg s6  }
0x33: {  	s10 =	simm.s32 $0x1B80;
	s26 =	sshrl.u32 s25, $0x1;
	[dreg:$0x1a] =	wrdreg s14  }
0x34: {  	s11 =	simm.s32 $0x2380;
	s5 =	ssub.s32 s25, s26;
	[dreg:$0x1b] =	wrdreg s16  }
0x35: {  	s26 =	sadd.s32 $0x100, s0;
	s25 =	sadd.s32 $0x80, s12;
	[dreg:$0x1c] =	wrdreg s18  }
0x36: {  	v6 =	vlaneseq.u32;
	s24 =	sadd.s32 $0x40, s12;
	s12 =	simm.s32 $0x2B80;
	[dreg:$0x1d] =	wrdreg s20  }
0x37: {  	v0 =	vshrl.u32 v6, $0x3;
	s3 =	sshrl.u32 s3, $0x3;
	s13 =	sadd.s32 $0x200, s9;
	[dreg:$0x1e] =	wrdreg s24  }
0x38: {  	v8 =	vmul.u32 $0x8, v0;
	v0 =	vmul.u32 $0x2, v0;
	[dreg:$0x1f] =	wrdreg s25;
	s6 =	simm.s32 $0x12380;
	s3 =	sadd.s32 s3, s1  }
0x39: {  	s16 =	simm.s32 $0x13380;
	[dreg:$0x19] =	wrdreg s13;
	s3 =	sadd.s32 $0x1E00, s3  }
0x3a: {  	v7 =	vand.u32 $0x7, v6;
	s24 =	simm.s32 $0x13B80;
	[tilespmem:$0x1FFB0] =	vst v0;
	[dreg:$0x11] =	wrdreg s3;
	s3 =	smax.u32 s5, $0x1  }
0x3b: {  	s2 =	simm.s32 $0x0;
	[tilespmem:$0x1FFC0] =	vst v7;
	s5 =	sadd.s32 $0x200, s7;
	[dreg:$0x13] =	wrdreg s3  }
0x3c: {  	v9 =	vor.u32 $0x8, v6;
	[tilespmem:$0x1FFD0] =	vst v8;
	s13 =	simm.s32 $0x12B80;
	s7 =	sadd.s32 $0x200, s8;
	[dreg:$0x15] =	wrdreg s5  }
0x3d: {  	v10 =	vor.u32 $0x8800, v6;
	[tilespmem:$0x1FFE0] =	vst v9;
	s8 =	sadd.s32 $0x100, s9;
	s9 =	simm.s32 $0x1380;
	[dreg:$0x17] =	wrdreg s7  }
0x3e: {  	vm0 =	vmmov $0xffff;
	[tilespmem:$0x1FFF0] =	vst v10;
	[dreg:$0x18] =	wrdreg s8;
	s7 =	simm.s32 $0x380;
	s8 =	simm.s32 $0xB80  }
.LBB3_1:
0x3f: {  	s1 =	rddreg [dreg:$0x11]  }
0x40: {  	[tilespmem:s15], [sflag:$0x1] =	stream.linear.gather [hbm4b:s1+s15], $0x80, $0x38;
	[tilespmem:$0x15380] =	vst v63  }
0x41: {  	_ =	swait.ge [sflag:s17], $0x80  }
0x42: {  	[sflag:s17] =	ssyncset.done $0x0  }
0x43: {  	s18 =	rddreg [dreg:$0x10];
	[sflag:s17] =	ssyncadd.s32 $0xFFFFFF80  }
0x44: {  	[tilespmem:s6], [sflag:$0x1] =	stream.linear.gather [hbm4b:s18+s15], $0x3000, $0x38;
	[tilespmem:$0x15380] =	vst v63  }
0x45: {  	_ =	swait.ge [sflag:s17], $0x3000  }
0x46: {  	[sflag:s17] =	ssyncset.done $0x0  }
0x47: {  	[sflag:s17] =	ssyncadd.s32 $0xFFFFD000  }
0x48: {  	v0 =	vld [tilespmem:$0x0]  }
0x49: {  	v1 =	vld [tilespmem:$0x10];
	_ =	sdelay $0x1  }
0x4a: {  	v11 =	vld [tilespmem:$0x30];
	_ =	sdelay $0x1  }
0x4b: {  	s20 =	sadd.s32 $0x0, s21;
	v2 =	vld [tilespmem:$0x20]  }
0x4c: {  	v12 =	vadd.s32 v0, v1;
	v0 =	vor.u32 s20, v6  }
0x4d: {  	v1 =	vshll.u32 v0, $0x4  }
0x4e: {  	vm1 =	vlt.s32 v0, v12;
	v0 =	vadd.s32 v11, v1  }
0x4f: {  	v1 =	vnsel vm1, $0x0, v0  }
0x50: {  	[tilespmem:$0x1FFA0] =	vst v2;
	v2 =	vshrl.u32 v1, $0x3  }
0x51: {  	v2 =	vmul.u32 $0x30, v2  }
0x52: {  	v1 =	vand.u32 $0x7, v1  }
0x53: {  	v1 =	vor.u32 v1, v2  }
0x54: {  	v2 =	vperm.xlane v1, v7;
	_ =	sdelay $0x1  }
0x55: {  	v2 =	vadd.s32 v8, v2;
	_ =	sdelay $0x3  }
0x56: {  	v1 =	vperm.xlane v1, v9  }
0x57: {  	[tilespmem:s7], [sflag:$0x1] =	stream.indirect_vreg.gather [hbm4b:s0+s15], $0x80, v2, vm0, $0xb8;
	[tilespmem:$0x15380] =	vst v63  }
0x58: {  	v1 =	vadd.s32 v8, v1  }
0x59: {  	v0 =	vsel vm1, v0, v10;
	[tilespmem:s8], [sflag:$0x1] =	stream.indirect_vreg.gather [hbm4b:s26+s15], $0x80, v2, vm0, $0xb8;
	[tilespmem:$0x15380] =	vst v63  }
0x5a: {  	v3 =	vshrl.u32 v0, $0x3  }
0x5b: {  	v3 =	vmul.u32 $0x30, v3;
	[tilespmem:s9], [sflag:$0x1] =	stream.indirect_vreg.gather [hbm4b:s28+s15], $0x80, v2, vm0, $0xb8;
	[tilespmem:$0x15380] =	vst v63  }
0x5c: {  	v0 =	vand.u32 $0x7, v0  }
0x5d: {  	v0 =	vor.u32 v0, v3;
	[tilespmem:s10], [sflag:$0x1] =	stream.indirect_vreg.gather [hbm4b:s0+s15], $0x80, v1, vm0, $0xb8;
	[tilespmem:$0x15380] =	vst v63  }
0x5e: {  	v2 =	vperm.xlane v0, v7  }
0x5f: {  	[tilespmem:s11], [sflag:$0x1] =	stream.indirect_vreg.gather [hbm4b:s26+s15], $0x80, v1, vm0, $0xb8;
	[tilespmem:$0x15380] =	vst v63  }
0x60: {  	v2 =	vadd.s32 v8, v2  }
0x61: {  	[tilespmem:s12], [sflag:$0x1] =	stream.indirect_vreg.gather [hbm4b:s28+s15], $0x80, v1, vm0, $0xb8;
	[tilespmem:$0x15380] =	vst v63  }
0x62: {  	_ =	swait.ge [sflag:s17], $0x3000  }
0x63: {  	[sflag:s17] =	ssyncset.done $0x0  }
0x64: {  	s25 =	sadd.s32 $0x20, s21;
	v0 =	vperm.xlane v0, v9;
	[sflag:s17] =	ssyncadd.s32 $0xFFFFD000  }
0x65: {  	[hbm4b:s19+s15] =	stream.indirect_vreg.scatter [tilespmem:s7], [sflag:$0x1], $0x80, v2, vm0, $0xb8;
	[tilespmem:$0x15380] =	vst v63  }
0x66: {  	v0 =	vadd.s32 v8, v0;
	v1 =	vor.u32 s25, v6  }
0x67: {  	v3 =	vshll.u32 v1, $0x4;
	[hbm4b:s22+s15] =	stream.indirect_vreg.scatter [tilespmem:s8], [sflag:$0x1], $0x80, v2, vm0, $0xb8;
	[tilespmem:$0x15380] =	vst v63  }
0x68: {  	vm1 =	vlt.s32 v1, v12;
	v1 =	vadd.s32 v11, v3  }
0x69: {  	[hbm4b:s23+s15] =	stream.indirect_vreg.scatter [tilespmem:s9], [sflag:$0x1], $0x80, v2, vm0, $0xb8;
	v2 =	vnsel vm1, $0x0, v1;
	[tilespmem:$0x15380] =	vst v63  }
0x6a: {  	v3 =	vshrl.u32 v2, $0x3  }
0x6b: {  	[hbm4b:s19+s15] =	stream.indirect_vreg.scatter [tilespmem:s10], [sflag:$0x1], $0x80, v0, vm0, $0xb8;
	v3 =	vmul.u32 $0x30, v3;
	[tilespmem:$0x15380] =	vst v63  }
0x6c: {  	v1 =	vsel vm1, v1, v10;
	v2 =	vand.u32 $0x7, v2  }
0x6d: {  	v4 =	vshrl.u32 v1, $0x3;
	[hbm4b:s22+s15] =	stream.indirect_vreg.scatter [tilespmem:s11], [sflag:$0x1], $0x80, v0, vm0, $0xb8;
	v2 =	vor.u32 v2, v3;
	[tilespmem:$0x15380] =	vst v63  }
0x6e: {  	v4 =	vmul.u32 $0x30, v4;
	v3 =	vperm.xlane v2, v7  }
0x6f: {  	v1 =	vand.u32 $0x7, v1;
	[hbm4b:s23+s15] =	stream.indirect_vreg.scatter [tilespmem:s12], [sflag:$0x1], $0x80, v0, vm0, $0xb8;
	[tilespmem:$0x15380] =	vst v63  }
0x70: {  	v2 =	vperm.xlane v2, v9;
	v0 =	vor.u32 v1, v4;
	_ =	swait.ge [sflag:s17], $0x3000;
	v3 =	vadd.s32 v8, v3  }
0x71: {  	s1 =	simm.s32 $0x40;
	v1 =	vperm.xlane v0, v7;
	v0 =	vperm.xlane v0, v9;
	[sflag:s17] =	ssyncset.done $0x0  }
.LBB3_2:
0x72: {  	p0 =	seq.s32 s1, $0x260  }
0x73: {  	[sflag:s17] =	ssyncadd.s32 $0xFFFFD000;
	s4 =	smov.u32 s1;
	s1 =	sadd.s32 $0x20, s1  }
0x74: {  	_ = 	snop  }
0x75: {  	[tilespmem:s7], [sflag:$0x1] =	stream.indirect_vreg.gather [hbm4b:s0+s15], $0x80, v3, vm0, $0xb8;
	[tilespmem:$0x15380] =	vst v63  }
0x76: {  	v2 =	vadd.s32 v8, v2  }
0x77: {  	[tilespmem:s8], [sflag:$0x1] =	stream.indirect_vreg.gather [hbm4b:s26+s15], $0x80, v3, vm0, $0xb8;
	[tilespmem:$0x15380] =	vst v63  }
0x78: {  	_ = 	snop  }
0x79: {  	[tilespmem:s9], [sflag:$0x1] =	stream.indirect_vreg.gather [hbm4b:s28+s15], $0x80, v3, vm0, $0xb8;
	[tilespmem:$0x15380] =	vst v63  }
0x7a: {  	_ = 	snop  }
0x7b: {  	[tilespmem:s10], [sflag:$0x1] =	stream.indirect_vreg.gather [hbm4b:s0+s15], $0x80, v2, vm0, $0xb8;
	[tilespmem:$0x15380] =	vst v63  }
0x7c: {  	_ = 	snop  }
0x7d: {  	[tilespmem:s11], [sflag:$0x1] =	stream.indirect_vreg.gather [hbm4b:s26+s15], $0x80, v2, vm0, $0xb8;
	[tilespmem:$0x15380] =	vst v63  }
0x7e: {  	v1 =	vadd.s32 v8, v1  }
0x7f: {  	[tilespmem:s12], [sflag:$0x1] =	stream.indirect_vreg.gather [hbm4b:s28+s15], $0x80, v2, vm0, $0xb8;
	[tilespmem:$0x15380] =	vst v63  }
0x80: {  	_ =	swait.ge [sflag:s17], $0x3000  }
0x81: {  	[sflag:s17] =	ssyncset.done $0x0  }
0x82: {  	s4 =	sadd.s32 s4, s21;
	[sflag:s17] =	ssyncadd.s32 $0xFFFFD000  }
0x83: {  	v2 =	vor.u32 s4, v6;
	[hbm4b:s19+s15] =	stream.indirect_vreg.scatter [tilespmem:s7], [sflag:$0x1], $0x80, v1, vm0, $0xb8;
	[tilespmem:$0x15380] =	vst v63  }
0x84: {  	v4 =	vadd.s32 v8, v0;
	v3 =	vshll.u32 v2, $0x4  }
0x85: {  	vm1 =	vlt.s32 v2, v12;
	v0 =	vadd.s32 v11, v3;
	[hbm4b:s22+s15] =	stream.indirect_vreg.scatter [tilespmem:s8], [sflag:$0x1], $0x80, v1, vm0, $0xb8;
	[tilespmem:$0x15380] =	vst v63  }
0x86: {  	v2 =	vnsel vm1, $0x0, v0;
	v0 =	vsel vm1, v0, v10  }
0x87: {  	v3 =	vshrl.u32 v2, $0x3;
	v5 =	vshrl.u32 v0, $0x3;
	[hbm4b:s23+s15] =	stream.indirect_vreg.scatter [tilespmem:s9], [sflag:$0x1], $0x80, v1, vm0, $0xb8;
	[tilespmem:$0x15380] =	vst v63  }
0x88: {  	v1 =	vmul.u32 $0x30, v3;
	v3 =	vmul.u32 $0x30, v5  }
0x89: {  	v2 =	vand.u32 $0x7, v2;
	v0 =	vand.u32 $0x7, v0;
	[hbm4b:s19+s15] =	stream.indirect_vreg.scatter [tilespmem:s10], [sflag:$0x1], $0x80, v4, vm0, $0xb8;
	[tilespmem:$0x15380] =	vst v63  }
0x8a: {  	v1 =	vor.u32 v2, v1;
	v0 =	vor.u32 v0, v3  }
0x8b: {  	[hbm4b:s22+s15] =	stream.indirect_vreg.scatter [tilespmem:s11], [sflag:$0x1], $0x80, v4, vm0, $0xb8;
	[tilespmem:$0x15380] =	vst v63  }
.Ltmp0:
0x8c: {  	v3 =	vperm.xlane v1, v7;
	v2 =	vperm.xlane v1, v9;
	(pc) =	sbr.rel @!p0 .LBB3_2-.Ltmp0, $4  }
0x8d: {  	v1 =	vperm.xlane v0, v7;
	v0 =	vperm.xlane v0, v9  }
0x8e: {  	v3 =	vadd.s32 v8, v3;
	[hbm4b:s23+s15] =	stream.indirect_vreg.scatter [tilespmem:s12], [sflag:$0x1], $0x80, v4, vm0, $0xb8;
	[tilespmem:$0x15380] =	vst v63  }
0x8f: {  	_ =	swait.ge [sflag:s17], $0x3000  }
0x90: {  	[sflag:s17] =	ssyncset.done $0x0  }
0x91: {  	_ =	sdelay $0x2  }
0x92: {  	[sflag:s17] =	ssyncadd.s32 $0xFFFFD000  }
0x93: {  	[tilespmem:s7], [sflag:$0x1] =	stream.indirect_vreg.gather [hbm4b:s0+s15], $0x80, v3, vm0, $0xb8;
	[tilespmem:$0x15380] =	vst v63  }
0x94: {  	v2 =	vadd.s32 v8, v2  }
0x95: {  	[tilespmem:s8], [sflag:$0x1] =	stream.indirect_vreg.gather [hbm4b:s26+s15], $0x80, v3, vm0, $0xb8;
	[tilespmem:$0x15380] =	vst v63  }
0x96: {  	_ = 	snop  }
0x97: {  	[tilespmem:s9], [sflag:$0x1] =	stream.indirect_vreg.gather [hbm4b:s28+s15], $0x80, v3, vm0, $0xb8;
	[tilespmem:$0x15380] =	vst v63  }
0x98: {  	_ = 	snop  }
0x99: {  	[tilespmem:s10], [sflag:$0x1] =	stream.indirect_vreg.gather [hbm4b:s0+s15], $0x80, v2, vm0, $0xb8;
	[tilespmem:$0x15380] =	vst v63  }
0x9a: {  	_ = 	snop  }
0x9b: {  	[tilespmem:s11], [sflag:$0x1] =	stream.indirect_vreg.gather [hbm4b:s26+s15], $0x80, v2, vm0, $0xb8;
	[tilespmem:$0x15380] =	vst v63  }
0x9c: {  	[smem:$0x7FD] =	sst s2;
	v1 =	vadd.s32 v8, v1  }
0x9d: {  	[tilespmem:s12], [sflag:$0x1] =	stream.indirect_vreg.gather [hbm4b:s28+s15], $0x80, v2, vm0, $0xb8;
	[tilespmem:$0x15380] =	vst v63  }
0x9e: {  	_ =	swait.ge [sflag:s17], $0x3000  }
0x9f: {  	[sflag:s17] =	ssyncset.done $0x0  }
0xa0: {  	[sflag:s17] =	ssyncadd.s32 $0xFFFFD000  }
0xa1: {  	[hbm4b:s19+s15] =	stream.indirect_vreg.scatter [tilespmem:s7], [sflag:$0x1], $0x80, v1, vm0, $0xb8;
	[tilespmem:$0x15380] =	vst v63  }
0xa2: {  	v0 =	vadd.s32 v8, v0  }
0xa3: {  	[hbm4b:s22+s15] =	stream.indirect_vreg.scatter [tilespmem:s8], [sflag:$0x1], $0x80, v1, vm0, $0xb8;
	[tilespmem:$0x15380] =	vst v63  }
0xa4: {  	_ = 	snop  }
0xa5: {  	[hbm4b:s23+s15] =	stream.indirect_vreg.scatter [tilespmem:s9], [sflag:$0x1], $0x80, v1, vm0, $0xb8;
	[tilespmem:$0x15380] =	vst v63  }
0xa6: {  	_ = 	snop  }
0xa7: {  	[hbm4b:s19+s15] =	stream.indirect_vreg.scatter [tilespmem:s10], [sflag:$0x1], $0x80, v0, vm0, $0xb8;
	[tilespmem:$0x15380] =	vst v63  }
0xa8: {  	_ = 	snop  }
0xa9: {  	[hbm4b:s22+s15] =	stream.indirect_vreg.scatter [tilespmem:s11], [sflag:$0x1], $0x80, v0, vm0, $0xb8;
	[tilespmem:$0x15380] =	vst v63  }
0xaa: {  	_ = 	snop  }
0xab: {  	[hbm4b:s23+s15] =	stream.indirect_vreg.scatter [tilespmem:s12], [sflag:$0x1], $0x80, v0, vm0, $0xb8;
	[tilespmem:$0x15380] =	vst v63  }
0xac: {  	_ =	swait.ge [sflag:s17], $0x3000  }
0xad: {  	v62 =	vld [tilespmem:$0x1FFA0];
	_ =	sdelay $0x3  }
0xae: {  	[tilespmem:$0x1FF80] =	vst v11  }
0xaf: {  	[tilespmem:$0x1FF90] =	vst v12;
	v63 =	vshll.u32 v62, $0x4  }
0xb0: {  	[sflag:s17] =	ssyncset.done $0x0;
	v0 =	vshll.u32 v62, $0x5;
	[tilespmem:$0x1FF60] =	vst v63  }
0xb1: {  	s4 =	simm.s32 $0x0;
	[sflag:s17] =	ssyncadd.s32 $0xFFFFD000;
	[tilespmem:$0x1FF70] =	vst v0  }
.LBB3_4:
0xb2: {  	s1 =	sshll.u32 s4, $0x5;
	s18 =	sshll.u32 s4, $0x8  }
0xb3: {  	s25 =	rddreg [dreg:$0x12];
	s20 =	sor.u32 s21, s1;
	s18 =	sand.u32 $0xC00, s18  }
0xb4: {  	s1 =	sor.u32 s25, s18;
	[smem:$0x7FC] =	sst s20;
	s20 =	sand.u32 $0x70, s20  }
0xb5: {  	s25 =	rddreg [dreg:$0xf];
	s1 =	sor.u32 s20, s1  }
0xb6: {  	s1 =	sor.u32 s25, s1  }
0xb7: {  	s20 =	rddreg [dreg:$0x2];
	s1 =	sshrl.u32 s1, $0x3  }
0xb8: {  	s25 =	simm.s32 $0x80;
	s18 =	sadd.s32 s20, s1  }
0xb9: {  	[tilespmem:s25], [sflag:$0x1] =	stream.linear.gather [hbm4b:s18+s31], $0x10, $0x38;
	[tilespmem:$0x15380] =	vst v63  }
0xba: {  	_ =	swait.ge [sflag:s17], $0x10  }
0xbb: {  	[sflag:s17] =	ssyncset.done $0x0  }
0xbc: {  	[sflag:s17] =	ssyncadd.s32 $0xFFFFFFF0  }
0xbd: {  	s20 =	rddreg [dreg:$0x3]  }
0xbe: {  	s25 =	simm.s32 $0x100;
	s18 =	sadd.s32 s20, s1  }
0xbf: {  	[tilespmem:s25], [sflag:$0x1] =	stream.linear.gather [hbm4b:s18+s31], $0x10, $0x38;
	[tilespmem:$0x15380] =	vst v63  }
0xc0: {  	_ =	swait.ge [sflag:s17], $0x10  }
0xc1: {  	[sflag:s17] =	ssyncset.done $0x0  }
0xc2: {  	[sflag:s17] =	ssyncadd.s32 $0xFFFFFFF0  }
0xc3: {  	s20 =	rddreg [dreg:$0x4]  }
0xc4: {  	s25 =	simm.s32 $0x180;
	s18 =	sadd.s32 s20, s1  }
0xc5: {  	[tilespmem:s25], [sflag:$0x1] =	stream.linear.gather [hbm4b:s18+s31], $0x10, $0x38;
	[tilespmem:$0x15380] =	vst v63  }
0xc6: {  	_ =	swait.ge [sflag:s17], $0x10  }
0xc7: {  	[sflag:s17] =	ssyncset.done $0x0  }
0xc8: {  	[sflag:s17] =	ssyncadd.s32 $0xFFFFFFF0  }
0xc9: {  	s20 =	rddreg [dreg:$0x5]  }
0xca: {  	s25 =	simm.s32 $0x200;
	s18 =	sadd.s32 s20, s1  }
0xcb: {  	[tilespmem:s25], [sflag:$0x1] =	stream.linear.gather [hbm4b:s18+s31], $0x10, $0x38;
	[tilespmem:$0x15380] =	vst v63  }
0xcc: {  	_ =	swait.ge [sflag:s17], $0x10  }
0xcd: {  	[sflag:s17] =	ssyncset.done $0x0  }
0xce: {  	[sflag:s17] =	ssyncadd.s32 $0xFFFFFFF0  }
0xcf: {  	s20 =	rddreg [dreg:$0x6]  }
0xd0: {  	s25 =	simm.s32 $0x280;
	s18 =	sadd.s32 s20, s1  }
0xd1: {  	[tilespmem:s25], [sflag:$0x1] =	stream.linear.gather [hbm4b:s18+s31], $0x10, $0x38;
	[tilespmem:$0x15380] =	vst v63  }
0xd2: {  	_ =	swait.ge [sflag:s17], $0x10  }
0xd3: {  	[sflag:s17] =	ssyncset.done $0x0  }
0xd4: {  	[sflag:s17] =	ssyncadd.s32 $0xFFFFFFF0  }
0xd5: {  	s20 =	rddreg [dreg:$0x7]  }
0xd6: {  	s25 =	simm.s32 $0x300;
	s1 =	sadd.s32 s20, s1  }
0xd7: {  	[tilespmem:s25], [sflag:$0x1] =	stream.linear.gather [hbm4b:s1+s31], $0x10, $0x38;
	[tilespmem:$0x15380] =	vst v63  }
0xd8: {  	_ =	swait.ge [sflag:s17], $0x10  }
0xd9: {  	[sflag:s17] =	ssyncset.done $0x0  }
0xda: {  	[sflag:s17] =	ssyncadd.s32 $0xFFFFFFF0  }
0xdb: {  	v0 =	vld [tilespmem:$0x80];
	_ =	sdelay $0x4  }
0xdc: {  	v1 =	vshrl.u32 v0, $0x3  }
0xdd: {  	v1 =	vmul.u32 $0x30, v1  }
0xde: {  	v0 =	vand.u32 $0x7, v0  }
0xdf: {  	v0 =	vor.u32 v0, v1  }
0xe0: {  	v1 =	vperm.xlane v0, v7;
	_ =	sdelay $0x1  }
0xe1: {  	v1 =	vadd.s32 v8, v1;
	_ =	sdelay $0x3  }
0xe2: {  	s18 =	rddreg [dreg:$0x8];
	v0 =	vperm.xlane v0, v9  }
0xe3: {  	[tilespmem:s7], [sflag:$0x1] =	stream.indirect_vreg.gather [hbm4b:s18+s31], $0x80, v1, vm0, $0xb8;
	[tilespmem:$0x15380] =	vst v63  }
0xe4: {  	s20 =	rddreg [dreg:$0x14];
	v0 =	vadd.s32 v8, v0  }
0xe5: {  	[tilespmem:s8], [sflag:$0x1] =	stream.indirect_vreg.gather [hbm4b:s20+s31], $0x80, v1, vm0, $0xb8;
	[tilespmem:$0x15380] =	vst v63  }
0xe6: {  	s25 =	rddreg [dreg:$0x15]  }
0xe7: {  	[tilespmem:s9], [sflag:$0x1] =	stream.indirect_vreg.gather [hbm4b:s25+s31], $0x80, v1, vm0, $0xb8;
	[tilespmem:$0x15380] =	vst v63  }
0xe8: {  	_ = 	snop  }
0xe9: {  	[tilespmem:s10], [sflag:$0x1] =	stream.indirect_vreg.gather [hbm4b:s18+s31], $0x80, v0, vm0, $0xb8;
	[tilespmem:$0x15380] =	vst v63  }
0xea: {  	_ = 	snop  }
0xeb: {  	[tilespmem:s11], [sflag:$0x1] =	stream.indirect_vreg.gather [hbm4b:s20+s31], $0x80, v0, vm0, $0xb8;
	[tilespmem:$0x15380] =	vst v63  }
0xec: {  	_ = 	snop  }
0xed: {  	[tilespmem:s12], [sflag:$0x1] =	stream.indirect_vreg.gather [hbm4b:s25+s31], $0x80, v0, vm0, $0xb8;
	[tilespmem:$0x15380] =	vst v63  }
0xee: {  	_ =	swait.ge [sflag:s17], $0x3000  }
0xef: {  	[sflag:s17] =	ssyncset.done $0x0  }
0xf0: {  	[sflag:s17] =	ssyncadd.s32 $0xFFFFD000  }
0xf1: {  	v54 =	vld [tilespmem:$0x100];
	_ =	sdelay $0x4  }
0xf2: {  	v55 =	vshrl.u32 v54, $0x3  }
0xf3: {  	v1 =	vmul.u32 $0x30, v55  }
0xf4: {  	v0 =	vand.u32 $0x7, v54  }
0xf5: {  	v0 =	vor.u32 v0, v1  }
0xf6: {  	v1 =	vperm.xlane v0, v7;
	_ =	sdelay $0x1  }
0xf7: {  	v1 =	vadd.s32 v8, v1;
	_ =	sdelay $0x3  }
0xf8: {  	s20 =	simm.s32 $0x3380;
	s1 =	rddreg [dreg:$0x9];
	v0 =	vperm.xlane v0, v9  }
0xf9: {  	[tilespmem:s20], [sflag:$0x1] =	stream.indirect_vreg.gather [hbm4b:s1+s31], $0x80, v1, vm0, $0xb8;
	[tilespmem:$0x15380] =	vst v63  }
0xfa: {  	s25 =	simm.s32 $0x3B80;
	s18 =	rddreg [dreg:$0x16];
	v0 =	vadd.s32 v8, v0  }
0xfb: {  	[tilespmem:s25], [sflag:$0x1] =	stream.indirect_vreg.gather [hbm4b:s18+s31], $0x80, v1, vm0, $0xb8;
	[tilespmem:$0x15380] =	vst v63  }
0xfc: {  	s20 =	rddreg [dreg:$0x17];
	s25 =	simm.s32 $0x4380  }
0xfd: {  	[tilespmem:s25], [sflag:$0x1] =	stream.indirect_vreg.gather [hbm4b:s20+s31], $0x80, v1, vm0, $0xb8;
	[tilespmem:$0x15380] =	vst v63  }
0xfe: {  	s25 =	simm.s32 $0x4B80  }
0xff: {  	[tilespmem:s25], [sflag:$0x1] =	stream.indirect_vreg.gather [hbm4b:s1+s31], $0x80, v0, vm0, $0xb8;
	[tilespmem:$0x15380] =	vst v63  }
0x100: {  	s25 =	simm.s32 $0x5380  }
0x101: {  	[tilespmem:s25], [sflag:$0x1] =	stream.indirect_vreg.gather [hbm4b:s18+s31], $0x80, v0, vm0, $0xb8;
	[tilespmem:$0x15380] =	vst v63  }
0x102: {  	s18 =	simm.s32 $0x5B80  }
0x103: {  	[tilespmem:s18], [sflag:$0x1] =	stream.indirect_vreg.gather [hbm4b:s20+s31], $0x80, v0, vm0, $0xb8;
	[tilespmem:$0x15380] =	vst v63  }
0x104: {  	_ =	swait.ge [sflag:s17], $0x3000  }
0x105: {  	[sflag:s17] =	ssyncset.done $0x0  }
0x106: {  	[sflag:s17] =	ssyncadd.s32 $0xFFFFD000  }
0x107: {  	v56 =	vld [tilespmem:$0x180];
	_ =	sdelay $0x4  }
0x108: {  	v57 =	vshrl.u32 v56, $0x3  }
0x109: {  	v1 =	vmul.u32 $0x30, v57  }
0x10a: {  	v0 =	vand.u32 $0x7, v56  }
0x10b: {  	v0 =	vor.u32 v0, v1  }
0x10c: {  	v1 =	vperm.xlane v0, v7;
	_ =	sdelay $0x1  }
0x10d: {  	v1 =	vadd.s32 v8, v1;
	_ =	sdelay $0x3  }
0x10e: {  	s2 =	simm.s32 $0x6380;
	s20 =	rddreg [dreg:$0xa];
	v0 =	vperm.xlane v0, v9  }
0x10f: {  	[tilespmem:s2], [sflag:$0x1] =	stream.indirect_vreg.gather [hbm4b:s20+s31], $0x80, v1, vm0, $0xb8;
	[tilespmem:$0x15380] =	vst v63  }
0x110: {  	s3 =	simm.s32 $0x6B80;
	s25 =	rddreg [dreg:$0x18];
	v0 =	vadd.s32 v8, v0  }
0x111: {  	[tilespmem:s3], [sflag:$0x1] =	stream.indirect_vreg.gather [hbm4b:s25+s31], $0x80, v1, vm0, $0xb8;
	[tilespmem:$0x15380] =	vst v63  }
0x112: {  	s2 =	rddreg [dreg:$0x19];
	s3 =	simm.s32 $0x7380  }
0x113: {  	[tilespmem:s3], [sflag:$0x1] =	stream.indirect_vreg.gather [hbm4b:s2+s31], $0x80, v1, vm0, $0xb8;
	[tilespmem:$0x15380] =	vst v63  }
0x114: {  	s5 =	simm.s32 $0x7B80  }
0x115: {  	[tilespmem:s5], [sflag:$0x1] =	stream.indirect_vreg.gather [hbm4b:s20+s31], $0x80, v0, vm0, $0xb8;
	[tilespmem:$0x15380] =	vst v63  }
0x116: {  	s14 =	simm.s32 $0x8380  }
0x117: {  	[tilespmem:s14], [sflag:$0x1] =	stream.indirect_vreg.gather [hbm4b:s25+s31], $0x80, v0, vm0, $0xb8;
	[tilespmem:$0x15380] =	vst v63  }
0x118: {  	s14 =	simm.s32 $0x8B80  }
0x119: {  	[tilespmem:s14], [sflag:$0x1] =	stream.indirect_vreg.gather [hbm4b:s2+s31], $0x80, v0, vm0, $0xb8;
	[tilespmem:$0x15380] =	vst v63  }
0x11a: {  	_ =	swait.ge [sflag:s17], $0x3000  }
0x11b: {  	[sflag:s17] =	ssyncset.done $0x0  }
0x11c: {  	[sflag:s17] =	ssyncadd.s32 $0xFFFFD000  }
0x11d: {  	v58 =	vld [tilespmem:$0x200];
	_ =	sdelay $0x4  }
0x11e: {  	v59 =	vshrl.u32 v58, $0x1  }
0x11f: {  	v2 =	vld [tilespmem:$0x1FFB0];
	v1 =	vmul.u32 $0xC, v59  }
0x120: {  	v0 =	vand.u32 $0x1, v58  }
0x121: {  	v0 =	vor.u32 v0, v1  }
0x122: {  	v1 =	vperm.xlane v0, v7;
	_ =	sdelay $0x1  }
0x123: {  	v1 =	vadd.s32 v2, v1;
	_ =	sdelay $0x3  }
0x124: {  	s20 =	simm.s32 $0x9380;
	s1 =	rddreg [dreg:$0xb];
	v0 =	vperm.xlane v0, v9  }
0x125: {  	[tilespmem:s20], [sflag:$0x1] =	stream.indirect_vreg.gather [hbm4b:s1+s31], $0x80, v1, vm0, $0xb8;
	[tilespmem:$0x15380] =	vst v63  }
0x126: {  	s25 =	simm.s32 $0x9B80;
	s18 =	rddreg [dreg:$0x1a];
	v0 =	vadd.s32 v2, v0  }
0x127: {  	[tilespmem:s25], [sflag:$0x1] =	stream.indirect_vreg.gather [hbm4b:s18+s31], $0x80, v1, vm0, $0xb8;
	[tilespmem:$0x15380] =	vst v63  }
0x128: {  	s5 =	simm.s32 $0xA380;
	s20 =	rddreg [dreg:$0x1b]  }
0x129: {  	[tilespmem:s5], [sflag:$0x1] =	stream.indirect_vreg.gather [hbm4b:s20+s31], $0x80, v1, vm0, $0xb8;
	[tilespmem:$0x15380] =	vst v63  }
0x12a: {  	s25 =	simm.s32 $0xAB80  }
0x12b: {  	[tilespmem:s25], [sflag:$0x1] =	stream.indirect_vreg.gather [hbm4b:s1+s31], $0x80, v0, vm0, $0xb8;
	[tilespmem:$0x15380] =	vst v63  }
0x12c: {  	s5 =	simm.s32 $0xB380  }
0x12d: {  	[tilespmem:s5], [sflag:$0x1] =	stream.indirect_vreg.gather [hbm4b:s18+s31], $0x80, v0, vm0, $0xb8;
	[tilespmem:$0x15380] =	vst v63  }
0x12e: {  	s18 =	simm.s32 $0xBB80  }
0x12f: {  	[tilespmem:s18], [sflag:$0x1] =	stream.indirect_vreg.gather [hbm4b:s20+s31], $0x80, v0, vm0, $0xb8;
	[tilespmem:$0x15380] =	vst v63  }
0x130: {  	_ =	swait.ge [sflag:s17], $0x3000  }
0x131: {  	[sflag:s17] =	ssyncset.done $0x0  }
0x132: {  	[sflag:s17] =	ssyncadd.s32 $0xFFFFD000  }
0x133: {  	v60 =	vld [tilespmem:$0x280];
	_ =	sdelay $0x4  }
0x134: {  	v61 =	vshrl.u32 v60, $0x3  }
0x135: {  	v1 =	vmul.u32 $0x30, v61  }
0x136: {  	v0 =	vand.u32 $0x7, v60  }
0x137: {  	v0 =	vor.u32 v0, v1  }
0x138: {  	v1 =	vperm.xlane v0, v7;
	_ =	sdelay $0x1  }
0x139: {  	v1 =	vadd.s32 v8, v1;
	_ =	sdelay $0x3  }
0x13a: {  	s25 =	simm.s32 $0xC380;
	s1 =	rddreg [dreg:$0xc];
	v0 =	vperm.xlane v0, v9  }
0x13b: {  	[tilespmem:s25], [sflag:$0x1] =	stream.indirect_vreg.gather [hbm4b:s1+s31], $0x80, v1, vm0, $0xb8;
	[tilespmem:$0x15380] =	vst v63  }
0x13c: {  	s5 =	simm.s32 $0xCB80;
	s18 =	rddreg [dreg:$0x1c];
	v0 =	vadd.s32 v8, v0  }
0x13d: {  	[tilespmem:s5], [sflag:$0x1] =	stream.indirect_vreg.gather [hbm4b:s18+s31], $0x80, v1, vm0, $0xb8;
	[tilespmem:$0x15380] =	vst v63  }
0x13e: {  	s20 =	simm.s32 $0xD380;
	s2 =	rddreg [dreg:$0x1d]  }
0x13f: {  	[tilespmem:s20], [sflag:$0x1] =	stream.indirect_vreg.gather [hbm4b:s2+s31], $0x80, v1, vm0, $0xb8;
	[tilespmem:$0x15380] =	vst v63  }
0x140: {  	s25 =	simm.s32 $0xDB80  }
0x141: {  	[tilespmem:s25], [sflag:$0x1] =	stream.indirect_vreg.gather [hbm4b:s1+s31], $0x80, v0, vm0, $0xb8;
	[tilespmem:$0x15380] =	vst v63  }
0x142: {  	s20 =	simm.s32 $0xE380  }
0x143: {  	[tilespmem:s20], [sflag:$0x1] =	stream.indirect_vreg.gather [hbm4b:s18+s31], $0x80, v0, vm0, $0xb8;
	[tilespmem:$0x15380] =	vst v63  }
0x144: {  	s25 =	simm.s32 $0xEB80  }
0x145: {  	[tilespmem:s25], [sflag:$0x1] =	stream.indirect_vreg.gather [hbm4b:s2+s31], $0x80, v0, vm0, $0xb8;
	[tilespmem:$0x15380] =	vst v63  }
0x146: {  	_ =	swait.ge [sflag:s17], $0x3000  }
0x147: {  	[sflag:s17] =	ssyncset.done $0x0  }
0x148: {  	[sflag:s17] =	ssyncadd.s32 $0xFFFFD000  }
0x149: {  	v62 =	vld [tilespmem:$0x300];
	_ =	sdelay $0x4  }
0x14a: {  	v63 =	vshrl.u32 v62, $0x1  }
0x14b: {  	v1 =	vmul.u32 $0xC, v63  }
0x14c: {  	v0 =	vand.u32 $0x1, v62  }
0x14d: {  	v0 =	vor.u32 v0, v1  }
0x14e: {  	v1 =	vperm.xlane v0, v7;
	_ =	sdelay $0x1  }
0x14f: {  	v1 =	vadd.s32 v2, v1;
	_ =	sdelay $0x3  }
0x150: {  	s5 =	simm.s32 $0xF380;
	s1 =	rddreg [dreg:$0xd];
	v0 =	vperm.xlane v0, v9  }
0x151: {  	[tilespmem:s5], [sflag:$0x1] =	stream.indirect_vreg.gather [hbm4b:s1+s31], $0x80, v1, vm0, $0xb8;
	[tilespmem:$0x15380] =	vst v63  }
0x152: {  	s18 =	simm.s32 $0xFB80;
	s2 =	rddreg [dreg:$0x1e];
	v0 =	vadd.s32 v2, v0  }
0x153: {  	[tilespmem:s18], [sflag:$0x1] =	stream.indirect_vreg.gather [hbm4b:s2+s31], $0x80, v1, vm0, $0xb8;
	[tilespmem:$0x15380] =	vst v63  }
0x154: {  	s20 =	simm.s32 $0x10380;
	s5 =	rddreg [dreg:$0x1f]  }
0x155: {  	[tilespmem:s20], [sflag:$0x1] =	stream.indirect_vreg.gather [hbm4b:s5+s31], $0x80, v1, vm0, $0xb8;
	[tilespmem:$0x15380] =	vst v63  }
0x156: {  	s25 =	simm.s32 $0x10B80  }
0x157: {  	[tilespmem:s25], [sflag:$0x1] =	stream.indirect_vreg.gather [hbm4b:s1+s31], $0x80, v0, vm0, $0xb8;
	[tilespmem:$0x15380] =	vst v63  }
0x158: {  	s20 =	simm.s32 $0x11380  }
0x159: {  	[tilespmem:s20], [sflag:$0x1] =	stream.indirect_vreg.gather [hbm4b:s2+s31], $0x80, v0, vm0, $0xb8;
	[tilespmem:$0x15380] =	vst v63  }
0x15a: {  	s25 =	simm.s32 $0x11B80  }
0x15b: {  	[tilespmem:s25], [sflag:$0x1] =	stream.indirect_vreg.gather [hbm4b:s5+s31], $0x80, v0, vm0, $0xb8;
	[tilespmem:$0x15380] =	vst v63  }
0x15c: {  	_ =	swait.ge [sflag:s17], $0x3000  }
0x15d: {  	[sflag:s17] =	ssyncset.done $0x0  }
0x15e: {  	s18 =	simm.s32 $0x0;
	s20 =	simm.s32 $0x0;
	[sflag:s17] =	ssyncadd.s32 $0xFFFFD000  }
.LBB3_5:
0x15f: {  	s1 =	sshrl.u32 s20, $0x3  }
0x160: {  	s1 =	smul.u32 $0x1800, s1  }
0x161: {  	s25 =	sand.u32 $0x380, s18  }
0x162: {  	s25 =	sor.u32 s25, s1  }
0x163: {  	v13 =	vld [tilespmem:s25+$0x3380]  }
0x164: {  	v27 =	vld [tilespmem:s25+$0x380]  }
0x165: {  	v42 =	vld [tilespmem:s25+$0x6380]  }
0x166: {  	v43 =	vld [tilespmem:s25+$0x9380]  }
0x167: {  	v44 =	vld [tilespmem:s25+$0xC380]  }
0x168: {  	v45 =	vld [tilespmem:s25+$0xF380]  }
0x169: {  	v51 =	vld [tilespmem:s25+$0x3390]  }
0x16a: {  	v55 =	vld [tilespmem:s25+$0x390]  }
0x16b: {  	v60 =	vld [tilespmem:s25+$0x6390]  }
0x16c: {  	v61 =	vld [tilespmem:s25+$0x9390]  }
0x16d: {  	v6 =	vld [tilespmem:s25+$0xC390]  }
0x16e: {  	v5 =	vld [tilespmem:s25+$0xF390]  }
0x16f: {  	v0 =	vld [tilespmem:s25+$0x33A0]  }
0x170: {  	v19 =	vld [tilespmem:s25+$0x3A0]  }
0x171: {  	v9 =	vld [tilespmem:s25+$0x63A0]  }
0x172: {  	v7 =	vld [tilespmem:s25+$0x93A0]  }
0x173: {  	v10 =	vld [tilespmem:s25+$0xC3A0]  }
0x174: {  	v8 =	vld [tilespmem:s25+$0xF3A0]  }
0x175: {  	v1 =	vld [tilespmem:s25+$0x33B0]  }
0x176: {  	v24 =	vld [tilespmem:s25+$0x3B0]  }
0x177: {  	v16 =	vld [tilespmem:s25+$0x63B0]  }
0x178: {  	v14 =	vld [tilespmem:s25+$0x93B0]  }
0x179: {  	v21 =	vld [tilespmem:s25+$0xC3B0]  }
0x17a: {  	v20 =	vld [tilespmem:s25+$0xF3B0]  }
0x17b: {  	v30 =	vld [tilespmem:s25+$0x33C0]  }
0x17c: {  	v32 =	vld [tilespmem:s25+$0x3C0]  }
0x17d: {  	v23 =	vld [tilespmem:s25+$0x63C0]  }
0x17e: {  	v22 =	vld [tilespmem:s25+$0x93C0]  }
0x17f: {  	v26 =	vld [tilespmem:s25+$0xC3C0]  }
0x180: {  	v25 =	vld [tilespmem:s25+$0xF3C0]  }
0x181: {  	v18 =	vld [tilespmem:s25+$0x33D0]  }
0x182: {  	v37 =	vld [tilespmem:s25+$0x3D0]  }
0x183: {  	v31 =	vld [tilespmem:s25+$0x63D0]  }
0x184: {  	v29 =	vld [tilespmem:s25+$0x93D0]  }
0x185: {  	v34 =	vld [tilespmem:s25+$0xC3D0]  }
0x186: {  	v33 =	vld [tilespmem:s25+$0xF3D0]  }
0x187: {  	v2 =	vld [tilespmem:s25+$0x33E0]  }
0x188: {  	v48 =	vld [tilespmem:s25+$0x3E0]  }
0x189: {  	v63 =	vld [tilespmem:s25+$0x63E0]  }
0x18a: {  	v36 =	vld [tilespmem:s25+$0x93E0]  }
0x18b: {  	v39 =	vld [tilespmem:s25+$0xC3E0]  }
0x18c: {  	v38 =	vld [tilespmem:s25+$0xF3E0]  }
0x18d: {  	v3 =	vld [tilespmem:s25+$0x33F0]  }
0x18e: {  	v56 =	vld [tilespmem:s25+$0x3F0]  }
0x18f: {  	v47 =	vld [tilespmem:s25+$0x63F0]  }
0x190: {  	v40 =	vld [tilespmem:s25+$0x93F0]  }
0x191: {  	v49 =	vld [tilespmem:s25+$0xC3F0]  }
0x192: {  	v41 =	vld [tilespmem:s25+$0xF3F0]  }
0x193: {  	v4 =	vld [tilespmem:s25+$0x3780]  }
0x194: {  	v59 =	vld [tilespmem:s25+$0x780]  }
0x195: {  	v52 =	vld [tilespmem:s25+$0x6780]  }
0x196: {  	v50 =	vld [tilespmem:s25+$0x9780]  }
0x197: {  	v57 =	vld [tilespmem:s25+$0xC780]  }
0x198: {  	v54 =	vld [tilespmem:s25+$0xF780]  }
0x199: {  	v62 =	vld [tilespmem:s25+$0x3790]  }
0x19a: {  	v11 =	vld [tilespmem:s25+$0x790]  }
0x19b: {  	v58 =	vld [tilespmem:s25+$0x6790]  }
0x19c: {  	v12 =	vld [tilespmem:s25+$0xC790]  }
0x19d: {  	v15 =	vld [tilespmem:s25+$0xF790]  }
0x19e: {  	v53 =	vld [tilespmem:s25+$0x37A0]  }
0x19f: {  	v17 =	vld [tilespmem:s25+$0x7A0]  }
0x1a0: {  	v46 =	vld [tilespmem:s25+$0xC7A0]  }
0x1a1: {  	v28 =	vld [tilespmem:s25+$0x67A0]  }
0x1a2: {  	v35 =	vld [tilespmem:s25+$0x97A0]  }
0x1a3: {  	[tilespmem:$0x1FC80] =	vst v58;
	v58 =	vld [tilespmem:s25+$0x9790]  }
0x1a4: {  	[tilespmem:$0x1FC90] =	vst v12;
	v12 =	vld [tilespmem:s25+$0xF7A0]  }
0x1a5: {  	[tilespmem:$0x1FCE0] =	vst v46;
	v46 =	vld [tilespmem:s25+$0x37B0]  }
0x1a6: {  	[tilespmem:$0x1FCA0] =	vst v15;
	v15 =	vld [tilespmem:s25+$0x7B0]  }
0x1a7: {  	[tilespmem:$0x1FD00] =	vst v17;
	v17 =	vld [tilespmem:s25+$0x67B0]  }
0x1a8: {  	[tilespmem:$0x1FCC0] =	vst v28;
	v28 =	vld [tilespmem:s25+$0x97B0]  }
0x1a9: {  	[tilespmem:$0x1FCD0] =	vst v35;
	v35 =	vld [tilespmem:s25+$0xC7B0]  }
0x1aa: {  	[tilespmem:$0x1FCB0] =	vst v11;
	v11 =	vld [tilespmem:s25+$0xB80]  }
0x1ab: {  	v42 =	vadd.f32 v43, v42;
	v43 =	vld [tilespmem:s25+$0xB90];
	v27 =	vadd.f32 v27, v13  }
0x1ac: {  	v5 =	vadd.f32 v5, v6;
	v36 =	vadd.f32 v36, v63;
	v63 =	vld [tilespmem:s25+$0xBC0]  }
0x1ad: {  	v23 =	vadd.f32 v22, v23;
	v29 =	vadd.f32 v29, v31;
	v6 =	vld [tilespmem:s25+$0xBE0]  }
0x1ae: {  	v31 =	vadd.f32 v37, v18;
	[tilespmem:s25+$0x380] =	vst v27;
	v27 =	vadd.f32 v61, v60;
	v61 =	vld [tilespmem:s25+$0xFB90]  }
0x1af: {  	v60 =	vadd.f32 v55, v51;
	v55 =	vadd.f32 v8, v10;
	v8 =	vld [tilespmem:s25+$0x3BD0]  }
0x1b0: {  	v42 =	vadd.f32 v42, v13;
	v5 =	vadd.f32 v5, v51;
	[tilespmem:s25+$0x3D0] =	vst v31;
	v31 =	vld [tilespmem:$0x1FCC0]  }
0x1b1: {  	v27 =	vadd.f32 v27, v51;
	[tilespmem:s25+$0x390] =	vst v60;
	v51 =	vld [tilespmem:s25+$0xBA0];
	v60 =	vadd.f32 v19, v0  }
0x1b2: {  	[tilespmem:s25+$0x6380] =	vst v42;
	v42 =	vld [tilespmem:s25+$0x9BA0];
	v19 =	vadd.f32 v20, v21;
	v20 =	vadd.f32 v24, v1  }
0x1b3: {  	v24 =	vadd.f32 v25, v26;
	v26 =	vadd.f32 v23, v30;
	v23 =	vld [tilespmem:$0x1FC90]  }
0x1b4: {  	v25 =	vadd.f32 v32, v30;
	v32 =	vld [tilespmem:$0x1FCD0]  }
0x1b5: {  	[tilespmem:$0x1FCF0] =	vst v12;
	v12 =	vld [tilespmem:s25+$0xF7B0]  }
0x1b6: {  	[tilespmem:$0x1FD30] =	vst v35;
	v35 =	vld [tilespmem:s25+$0x37C0]  }
0x1b7: {  	[tilespmem:$0x1FD50] =	vst v15;
	v15 =	vld [tilespmem:s25+$0x7C0]  }
0x1b8: {  	[tilespmem:$0x1FD10] =	vst v17;
	v17 =	vld [tilespmem:s25+$0x67C0]  }
0x1b9: {  	[tilespmem:$0x1FD20] =	vst v28;
	v28 =	vld [tilespmem:s25+$0x97C0]  }
0x1ba: {  	[tilespmem:$0x1FEC0] =	vst v11;
	v11 =	vld [tilespmem:s25+$0x6B80]  }
0x1bb: {  	v16 =	vadd.f32 v14, v16;
	[tilespmem:$0x1FF10] =	vst v43;
	v43 =	vadd.f32 v45, v44;
	v44 =	vld [tilespmem:s25+$0x6B90]  }
0x1bc: {  	v37 =	vadd.f32 v38, v39;
	v47 =	vadd.f32 v40, v47;
	[tilespmem:s25+$0xC390] =	vst v5;
	v45 =	vld [tilespmem:s25+$0xCB90]  }
0x1bd: {  	v38 =	vadd.f32 v48, v2;
	v48 =	vadd.f32 v41, v49;
	[tilespmem:s25+$0x6390] =	vst v27;
	v27 =	vld [tilespmem:s25+$0x3BB0]  }
0x1be: {  	v49 =	vadd.f32 v56, v3;
	v5 =	vadd.f32 v47, v3;
	[tilespmem:s25+$0x3A0] =	vst v60;
	v60 =	vld [tilespmem:s25+$0x9BB0]  }
0x1bf: {  	v56 =	vadd.f32 v50, v52;
	v21 =	vadd.f32 v16, v1;
	[tilespmem:s25+$0x3B0] =	vst v20;
	v20 =	vld [tilespmem:s25+$0xCBC0]  }
0x1c0: {  	v57 =	vadd.f32 v54, v57;
	[tilespmem:s25+$0x63F0] =	vst v5;
	v5 =	vld [tilespmem:s25+$0x9BD0]  }
0x1c1: {  	v14 =	vadd.f32 v59, v4;
	v16 =	vadd.f32 v56, v4;
	[tilespmem:s25+$0x63B0] =	vst v21;
	v21 =	vld [tilespmem:$0x1FC80]  }
0x1c2: {  	v1 =	vadd.f32 v19, v1;
	v19 =	vadd.f32 v57, v4;
	v4 =	vld [tilespmem:s25+$0xCBD0]  }
0x1c3: {  	v39 =	vadd.f32 v36, v2;
	[tilespmem:s25+$0x63C0] =	vst v26;
	v26 =	vld [tilespmem:$0x1FCB0]  }
0x1c4: {  	v36 =	vld [tilespmem:$0x1FCF0]  }
0x1c5: {  	[tilespmem:s25+$0x63E0] =	vst v39;
	v39 =	vld [tilespmem:$0x1FD10]  }
0x1c6: {  	v40 =	vld [tilespmem:$0x1FD20]  }
0x1c7: {  	v41 =	vld [tilespmem:$0x1FD30]  }
0x1c8: {  	[tilespmem:$0x1FF30] =	vst v61;
	v61 =	vld [tilespmem:s25+$0x6BA0]  }
0x1c9: {  	v13 =	vadd.f32 v43, v13;
	v43 =	vld [tilespmem:s25+$0xCBA0]  }
0x1ca: {  	[tilespmem:s25+$0xC780] =	vst v19;
	v19 =	vld [tilespmem:s25+$0x6BE0]  }
0x1cb: {  	[tilespmem:s25+$0xC380] =	vst v13;
	v13 =	vld [tilespmem:s25+$0x3BA0]  }
0x1cc: {  	[tilespmem:$0x1FF50] =	vst v51;
	v51 =	vld [tilespmem:s25+$0xFBA0]  }
0x1cd: {  	[tilespmem:s25+$0x780] =	vst v14;
	v14 =	vadd.f32 v32, v31;
	v32 =	vld [tilespmem:s25+$0xFBF0]  }
0x1ce: {  	[tilespmem:$0x1FD40] =	vst v12;
	v12 =	vld [tilespmem:s25+$0xC7C0]  }
0x1cf: {  	[tilespmem:$0x1FDA0] =	vst v15;
	v15 =	vld [tilespmem:s25+$0xF7C0]  }
0x1d0: {  	[tilespmem:$0x1FD70] =	vst v28;
	v28 =	vld [tilespmem:s25+$0x37D0]  }
0x1d1: {  	[tilespmem:$0x1FD60] =	vst v17;
	v17 =	vld [tilespmem:s25+$0x7D0]  }
0x1d2: {  	[tilespmem:$0x1FEA0] =	vst v11;
	v11 =	vld [tilespmem:s25+$0x9B80]  }
0x1d3: {  	[tilespmem:$0x1FEF0] =	vst v44;
	v44 =	vld [tilespmem:s25+$0x9B90]  }
0x1d4: {  	[tilespmem:$0x1FF20] =	vst v45;
	v45 =	vadd.f32 v7, v9;
	v9 =	vld [tilespmem:s25+$0xFBD0]  }
0x1d5: {  	[tilespmem:s25+$0x3E0] =	vst v38;
	v38 =	vadd.f32 v14, v53;
	v14 =	vld [tilespmem:s25+$0x9BE0]  }
0x1d6: {  	v22 =	vadd.f32 v58, v21;
	v21 =	vld [tilespmem:s25+$0xCBE0]  }
0x1d7: {  	v47 =	vld [tilespmem:$0x1FD40]  }
0x1d8: {  	[tilespmem:s25+$0x3F0] =	vst v49;
	v49 =	vld [tilespmem:$0x1FD60]  }
0x1d9: {  	v50 =	vld [tilespmem:$0x1FD70]  }
0x1da: {  	v54 =	vld [tilespmem:$0x1FDA0]  }
0x1db: {  	v10 =	vadd.f32 v45, v0;
	v0 =	vadd.f32 v55, v0;
	v55 =	vld [tilespmem:s25+$0x6BB0]  }
0x1dc: {  	[tilespmem:$0x1FF40] =	vst v61;
	v61 =	vld [tilespmem:s25+$0xCBB0]  }
0x1dd: {  	v45 =	vld [tilespmem:s25+$0x3BC0]  }
0x1de: {  	[tilespmem:s25+$0xC3A0] =	vst v0;
	v0 =	vadd.f32 v24, v30;
	v30 =	vadd.f32 v33, v34;
	v34 =	vld [tilespmem:s25+$0xFBB0]  }
0x1df: {  	v24 =	vld [tilespmem:$0x1FCA0]  }
0x1e0: {  	v33 =	vadd.f32 v29, v18;
	v29 =	vadd.f32 v26, v62;
	v26 =	vld [tilespmem:s25+$0x6BF0]  }
0x1e1: {  	[tilespmem:$0x1FD80] =	vst v12;
	v12 =	vld [tilespmem:s25+$0x67D0]  }
0x1e2: {  	[tilespmem:$0x1FD90] =	vst v15;
	v15 =	vld [tilespmem:s25+$0x97D0]  }
0x1e3: {  	[tilespmem:$0x1FDF0] =	vst v17;
	v17 =	vld [tilespmem:s25+$0xC7D0]  }
0x1e4: {  	[tilespmem:$0x1FEB0] =	vst v11;
	v11 =	vld [tilespmem:s25+$0xCB80]  }
0x1e5: {  	[tilespmem:$0x1FF00] =	vst v44;
	v44 =	vld [tilespmem:s25+$0xBB0]  }
0x1e6: {  	v4 =	vadd.f32 v9, v4;
	v9 =	vld [tilespmem:s25+$0xFFB0]  }
0x1e7: {  	[tilespmem:s25+$0xC3B0] =	vst v1;
	v1 =	vadd.f32 v30, v18;
	v30 =	vld [tilespmem:s25+$0x6BC0]  }
0x1e8: {  	v18 =	vld [tilespmem:s25+$0x9BC0]  }
0x1e9: {  	[tilespmem:s25+$0xC3C0] =	vst v0;
	v0 =	vadd.f32 v37, v2;
	v2 =	vld [tilespmem:s25+$0xFBC0]  }
0x1ea: {  	[tilespmem:s25+$0x63D0] =	vst v33;
	v33 =	vld [tilespmem:$0x1FCE0]  }
0x1eb: {  	v37 =	vld [tilespmem:$0x1FD00]  }
0x1ec: {  	v52 =	vld [tilespmem:$0x1FD80]  }
0x1ed: {  	[tilespmem:s25+$0x790] =	vst v29;
	v29 =	vld [tilespmem:s25+$0xCBF0]  }
0x1ee: {  	[tilespmem:s25+$0xC3E0] =	vst v0;
	v0 =	vld [tilespmem:s25+$0xBD0]  }
0x1ef: {  	[tilespmem:s25+$0xC3D0] =	vst v1;
	v1 =	vadd.f32 v48, v3;
	v3 =	vld [tilespmem:s25+$0x6BD0]  }
0x1f0: {  	v48 =	vld [tilespmem:$0x1FD50]  }
0x1f1: {  	[tilespmem:s25+$0x3C0] =	vst v25;
	v25 =	vadd.f32 v24, v23;
	v23 =	vld [tilespmem:s25+$0xFBE0]  }
0x1f2: {  	v24 =	vld [tilespmem:s25+$0xBF0]  }
0x1f3: {  	[tilespmem:$0x1FDB0] =	vst v12;
	v12 =	vld [tilespmem:s25+$0xF7D0]  }
0x1f4: {  	[tilespmem:$0x1FDD0] =	vst v17;
	v17 =	vld [tilespmem:s25+$0x37E0]  }
0x1f5: {  	[tilespmem:$0x1FDC0] =	vst v15;
	v15 =	vld [tilespmem:s25+$0x7E0]  }
0x1f6: {  	[tilespmem:$0x1FED0] =	vst v11;
	v11 =	vld [tilespmem:s25+$0xFB80]  }
0x1f7: {  	[tilespmem:s25+$0xC3F0] =	vst v1;
	v1 =	vld [tilespmem:s25+$0x3BE0]  }
0x1f8: {  	v57 =	vld [tilespmem:$0x1FDB0]  }
0x1f9: {  	v7 =	vadd.f32 v22, v62;
	v58 =	vld [tilespmem:$0x1FDC0]  }
0x1fa: {  	v59 =	vld [tilespmem:$0x1FDD0]  }
0x1fb: {  	[tilespmem:s25+$0x6790] =	vst v7;
	v7 =	vadd.f32 v36, v33;
	v33 =	vld [tilespmem:$0x1FDF0]  }
0x1fc: {  	[tilespmem:s25+$0x63A0] =	vst v10;
	v2 =	vadd.f32 v2, v20;
	v20 =	vld [tilespmem:s25+$0x6FB0]  }
0x1fd: {  	[tilespmem:s25+$0x6780] =	vst v16;
	v16 =	vadd.f32 v37, v53;
	v18 =	vadd.f32 v18, v30;
	v30 =	vld [tilespmem:s25+$0x6FD0]  }
0x1fe: {  	v7 =	vadd.f32 v7, v53;
	v53 =	vld [tilespmem:$0x1FD90]  }
0x1ff: {  	[tilespmem:s25+$0x7A0] =	vst v16;
	v3 =	vadd.f32 v5, v3;
	v5 =	vld [tilespmem:s25+$0xCFB0]  }
0x200: {  	[tilespmem:$0x1FDE0] =	vst v12;
	v12 =	vld [tilespmem:s25+$0x67E0]  }
0x201: {  	[tilespmem:$0x1FE20] =	vst v15;
	v15 =	vld [tilespmem:s25+$0x97E0]  }
0x202: {  	v10 =	vadd.f32 v25, v62;
	[tilespmem:$0x1FEE0] =	vst v11;
	v11 =	vld [tilespmem:s25+$0x3B90]  }
0x203: {  	v25 =	vadd.f32 v54, v35;
	v16 =	vadd.f32 v40, v39;
	[tilespmem:s25+$0xC7A0] =	vst v7;
	v7 =	vld [tilespmem:s25+$0x3BF0]  }
0x204: {  	[tilespmem:s25+$0x67A0] =	vst v38;
	v22 =	vadd.f32 v48, v46;
	v62 =	vld [tilespmem:$0x1FDE0]  }
0x205: {  	[tilespmem:s25+$0x7C0] =	vst v25;
	v16 =	vadd.f32 v16, v46;
	v38 =	vld [tilespmem:$0x1FE20]  }
0x206: {  	[tilespmem:s25+$0x7B0] =	vst v22;
	v22 =	vadd.f32 v50, v49;
	v25 =	vadd.f32 v58, v57;
	v57 =	vld [tilespmem:$0x1FEB0]  }
0x207: {  	[tilespmem:s25+$0xC790] =	vst v10;
	v31 =	vadd.f32 v33, v28;
	v58 =	vld [tilespmem:$0x1FEC0]  }
0x208: {  	[tilespmem:s25+$0x67B0] =	vst v16;
	v56 =	vadd.f32 v22, v35;
	v22 =	vld [tilespmem:s25+$0x9BF0]  }
0x209: {  	[tilespmem:s25+$0x7D0] =	vst v31;
	v31 =	vld [tilespmem:s25+$0xF80]  }
0x20a: {  	[tilespmem:s25+$0x67C0] =	vst v56;
	v56 =	vld [tilespmem:$0x1FEA0]  }
0x20b: {  	v16 =	vadd.f32 v53, v52;
	[tilespmem:$0x1FE00] =	vst v12;
	v12 =	vld [tilespmem:s25+$0xC7E0]  }
0x20c: {  	v10 =	vadd.f32 v47, v41;
	[tilespmem:$0x1FE10] =	vst v15;
	v15 =	vld [tilespmem:s25+$0xF7E0]  }
0x20d: {  	v16 =	vadd.f32 v16, v35;
	v35 =	vadd.f32 v25, v28;
	v25 =	vld [tilespmem:s25+$0x3F80]  }
0x20e: {  	v36 =	vld [tilespmem:$0x1FE00]  }
0x20f: {  	v10 =	vadd.f32 v10, v46;
	v37 =	vld [tilespmem:$0x1FE10]  }
0x210: {  	[tilespmem:$0x1FE30] =	vst v12;
	v12 =	vld [tilespmem:s25+$0x7F0]  }
0x211: {  	[tilespmem:s25+$0xC7B0] =	vst v10;
	v10 =	vadd.f32 v62, v59;
	v59 =	vld [tilespmem:$0x1FED0]  }
0x212: {  	v62 =	vld [tilespmem:$0x1FEE0]  }
0x213: {  	[tilespmem:s25+$0x67D0] =	vst v35;
	v35 =	vld [tilespmem:s25+$0x6F80]  }
0x214: {  	[tilespmem:$0x1FE40] =	vst v15;
	v15 =	vld [tilespmem:s25+$0x37F0]  }
0x215: {  	[tilespmem:$0x1FE70] =	vst v12;
	v12 =	vld [tilespmem:s25+$0x67F0]  }
0x216: {  	v39 =	vld [tilespmem:$0x1FE30]  }
0x217: {  	[tilespmem:s25+$0xC7C0] =	vst v16;
	v16 =	vadd.f32 v38, v17;
	v40 =	vld [tilespmem:$0x1FE40]  }
0x218: {  	v10 =	vadd.f32 v10, v28;
	v28 =	vadd.f32 v37, v36;
	v37 =	vld [tilespmem:s25+$0xFF80]  }
0x219: {  	v38 =	vadd.f32 v62, v59;
	v62 =	vadd.f32 v44, v27;
	v44 =	vld [tilespmem:s25+$0xFFA0]  }
0x21a: {  	[tilespmem:$0x1FE50] =	vst v12;
	v12 =	vld [tilespmem:s25+$0x97F0]  }
0x21b: {  	v41 =	vadd.f32 v28, v17;
	v28 =	vld [tilespmem:s25+$0x9F80]  }
0x21c: {  	v33 =	vadd.f32 v40, v39;
	v49 =	vld [tilespmem:$0x1FE70]  }
0x21d: {  	v39 =	vld [tilespmem:s25+$0x6F90]  }
0x21e: {  	v46 =	vadd.f32 v33, v17;
	v33 =	vld [tilespmem:s25+$0xCF80]  }
0x21f: {  	[tilespmem:$0x1FE60] =	vst v12;
	v12 =	vld [tilespmem:s25+$0xC7F0]  }
0x220: {  	v47 =	vld [tilespmem:$0x1FE50]  }
0x221: {  	v48 =	vld [tilespmem:$0x1FE60]  }
0x222: {  	[tilespmem:s25+$0xC7E0] =	vst v46;
	v46 =	vld [tilespmem:$0x1FEF0]  }
0x223: {  	[tilespmem:s25+$0xC7D0] =	vst v10;
	v10 =	vadd.f32 v49, v15;
	v49 =	vld [tilespmem:$0x1FF20]  }
0x224: {  	[tilespmem:$0x1FE80] =	vst v12;
	v12 =	vld [tilespmem:s25+$0xF7F0]  }
0x225: {  	v50 =	vld [tilespmem:$0x1FE80]  }
0x226: {  	[tilespmem:s25+$0x7E0] =	vst v16;
	v17 =	vadd.f32 v48, v47;
	v47 =	vld [tilespmem:$0x1FF00]  }
0x227: {  	[tilespmem:s25+$0x67E0] =	vst v41;
	v48 =	vld [tilespmem:$0x1FF10]  }
0x228: {  	v2 =	vadd.f32 v2, v45;
	[tilespmem:s25+$0x7F0] =	vst v10;
	v53 =	vadd.f32 v17, v15;
	v17 =	vld [tilespmem:s25+$0x3F90]  }
0x229: {  	[tilespmem:$0x1FE90] =	vst v12;
	v12 =	vld [tilespmem:s25+$0x3B80]  }
0x22a: {  	v60 =	vadd.f32 v60, v55;
	v34 =	vadd.f32 v34, v61;
	[tilespmem:s25+$0xCBC0] =	vst v2;
	v2 =	vld [tilespmem:s25+$0x3FD0]  }
0x22b: {  	v61 =	vadd.f32 v24, v7;
	[tilespmem:s25+$0xBB0] =	vst v62;
	v62 =	vadd.f32 v32, v29;
	v32 =	vld [tilespmem:s25+$0x9FD0]  }
0x22c: {  	v0 =	vadd.f32 v0, v8;
	[tilespmem:s25+$0x67F0] =	vst v53;
	v29 =	vadd.f32 v37, v33;
	v37 =	vld [tilespmem:s25+$0xFFD0]  }
0x22d: {  	[tilespmem:s25+$0xBF0] =	vst v61;
	v61 =	vld [tilespmem:s25+$0x6FF0];
	v10 =	vadd.f32 v48, v11;
	v48 =	vadd.f32 v60, v27  }
0x22e: {  	[tilespmem:s25+$0xBD0] =	vst v0;
	v52 =	vld [tilespmem:$0x1FE90];
	v60 =	vadd.f32 v22, v26;
	v26 =	vadd.f32 v28, v35  }
0x22f: {  	v28 =	vadd.f32 v31, v25;
	v33 =	vadd.f32 v29, v25;
	v29 =	vld [tilespmem:s25+$0x7380];
	[tilespmem:s25+$0xB90] =	vst v10  }
0x230: {  	v24 =	vadd.f32 v62, v7;
	[tilespmem:s25+$0x6BB0] =	vst v48;
	v10 =	vld [tilespmem:s25+$0x6FC0]  }
0x231: {  	v55 =	vadd.f32 v14, v19;
	v31 =	vadd.f32 v26, v25;
	[tilespmem:s25+$0xF80] =	vst v28;
	v48 =	vld [tilespmem:s25+$0x6FE0]  }
0x232: {  	v26 =	vld [tilespmem:s25+$0x4380];
	[tilespmem:s25+$0xCBF0] =	vst v24;
	v16 =	vadd.f32 v58, v12;
	v14 =	vadd.f32 v32, v30  }
0x233: {  	[tilespmem:s25+$0xCF80] =	vst v33;
	v33 =	vld [tilespmem:s25+$0x1380];
	v36 =	vadd.f32 v52, v50  }
0x234: {  	v50 =	vld [tilespmem:$0x1FF30];
	[tilespmem:s25+$0xB80] =	vst v16;
	v16 =	vadd.f32 v47, v46;
	v25 =	vadd.f32 v14, v2  }
0x235: {  	[tilespmem:s25+$0x6F80] =	vst v31;
	v54 =	vadd.f32 v36, v15;
	v15 =	vadd.f32 v57, v56;
	v36 =	vld [tilespmem:s25+$0xF90]  }
0x236: {  	v56 =	vld [tilespmem:$0x1FF50];
	v57 =	vadd.f32 v51, v43;
	v51 =	vadd.f32 v18, v45;
	[tilespmem:s25+$0x6FD0] =	vst v25  }
0x237: {  	v43 =	vld [tilespmem:s25+$0x6FA0];
	v52 =	vadd.f32 v16, v11;
	[tilespmem:s25+$0xC7F0] =	vst v54  }
0x238: {  	v16 =	vld [tilespmem:s25+$0x3FA0];
	v41 =	vadd.f32 v15, v12;
	[tilespmem:s25+$0x6BC0] =	vst v51  }
0x239: {  	v15 =	vld [tilespmem:s25+$0x9F90];
	v12 =	vadd.f32 v38, v12;
	[tilespmem:s25+$0x6B90] =	vst v52  }
0x23a: {  	v38 =	vld [tilespmem:s25+$0xCF90];
	v59 =	vadd.f32 v57, v13;
	[tilespmem:s25+$0x6B80] =	vst v41  }
0x23b: {  	v54 =	vld [tilespmem:$0x1FF40];
	v57 =	vadd.f32 v23, v21;
	v23 =	vadd.f32 v60, v7;
	[tilespmem:s25+$0xCB80] =	vst v12  }
0x23c: {  	v40 =	vadd.f32 v50, v49;
	v49 =	vadd.f32 v34, v27;
	v27 =	vld [tilespmem:s25+$0xFB0];
	[tilespmem:s25+$0xCBA0] =	vst v59  }
0x23d: {  	v50 =	vadd.f32 v63, v45;
	v52 =	vld [tilespmem:s25+$0x9FB0];
	[tilespmem:s25+$0x6BF0] =	vst v23  }
0x23e: {  	v63 =	vld [tilespmem:s25+$0xFFC0];
	v53 =	vadd.f32 v40, v11;
	[tilespmem:s25+$0xCBB0] =	vst v49  }
0x23f: {  	v34 =	vld [tilespmem:s25+$0xCFD0];
	v12 =	vadd.f32 v56, v13;
	[tilespmem:s25+$0xBC0] =	vst v50  }
0x240: {  	v41 =	vld [tilespmem:s25+$0xFF90];
	v56 =	vadd.f32 v6, v1;
	[tilespmem:s25+$0xCB90] =	vst v53  }
0x241: {  	v40 =	vld [tilespmem:s25+$0xFA0];
	v35 =	vadd.f32 v36, v17;
	[tilespmem:s25+$0xBA0] =	vst v12  }
0x242: {  	v45 =	vld [tilespmem:s25+$0xFE0];
	v11 =	vadd.f32 v42, v54;
	v53 =	vadd.f32 v3, v8;
	[tilespmem:s25+$0xBE0] =	vst v56  }
0x243: {  	v59 =	vld [tilespmem:s25+$0x9FC0];
	v54 =	vadd.f32 v4, v8;
	v15 =	vadd.f32 v15, v39;
	[tilespmem:s25+$0xF90] =	vst v35  }
0x244: {  	v50 =	vld [tilespmem:s25+$0x9FE0];
	v58 =	vadd.f32 v11, v13;
	[tilespmem:s25+$0x6BD0] =	vst v53  }
0x245: {  	v3 =	vld [tilespmem:s25+$0x3FC0];
	[tilespmem:s25+$0xCBD0] =	vst v54;
	v36 =	vadd.f32 v41, v38;
	v38 =	vadd.f32 v15, v17  }
0x246: {  	v8 =	vld [tilespmem:s25+$0xFC0];
	v46 =	vadd.f32 v40, v16;
	[tilespmem:s25+$0x6BA0] =	vst v58  }
0x247: {  	v42 =	vld [tilespmem:s25+$0xCFA0];
	v58 =	vadd.f32 v55, v1;
	[tilespmem:s25+$0x6F90] =	vst v38  }
0x248: {  	v12 =	vld [tilespmem:s25+$0xFD0];
	v1 =	vadd.f32 v57, v1;
	[tilespmem:s25+$0xFA0] =	vst v46  }
0x249: {  	v39 =	vld [tilespmem:s25+$0x3FE0];
	v41 =	vadd.f32 v36, v17;
	[tilespmem:s25+$0x6BE0] =	vst v58  }
0x24a: {  	v23 =	vld [tilespmem:s25+$0xFFF0];
	v4 =	vadd.f32 v59, v10;
	v38 =	vadd.f32 v33, v26;
	[tilespmem:s25+$0xCBE0] =	vst v1  }
0x24b: {  	v6 =	vld [tilespmem:s25+$0xCFC0];
	v60 =	vadd.f32 v8, v3;
	[tilespmem:s25+$0xCF90] =	vst v41  }
0x24c: {  	v52 =	vadd.f32 v52, v20;
	v13 =	vld [tilespmem:s25+$0x3FB0];
	v62 =	vadd.f32 v4, v3;
	[tilespmem:s25+$0x1380] =	vst v38  }
0x24d: {  	v20 =	vld [tilespmem:s25+$0xCFF0];
	v28 =	vadd.f32 v50, v48;
	v21 =	vadd.f32 v12, v2;
	[tilespmem:s25+$0xFC0] =	vst v60  }
0x24e: {  	v11 =	vld [tilespmem:s25+$0x9FA0];
	v47 =	vadd.f32 v44, v42;
	v30 =	vadd.f32 v45, v39;
	[tilespmem:s25+$0x6FC0] =	vst v62  }
0x24f: {  	v53 =	vld [tilespmem:s25+$0xCFE0];
	v32 =	vadd.f32 v28, v39;
	[tilespmem:s25+$0xFD0] =	vst v21  }
0x250: {  	v5 =	vadd.f32 v9, v5;
	v59 =	vld [tilespmem:s25+$0xFF0];
	v51 =	vadd.f32 v47, v16;
	[tilespmem:s25+$0xFE0] =	vst v30  }
0x251: {  	v6 =	vadd.f32 v63, v6;
	v63 =	vld [tilespmem:s25+$0x9FF0];
	v54 =	vadd.f32 v27, v13;
	[tilespmem:s25+$0x6FE0] =	vst v32  }
0x252: {  	v57 =	vld [tilespmem:s25+$0x3FF0];
	v56 =	vadd.f32 v52, v13;
	[tilespmem:s25+$0xCFA0] =	vst v51  }
0x253: {  	v22 =	vadd.f32 v37, v34;
	v55 =	vld [tilespmem:s25+$0xFFE0];
	v58 =	vadd.f32 v5, v13;
	[tilespmem:s25+$0xFB0] =	vst v54  }
0x254: {  	v31 =	vld [tilespmem:s25+$0xA380];
	v11 =	vadd.f32 v11, v43;
	v13 =	vadd.f32 v6, v3;
	[tilespmem:s25+$0x6FB0] =	vst v56  }
0x255: {  	v27 =	vadd.f32 v22, v2;
	[tilespmem:s25+$0xCFB0] =	vst v58  }
0x256: {  	v35 =	vadd.f32 v23, v20;
	v49 =	vadd.f32 v11, v16;
	[tilespmem:s25+$0xCFC0] =	vst v13  }
0x257: {  	v4 =	vadd.f32 v63, v61;
	[tilespmem:s25+$0xCFD0] =	vst v27;
	v5 =	vadd.f32 v59, v57  }
0x258: {  	v9 =	vadd.f32 v55, v53;
	v0 =	vadd.f32 v35, v57;
	[tilespmem:s25+$0x6FA0] =	vst v49  }
0x259: {  	v37 =	vadd.f32 v31, v29;
	v40 =	vld [tilespmem:s25+$0xD380];
	v36 =	vadd.f32 v4, v57;
	[tilespmem:s25+$0xFF0] =	vst v5  }
0x25a: {  	v42 =	vld [tilespmem:s25+$0x7390];
	v34 =	vadd.f32 v9, v39;
	[tilespmem:s25+$0xCFF0] =	vst v0  }
0x25b: {  	v44 =	vld [tilespmem:s25+$0x1390];
	v39 =	vadd.f32 v37, v26;
	[tilespmem:s25+$0x6FF0] =	vst v36  }
0x25c: {  	v41 =	vld [tilespmem:s25+$0x4390];
	[tilespmem:s25+$0xCFE0] =	vst v34  }
0x25d: {  	s1 =	sadd.s32 $0x1000, s25;
	v43 =	vld [tilespmem:s25+$0xA390];
	[tilespmem:s25+$0x7380] =	vst v39  }
0x25e: {  	v1 =	vld [tilespmem:s1+$0xF380];
	_ =	sdelay $0x3  }
0x25f: {  	v45 =	vadd.f32 v43, v42  }
0x260: {  	v48 =	vld [tilespmem:s25+$0xD390];
	v46 =	vadd.f32 v44, v41;
	v0 =	vadd.f32 v1, v40  }
0x261: {  	v50 =	vld [tilespmem:s25+$0x43A0];
	v47 =	vadd.f32 v45, v41  }
0x262: {  	v52 =	vld [tilespmem:s25+$0xA3A0];
	[tilespmem:s25+$0x1390] =	vst v46;
	v0 =	vadd.f32 v0, v26  }
0x263: {  	v51 =	vld [tilespmem:s25+$0x73A0];
	[tilespmem:s25+$0x7390] =	vst v47  }
0x264: {  	v53 =	vld [tilespmem:s25+$0x13A0];
	[tilespmem:s25+$0xD380] =	vst v0  }
0x265: {  	v49 =	vld [tilespmem:s1+$0xF390];
	_ =	sdelay $0x3  }
0x266: {  	v54 =	vadd.f32 v52, v51  }
0x267: {  	v60 =	vld [tilespmem:s25+$0x73B0];
	v55 =	vadd.f32 v53, v50;
	v0 =	vadd.f32 v49, v48  }
0x268: {  	v62 =	vld [tilespmem:s25+$0x13B0];
	v56 =	vadd.f32 v54, v50  }
0x269: {  	v61 =	vld [tilespmem:s25+$0xA3B0];
	[tilespmem:s25+$0x13A0] =	vst v55;
	v0 =	vadd.f32 v0, v41  }
0x26a: {  	v59 =	vld [tilespmem:s25+$0x43B0];
	[tilespmem:s25+$0x73A0] =	vst v56  }
0x26b: {  	v57 =	vld [tilespmem:s25+$0xD3A0];
	[tilespmem:s25+$0xD390] =	vst v0  }
0x26c: {  	v58 =	vld [tilespmem:s1+$0xF3A0];
	_ =	sdelay $0x3  }
0x26d: {  	v63 =	vadd.f32 v61, v60  }
0x26e: {  	v14 =	vld [tilespmem:s25+$0x13C0];
	v7 =	vadd.f32 v62, v59;
	v0 =	vadd.f32 v58, v57  }
0x26f: {  	v12 =	vld [tilespmem:s25+$0x73C0];
	v8 =	vadd.f32 v63, v59  }
0x270: {  	v11 =	vld [tilespmem:s25+$0x43C0];
	[tilespmem:s25+$0x13B0] =	vst v7;
	v0 =	vadd.f32 v0, v50  }
0x271: {  	v13 =	vld [tilespmem:s25+$0xA3C0];
	[tilespmem:s25+$0x73B0] =	vst v8  }
0x272: {  	v9 =	vld [tilespmem:s25+$0xD3B0];
	[tilespmem:s25+$0xD3A0] =	vst v0  }
0x273: {  	v10 =	vld [tilespmem:s1+$0xF3B0];
	_ =	sdelay $0x3  }
0x274: {  	v15 =	vadd.f32 v13, v12  }
0x275: {  	v18 =	vld [tilespmem:s25+$0xD3C0];
	v16 =	vadd.f32 v14, v11;
	v0 =	vadd.f32 v10, v9  }
0x276: {  	v20 =	vld [tilespmem:s25+$0x43D0];
	v17 =	vadd.f32 v15, v11  }
0x277: {  	v23 =	vld [tilespmem:s25+$0x13D0];
	[tilespmem:s25+$0x13C0] =	vst v16;
	v0 =	vadd.f32 v0, v59  }
0x278: {  	v21 =	vld [tilespmem:s25+$0x73D0];
	[tilespmem:s25+$0x73C0] =	vst v17  }
0x279: {  	v22 =	vld [tilespmem:s25+$0xA3D0];
	[tilespmem:s25+$0xD3B0] =	vst v0  }
0x27a: {  	v19 =	vld [tilespmem:s1+$0xF3C0];
	_ =	sdelay $0x3  }
0x27b: {  	v24 =	vadd.f32 v22, v21  }
0x27c: {  	v29 =	vld [tilespmem:s25+$0x43E0];
	v25 =	vadd.f32 v23, v20;
	v0 =	vadd.f32 v19, v18  }
0x27d: {  	v31 =	vld [tilespmem:s25+$0xA3E0];
	v26 =	vadd.f32 v24, v20  }
0x27e: {  	v30 =	vld [tilespmem:s25+$0x73E0];
	[tilespmem:s25+$0x13D0] =	vst v25;
	v0 =	vadd.f32 v0, v11  }
0x27f: {  	v32 =	vld [tilespmem:s25+$0x13E0];
	[tilespmem:s25+$0x73D0] =	vst v26  }
0x280: {  	v27 =	vld [tilespmem:s25+$0xD3D0];
	[tilespmem:s25+$0xD3C0] =	vst v0  }
0x281: {  	v28 =	vld [tilespmem:s1+$0xF3D0];
	_ =	sdelay $0x3  }
0x282: {  	v33 =	vadd.f32 v31, v30  }
0x283: {  	v38 =	vld [tilespmem:s25+$0x43F0];
	v34 =	vadd.f32 v32, v29;
	v0 =	vadd.f32 v28, v27  }
0x284: {  	v36 =	vld [tilespmem:s25+$0xD3E0];
	v35 =	vadd.f32 v33, v29  }
0x285: {  	v39 =	vld [tilespmem:s25+$0x73F0];
	[tilespmem:s25+$0x13E0] =	vst v34;
	v0 =	vadd.f32 v0, v20  }
0x286: {  	v40 =	vld [tilespmem:s25+$0xA3F0];
	[tilespmem:s25+$0x73E0] =	vst v35  }
0x287: {  	v41 =	vld [tilespmem:s25+$0x13F0];
	[tilespmem:s25+$0xD3D0] =	vst v0  }
0x288: {  	v37 =	vld [tilespmem:s1+$0xF3E0];
	_ =	sdelay $0x3  }
0x289: {  	v42 =	vadd.f32 v40, v39  }
0x28a: {  	v45 =	vld [tilespmem:s25+$0xD3F0];
	v43 =	vadd.f32 v41, v38;
	v0 =	vadd.f32 v37, v36  }
0x28b: {  	v47 =	vld [tilespmem:s25+$0x4780];
	v44 =	vadd.f32 v42, v38  }
0x28c: {  	v48 =	vld [tilespmem:s25+$0x7780];
	[tilespmem:s25+$0x13F0] =	vst v43;
	v0 =	vadd.f32 v0, v29  }
0x28d: {  	v49 =	vld [tilespmem:s25+$0xA780];
	[tilespmem:s25+$0x73F0] =	vst v44  }
0x28e: {  	v50 =	vld [tilespmem:s25+$0x1780];
	[tilespmem:s25+$0xD3E0] =	vst v0  }
0x28f: {  	v46 =	vld [tilespmem:s1+$0xF3F0];
	_ =	sdelay $0x3  }
0x290: {  	v51 =	vadd.f32 v49, v48  }
0x291: {  	v54 =	vld [tilespmem:s25+$0xD780];
	v52 =	vadd.f32 v50, v47;
	v0 =	vadd.f32 v46, v45  }
0x292: {  	v56 =	vld [tilespmem:s25+$0x4790];
	v53 =	vadd.f32 v51, v47  }
0x293: {  	v57 =	vld [tilespmem:s25+$0x7790];
	[tilespmem:s25+$0x1780] =	vst v52;
	v0 =	vadd.f32 v0, v38  }
0x294: {  	v58 =	vld [tilespmem:s25+$0xA790];
	[tilespmem:s25+$0x7780] =	vst v53  }
0x295: {  	s5 =	sadd.s32 $0x1400, s25;
	v59 =	vld [tilespmem:s25+$0x1790];
	[tilespmem:s25+$0xD3F0] =	vst v0  }
0x296: {  	v55 =	vld [tilespmem:s5+$0xF380];
	_ =	sdelay $0x3  }
0x297: {  	v60 =	vadd.f32 v58, v57  }
0x298: {  	v12 =	vld [tilespmem:s25+$0xA7A0];
	v61 =	vadd.f32 v59, v56;
	v0 =	vadd.f32 v55, v54  }
0x299: {  	v13 =	vld [tilespmem:s25+$0x17A0];
	v62 =	vadd.f32 v60, v56  }
0x29a: {  	v63 =	vld [tilespmem:s25+$0xD790];
	[tilespmem:s25+$0x1790] =	vst v61;
	v0 =	vadd.f32 v0, v47  }
0x29b: {  	v10 =	vld [tilespmem:s25+$0x47A0];
	[tilespmem:s25+$0x7790] =	vst v62  }
0x29c: {  	v11 =	vld [tilespmem:s25+$0x77A0];
	[tilespmem:s25+$0xD780] =	vst v0  }
0x29d: {  	v9 =	vld [tilespmem:s5+$0xF390];
	_ =	sdelay $0x3  }
0x29e: {  	v14 =	vadd.f32 v12, v11  }
0x29f: {  	v21 =	vld [tilespmem:s25+$0xA7B0];
	v15 =	vadd.f32 v13, v10;
	v0 =	vadd.f32 v9, v63  }
0x2a0: {  	v22 =	vld [tilespmem:s25+$0x17B0];
	v16 =	vadd.f32 v14, v10  }
0x2a1: {  	v17 =	vld [tilespmem:s25+$0xD7A0];
	[tilespmem:s25+$0x17A0] =	vst v15;
	v0 =	vadd.f32 v0, v56  }
0x2a2: {  	v19 =	vld [tilespmem:s25+$0x47B0];
	[tilespmem:s25+$0x77A0] =	vst v16  }
0x2a3: {  	v20 =	vld [tilespmem:s25+$0x77B0];
	[tilespmem:s25+$0xD790] =	vst v0  }
0x2a4: {  	v18 =	vld [tilespmem:s5+$0xF3A0];
	_ =	sdelay $0x3  }
0x2a5: {  	v23 =	vadd.f32 v21, v20  }
0x2a6: {  	v30 =	vld [tilespmem:s25+$0xA7C0];
	v24 =	vadd.f32 v22, v19;
	v0 =	vadd.f32 v18, v17  }
0x2a7: {  	v31 =	vld [tilespmem:s25+$0x17C0];
	v25 =	vadd.f32 v23, v19  }
0x2a8: {  	v26 =	vld [tilespmem:s25+$0xD7B0];
	[tilespmem:s25+$0x17B0] =	vst v24;
	v0 =	vadd.f32 v0, v10  }
0x2a9: {  	v28 =	vld [tilespmem:s25+$0x47C0];
	[tilespmem:s25+$0x77B0] =	vst v25  }
0x2aa: {  	v29 =	vld [tilespmem:s25+$0x77C0];
	[tilespmem:s25+$0xD7A0] =	vst v0  }
0x2ab: {  	v27 =	vld [tilespmem:s5+$0xF3B0];
	_ =	sdelay $0x3  }
0x2ac: {  	v32 =	vadd.f32 v30, v29  }
0x2ad: {  	v39 =	vld [tilespmem:s25+$0xA7D0];
	v33 =	vadd.f32 v31, v28;
	v0 =	vadd.f32 v27, v26  }
0x2ae: {  	v40 =	vld [tilespmem:s25+$0x17D0];
	v34 =	vadd.f32 v32, v28  }
0x2af: {  	v35 =	vld [tilespmem:s25+$0xD7C0];
	[tilespmem:s25+$0x17C0] =	vst v33;
	v0 =	vadd.f32 v0, v19  }
0x2b0: {  	v37 =	vld [tilespmem:s25+$0x47D0];
	[tilespmem:s25+$0x77C0] =	vst v34  }
0x2b1: {  	v38 =	vld [tilespmem:s25+$0x77D0];
	[tilespmem:s25+$0xD7B0] =	vst v0  }
0x2b2: {  	v36 =	vld [tilespmem:s5+$0xF3C0];
	_ =	sdelay $0x3  }
0x2b3: {  	v41 =	vadd.f32 v39, v38  }
0x2b4: {  	v48 =	vld [tilespmem:s25+$0xA7E0];
	v42 =	vadd.f32 v40, v37;
	v0 =	vadd.f32 v36, v35  }
0x2b5: {  	v49 =	vld [tilespmem:s25+$0x17E0];
	v43 =	vadd.f32 v41, v37  }
0x2b6: {  	v44 =	vld [tilespmem:s25+$0xD7D0];
	[tilespmem:s25+$0x17D0] =	vst v42;
	v0 =	vadd.f32 v0, v28  }
0x2b7: {  	v46 =	vld [tilespmem:s25+$0x47E0];
	[tilespmem:s25+$0x77D0] =	vst v43  }
0x2b8: {  	v47 =	vld [tilespmem:s25+$0x77E0];
	[tilespmem:s25+$0xD7C0] =	vst v0  }
0x2b9: {  	v45 =	vld [tilespmem:s5+$0xF3D0];
	_ =	sdelay $0x3  }
0x2ba: {  	v50 =	vadd.f32 v48, v47  }
0x2bb: {  	v57 =	vld [tilespmem:s25+$0xA7F0];
	v51 =	vadd.f32 v49, v46;
	v0 =	vadd.f32 v45, v44  }
0x2bc: {  	v58 =	vld [tilespmem:s25+$0x17F0];
	v52 =	vadd.f32 v50, v46  }
0x2bd: {  	v53 =	vld [tilespmem:s25+$0xD7E0];
	[tilespmem:s25+$0x17E0] =	vst v51;
	v0 =	vadd.f32 v0, v37  }
0x2be: {  	v55 =	vld [tilespmem:s25+$0x47F0];
	[tilespmem:s25+$0x77E0] =	vst v52  }
0x2bf: {  	v56 =	vld [tilespmem:s25+$0x77F0];
	[tilespmem:s25+$0xD7D0] =	vst v0  }
0x2c0: {  	v54 =	vld [tilespmem:s5+$0xF3E0];
	_ =	sdelay $0x3  }
0x2c1: {  	v59 =	vadd.f32 v57, v56  }
0x2c2: {  	v60 =	vadd.f32 v58, v55;
	v0 =	vadd.f32 v54, v53  }
0x2c3: {  	v61 =	vadd.f32 v59, v55  }
0x2c4: {  	[tilespmem:s25+$0x17F0] =	vst v60;
	v0 =	vadd.f32 v0, v46  }
0x2c5: {  	[tilespmem:s25+$0x77F0] =	vst v61  }
0x2c6: {  	v62 =	vld [tilespmem:s25+$0xD7F0];
	[tilespmem:s25+$0xD7E0] =	vst v0  }
0x2c7: {  	v63 =	vld [tilespmem:s5+$0xF3F0];
	_ =	sdelay $0x3  }
0x2c8: {  	p0 =	sne.s32 s20, $0xF  }
.Ltmp1:
0x2c9: {  	v0 =	vadd.f32 v63, v62;
	(pc) =	sbr.rel @p0 .LBB3_5-.Ltmp1, $3  }
0x2ca: {  	_ = 	snop  }
0x2cb: {  	v0 =	vadd.f32 v0, v55;
	_ =	sdelay $0x1  }
0x2cc: {  	s18 =	sadd.s32 $0x80, s18;
	s20 =	sadd.s32 $0x1, s20;
	[tilespmem:s25+$0xD7F0] =	vst v0  }
0x2cd: {  	v12 =	vld [tilespmem:$0x1FF90]  }
0x2ce: {  	s1 =	sld [smem:$0x7FC];
	v2 =	vld [tilespmem:$0x1FFA0]  }
0x2cf: {  	v11 =	vld [tilespmem:$0x1FF80]  }
0x2d0: {  	v6 =	vlaneseq.u32;
	v10 =	vld [tilespmem:$0x1FFF0]  }
0x2d1: {  	v0 =	vor.u32 s1, v6  }
0x2d2: {  	v1 =	vadd.s32 v12, v0  }
0x2d3: {  	v1 =	vshll.u32 v1, $0x4  }
0x2d4: {  	vm1 =	vlt.s32 v0, v2;
	v58 =	vadd.s32 v11, v1  }
0x2d5: {  	v7 =	vld [tilespmem:$0x1FFC0];
	v1 =	vsel vm1, v58, v10  }
0x2d6: {  	v59 =	vshrl.u32 v1, $0x3  }
0x2d7: {  	v8 =	vld [tilespmem:$0x1FFD0];
	v2 =	vmul.u32 $0x30, v59  }
0x2d8: {  	v1 =	vand.u32 $0x7, v1  }
0x2d9: {  	v1 =	vor.u32 v1, v2  }
0x2da: {  	v2 =	vperm.xlane v1, v7  }
0x2db: {  	v9 =	vld [tilespmem:$0x1FFE0]  }
0x2dc: {  	v2 =	vadd.s32 v8, v2;
	_ =	sdelay $0x2  }
0x2dd: {  	v3 =	vld [tilespmem:$0x1FF60]  }
0x2de: {  	v1 =	vperm.xlane v1, v9  }
0x2df: {  	[hbm4b:s19+s15] =	stream.indirect_vreg.scatter [tilespmem:s7], [sflag:$0x1], $0x80, v2, vm0, $0xb8;
	[tilespmem:$0x15380] =	vst v63  }
0x2e0: {  	v1 =	vadd.s32 v8, v1  }
0x2e1: {  	[hbm4b:s22+s15] =	stream.indirect_vreg.scatter [tilespmem:s8], [sflag:$0x1], $0x80, v2, vm0, $0xb8;
	[tilespmem:$0x15380] =	vst v63  }
0x2e2: {  	v3 =	vadd.s32 v3, v58  }
0x2e3: {  	v3 =	vsel vm1, v3, v10;
	[hbm4b:s23+s15] =	stream.indirect_vreg.scatter [tilespmem:s9], [sflag:$0x1], $0x80, v2, vm0, $0xb8;
	[tilespmem:$0x15380] =	vst v63  }
0x2e4: {  	v4 =	vshrl.u32 v3, $0x3  }
0x2e5: {  	v60 =	vmul.u32 $0x30, v4;
	[hbm4b:s19+s15] =	stream.indirect_vreg.scatter [tilespmem:s10], [sflag:$0x1], $0x80, v1, vm0, $0xb8;
	[tilespmem:$0x15380] =	vst v63  }
0x2e6: {  	v3 =	vand.u32 $0x7, v3  }
0x2e7: {  	v2 =	vor.u32 v3, v60;
	[hbm4b:s22+s15] =	stream.indirect_vreg.scatter [tilespmem:s11], [sflag:$0x1], $0x80, v1, vm0, $0xb8;
	[tilespmem:$0x15380] =	vst v63  }
0x2e8: {  	v3 =	vperm.xlane v2, v7  }
0x2e9: {  	[hbm4b:s23+s15] =	stream.indirect_vreg.scatter [tilespmem:s12], [sflag:$0x1], $0x80, v1, vm0, $0xb8;
	[tilespmem:$0x15380] =	vst v63  }
0x2ea: {  	v3 =	vadd.s32 v8, v3;
	_ =	swait.ge [sflag:s17], $0x3000  }
0x2eb: {  	v62 =	vld [tilespmem:$0x1FF70];
	_ =	sdelay $0x1  }
0x2ec: {  	[sflag:s17] =	ssyncset.done $0x0  }
0x2ed: {  	s18 =	simm.s32 $0x6380;
	v61 =	vperm.xlane v2, v9;
	[sflag:s17] =	ssyncadd.s32 $0xFFFFD000  }
0x2ee: {  	[hbm4b:s19+s15] =	stream.indirect_vreg.scatter [tilespmem:s18], [sflag:$0x1], $0x80, v3, vm0, $0xb8;
	[tilespmem:$0x15380] =	vst v63  }
0x2ef: {  	s20 =	simm.s32 $0x6B80;
	v1 =	vadd.s32 v8, v61;
	v0 =	vadd.s32 v62, v58  }
0x2f0: {  	[hbm4b:s22+s15] =	stream.indirect_vreg.scatter [tilespmem:s20], [sflag:$0x1], $0x80, v3, vm0, $0xb8;
	v0 =	vsel vm1, v0, v10;
	[tilespmem:$0x15380] =	vst v63  }
0x2f1: {  	v63 =	vshrl.u32 v0, $0x3  }
0x2f2: {  	[hbm4b:s23+s15] =	stream.indirect_vreg.scatter [tilespmem:s3], [sflag:$0x1], $0x80, v3, vm0, $0xb8;
	v2 =	vmul.u32 $0x30, v63;
	[tilespmem:$0x15380] =	vst v63  }
0x2f3: {  	s25 =	simm.s32 $0x7B80;
	v0 =	vand.u32 $0x7, v0  }
0x2f4: {  	[hbm4b:s19+s15] =	stream.indirect_vreg.scatter [tilespmem:s25], [sflag:$0x1], $0x80, v1, vm0, $0xb8;
	v0 =	vor.u32 v0, v2;
	[tilespmem:$0x15380] =	vst v63  }
0x2f5: {  	s2 =	simm.s32 $0x8380;
	v2 =	vperm.xlane v0, v7  }
0x2f6: {  	[hbm4b:s22+s15] =	stream.indirect_vreg.scatter [tilespmem:s2], [sflag:$0x1], $0x80, v1, vm0, $0xb8;
	[tilespmem:$0x15380] =	vst v63  }
0x2f7: {  	v2 =	vadd.s32 v8, v2  }
0x2f8: {  	[hbm4b:s23+s15] =	stream.indirect_vreg.scatter [tilespmem:s14], [sflag:$0x1], $0x80, v1, vm0, $0xb8;
	[tilespmem:$0x15380] =	vst v63  }
0x2f9: {  	_ =	swait.ge [sflag:s17], $0x3000  }
0x2fa: {  	[sflag:s17] =	ssyncset.done $0x0  }
0x2fb: {  	s3 =	simm.s32 $0xC380;
	v0 =	vperm.xlane v0, v9;
	[sflag:s17] =	ssyncadd.s32 $0xFFFFD000  }
0x2fc: {  	[hbm4b:s19+s15] =	stream.indirect_vreg.scatter [tilespmem:s3], [sflag:$0x1], $0x80, v2, vm0, $0xb8;
	[tilespmem:$0x15380] =	vst v63  }
0x2fd: {  	s5 =	simm.s32 $0xCB80;
	v0 =	vadd.s32 v8, v0  }
0x2fe: {  	[hbm4b:s22+s15] =	stream.indirect_vreg.scatter [tilespmem:s5], [sflag:$0x1], $0x80, v2, vm0, $0xb8;
	[tilespmem:$0x15380] =	vst v63  }
0x2ff: {  	s14 =	simm.s32 $0xD380  }
0x300: {  	[hbm4b:s23+s15] =	stream.indirect_vreg.scatter [tilespmem:s14], [sflag:$0x1], $0x80, v2, vm0, $0xb8;
	[tilespmem:$0x15380] =	vst v63  }
0x301: {  	s4 =	sadd.s32 $0x1, s4;
	s18 =	simm.s32 $0xDB80  }
0x302: {  	[hbm4b:s19+s15] =	stream.indirect_vreg.scatter [tilespmem:s18], [sflag:$0x1], $0x80, v0, vm0, $0xb8;
	[tilespmem:$0x15380] =	vst v63  }
0x303: {  	p0 =	sne.s32 s4, $0x10;
	s20 =	simm.s32 $0xE380  }
0x304: {  	[hbm4b:s22+s15] =	stream.indirect_vreg.scatter [tilespmem:s20], [sflag:$0x1], $0x80, v0, vm0, $0xb8;
	[tilespmem:$0x15380] =	vst v63  }
.Ltmp2:
0x305: {  	s25 =	simm.s32 $0xEB80;
	(pc) =	sbr.rel @p0 .LBB3_4-.Ltmp2, $4  }
0x306: {  	[hbm4b:s23+s15] =	stream.indirect_vreg.scatter [tilespmem:s25], [sflag:$0x1], $0x80, v0, vm0, $0xb8;
	[tilespmem:$0x15380] =	vst v63  }
0x307: {  	_ =	swait.ge [sflag:s17], $0x3000  }
0x308: {  	[sflag:s17] =	ssyncset.done $0x0  }
0x309: {  	[sflag:s17] =	ssyncadd.s32 $0xFFFFD000  }
0x30a: {  	v0 =	vld [tilespmem:$0x1FFA0];
	_ =	sdelay $0x4  }
0x30b: {  	s1 =	sadd.s32 $0x0, s21;
	v0 =	vmul.u32 $0x3, v0  }
0x30c: {  	v1 =	vor.u32 s1, v6  }
0x30d: {  	v2 =	vshll.u32 v1, $0x4;
	v0 =	vadd.s32 v12, v0  }
0x30e: {  	vm1 =	vlt.s32 v1, v0;
	v1 =	vadd.s32 v11, v2  }
0x30f: {  	v1 =	vsel vm1, v10, v1  }
0x310: {  	v2 =	vshrl.u32 v1, $0x3  }
0x311: {  	v2 =	vmul.u32 $0x30, v2  }
0x312: {  	v1 =	vand.u32 $0x7, v1  }
0x313: {  	v1 =	vor.u32 v1, v2  }
0x314: {  	v2 =	vperm.xlane v1, v7;
	_ =	sdelay $0x1  }
0x315: {  	v2 =	vadd.s32 v8, v2;
	_ =	sdelay $0x3  }
0x316: {  	s25 =	sadd.s32 $0x20, s21;
	v1 =	vperm.xlane v1, v9  }
0x317: {  	[hbm4b:s19+s15] =	stream.indirect_vreg.scatter [tilespmem:s6], [sflag:$0x1], $0x80, v2, vm0, $0xb8;
	[tilespmem:$0x15380] =	vst v63  }
0x318: {  	v3 =	vor.u32 s25, v6;
	v1 =	vadd.s32 v8, v1  }
0x319: {  	v4 =	vshll.u32 v3, $0x4;
	[hbm4b:s22+s15] =	stream.indirect_vreg.scatter [tilespmem:s13], [sflag:$0x1], $0x80, v2, vm0, $0xb8;
	[tilespmem:$0x15380] =	vst v63  }
0x31a: {  	vm1 =	vlt.s32 v3, v0;
	v3 =	vadd.s32 v11, v4  }
0x31b: {  	[hbm4b:s23+s15] =	stream.indirect_vreg.scatter [tilespmem:s16], [sflag:$0x1], $0x80, v2, vm0, $0xb8;
	v2 =	vsel vm1, v10, v3;
	[tilespmem:$0x15380] =	vst v63  }
0x31c: {  	v3 =	vshrl.u32 v2, $0x3  }
0x31d: {  	[hbm4b:s19+s15] =	stream.indirect_vreg.scatter [tilespmem:s24], [sflag:$0x1], $0x80, v1, vm0, $0xb8;
	v3 =	vmul.u32 $0x30, v3;
	[tilespmem:$0x15380] =	vst v63  }
0x31e: {  	v2 =	vand.u32 $0x7, v2  }
0x31f: {  	[hbm4b:s22+s15] =	stream.indirect_vreg.scatter [tilespmem:s29], [sflag:$0x1], $0x80, v1, vm0, $0xb8;
	v2 =	vor.u32 v2, v3;
	[tilespmem:$0x15380] =	vst v63  }
0x320: {  	v3 =	vperm.xlane v2, v7  }
0x321: {  	[hbm4b:s23+s15] =	stream.indirect_vreg.scatter [tilespmem:s30], [sflag:$0x1], $0x80, v1, vm0, $0xb8;
	[tilespmem:$0x15380] =	vst v63  }
0x322: {  	_ =	swait.ge [sflag:s17], $0x3000;
	v1 =	vadd.s32 v8, v3  }
0x323: {  	s1 =	simm.s32 $0x40;
	v2 =	vperm.xlane v2, v9;
	[sflag:s17] =	ssyncset.done $0x0  }
.LBB3_8:
0x324: {  	p0 =	sne.s32 s1, $0x860  }
0x325: {  	[sflag:s17] =	ssyncadd.s32 $0xFFFFD000;
	s4 =	smov.u32 s1;
	s1 =	sadd.s32 $0x20, s1  }
0x326: {  	s4 =	sadd.s32 s4, s21  }
0x327: {  	v3 =	vor.u32 s4, v6;
	[hbm4b:s19+s15] =	stream.indirect_vreg.scatter [tilespmem:s6], [sflag:$0x1], $0x80, v1, vm0, $0xb8;
	[tilespmem:$0x15380] =	vst v63  }
0x328: {  	v5 =	vadd.s32 v8, v2;
	v4 =	vshll.u32 v3, $0x4  }
0x329: {  	vm1 =	vlt.s32 v3, v0;
	v2 =	vadd.s32 v11, v4;
	[hbm4b:s22+s15] =	stream.indirect_vreg.scatter [tilespmem:s13], [sflag:$0x1], $0x80, v1, vm0, $0xb8;
	[tilespmem:$0x15380] =	vst v63  }
0x32a: {  	v2 =	vsel vm1, v10, v2  }
0x32b: {  	v3 =	vshrl.u32 v2, $0x3;
	[hbm4b:s23+s15] =	stream.indirect_vreg.scatter [tilespmem:s16], [sflag:$0x1], $0x80, v1, vm0, $0xb8;
	[tilespmem:$0x15380] =	vst v63  }
0x32c: {  	v1 =	vmul.u32 $0x30, v3  }
0x32d: {  	v2 =	vand.u32 $0x7, v2;
	[hbm4b:s19+s15] =	stream.indirect_vreg.scatter [tilespmem:s24], [sflag:$0x1], $0x80, v5, vm0, $0xb8;
	[tilespmem:$0x15380] =	vst v63  }
0x32e: {  	v1 =	vor.u32 v2, v1  }
0x32f: {  	[hbm4b:s22+s15] =	stream.indirect_vreg.scatter [tilespmem:s29], [sflag:$0x1], $0x80, v5, vm0, $0xb8;
	[tilespmem:$0x15380] =	vst v63  }
.Ltmp3:
0x330: {  	v3 =	vperm.xlane v1, v7;
	v2 =	vperm.xlane v1, v9;
	(pc) =	sbr.rel @p0 .LBB3_8-.Ltmp3, $4  }
0x331: {  	_ = 	snop  }
0x332: {  	v1 =	vadd.s32 v8, v3;
	[hbm4b:s23+s15] =	stream.indirect_vreg.scatter [tilespmem:s30], [sflag:$0x1], $0x80, v5, vm0, $0xb8;
	[tilespmem:$0x15380] =	vst v63  }
0x333: {  	_ =	swait.ge [sflag:s17], $0x3000  }
0x334: {  	[sflag:s17] =	ssyncset.done $0x0  }
0x335: {  	_ =	sdelay $0x2  }
0x336: {  	[sflag:s17] =	ssyncadd.s32 $0xFFFFD000  }
0x337: {  	[hbm4b:s19+s15] =	stream.indirect_vreg.scatter [tilespmem:s6], [sflag:$0x1], $0x80, v1, vm0, $0xb8;
	[tilespmem:$0x15380] =	vst v63  }
0x338: {  	v0 =	vadd.s32 v8, v2  }
0x339: {  	[hbm4b:s22+s15] =	stream.indirect_vreg.scatter [tilespmem:s13], [sflag:$0x1], $0x80, v1, vm0, $0xb8;
	[tilespmem:$0x15380] =	vst v63  }
0x33a: {  	_ = 	snop  }
0x33b: {  	[hbm4b:s23+s15] =	stream.indirect_vreg.scatter [tilespmem:s16], [sflag:$0x1], $0x80, v1, vm0, $0xb8;
	[tilespmem:$0x15380] =	vst v63  }
0x33c: {  	_ = 	snop  }
0x33d: {  	[hbm4b:s19+s15] =	stream.indirect_vreg.scatter [tilespmem:s24], [sflag:$0x1], $0x80, v0, vm0, $0xb8;
	[tilespmem:$0x15380] =	vst v63  }
0x33e: {  	_ = 	snop  }
0x33f: {  	[hbm4b:s22+s15] =	stream.indirect_vreg.scatter [tilespmem:s29], [sflag:$0x1], $0x80, v0, vm0, $0xb8;
	[tilespmem:$0x15380] =	vst v63  }
0x340: {  	_ = 	snop  }
0x341: {  	[hbm4b:s23+s15] =	stream.indirect_vreg.scatter [tilespmem:s30], [sflag:$0x1], $0x80, v0, vm0, $0xb8;
	[tilespmem:$0x15380] =	vst v63  }
0x342: {  	_ =	swait.ge [sflag:s17], $0x3000  }
0x343: {  	s2 =	sld [smem:$0x7FD];
	_ =	sdelay $0x2  }
0x344: {  	s1 =	rddreg [dreg:$0x13];
	s2 =	sadd.s32 $0x1, s2  }
0x345: {  	p0 =	sne.s32 s2, s1  }
.Ltmp4:
0x346: {  	_ = 	snop;
	(pc) =	sbr.rel @p0 .LBB3_1-.Ltmp4, $3  }
0x347: {  	_ =	sdelay $0x1  }
0x348: {  	[sflag:s17] =	ssyncset.done $0x0  }
0x349: {  	[sflag:s17] =	ssyncadd.s32 $0xFFFFD000  }
0x34a: {  	_ =	sfence.sel $0x180000  }
0x34b: {  	[bflag:$0x0] =	sbarrier.arrive $0xFFFF  }
0x34c: {  	_ =	strace $0x90000047  }
0x34d: {  	s0 =	stileid.u32;
	[bflag:$0x2] =	sbarrier.arrive $0xFFFF  }
0x34e: {  	p0 =	sne.s32 s0, $0x0;
	s0 =	rddreg [dreg:$0xe]  }
0x34f: {  	s0 =	sadd.s32 @!p0 $0x100000, s0  }
0x350: {  	[sflag:s0] =	ssyncadd.tile.s32 @!p0 $0x1;
	_ =	shalt  }
.Lfunc_end3:
_tile_overlayer_lowered:
.L_overlay_start_3:
0x351: {  	(tag) =	ssettag $0x3  }
0x352: {  	s0 =	rddreg [dreg:$0x0];
	s2 =	stileid.u32  }
0x353: {  	s1 =	rddreg [dreg:$0x1];
	p0 =	sne.s32 s2, $0x0  }
0x354: {  	s3 =	rddreg [dreg:$0x2];
	[bflag:$0x3] =	sbarrier.arrive $0xFFFF;
	s2 =	simm.s32 @!p0 $0x1C01  }
0x355: {  	[timem:s3], [sflag:s2] =	dma.local @!p0 [hbm:s0], s1  }
0x356: {  	s0 =	simm.s32 @!p0 $0x1  }
0x357: {  	_ =	swait.ge @!p0 [sflag:s0], s1  }
0x358: {  	s1 =	ssub.s32 @!p0 $0x0, s1;
	[sflag:s0] =	ssyncset.done @!p0 $0x0  }
0x359: {  	[sflag:s0] =	ssyncadd.s32 @!p0 s1  }
0x35a: {  	[bflag:$0x3] =	sbarrier.arrive $0xFFFF  }
0x35b: {  	_ =	shalt  }

</sc_bundles>
